<compile_context>
chip_gen: v7x
topology: tpu7x:2x2x1
jax: 0.10.2.dev20260603
libtpu: 0.0.44.dev20260713+nightly
codegen_flags: <defaults>
</compile_context>

<pallas_src>
import functools

import jax
import jax.numpy as jnp
from jax import lax
from jax.experimental import pallas as pl
from jax.experimental.pallas import tpu as pltpu
from jax.experimental.pallas import tpu_sc as plsc

_D = 768
_NC = 2
_NS = 16
_NW = _NC * _NS
_LG = 2


def _gather_rows(idx1, table, batch, seq):
    bat_per_w = batch // _NW
    nsteps = seq // _LG
    rows_per_g = _LG * bat_per_w
    mesh = plsc.VectorSubcoreMesh(core_axis_name="c", subcore_axis_name="s")

    @functools.partial(
        pl.kernel,
        mesh=mesh,
        out_type=jax.ShapeDtypeStruct((seq, batch, _D), jnp.float32),
        scratch_types=[
            pltpu.VMEM((seq * bat_per_w,), jnp.int32),
            pltpu.VMEM((rows_per_g, _D), jnp.float32),
            pltpu.VMEM((rows_per_g, _D), jnp.float32),
            pltpu.SemaphoreType.DMA,
            pltpu.SemaphoreType.DMA,
        ],
    )
    def k(idx_hbm, table_hbm, out_hbm, idx_v, rows0_v, rows1_v, gsem, osem):
        wid = lax.axis_index("s") * _NC + lax.axis_index("c")
        base_b = wid * bat_per_w
        pltpu.sync_copy(
            idx_hbm.at[pl.ds(wid * seq * bat_per_w, seq * bat_per_w)], idx_v)

        bufs = (rows0_v, rows1_v)
        nb = len(bufs)
        gd = [None] * nsteps
        od = [None] * nsteps
        gd[0] = pltpu.async_copy(
            table_hbm.at[idx_v.at[pl.ds(0, rows_per_g)]], bufs[0], gsem)
        for t in range(nsteps):
            buf = bufs[t % nb]
            gd[t].wait()
            ws = []
            for j in range(_LG):
                ws.append(pltpu.async_copy(
                    buf.at[pl.ds(j * bat_per_w, bat_per_w)],
                    out_hbm.at[t * _LG + j].at[pl.ds(base_b, bat_per_w)],
                    osem))
            od[t] = ws
            if t + 1 < nsteps:
                if t >= 1:
                    for w in od[t - 1]:
                        w.wait()
                gd[t + 1] = pltpu.async_copy(
                    table_hbm.at[
                        idx_v.at[pl.ds((t + 1) * rows_per_g, rows_per_g)]],
                    bufs[(t + 1) % nb], gsem)
        for t in (nsteps - 2, nsteps - 1):
            for w in od[t]:
                w.wait()

    return k(idx1, table)


def kernel(input_ids, table):
    b, s = input_ids.shape
    bat_per_w = b // _NW
    idx1 = (input_ids.astype(jnp.int32).T
            .reshape(s, _NW, bat_per_w)
            .transpose(1, 0, 2)
            .reshape(-1))
    out_t = _gather_rows(idx1, table, b, s)
    return jnp.transpose(out_t, (1, 0, 2))

# --- scband reference (transcript-rebuilt; emitter-appended) ---
"""Pipeline reference for scband-language-encoder-9844065042611 (READ-ONLY COPY).

The authoritative reference and input builder live on the scoring server;
editing this copy changes nothing except your own understanding.
"""

import jax, jax.numpy as jnp
import numpy as np

VOCAB = 32128
D_MODEL = 768
BATCH = 1024
SEQ = 50

def setup_inputs(seed: int = 0) -> dict:
    key = jax.random.key(seed)
    k1, k2 = jax.random.split(key)
    input_ids = jax.random.randint(k1, (BATCH, SEQ), 0, VOCAB)
    # learned parameter: T5 shared input embedding table [vocab, d_model]
    table = jax.random.normal(k2, (VOCAB, D_MODEL), dtype=jnp.float32) * 0.02
    return {"input_ids": input_ids, "table": table}

def reference(input_ids, table):
    # nn.Embedding lookup: embeddings[b, l, :] = table[input_ids[b, l], :]
    return jnp.take(table, input_ids, axis=0)

if __name__ == "__main__":
    import jax
    _d = setup_inputs()
    print(jax.jit(kernel)(*tuple(_d.values())))

</pallas_src>

<mosaic_0001>
#map = affine_map<(d0, d1) -> (0)>
#map1 = affine_map<(d0, d1) -> (0, 0)>
#map2 = affine_map<(d0, d1) -> (0, 0, 0)>
module attributes {stable_mosaic.version = 14 : i64} {
  func.func @k(%arg0: i32, %arg1: i32, %arg2: memref<51200xi32, #tpu.memory_space<hbm>>, %arg3: memref<32128x768xf32, #tpu.memory_space<hbm>>, %arg4: memref<50x1024x768xf32, #tpu.memory_space<hbm>>, %arg5: memref<1600xi32, #tpu.memory_space<vmem>>, %arg6: memref<64x768xf32, #tpu.memory_space<vmem>>, %arg7: memref<64x768xf32, #tpu.memory_space<vmem>>, %arg8: memref<!tpu.dma_semaphore, #tpu.memory_space<semaphore_mem>>, %arg9: memref<!tpu.dma_semaphore, #tpu.memory_space<semaphore_mem>>) attributes {dimension_semantics = [#tpu.dimension_semantics<core_parallel>, #tpu.dimension_semantics<subcore_parallel>], iteration_bounds = array<i64: 2, 16>, scalar_prefetch = 0 : i64, scratch_operands = 5 : i64, tpu.core_type = #tpu.core_type<sc_vector_subcore>, window_params = [{transform_indices = #map}, {transform_indices = #map1}, {transform_indices = #map2}]} {
    %mul3A = arith.constant 2 : i32
    %mul3A_0 = arith.muli %arg1, %mul3A : i32
    %add3A = arith.addi %mul3A_0, %arg0 : i32
    %mul3A_1 = arith.constant 32 : i32
    %mul3A_2 = arith.muli %add3A, %mul3A_1 : i32
    %mul3A_3 = arith.constant 50 : i32
    %mul3A_4 = arith.muli %add3A, %mul3A_3 : i32
    %mul3A_5 = arith.constant 32 : i32
    %mul3A_6 = arith.muli %mul3A_4, %mul3A_5 : i32
    "tpu.region"() ({
      %run_scoped3A = tpu.sem_alloc : memref<!tpu.dma_semaphore, #tpu.memory_space<semaphore_mem>>
      %dma_start3A_2155 = tpu.memref_slice %arg2[%mul3A_6] : memref<51200xi32, #tpu.memory_space<hbm>> -> memref<1600xi32, #tpu.memory_space<hbm>>
      %dma_start3A_2156 = tpu.memref_slice %arg2[%mul3A_6] : memref<51200xi32, #tpu.memory_space<hbm>> -> memref<1600xi32, #tpu.memory_space<hbm>>
      tpu.enqueue_dma source(%dma_start3A_2156 : memref<1600xi32, #tpu.memory_space<hbm>>) target(%arg5 : memref<1600xi32, #tpu.memory_space<vmem>>) target_semaphore(%run_scoped3A : memref<!tpu.dma_semaphore, #tpu.memory_space<semaphore_mem>>)
      %dma_wait3A_2157 = tpu.memref_slice %arg2[%mul3A_6] : memref<51200xi32, #tpu.memory_space<hbm>> -> memref<1600xi32, #tpu.memory_space<hbm>>
      %dma_wait3A_2158 = tpu.memref_slice %arg2[%mul3A_6] : memref<51200xi32, #tpu.memory_space<hbm>> -> memref<1600xi32, #tpu.memory_space<hbm>>
      tpu.wait_dma2 semaphore(%run_scoped3A : memref<!tpu.dma_semaphore, #tpu.memory_space<semaphore_mem>>) src(%dma_wait3A_2158 : memref<1600xi32, #tpu.memory_space<hbm>>) dst(%arg5 : memref<1600xi32, #tpu.memory_space<vmem>>)
      tpu.yield
    }) : () -> ()
    %dma_start3A = arith.constant 0 : i32
    %dma_start3A_7 = tpu.memref_slice %arg5[%dma_start3A] : memref<1600xi32, #tpu.memory_space<vmem>> -> memref<64xi32, #tpu.memory_space<vmem>>
    %dma_start3A_8 = arith.constant 0 : i32
    %dma_start3A_9 = arith.constant 0 : i32
    %dma_start3A_10 = tpu.memref_slice %arg3[%dma_start3A_8, %dma_start3A_9] : memref<32128x768xf32, #tpu.memory_space<hbm>> -> memref<32128x768xf32, #tpu.memory_space<hbm>>
    tpu.enqueue_indirect_dma source(%dma_start3A_10 : memref<32128x768xf32, #tpu.memory_space<hbm>>) target(%arg6 : memref<64x768xf32, #tpu.memory_space<vmem>>) offsets(%dma_start3A_7 : memref<64xi32, #tpu.memory_space<vmem>>) semaphore(%arg8 : memref<!tpu.dma_semaphore, #tpu.memory_space<semaphore_mem>>)
    %dma_wait3A = arith.constant 0 : i32
    %dma_wait3A_11 = tpu.memref_slice %arg5[%dma_wait3A] : memref<1600xi32, #tpu.memory_space<vmem>> -> memref<64xi32, #tpu.memory_space<vmem>>
    %dma_wait3A_12 = arith.constant 0 : i32
    %dma_wait3A_13 = arith.constant 0 : i32
    %dma_wait3A_14 = tpu.memref_slice %arg3[%dma_wait3A_12, %dma_wait3A_13] : memref<32128x768xf32, #tpu.memory_space<hbm>> -> memref<32128x768xf32, #tpu.memory_space<hbm>>
    tpu.wait_indirect_dma semaphore(%arg8 : memref<!tpu.dma_semaphore, #tpu.memory_space<semaphore_mem>>) src(%dma_wait3A_14 : memref<32128x768xf32, #tpu.memory_space<hbm>>) dst(%arg6 : memref<64x768xf32, #tpu.memory_space<vmem>>)
    %dma_start3A_15 = arith.constant 0 : i32
    %dma_start3A_16 = arith.constant 0 : i32
    %dma_start3A_17 = arith.constant 0 : i32
    %dma_start3A_18 = tpu.memref_slice %arg6[%dma_start3A_16, %dma_start3A_17] : memref<64x768xf32, #tpu.memory_space<vmem>> -> memref<32x768xf32, #tpu.memory_space<vmem>>
    %dma_start3A_19 = arith.constant 0 : i32
    %dma_start3A_20 = arith.constant 0 : i32
    %dma_start3A_21 = tpu.memref_slice %arg4[%dma_start3A_15, %dma_start3A_19, %dma_start3A_20] : memref<50x1024x768xf32, #tpu.memory_space<hbm>> -> memref<1x1024x768xf32, #tpu.memory_space<hbm>>
    %dma_start3A_22 = tpu.memref_squeeze %dma_start3A_21 : memref<1x1024x768xf32, #tpu.memory_space<hbm>> -> memref<1024x768xf32, #tpu.memory_space<hbm>>
    %dma_start3A_23 = arith.constant 0 : i32
    %dma_start3A_24 = tpu.memref_slice %dma_start3A_22[%mul3A_2, %dma_start3A_23] : memref<1024x768xf32, #tpu.memory_space<hbm>> -> memref<32x768xf32, #tpu.memory_space<hbm>>
    %dma_start3A_25 = arith.constant 0 : i32
    %dma_start3A_26 = arith.constant 0 : i32
    %dma_start3A_27 = tpu.memref_slice %arg4[%dma_start3A_15, %dma_start3A_25, %dma_start3A_26] : memref<50x1024x768xf32, #tpu.memory_space<hbm>> -> memref<1x1024x768xf32, #tpu.memory_space<hbm>>
    %dma_start3A_28 = tpu.memref_squeeze %dma_start3A_27 : memref<1x1024x768xf32, #tpu.memory_space<hbm>> -> memref<1024x768xf32, #tpu.memory_space<hbm>>
    %dma_start3A_29 = arith.constant 0 : i32
    %dma_start3A_30 = tpu.memref_slice %dma_start3A_28[%mul3A_2, %dma_start3A_29] : memref<1024x768xf32, #tpu.memory_space<hbm>> -> memref<32x768xf32, #tpu.memory_space<hbm>>
    %dma_start3A_31 = arith.constant 0 : i32
    %dma_start3A_32 = arith.constant 0 : i32
    %dma_start3A_33 = tpu.memref_slice %arg6[%dma_start3A_31, %dma_start3A_32] : memref<64x768xf32, #tpu.memory_space<vmem>> -> memref<32x768xf32, #tpu.memory_space<vmem>>
    tpu.enqueue_dma source(%dma_start3A_33 : memref<32x768xf32, #tpu.memory_space<vmem>>) target(%dma_start3A_30 : memref<32x768xf32, #tpu.memory_space<hbm>>) target_semaphore(%arg9 : memref<!tpu.dma_semaphore, #tpu.memory_space<semaphore_mem>>)
    %dma_start3A_34 = arith.constant 1 : i32
    %dma_start3A_35 = arith.constant 32 : i32
    %dma_start3A_36 = arith.constant 0 : i32
    %dma_start3A_37 = tpu.memref_slice %arg6[%dma_start3A_35, %dma_start3A_36] : memref<64x768xf32, #tpu.memory_space<vmem>> -> memref<32x768xf32, #tpu.memory_space<vmem>>
    %dma_start3A_38 = arith.constant 0 : i32
    %dma_start3A_39 = arith.constant 0 : i32
    %dma_start3A_40 = tpu.memref_slice %arg4[%dma_start3A_34, %dma_start3A_38, %dma_start3A_39] : memref<50x1024x768xf32, #tpu.memory_space<hbm>> -> memref<1x1024x768xf32, #tpu.memory_space<hbm>>
    %dma_start3A_41 = tpu.memref_squeeze %dma_start3A_40 : memref<1x1024x768xf32, #tpu.memory_space<hbm>> -> memref<1024x768xf32, #tpu.memory_space<hbm>>
    %dma_start3A_42 = arith.constant 0 : i32
    %dma_start3A_43 = tpu.memref_slice %dma_start3A_41[%mul3A_2, %dma_start3A_42] : memref<1024x768xf32, #tpu.memory_space<hbm>> -> memref<32x768xf32, #tpu.memory_space<hbm>>
    %dma_start3A_44 = arith.constant 0 : i32
    %dma_start3A_45 = arith.constant 0 : i32
    %dma_start3A_46 = tpu.memref_slice %arg4[%dma_start3A_34, %dma_start3A_44, %dma_start3A_45] : memref<50x1024x768xf32, #tpu.memory_space<hbm>> -> memref<1x1024x768xf32, #tpu.memory_space<hbm>>
    %dma_start3A_47 = tpu.memref_squeeze %dma_start3A_46 : memref<1x1024x768xf32, #tpu.memory_space<hbm>> -> memref<1024x768xf32, #tpu.memory_space<hbm>>
    %dma_start3A_48 = arith.constant 0 : i32
    %dma_start3A_49 = tpu.memref_slice %dma_start3A_47[%mul3A_2, %dma_start3A_48] : memref<1024x768xf32, #tpu.memory_space<hbm>> -> memref<32x768xf32, #tpu.memory_space<hbm>>
    %dma_start3A_50 = arith.constant 32 : i32
    %dma_start3A_51 = arith.constant 0 : i32
    %dma_start3A_52 = tpu.memref_slice %arg6[%dma_start3A_50, %dma_start3A_51] : memref<64x768xf32, #tpu.memory_space<vmem>> -> memref<32x768xf32, #tpu.memory_space<vmem>>
    tpu.enqueue_dma source(%dma_start3A_52 : memref<32x768xf32, #tpu.memory_space<vmem>>) target(%dma_start3A_49 : memref<32x768xf32, #tpu.memory_space<hbm>>) target_semaphore(%arg9 : memref<!tpu.dma_semaphore, #tpu.memory_space<semaphore_mem>>)
    %dma_start3A_53 = arith.constant 64 : i32
    %dma_start3A_54 = tpu.memref_slice %arg5[%dma_start3A_53] : memref<1600xi32, #tpu.memory_space<vmem>> -> memref<64xi32, #tpu.memory_space<vmem>>
    %dma_start3A_55 = arith.constant 0 : i32
    %dma_start3A_56 = arith.constant 0 : i32
    %dma_start3A_57 = tpu.memref_slice %arg3[%dma_start3A_55, %dma_start3A_56] : memref<32128x768xf32, #tpu.memory_space<hbm>> -> memref<32128x768xf32, #tpu.memory_space<hbm>>
    tpu.enqueue_indirect_dma source(%dma_start3A_57 : memref<32128x768xf32, #tpu.memory_space<hbm>>) target(%arg7 : memref<64x768xf32, #tpu.memory_space<vmem>>) offsets(%dma_start3A_54 : memref<64xi32, #tpu.memory_space<vmem>>) semaphore(%arg8 : memref<!tpu.dma_semaphore, #tpu.memory_space<semaphore_mem>>)
    %dma_wait3A_58 = arith.constant 64 : i32
    %dma_wait3A_59 = tpu.memref_slice %arg5[%dma_wait3A_58] : memref<1600xi32, #tpu.memory_space<vmem>> -> memref<64xi32, #tpu.memory_space<vmem>>
    %dma_wait3A_60 = arith.constant 0 : i32
    %dma_wait3A_61 = arith.constant 0 : i32
    %dma_wait3A_62 = tpu.memref_slice %arg3[%dma_wait3A_60, %dma_wait3A_61] : memref<32128x768xf32, #tpu.memory_space<hbm>> -> memref<32128x768xf32, #tpu.memory_space<hbm>>
    tpu.wait_indirect_dma semaphore(%arg8 : memref<!tpu.dma_semaphore, #tpu.memory_space<semaphore_mem>>) src(%dma_wait3A_62 : memref<32128x768xf32, #tpu.memory_space<hbm>>) dst(%arg7 : memref<64x768xf32, #tpu.memory_space<vmem>>)
    %dma_start3A_63 = arith.constant 2 : i32
    %dma_start3A_64 = arith.constant 0 : i32
    %dma_start3A_65 = arith.constant 0 : i32
    %dma_start3A_66 = tpu.memref_slice %arg7[%dma_start3A_64, %dma_start3A_65] : memref<64x768xf32, #tpu.memory_space<vmem>> -> memref<32x768xf32, #tpu.memory_space<vmem>>
    %dma_start3A_67 = arith.constant 0 : i32
    %dma_start3A_68 = arith.constant 0 : i32
    %dma_start3A_69 = tpu.memref_slice %arg4[%dma_start3A_63, %dma_start3A_67, %dma_start3A_68] : memref<50x1024x768xf32, #tpu.memory_space<hbm>> -> memref<1x1024x768xf32, #tpu.memory_space<hbm>>
    %dma_start3A_70 = tpu.memref_squeeze %dma_start3A_69 : memref<1x1024x768xf32, #tpu.memory_space<hbm>> -> memref<1024x768xf32, #tpu.memory_space<hbm>>
    %dma_start3A_71 = arith.constant 0 : i32
    %dma_start3A_72 = tpu.memref_slice %dma_start3A_70[%mul3A_2, %dma_start3A_71] : memref<1024x768xf32, #tpu.memory_space<hbm>> -> memref<32x768xf32, #tpu.memory_space<hbm>>
    %dma_start3A_73 = arith.constant 0 : i32
    %dma_start3A_74 = arith.constant 0 : i32
    %dma_start3A_75 = tpu.memref_slice %arg4[%dma_start3A_63, %dma_start3A_73, %dma_start3A_74] : memref<50x1024x768xf32, #tpu.memory_space<hbm>> -> memref<1x1024x768xf32, #tpu.memory_space<hbm>>
    %dma_start3A_76 = tpu.memref_squeeze %dma_start3A_75 : memref<1x1024x768xf32, #tpu.memory_space<hbm>> -> memref<1024x768xf32, #tpu.memory_space<hbm>>
    %dma_start3A_77 = arith.constant 0 : i32
    %dma_start3A_78 = tpu.memref_slice %dma_start3A_76[%mul3A_2, %dma_start3A_77] : memref<1024x768xf32, #tpu.memory_space<hbm>> -> memref<32x768xf32, #tpu.memory_space<hbm>>
    %dma_start3A_79 = arith.constant 0 : i32
    %dma_start3A_80 = arith.constant 0 : i32
    %dma_start3A_81 = tpu.memref_slice %arg7[%dma_start3A_79, %dma_start3A_80] : memref<64x768xf32, #tpu.memory_space<vmem>> -> memref<32x768xf32, #tpu.memory_space<vmem>>
    tpu.enqueue_dma source(%dma_start3A_81 : memref<32x768xf32, #tpu.memory_space<vmem>>) target(%dma_start3A_78 : memref<32x768xf32, #tpu.memory_space<hbm>>) target_semaphore(%arg9 : memref<!tpu.dma_semaphore, #tpu.memory_space<semaphore_mem>>)
    %dma_start3A_82 = arith.constant 3 : i32
    %dma_start3A_83 = arith.constant 32 : i32
    %dma_start3A_84 = arith.constant 0 : i32
    %dma_start3A_85 = tpu.memref_slice %arg7[%dma_start3A_83, %dma_start3A_84] : memref<64x768xf32, #tpu.memory_space<vmem>> -> memref<32x768xf32, #tpu.memory_space<vmem>>
    %dma_start3A_86 = arith.constant 0 : i32
    %dma_start3A_87 = arith.constant 0 : i32
    %dma_start3A_88 = tpu.memref_slice %arg4[%dma_start3A_82, %dma_start3A_86, %dma_start3A_87] : memref<50x1024x768xf32, #tpu.memory_space<hbm>> -> memref<1x1024x768xf32, #tpu.memory_space<hbm>>
    %dma_start3A_89 = tpu.memref_squeeze %dma_start3A_88 : memref<1x1024x768xf32, #tpu.memory_space<hbm>> -> memref<1024x768xf32, #tpu.memory_space<hbm>>
    %dma_start3A_90 = arith.constant 0 : i32
    %dma_start3A_91 = tpu.memref_slice %dma_start3A_89[%mul3A_2, %dma_start3A_90] : memref<1024x768xf32, #tpu.memory_space<hbm>> -> memref<32x768xf32, #tpu.memory_space<hbm>>
    %dma_start3A_92 = arith.constant 0 : i32
    %dma_start3A_93 = arith.constant 0 : i32
    %dma_start3A_94 = tpu.memref_slice %arg4[%dma_start3A_82, %dma_start3A_92, %dma_start3A_93] : memref<50x1024x768xf32, #tpu.memory_space<hbm>> -> memref<1x1024x768xf32, #tpu.memory_space<hbm>>
    %dma_start3A_95 = tpu.memref_squeeze %dma_start3A_94 : memref<1x1024x768xf32, #tpu.memory_space<hbm>> -> memref<1024x768xf32, #tpu.memory_space<hbm>>
    %dma_start3A_96 = arith.constant 0 : i32
    %dma_start3A_97 = tpu.memref_slice %dma_start3A_95[%mul3A_2, %dma_start3A_96] : memref<1024x768xf32, #tpu.memory_space<hbm>> -> memref<32x768xf32, #tpu.memory_space<hbm>>
    %dma_start3A_98 = arith.constant 32 : i32
    %dma_start3A_99 = arith.constant 0 : i32
    %dma_start3A_100 = tpu.memref_slice %arg7[%dma_start3A_98, %dma_start3A_99] : memref<64x768xf32, #tpu.memory_space<vmem>> -> memref<32x768xf32, #tpu.memory_space<vmem>>
    tpu.enqueue_dma source(%dma_start3A_100 : memref<32x768xf32, #tpu.memory_space<vmem>>) target(%dma_start3A_97 : memref<32x768xf32, #tpu.memory_space<hbm>>) target_semaphore(%arg9 : memref<!tpu.dma_semaphore, #tpu.memory_space<semaphore_mem>>)
    %dma_wait3A_101 = arith.constant 0 : i32
    %dma_wait3A_102 = arith.constant 0 : i32
    %dma_wait3A_103 = arith.constant 0 : i32
    %dma_wait3A_104 = tpu.memref_slice %arg6[%dma_wait3A_102, %dma_wait3A_103] : memref<64x768xf32, #tpu.memory_space<vmem>> -> memref<32x768xf32, #tpu.memory_space<vmem>>
    %dma_wait3A_105 = arith.constant 0 : i32
    %dma_wait3A_106 = arith.constant 0 : i32
    %dma_wait3A_107 = tpu.memref_slice %arg4[%dma_wait3A_101, %dma_wait3A_105, %dma_wait3A_106] : memref<50x1024x768xf32, #tpu.memory_space<hbm>> -> memref<1x1024x768xf32, #tpu.memory_space<hbm>>
    %dma_wait3A_108 = tpu.memref_squeeze %dma_wait3A_107 : memref<1x1024x768xf32, #tpu.memory_space<hbm>> -> memref<1024x768xf32, #tpu.memory_space<hbm>>
    %dma_wait3A_109 = arith.constant 0 : i32
    %dma_wait3A_110 = tpu.memref_slice %dma_wait3A_108[%mul3A_2, %dma_wait3A_109] : memref<1024x768xf32, #tpu.memory_space<hbm>> -> memref<32x768xf32, #tpu.memory_space<hbm>>
    %dma_wait3A_111 = arith.constant 0 : i32
    %dma_wait3A_112 = arith.constant 0 : i32
    %dma_wait3A_113 = tpu.memref_slice %arg4[%dma_wait3A_101, %dma_wait3A_111, %dma_wait3A_112] : memref<50x1024x768xf32, #tpu.memory_space<hbm>> -> memref<1x1024x768xf32, #tpu.memory_space<hbm>>
    %dma_wait3A_114 = tpu.memref_squeeze %dma_wait3A_113 : memref<1x1024x768xf32, #tpu.memory_space<hbm>> -> memref<1024x768xf32, #tpu.memory_space<hbm>>
    %dma_wait3A_115 = arith.constant 0 : i32
    %dma_wait3A_116 = tpu.memref_slice %dma_wait3A_114[%mul3A_2, %dma_wait3A_115] : memref<1024x768xf32, #tpu.memory_space<hbm>> -> memref<32x768xf32, #tpu.memory_space<hbm>>
    %dma_wait3A_117 = arith.constant 0 : i32
    %dma_wait3A_118 = arith.constant 0 : i32
    %dma_wait3A_119 = tpu.memref_slice %arg6[%dma_wait3A_117, %dma_wait3A_118] : memref<64x768xf32, #tpu.memory_space<vmem>> -> memref<32x768xf32, #tpu.memory_space<vmem>>
    tpu.wait_dma2 semaphore(%arg9 : memref<!tpu.dma_semaphore, #tpu.memory_space<semaphore_mem>>) src(%dma_wait3A_119 : memref<32x768xf32, #tpu.memory_space<vmem>>) dst(%dma_wait3A_116 : memref<32x768xf32, #tpu.memory_space<hbm>>)
    %dma_wait3A_120 = arith.constant 1 : i32
    %dma_wait3A_121 = arith.constant 32 : i32
    %dma_wait3A_122 = arith.constant 0 : i32
    %dma_wait3A_123 = tpu.memref_slice %arg6[%dma_wait3A_121, %dma_wait3A_122] : memref<64x768xf32, #tpu.memory_space<vmem>> -> memref<32x768xf32, #tpu.memory_space<vmem>>
    %dma_wait3A_124 = arith.constant 0 : i32
    %dma_wait3A_125 = arith.constant 0 : i32
    %dma_wait3A_126 = tpu.memref_slice %arg4[%dma_wait3A_120, %dma_wait3A_124, %dma_wait3A_125] : memref<50x1024x768xf32, #tpu.memory_space<hbm>> -> memref<1x1024x768xf32, #tpu.memory_space<hbm>>
    %dma_wait3A_127 = tpu.memref_squeeze %dma_wait3A_126 : memref<1x1024x768xf32, #tpu.memory_space<hbm>> -> memref<1024x768xf32, #tpu.memory_space<hbm>>
    %dma_wait3A_128 = arith.constant 0 : i32
    %dma_wait3A_129 = tpu.memref_slice %dma_wait3A_127[%mul3A_2, %dma_wait3A_128] : memref<1024x768xf32, #tpu.memory_space<hbm>> -> memref<32x768xf32, #tpu.memory_space<hbm>>
    %dma_wait3A_130 = arith.constant 0 : i32
    %dma_wait3A_131 = arith.constant 0 : i32
    %dma_wait3A_132 = tpu.memref_slice %arg4[%dma_wait3A_120, %dma_wait3A_130, %dma_wait3A_131] : memref<50x1024x768xf32, #tpu.memory_space<hbm>> -> memref<1x1024x768xf32, #tpu.memory_space<hbm>>
    %dma_wait3A_133 = tpu.memref_squeeze %dma_wait3A_132 : memref<1x1024x768xf32, #tpu.memory_space<hbm>> -> memref<1024x768xf32, #tpu.memory_space<hbm>>
    %dma_wait3A_134 = arith.constant 0 : i32
    %dma_wait3A_135 = tpu.memref_slice %dma_wait3A_133[%mul3A_2, %dma_wait3A_134] : memref<1024x768xf32, #tpu.memory_space<hbm>> -> memref<32x768xf32, #tpu.memory_space<hbm>>
    %dma_wait3A_136 = arith.constant 32 : i32
    %dma_wait3A_137 = arith.constant 0 : i32
    %dma_wait3A_138 = tpu.memref_slice %arg6[%dma_wait3A_136, %dma_wait3A_137] : memref<64x768xf32, #tpu.memory_space<vmem>> -> memref<32x768xf32, #tpu.memory_space<vmem>>
    tpu.wait_dma2 semaphore(%arg9 : memref<!tpu.dma_semaphore, #tpu.memory_space<semaphore_mem>>) src(%dma_wait3A_138 : memref<32x768xf32, #tpu.memory_space<vmem>>) dst(%dma_wait3A_135 : memref<32x768xf32, #tpu.memory_space<hbm>>)
    %dma_start3A_139 = arith.constant 128 : i32
    %dma_start3A_140 = tpu.memref_slice %arg5[%dma_start3A_139] : memref<1600xi32, #tpu.memory_space<vmem>> -> memref<64xi32, #tpu.memory_space<vmem>>
    %dma_start3A_141 = arith.constant 0 : i32
    %dma_start3A_142 = arith.constant 0 : i32
    %dma_start3A_143 = tpu.memref_slice %arg3[%dma_start3A_141, %dma_start3A_142] : memref<32128x768xf32, #tpu.memory_space<hbm>> -> memref<32128x768xf32, #tpu.memory_space<hbm>>
    tpu.enqueue_indirect_dma source(%dma_start3A_143 : memref<32128x768xf32, #tpu.memory_space<hbm>>) target(%arg6 : memref<64x768xf32, #tpu.memory_space<vmem>>) offsets(%dma_start3A_140 : memref<64xi32, #tpu.memory_space<vmem>>) semaphore(%arg8 : memref<!tpu.dma_semaphore, #tpu.memory_space<semaphore_mem>>)
    %dma_wait3A_144 = arith.constant 128 : i32
    %dma_wait3A_145 = tpu.memref_slice %arg5[%dma_wait3A_144] : memref<1600xi32, #tpu.memory_space<vmem>> -> memref<64xi32, #tpu.memory_space<vmem>>
    %dma_wait3A_146 = arith.constant 0 : i32
    %dma_wait3A_147 = arith.constant 0 : i32
    %dma_wait3A_148 = tpu.memref_slice %arg3[%dma_wait3A_146, %dma_wait3A_147] : memref<32128x768xf32, #tpu.memory_space<hbm>> -> memref<32128x768xf32, #tpu.memory_space<hbm>>
    tpu.wait_indirect_dma semaphore(%arg8 : memref<!tpu.dma_semaphore, #tpu.memory_space<semaphore_mem>>) src(%dma_wait3A_148 : memref<32128x768xf32, #tpu.memory_space<hbm>>) dst(%arg6 : memref<64x768xf32, #tpu.memory_space<vmem>>)
    %dma_start3A_149 = arith.constant 4 : i32
    %dma_start3A_150 = arith.constant 0 : i32
    %dma_start3A_151 = arith.constant 0 : i32
    %dma_start3A_152 = tpu.memref_slice %arg6[%dma_start3A_150, %dma_start3A_151] : memref<64x768xf32, #tpu.memory_space<vmem>> -> memref<32x768xf32, #tpu.memory_space<vmem>>
    %dma_start3A_153 = arith.constant 0 : i32
    %dma_start3A_154 = arith.constant 0 : i32
    %dma_start3A_155 = tpu.memref_slice %arg4[%dma_start3A_149, %dma_start3A_153, %dma_start3A_154] : memref<50x1024x768xf32, #tpu.memory_space<hbm>> -> memref<1x1024x768xf32, #tpu.memory_space<hbm>>
    %dma_start3A_156 = tpu.memref_squeeze %dma_start3A_155 : memref<1x1024x768xf32, #tpu.memory_space<hbm>> -> memref<1024x768xf32, #tpu.memory_space<hbm>>
    %dma_start3A_157 = arith.constant 0 : i32
    %dma_start3A_158 = tpu.memref_slice %dma_start3A_156[%mul3A_2, %dma_start3A_157] : memref<1024x768xf32, #tpu.memory_space<hbm>> -> memref<32x768xf32, #tpu.memory_space<hbm>>
    %dma_start3A_159 = arith.constant 0 : i32
    %dma_start3A_160 = arith.constant 0 : i32
    %dma_start3A_161 = tpu.memref_slice %arg4[%dma_start3A_149, %dma_start3A_159, %dma_start3A_160] : memref<50x1024x768xf32, #tpu.memory_space<hbm>> -> memref<1x1024x768xf32, #tpu.memory_space<hbm>>
    %dma_start3A_162 = tpu.memref_squeeze %dma_start3A_161 : memref<1x1024x768xf32, #tpu.memory_space<hbm>> -> memref<1024x768xf32, #tpu.memory_space<hbm>>
    %dma_start3A_163 = arith.constant 0 : i32
    %dma_start3A_164 = tpu.memref_slice %dma_start3A_162[%mul3A_2, %dma_start3A_163] : memref<1024x768xf32, #tpu.memory_space<hbm>> -> memref<32x768xf32, #tpu.memory_space<hbm>>
    %dma_start3A_165 = arith.constant 0 : i32
    %dma_start3A_166 = arith.constant 0 : i32
    %dma_start3A_167 = tpu.memref_slice %arg6[%dma_start3A_165, %dma_start3A_166] : memref<64x768xf32, #tpu.memory_space<vmem>> -> memref<32x768xf32, #tpu.memory_space<vmem>>
    tpu.enqueue_dma source(%dma_start3A_167 : memref<32x768xf32, #tpu.memory_space<vmem>>) target(%dma_start3A_164 : memref<32x768xf32, #tpu.memory_space<hbm>>) target_semaphore(%arg9 : memref<!tpu.dma_semaphore, #tpu.memory_space<semaphore_mem>>)
    %dma_start3A_168 = arith.constant 5 : i32
    %dma_start3A_169 = arith.constant 32 : i32
    %dma_start3A_170 = arith.constant 0 : i32
    %dma_start3A_171 = tpu.memref_slice %arg6[%dma_start3A_169, %dma_start3A_170] : memref<64x768xf32, #tpu.memory_space<vmem>> -> memref<32x768xf32, #tpu.memory_space<vmem>>
    %dma_start3A_172 = arith.constant 0 : i32
    %dma_start3A_173 = arith.constant 0 : i32
    %dma_start3A_174 = tpu.memref_slice %arg4[%dma_start3A_168, %dma_start3A_172, %dma_start3A_173] : memref<50x1024x768xf32, #tpu.memory_space<hbm>> -> memref<1x1024x768xf32, #tpu.memory_space<hbm>>
    %dma_start3A_175 = tpu.memref_squeeze %dma_start3A_174 : memref<1x1024x768xf32, #tpu.memory_space<hbm>> -> memref<1024x768xf32, #tpu.memory_space<hbm>>
    %dma_start3A_176 = arith.constant 0 : i32
    %dma_start3A_177 = tpu.memref_slice %dma_start3A_175[%mul3A_2, %dma_start3A_176] : memref<1024x768xf32, #tpu.memory_space<hbm>> -> memref<32x768xf32, #tpu.memory_space<hbm>>
    %dma_start3A_178 = arith.constant 0 : i32
    %dma_start3A_179 = arith.constant 0 : i32
    %dma_start3A_180 = tpu.memref_slice %arg4[%dma_start3A_168, %dma_start3A_178, %dma_start3A_179] : memref<50x1024x768xf32, #tpu.memory_space<hbm>> -> memref<1x1024x768xf32, #tpu.memory_space<hbm>>
    %dma_start3A_181 = tpu.memref_squeeze %dma_start3A_180 : memref<1x1024x768xf32, #tpu.memory_space<hbm>> -> memref<1024x768xf32, #tpu.memory_space<hbm>>
    %dma_start3A_182 = arith.constant 0 : i32
    %dma_start3A_183 = tpu.memref_slice %dma_start3A_181[%mul3A_2, %dma_start3A_182] : memref<1024x768xf32, #tpu.memory_space<hbm>> -> memref<32x768xf32, #tpu.memory_space<hbm>>
    %dma_start3A_184 = arith.constant 32 : i32
    %dma_start3A_185 = arith.constant 0 : i32
    %dma_start3A_186 = tpu.memref_slice %arg6[%dma_start3A_184, %dma_start3A_185] : memref<64x768xf32, #tpu.memory_space<vmem>> -> memref<32x768xf32, #tpu.memory_space<vmem>>
    tpu.enqueue_dma source(%dma_start3A_186 : memref<32x768xf32, #tpu.memory_space<vmem>>) target(%dma_start3A_183 : memref<32x768xf32, #tpu.memory_space<hbm>>) target_semaphore(%arg9 : memref<!tpu.dma_semaphore, #tpu.memory_space<semaphore_mem>>)
    %dma_wait3A_187 = arith.constant 2 : i32
    %dma_wait3A_188 = arith.constant 0 : i32
    %dma_wait3A_189 = arith.constant 0 : i32
    %dma_wait3A_190 = tpu.memref_slice %arg7[%dma_wait3A_188, %dma_wait3A_189] : memref<64x768xf32, #tpu.memory_space<vmem>> -> memref<32x768xf32, #tpu.memory_space<vmem>>
    %dma_wait3A_191 = arith.constant 0 : i32
    %dma_wait3A_192 = arith.constant 0 : i32
    %dma_wait3A_193 = tpu.memref_slice %arg4[%dma_wait3A_187, %dma_wait3A_191, %dma_wait3A_192] : memref<50x1024x768xf32, #tpu.memory_space<hbm>> -> memref<1x1024x768xf32, #tpu.memory_space<hbm>>
    %dma_wait3A_194 = tpu.memref_squeeze %dma_wait3A_193 : memref<1x1024x768xf32, #tpu.memory_space<hbm>> -> memref<1024x768xf32, #tpu.memory_space<hbm>>
    %dma_wait3A_195 = arith.constant 0 : i32
    %dma_wait3A_196 = tpu.memref_slice %dma_wait3A_194[%mul3A_2, %dma_wait3A_195] : memref<1024x768xf32, #tpu.memory_space<hbm>> -> memref<32x768xf32, #tpu.memory_space<hbm>>
    %dma_wait3A_197 = arith.constant 0 : i32
    %dma_wait3A_198 = arith.constant 0 : i32
    %dma_wait3A_199 = tpu.memref_slice %arg4[%dma_wait3A_187, %dma_wait3A_197, %dma_wait3A_198] : memref<50x1024x768xf32, #tpu.memory_space<hbm>> -> memref<1x1024x768xf32, #tpu.memory_space<hbm>>
    %dma_wait3A_200 = tpu.memref_squeeze %dma_wait3A_199 : memref<1x1024x768xf32, #tpu.memory_space<hbm>> -> memref<1024x768xf32, #tpu.memory_space<hbm>>
    %dma_wait3A_201 = arith.constant 0 : i32
    %dma_wait3A_202 = tpu.memref_slice %dma_wait3A_200[%mul3A_2, %dma_wait3A_201] : memref<1024x768xf32, #tpu.memory_space<hbm>> -> memref<32x768xf32, #tpu.memory_space<hbm>>
    %dma_wait3A_203 = arith.constant 0 : i32
    %dma_wait3A_204 = arith.constant 0 : i32
    %dma_wait3A_205 = tpu.memref_slice %arg7[%dma_wait3A_203, %dma_wait3A_204] : memref<64x768xf32, #tpu.memory_space<vmem>> -> memref<32x768xf32, #tpu.memory_space<vmem>>
    tpu.wait_dma2 semaphore(%arg9 : memref<!tpu.dma_semaphore, #tpu.memory_space<semaphore_mem>>) src(%dma_wait3A_205 : memref<32x768xf32, #tpu.memory_space<vmem>>) dst(%dma_wait3A_202 : memref<32x768xf32, #tpu.memory_space<hbm>>)
    %dma_wait3A_206 = arith.constant 3 : i32
    %dma_wait3A_207 = arith.constant 32 : i32
    %dma_wait3A_208 = arith.constant 0 : i32
    %dma_wait3A_209 = tpu.memref_slice %arg7[%dma_wait3A_207, %dma_wait3A_208] : memref<64x768xf32, #tpu.memory_space<vmem>> -> memref<32x768xf32, #tpu.memory_space<vmem>>
    %dma_wait3A_210 = arith.constant 0 : i32
    %dma_wait3A_211 = arith.constant 0 : i32
    %dma_wait3A_212 = tpu.memref_slice %arg4[%dma_wait3A_206, %dma_wait3A_210, %dma_wait3A_211] : memref<50x1024x768xf32, #tpu.memory_space<hbm>> -> memref<1x1024x768xf32, #tpu.memory_space<hbm>>
    %dma_wait3A_213 = tpu.memref_squeeze %dma_wait3A_212 : memref<1x1024x768xf32, #tpu.memory_space<hbm>> -> memref<1024x768xf32, #tpu.memory_space<hbm>>
    %dma_wait3A_214 = arith.constant 0 : i32
    %dma_wait3A_215 = tpu.memref_slice %dma_wait3A_213[%mul3A_2, %dma_wait3A_214] : memref<1024x768xf32, #tpu.memory_space<hbm>> -> memref<32x768xf32, #tpu.memory_space<hbm>>
    %dma_wait3A_216 = arith.constant 0 : i32
    %dma_wait3A_217 = arith.constant 0 : i32
    %dma_wait3A_218 = tpu.memref_slice %arg4[%dma_wait3A_206, %dma_wait3A_216, %dma_wait3A_217] : memref<50x1024x768xf32, #tpu.memory_space<hbm>> -> memref<1x1024x768xf32, #tpu.memory_space<hbm>>
    %dma_wait3A_219 = tpu.memref_squeeze %dma_wait3A_218 : memref<1x1024x768xf32, #tpu.memory_space<hbm>> -> memref<1024x768xf32, #tpu.memory_space<hbm>>
    %dma_wait3A_220 = arith.constant 0 : i32
    %dma_wait3A_221 = tpu.memref_slice %dma_wait3A_219[%mul3A_2, %dma_wait3A_220] : memref<1024x768xf32, #tpu.memory_space<hbm>> -> memref<32x768xf32, #tpu.memory_space<hbm>>
    %dma_wait3A_222 = arith.constant 32 : i32
    %dma_wait3A_223 = arith.constant 0 : i32
    %dma_wait3A_224 = tpu.memref_slice %arg7[%dma_wait3A_222, %dma_wait3A_223] : memref<64x768xf32, #tpu.memory_space<vmem>> -> memref<32x768xf32, #tpu.memory_space<vmem>>
    tpu.wait_dma2 semaphore(%arg9 : memref<!tpu.dma_semaphore, #tpu.memory_space<semaphore_mem>>) src(%dma_wait3A_224 : memref<32x768xf32, #tpu.memory_space<vmem>>) dst(%dma_wait3A_221 : memref<32x768xf32, #tpu.memory_space<hbm>>)
    %dma_start3A_225 = arith.constant 192 : i32
    %dma_start3A_226 = tpu.memref_slice %arg5[%dma_start3A_225] : memref<1600xi32, #tpu.memory_space<vmem>> -> memref<64xi32, #tpu.memory_space<vmem>>
    %dma_start3A_227 = arith.constant 0 : i32
    %dma_start3A_228 = arith.constant 0 : i32
    %dma_start3A_229 = tpu.memref_slice %arg3[%dma_start3A_227, %dma_start3A_228] : memref<32128x768xf32, #tpu.memory_space<hbm>> -> memref<32128x768xf32, #tpu.memory_space<hbm>>
    tpu.enqueue_indirect_dma source(%dma_start3A_229 : memref<32128x768xf32, #tpu.memory_space<hbm>>) target(%arg7 : memref<64x768xf32, #tpu.memory_space<vmem>>) offsets(%dma_start3A_226 : memref<64xi32, #tpu.memory_space<vmem>>) semaphore(%arg8 : memref<!tpu.dma_semaphore, #tpu.memory_space<semaphore_mem>>)
    %dma_wait3A_230 = arith.constant 192 : i32
    %dma_wait3A_231 = tpu.memref_slice %arg5[%dma_wait3A_230] : memref<1600xi32, #tpu.memory_space<vmem>> -> memref<64xi32, #tpu.memory_space<vmem>>
    %dma_wait3A_232 = arith.constant 0 : i32
    %dma_wait3A_233 = arith.constant 0 : i32
    %dma_wait3A_234 = tpu.memref_slice %arg3[%dma_wait3A_232, %dma_wait3A_233] : memref<32128x768xf32, #tpu.memory_space<hbm>> -> memref<32128x768xf32, #tpu.memory_space<hbm>>
    tpu.wait_indirect_dma semaphore(%arg8 : memref<!tpu.dma_semaphore, #tpu.memory_space<semaphore_mem>>) src(%dma_wait3A_234 : memref<32128x768xf32, #tpu.memory_space<hbm>>) dst(%arg7 : memref<64x768xf32, #tpu.memory_space<vmem>>)
    %dma_start3A_235 = arith.constant 6 : i32
    %dma_start3A_236 = arith.constant 0 : i32
    %dma_start3A_237 = arith.constant 0 : i32
    %dma_start3A_238 = tpu.memref_slice %arg7[%dma_start3A_236, %dma_start3A_237] : memref<64x768xf32, #tpu.memory_space<vmem>> -> memref<32x768xf32, #tpu.memory_space<vmem>>
    %dma_start3A_239 = arith.constant 0 : i32
    %dma_start3A_240 = arith.constant 0 : i32
    %dma_start3A_241 = tpu.memref_slice %arg4[%dma_start3A_235, %dma_start3A_239, %dma_start3A_240] : memref<50x1024x768xf32, #tpu.memory_space<hbm>> -> memref<1x1024x768xf32, #tpu.memory_space<hbm>>
    %dma_start3A_242 = tpu.memref_squeeze %dma_start3A_241 : memref<1x1024x768xf32, #tpu.memory_space<hbm>> -> memref<1024x768xf32, #tpu.memory_space<hbm>>
    %dma_start3A_243 = arith.constant 0 : i32
    %dma_start3A_244 = tpu.memref_slice %dma_start3A_242[%mul3A_2, %dma_start3A_243] : memref<1024x768xf32, #tpu.memory_space<hbm>> -> memref<32x768xf32, #tpu.memory_space<hbm>>
    %dma_start3A_245 = arith.constant 0 : i32
    %dma_start3A_246 = arith.constant 0 : i32
    %dma_start3A_247 = tpu.memref_slice %arg4[%dma_start3A_235, %dma_start3A_245, %dma_start3A_246] : memref<50x1024x768xf32, #tpu.memory_space<hbm>> -> memref<1x1024x768xf32, #tpu.memory_space<hbm>>
    %dma_start3A_248 = tpu.memref_squeeze %dma_start3A_247 : memref<1x1024x768xf32, #tpu.memory_space<hbm>> -> memref<1024x768xf32, #tpu.memory_space<hbm>>
    %dma_start3A_249 = arith.constant 0 : i32
    %dma_start3A_250 = tpu.memref_slice %dma_start3A_248[%mul3A_2, %dma_start3A_249] : memref<1024x768xf32, #tpu.memory_space<hbm>> -> memref<32x768xf32, #tpu.memory_space<hbm>>
    %dma_start3A_251 = arith.constant 0 : i32
    %dma_start3A_252 = arith.constant 0 : i32
    %dma_start3A_253 = tpu.memref_slice %arg7[%dma_start3A_251, %dma_start3A_252] : memref<64x768xf32, #tpu.memory_space<vmem>> -> memref<32x768xf32, #tpu.memory_space<vmem>>
    tpu.enqueue_dma source(%dma_start3A_253 : memref<32x768xf32, #tpu.memory_space<vmem>>) target(%dma_start3A_250 : memref<32x768xf32, #tpu.memory_space<hbm>>) target_semaphore(%arg9 : memref<!tpu.dma_semaphore, #tpu.memory_space<semaphore_mem>>)
    %dma_start3A_254 = arith.constant 7 : i32
    %dma_start3A_255 = arith.constant 32 : i32
    %dma_start3A_256 = arith.constant 0 : i32
    %dma_start3A_257 = tpu.memref_slice %arg7[%dma_start3A_255, %dma_start3A_256] : memref<64x768xf32, #tpu.memory_space<vmem>> -> memref<32x768xf32, #tpu.memory_space<vmem>>
    %dma_start3A_258 = arith.constant 0 : i32
    %dma_start3A_259 = arith.constant 0 : i32
    %dma_start3A_260 = tpu.memref_slice %arg4[%dma_start3A_254, %dma_start3A_258, %dma_start3A_259] : memref<50x1024x768xf32, #tpu.memory_space<hbm>> -> memref<1x1024x768xf32, #tpu.memory_space<hbm>>
    %dma_start3A_261 = tpu.memref_squeeze %dma_start3A_260 : memref<1x1024x768xf32, #tpu.memory_space<hbm>> -> memref<1024x768xf32, #tpu.memory_space<hbm>>
    %dma_start3A_262 = arith.constant 0 : i32
    %dma_start3A_263 = tpu.memref_slice %dma_start3A_261[%mul3A_2, %dma_start3A_262] : memref<1024x768xf32, #tpu.memory_space<hbm>> -> memref<32x768xf32, #tpu.memory_space<hbm>>
    %dma_start3A_264 = arith.constant 0 : i32
    %dma_start3A_265 = arith.constant 0 : i32
    %dma_start3A_266 = tpu.memref_slice %arg4[%dma_start3A_254, %dma_start3A_264, %dma_start3A_265] : memref<50x1024x768xf32, #tpu.memory_space<hbm>> -> memref<1x1024x768xf32, #tpu.memory_space<hbm>>
    %dma_start3A_267 = tpu.memref_squeeze %dma_start3A_266 : memref<1x1024x768xf32, #tpu.memory_space<hbm>> -> memref<1024x768xf32, #tpu.memory_space<hbm>>
    %dma_start3A_268 = arith.constant 0 : i32
    %dma_start3A_269 = tpu.memref_slice %dma_start3A_267[%mul3A_2, %dma_start3A_268] : memref<1024x768xf32, #tpu.memory_space<hbm>> -> memref<32x768xf32, #tpu.memory_space<hbm>>
    %dma_start3A_270 = arith.constant 32 : i32
    %dma_start3A_271 = arith.constant 0 : i32
    %dma_start3A_272 = tpu.memref_slice %arg7[%dma_start3A_270, %dma_start3A_271] : memref<64x768xf32, #tpu.memory_space<vmem>> -> memref<32x768xf32, #tpu.memory_space<vmem>>
    tpu.enqueue_dma source(%dma_start3A_272 : memref<32x768xf32, #tpu.memory_space<vmem>>) target(%dma_start3A_269 : memref<32x768xf32, #tpu.memory_space<hbm>>) target_semaphore(%arg9 : memref<!tpu.dma_semaphore, #tpu.memory_space<semaphore_mem>>)
    %dma_wait3A_273 = arith.constant 4 : i32
    %dma_wait3A_274 = arith.constant 0 : i32
    %dma_wait3A_275 = arith.constant 0 : i32
    %dma_wait3A_276 = tpu.memref_slice %arg6[%dma_wait3A_274, %dma_wait3A_275] : memref<64x768xf32, #tpu.memory_space<vmem>> -> memref<32x768xf32, #tpu.memory_space<vmem>>
    %dma_wait3A_277 = arith.constant 0 : i32
    %dma_wait3A_278 = arith.constant 0 : i32
    %dma_wait3A_279 = tpu.memref_slice %arg4[%dma_wait3A_273, %dma_wait3A_277, %dma_wait3A_278] : memref<50x1024x768xf32, #tpu.memory_space<hbm>> -> memref<1x1024x768xf32, #tpu.memory_space<hbm>>
    %dma_wait3A_280 = tpu.memref_squeeze %dma_wait3A_279 : memref<1x1024x768xf32, #tpu.memory_space<hbm>> -> memref<1024x768xf32, #tpu.memory_space<hbm>>
    %dma_wait3A_281 = arith.constant 0 : i32
    %dma_wait3A_282 = tpu.memref_slice %dma_wait3A_280[%mul3A_2, %dma_wait3A_281] : memref<1024x768xf32, #tpu.memory_space<hbm>> -> memref<32x768xf32, #tpu.memory_space<hbm>>
    %dma_wait3A_283 = arith.constant 0 : i32
    %dma_wait3A_284 = arith.constant 0 : i32
    %dma_wait3A_285 = tpu.memref_slice %arg4[%dma_wait3A_273, %dma_wait3A_283, %dma_wait3A_284] : memref<50x1024x768xf32, #tpu.memory_space<hbm>> -> memref<1x1024x768xf32, #tpu.memory_space<hbm>>
    %dma_wait3A_286 = tpu.memref_squeeze %dma_wait3A_285 : memref<1x1024x768xf32, #tpu.memory_space<hbm>> -> memref<1024x768xf32, #tpu.memory_space<hbm>>
    %dma_wait3A_287 = arith.constant 0 : i32
    %dma_wait3A_288 = tpu.memref_slice %dma_wait3A_286[%mul3A_2, %dma_wait3A_287] : memref<1024x768xf32, #tpu.memory_space<hbm>> -> memref<32x768xf32, #tpu.memory_space<hbm>>
    %dma_wait3A_289 = arith.constant 0 : i32
    %dma_wait3A_290 = arith.constant 0 : i32
    %dma_wait3A_291 = tpu.memref_slice %arg6[%dma_wait3A_289, %dma_wait3A_290] : memref<64x768xf32, #tpu.memory_space<vmem>> -> memref<32x768xf32, #tpu.memory_space<vmem>>
    tpu.wait_dma2 semaphore(%arg9 : memref<!tpu.dma_semaphore, #tpu.memory_space<semaphore_mem>>) src(%dma_wait3A_291 : memref<32x768xf32, #tpu.memory_space<vmem>>) dst(%dma_wait3A_288 : memref<32x768xf32, #tpu.memory_space<hbm>>)
    %dma_wait3A_292 = arith.constant 5 : i32
    %dma_wait3A_293 = arith.constant 32 : i32
    %dma_wait3A_294 = arith.constant 0 : i32
    %dma_wait3A_295 = tpu.memref_slice %arg6[%dma_wait3A_293, %dma_wait3A_294] : memref<64x768xf32, #tpu.memory_space<vmem>> -> memref<32x768xf32, #tpu.memory_space<vmem>>
    %dma_wait3A_296 = arith.constant 0 : i32
    %dma_wait3A_297 = arith.constant 0 : i32
    %dma_wait3A_298 = tpu.memref_slice %arg4[%dma_wait3A_292, %dma_wait3A_296, %dma_wait3A_297] : memref<50x1024x768xf32, #tpu.memory_space<hbm>> -> memref<1x1024x768xf32, #tpu.memory_space<hbm>>
    %dma_wait3A_299 = tpu.memref_squeeze %dma_wait3A_298 : memref<1x1024x768xf32, #tpu.memory_space<hbm>> -> memref<1024x768xf32, #tpu.memory_space<hbm>>
    %dma_wait3A_300 = arith.constant 0 : i32
    %dma_wait3A_301 = tpu.memref_slice %dma_wait3A_299[%mul3A_2, %dma_wait3A_300] : memref<1024x768xf32, #tpu.memory_space<hbm>> -> memref<32x768xf32, #tpu.memory_space<hbm>>
    %dma_wait3A_302 = arith.constant 0 : i32
    %dma_wait3A_303 = arith.constant 0 : i32
    %dma_wait3A_304 = tpu.memref_slice %arg4[%dma_wait3A_292, %dma_wait3A_302, %dma_wait3A_303] : memref<50x1024x768xf32, #tpu.memory_space<hbm>> -> memref<1x1024x768xf32, #tpu.memory_space<hbm>>
    %dma_wait3A_305 = tpu.memref_squeeze %dma_wait3A_304 : memref<1x1024x768xf32, #tpu.memory_space<hbm>> -> memref<1024x768xf32, #tpu.memory_space<hbm>>
    %dma_wait3A_306 = arith.constant 0 : i32
    %dma_wait3A_307 = tpu.memref_slice %dma_wait3A_305[%mul3A_2, %dma_wait3A_306] : memref<1024x768xf32, #tpu.memory_space<hbm>> -> memref<32x768xf32, #tpu.memory_space<hbm>>
    %dma_wait3A_308 = arith.constant 32 : i32
    %dma_wait3A_309 = arith.constant 0 : i32
    %dma_wait3A_310 = tpu.memref_slice %arg6[%dma_wait3A_308, %dma_wait3A_309] : memref<64x768xf32, #tpu.memory_space<vmem>> -> memref<32x768xf32, #tpu.memory_space<vmem>>
    tpu.wait_dma2 semaphore(%arg9 : memref<!tpu.dma_semaphore, #tpu.memory_space<semaphore_mem>>) src(%dma_wait3A_310 : memref<32x768xf32, #tpu.memory_space<vmem>>) dst(%dma_wait3A_307 : memref<32x768xf32, #tpu.memory_space<hbm>>)
    %dma_start3A_311 = arith.constant 256 : i32
    %dma_start3A_312 = tpu.memref_slice %arg5[%dma_start3A_311] : memref<1600xi32, #tpu.memory_space<vmem>> -> memref<64xi32, #tpu.memory_space<vmem>>
    %dma_start3A_313 = arith.constant 0 : i32
    %dma_start3A_314 = arith.constant 0 : i32
    %dma_start3A_315 = tpu.memref_slice %arg3[%dma_start3A_313, %dma_start3A_314] : memref<32128x768xf32, #tpu.memory_space<hbm>> -> memref<32128x768xf32, #tpu.memory_space<hbm>>
    tpu.enqueue_indirect_dma source(%dma_start3A_315 : memref<32128x768xf32, #tpu.memory_space<hbm>>) target(%arg6 : memref<64x768xf32, #tpu.memory_space<vmem>>) offsets(%dma_start3A_312 : memref<64xi32, #tpu.memory_space<vmem>>) semaphore(%arg8 : memref<!tpu.dma_semaphore, #tpu.memory_space<semaphore_mem>>)
    %dma_wait3A_316 = arith.constant 256 : i32
    %dma_wait3A_317 = tpu.memref_slice %arg5[%dma_wait3A_316] : memref<1600xi32, #tpu.memory_space<vmem>> -> memref<64xi32, #tpu.memory_space<vmem>>
    %dma_wait3A_318 = arith.constant 0 : i32
    %dma_wait3A_319 = arith.constant 0 : i32
    %dma_wait3A_320 = tpu.memref_slice %arg3[%dma_wait3A_318, %dma_wait3A_319] : memref<32128x768xf32, #tpu.memory_space<hbm>> -> memref<32128x768xf32, #tpu.memory_space<hbm>>
    tpu.wait_indirect_dma semaphore(%arg8 : memref<!tpu.dma_semaphore, #tpu.memory_space<semaphore_mem>>) src(%dma_wait3A_320 : memref<32128x768xf32, #tpu.memory_space<hbm>>) dst(%arg6 : memref<64x768xf32, #tpu.memory_space<vmem>>)
    %dma_start3A_321 = arith.constant 8 : i32
    %dma_start3A_322 = arith.constant 0 : i32
    %dma_start3A_323 = arith.constant 0 : i32
    %dma_start3A_324 = tpu.memref_slice %arg6[%dma_start3A_322, %dma_start3A_323] : memref<64x768xf32, #tpu.memory_space<vmem>> -> memref<32x768xf32, #tpu.memory_space<vmem>>
    %dma_start3A_325 = arith.constant 0 : i32
    %dma_start3A_326 = arith.constant 0 : i32
    %dma_start3A_327 = tpu.memref_slice %arg4[%dma_start3A_321, %dma_start3A_325, %dma_start3A_326] : memref<50x1024x768xf32, #tpu.memory_space<hbm>> -> memref<1x1024x768xf32, #tpu.memory_space<hbm>>
    %dma_start3A_328 = tpu.memref_squeeze %dma_start3A_327 : memref<1x1024x768xf32, #tpu.memory_space<hbm>> -> memref<1024x768xf32, #tpu.memory_space<hbm>>
    %dma_start3A_329 = arith.constant 0 : i32
    %dma_start3A_330 = tpu.memref_slice %dma_start3A_328[%mul3A_2, %dma_start3A_329] : memref<1024x768xf32, #tpu.memory_space<hbm>> -> memref<32x768xf32, #tpu.memory_space<hbm>>
    %dma_start3A_331 = arith.constant 0 : i32
    %dma_start3A_332 = arith.constant 0 : i32
    %dma_start3A_333 = tpu.memref_slice %arg4[%dma_start3A_321, %dma_start3A_331, %dma_start3A_332] : memref<50x1024x768xf32, #tpu.memory_space<hbm>> -> memref<1x1024x768xf32, #tpu.memory_space<hbm>>
    %dma_start3A_334 = tpu.memref_squeeze %dma_start3A_333 : memref<1x1024x768xf32, #tpu.memory_space<hbm>> -> memref<1024x768xf32, #tpu.memory_space<hbm>>
    %dma_start3A_335 = arith.constant 0 : i32
    %dma_start3A_336 = tpu.memref_slice %dma_start3A_334[%mul3A_2, %dma_start3A_335] : memref<1024x768xf32, #tpu.memory_space<hbm>> -> memref<32x768xf32, #tpu.memory_space<hbm>>
    %dma_start3A_337 = arith.constant 0 : i32
    %dma_start3A_338 = arith.constant 0 : i32
    %dma_start3A_339 = tpu.memref_slice %arg6[%dma_start3A_337, %dma_start3A_338] : memref<64x768xf32, #tpu.memory_space<vmem>> -> memref<32x768xf32, #tpu.memory_space<vmem>>
    tpu.enqueue_dma source(%dma_start3A_339 : memref<32x768xf32, #tpu.memory_space<vmem>>) target(%dma_start3A_336 : memref<32x768xf32, #tpu.memory_space<hbm>>) target_semaphore(%arg9 : memref<!tpu.dma_semaphore, #tpu.memory_space<semaphore_mem>>)
    %dma_start3A_340 = arith.constant 9 : i32
    %dma_start3A_341 = arith.constant 32 : i32
    %dma_start3A_342 = arith.constant 0 : i32
    %dma_start3A_343 = tpu.memref_slice %arg6[%dma_start3A_341, %dma_start3A_342] : memref<64x768xf32, #tpu.memory_space<vmem>> -> memref<32x768xf32, #tpu.memory_space<vmem>>
    %dma_start3A_344 = arith.constant 0 : i32
    %dma_start3A_345 = arith.constant 0 : i32
    %dma_start3A_346 = tpu.memref_slice %arg4[%dma_start3A_340, %dma_start3A_344, %dma_start3A_345] : memref<50x1024x768xf32, #tpu.memory_space<hbm>> -> memref<1x1024x768xf32, #tpu.memory_space<hbm>>
    %dma_start3A_347 = tpu.memref_squeeze %dma_start3A_346 : memref<1x1024x768xf32, #tpu.memory_space<hbm>> -> memref<1024x768xf32, #tpu.memory_space<hbm>>
    %dma_start3A_348 = arith.constant 0 : i32
    %dma_start3A_349 = tpu.memref_slice %dma_start3A_347[%mul3A_2, %dma_start3A_348] : memref<1024x768xf32, #tpu.memory_space<hbm>> -> memref<32x768xf32, #tpu.memory_space<hbm>>
    %dma_start3A_350 = arith.constant 0 : i32
    %dma_start3A_351 = arith.constant 0 : i32
    %dma_start3A_352 = tpu.memref_slice %arg4[%dma_start3A_340, %dma_start3A_350, %dma_start3A_351] : memref<50x1024x768xf32, #tpu.memory_space<hbm>> -> memref<1x1024x768xf32, #tpu.memory_space<hbm>>
    %dma_start3A_353 = tpu.memref_squeeze %dma_start3A_352 : memref<1x1024x768xf32, #tpu.memory_space<hbm>> -> memref<1024x768xf32, #tpu.memory_space<hbm>>
    %dma_start3A_354 = arith.constant 0 : i32
    %dma_start3A_355 = tpu.memref_slice %dma_start3A_353[%mul3A_2, %dma_start3A_354] : memref<1024x768xf32, #tpu.memory_space<hbm>> -> memref<32x768xf32, #tpu.memory_space<hbm>>
    %dma_start3A_356 = arith.constant 32 : i32
    %dma_start3A_357 = arith.constant 0 : i32
    %dma_start3A_358 = tpu.memref_slice %arg6[%dma_start3A_356, %dma_start3A_357] : memref<64x768xf32, #tpu.memory_space<vmem>> -> memref<32x768xf32, #tpu.memory_space<vmem>>
    tpu.enqueue_dma source(%dma_start3A_358 : memref<32x768xf32, #tpu.memory_space<vmem>>) target(%dma_start3A_355 : memref<32x768xf32, #tpu.memory_space<hbm>>) target_semaphore(%arg9 : memref<!tpu.dma_semaphore, #tpu.memory_space<semaphore_mem>>)
    %dma_wait3A_359 = arith.constant 6 : i32
    %dma_wait3A_360 = arith.constant 0 : i32
    %dma_wait3A_361 = arith.constant 0 : i32
    %dma_wait3A_362 = tpu.memref_slice %arg7[%dma_wait3A_360, %dma_wait3A_361] : memref<64x768xf32, #tpu.memory_space<vmem>> -> memref<32x768xf32, #tpu.memory_space<vmem>>
    %dma_wait3A_363 = arith.constant 0 : i32
    %dma_wait3A_364 = arith.constant 0 : i32
    %dma_wait3A_365 = tpu.memref_slice %arg4[%dma_wait3A_359, %dma_wait3A_363, %dma_wait3A_364] : memref<50x1024x768xf32, #tpu.memory_space<hbm>> -> memref<1x1024x768xf32, #tpu.memory_space<hbm>>
    %dma_wait3A_366 = tpu.memref_squeeze %dma_wait3A_365 : memref<1x1024x768xf32, #tpu.memory_space<hbm>> -> memref<1024x768xf32, #tpu.memory_space<hbm>>
    %dma_wait3A_367 = arith.constant 0 : i32
    %dma_wait3A_368 = tpu.memref_slice %dma_wait3A_366[%mul3A_2, %dma_wait3A_367] : memref<1024x768xf32, #tpu.memory_space<hbm>> -> memref<32x768xf32, #tpu.memory_space<hbm>>
    %dma_wait3A_369 = arith.constant 0 : i32
    %dma_wait3A_370 = arith.constant 0 : i32
    %dma_wait3A_371 = tpu.memref_slice %arg4[%dma_wait3A_359, %dma_wait3A_369, %dma_wait3A_370] : memref<50x1024x768xf32, #tpu.memory_space<hbm>> -> memref<1x1024x768xf32, #tpu.memory_space<hbm>>
    %dma_wait3A_372 = tpu.memref_squeeze %dma_wait3A_371 : memref<1x1024x768xf32, #tpu.memory_space<hbm>> -> memref<1024x768xf32, #tpu.memory_space<hbm>>
    %dma_wait3A_373 = arith.constant 0 : i32
    %dma_wait3A_374 = tpu.memref_slice %dma_wait3A_372[%mul3A_2, %dma_wait3A_373] : memref<1024x768xf32, #tpu.memory_space<hbm>> -> memref<32x768xf32, #tpu.memory_space<hbm>>
    %dma_wait3A_375 = arith.constant 0 : i32
    %dma_wait3A_376 = arith.constant 0 : i32
    %dma_wait3A_377 = tpu.memref_slice %arg7[%dma_wait3A_375, %dma_wait3A_376] : memref<64x768xf32, #tpu.memory_space<vmem>> -> memref<32x768xf32, #tpu.memory_space<vmem>>
    tpu.wait_dma2 semaphore(%arg9 : memref<!tpu.dma_semaphore, #tpu.memory_space<semaphore_mem>>) src(%dma_wait3A_377 : memref<32x768xf32, #tpu.memory_space<vmem>>) dst(%dma_wait3A_374 : memref<32x768xf32, #tpu.memory_space<hbm>>)
    %dma_wait3A_378 = arith.constant 7 : i32
    %dma_wait3A_379 = arith.constant 32 : i32
    %dma_wait3A_380 = arith.constant 0 : i32
    %dma_wait3A_381 = tpu.memref_slice %arg7[%dma_wait3A_379, %dma_wait3A_380] : memref<64x768xf32, #tpu.memory_space<vmem>> -> memref<32x768xf32, #tpu.memory_space<vmem>>
    %dma_wait3A_382 = arith.constant 0 : i32
    %dma_wait3A_383 = arith.constant 0 : i32
    %dma_wait3A_384 = tpu.memref_slice %arg4[%dma_wait3A_378, %dma_wait3A_382, %dma_wait3A_383] : memref<50x1024x768xf32, #tpu.memory_space<hbm>> -> memref<1x1024x768xf32, #tpu.memory_space<hbm>>
    %dma_wait3A_385 = tpu.memref_squeeze %dma_wait3A_384 : memref<1x1024x768xf32, #tpu.memory_space<hbm>> -> memref<1024x768xf32, #tpu.memory_space<hbm>>
    %dma_wait3A_386 = arith.constant 0 : i32
    %dma_wait3A_387 = tpu.memref_slice %dma_wait3A_385[%mul3A_2, %dma_wait3A_386] : memref<1024x768xf32, #tpu.memory_space<hbm>> -> memref<32x768xf32, #tpu.memory_space<hbm>>
    %dma_wait3A_388 = arith.constant 0 : i32
    %dma_wait3A_389 = arith.constant 0 : i32
    %dma_wait3A_390 = tpu.memref_slice %arg4[%dma_wait3A_378, %dma_wait3A_388, %dma_wait3A_389] : memref<50x1024x768xf32, #tpu.memory_space<hbm>> -> memref<1x1024x768xf32, #tpu.memory_space<hbm>>
    %dma_wait3A_391 = tpu.memref_squeeze %dma_wait3A_390 : memref<1x1024x768xf32, #tpu.memory_space<hbm>> -> memref<1024x768xf32, #tpu.memory_space<hbm>>
    %dma_wait3A_392 = arith.constant 0 : i32
    %dma_wait3A_393 = tpu.memref_slice %dma_wait3A_391[%mul3A_2, %dma_wait3A_392] : memref<1024x768xf32, #tpu.memory_space<hbm>> -> memref<32x768xf32, #tpu.memory_space<hbm>>
    %dma_wait3A_394 = arith.constant 32 : i32
    %dma_wait3A_395 = arith.constant 0 : i32
    %dma_wait3A_396 = tpu.memref_slice %arg7[%dma_wait3A_394, %dma_wait3A_395] : memref<64x768xf32, #tpu.memory_space<vmem>> -> memref<32x768xf32, #tpu.memory_space<vmem>>
    tpu.wait_dma2 semaphore(%arg9 : memref<!tpu.dma_semaphore, #tpu.memory_space<semaphore_mem>>) src(%dma_wait3A_396 : memref<32x768xf32, #tpu.memory_space<vmem>>) dst(%dma_wait3A_393 : memref<32x768xf32, #tpu.memory_space<hbm>>)
    %dma_start3A_397 = arith.constant 320 : i32
    %dma_start3A_398 = tpu.memref_slice %arg5[%dma_start3A_397] : memref<1600xi32, #tpu.memory_space<vmem>> -> memref<64xi32, #tpu.memory_space<vmem>>
    %dma_start3A_399 = arith.constant 0 : i32
    %dma_start3A_400 = arith.constant 0 : i32
    %dma_start3A_401 = tpu.memref_slice %arg3[%dma_start3A_399, %dma_start3A_400] : memref<32128x768xf32, #tpu.memory_space<hbm>> -> memref<32128x768xf32, #tpu.memory_space<hbm>>
    tpu.enqueue_indirect_dma source(%dma_start3A_401 : memref<32128x768xf32, #tpu.memory_space<hbm>>) target(%arg7 : memref<64x768xf32, #tpu.memory_space<vmem>>) offsets(%dma_start3A_398 : memref<64xi32, #tpu.memory_space<vmem>>) semaphore(%arg8 : memref<!tpu.dma_semaphore, #tpu.memory_space<semaphore_mem>>)
    %dma_wait3A_402 = arith.constant 320 : i32
    %dma_wait3A_403 = tpu.memref_slice %arg5[%dma_wait3A_402] : memref<1600xi32, #tpu.memory_space<vmem>> -> memref<64xi32, #tpu.memory_space<vmem>>
    %dma_wait3A_404 = arith.constant 0 : i32
    %dma_wait3A_405 = arith.constant 0 : i32
    %dma_wait3A_406 = tpu.memref_slice %arg3[%dma_wait3A_404, %dma_wait3A_405] : memref<32128x768xf32, #tpu.memory_space<hbm>> -> memref<32128x768xf32, #tpu.memory_space<hbm>>
    tpu.wait_indirect_dma semaphore(%arg8 : memref<!tpu.dma_semaphore, #tpu.memory_space<semaphore_mem>>) src(%dma_wait3A_406 : memref<32128x768xf32, #tpu.memory_space<hbm>>) dst(%arg7 : memref<64x768xf32, #tpu.memory_space<vmem>>)
    %dma_start3A_407 = arith.constant 10 : i32
    %dma_start3A_408 = arith.constant 0 : i32
    %dma_start3A_409 = arith.constant 0 : i32
    %dma_start3A_410 = tpu.memref_slice %arg7[%dma_start3A_408, %dma_start3A_409] : memref<64x768xf32, #tpu.memory_space<vmem>> -> memref<32x768xf32, #tpu.memory_space<vmem>>
    %dma_start3A_411 = arith.constant 0 : i32
    %dma_start3A_412 = arith.constant 0 : i32
    %dma_start3A_413 = tpu.memref_slice %arg4[%dma_start3A_407, %dma_start3A_411, %dma_start3A_412] : memref<50x1024x768xf32, #tpu.memory_space<hbm>> -> memref<1x1024x768xf32, #tpu.memory_space<hbm>>
    %dma_start3A_414 = tpu.memref_squeeze %dma_start3A_413 : memref<1x1024x768xf32, #tpu.memory_space<hbm>> -> memref<1024x768xf32, #tpu.memory_space<hbm>>
    %dma_start3A_415 = arith.constant 0 : i32
    %dma_start3A_416 = tpu.memref_slice %dma_start3A_414[%mul3A_2, %dma_start3A_415] : memref<1024x768xf32, #tpu.memory_space<hbm>> -> memref<32x768xf32, #tpu.memory_space<hbm>>
    %dma_start3A_417 = arith.constant 0 : i32
    %dma_start3A_418 = arith.constant 0 : i32
    %dma_start3A_419 = tpu.memref_slice %arg4[%dma_start3A_407, %dma_start3A_417, %dma_start3A_418] : memref<50x1024x768xf32, #tpu.memory_space<hbm>> -> memref<1x1024x768xf32, #tpu.memory_space<hbm>>
    %dma_start3A_420 = tpu.memref_squeeze %dma_start3A_419 : memref<1x1024x768xf32, #tpu.memory_space<hbm>> -> memref<1024x768xf32, #tpu.memory_space<hbm>>
    %dma_start3A_421 = arith.constant 0 : i32
    %dma_start3A_422 = tpu.memref_slice %dma_start3A_420[%mul3A_2, %dma_start3A_421] : memref<1024x768xf32, #tpu.memory_space<hbm>> -> memref<32x768xf32, #tpu.memory_space<hbm>>
    %dma_start3A_423 = arith.constant 0 : i32
    %dma_start3A_424 = arith.constant 0 : i32
    %dma_start3A_425 = tpu.memref_slice %arg7[%dma_start3A_423, %dma_start3A_424] : memref<64x768xf32, #tpu.memory_space<vmem>> -> memref<32x768xf32, #tpu.memory_space<vmem>>
    tpu.enqueue_dma source(%dma_start3A_425 : memref<32x768xf32, #tpu.memory_space<vmem>>) target(%dma_start3A_422 : memref<32x768xf32, #tpu.memory_space<hbm>>) target_semaphore(%arg9 : memref<!tpu.dma_semaphore, #tpu.memory_space<semaphore_mem>>)
    %dma_start3A_426 = arith.constant 11 : i32
    %dma_start3A_427 = arith.constant 32 : i32
    %dma_start3A_428 = arith.constant 0 : i32
    %dma_start3A_429 = tpu.memref_slice %arg7[%dma_start3A_427, %dma_start3A_428] : memref<64x768xf32, #tpu.memory_space<vmem>> -> memref<32x768xf32, #tpu.memory_space<vmem>>
    %dma_start3A_430 = arith.constant 0 : i32
    %dma_start3A_431 = arith.constant 0 : i32
    %dma_start3A_432 = tpu.memref_slice %arg4[%dma_start3A_426, %dma_start3A_430, %dma_start3A_431] : memref<50x1024x768xf32, #tpu.memory_space<hbm>> -> memref<1x1024x768xf32, #tpu.memory_space<hbm>>
    %dma_start3A_433 = tpu.memref_squeeze %dma_start3A_432 : memref<1x1024x768xf32, #tpu.memory_space<hbm>> -> memref<1024x768xf32, #tpu.memory_space<hbm>>
    %dma_start3A_434 = arith.constant 0 : i32
    %dma_start3A_435 = tpu.memref_slice %dma_start3A_433[%mul3A_2, %dma_start3A_434] : memref<1024x768xf32, #tpu.memory_space<hbm>> -> memref<32x768xf32, #tpu.memory_space<hbm>>
    %dma_start3A_436 = arith.constant 0 : i32
    %dma_start3A_437 = arith.constant 0 : i32
    %dma_start3A_438 = tpu.memref_slice %arg4[%dma_start3A_426, %dma_start3A_436, %dma_start3A_437] : memref<50x1024x768xf32, #tpu.memory_space<hbm>> -> memref<1x1024x768xf32, #tpu.memory_space<hbm>>
    %dma_start3A_439 = tpu.memref_squeeze %dma_start3A_438 : memref<1x1024x768xf32, #tpu.memory_space<hbm>> -> memref<1024x768xf32, #tpu.memory_space<hbm>>
    %dma_start3A_440 = arith.constant 0 : i32
    %dma_start3A_441 = tpu.memref_slice %dma_start3A_439[%mul3A_2, %dma_start3A_440] : memref<1024x768xf32, #tpu.memory_space<hbm>> -> memref<32x768xf32, #tpu.memory_space<hbm>>
    %dma_start3A_442 = arith.constant 32 : i32
    %dma_start3A_443 = arith.constant 0 : i32
    %dma_start3A_444 = tpu.memref_slice %arg7[%dma_start3A_442, %dma_start3A_443] : memref<64x768xf32, #tpu.memory_space<vmem>> -> memref<32x768xf32, #tpu.memory_space<vmem>>
    tpu.enqueue_dma source(%dma_start3A_444 : memref<32x768xf32, #tpu.memory_space<vmem>>) target(%dma_start3A_441 : memref<32x768xf32, #tpu.memory_space<hbm>>) target_semaphore(%arg9 : memref<!tpu.dma_semaphore, #tpu.memory_space<semaphore_mem>>)
    %dma_wait3A_445 = arith.constant 8 : i32
    %dma_wait3A_446 = arith.constant 0 : i32
    %dma_wait3A_447 = arith.constant 0 : i32
    %dma_wait3A_448 = tpu.memref_slice %arg6[%dma_wait3A_446, %dma_wait3A_447] : memref<64x768xf32, #tpu.memory_space<vmem>> -> memref<32x768xf32, #tpu.memory_space<vmem>>
    %dma_wait3A_449 = arith.constant 0 : i32
    %dma_wait3A_450 = arith.constant 0 : i32
    %dma_wait3A_451 = tpu.memref_slice %arg4[%dma_wait3A_445, %dma_wait3A_449, %dma_wait3A_450] : memref<50x1024x768xf32, #tpu.memory_space<hbm>> -> memref<1x1024x768xf32, #tpu.memory_space<hbm>>
    %dma_wait3A_452 = tpu.memref_squeeze %dma_wait3A_451 : memref<1x1024x768xf32, #tpu.memory_space<hbm>> -> memref<1024x768xf32, #tpu.memory_space<hbm>>
    %dma_wait3A_453 = arith.constant 0 : i32
    %dma_wait3A_454 = tpu.memref_slice %dma_wait3A_452[%mul3A_2, %dma_wait3A_453] : memref<1024x768xf32, #tpu.memory_space<hbm>> -> memref<32x768xf32, #tpu.memory_space<hbm>>
    %dma_wait3A_455 = arith.constant 0 : i32
    %dma_wait3A_456 = arith.constant 0 : i32
    %dma_wait3A_457 = tpu.memref_slice %arg4[%dma_wait3A_445, %dma_wait3A_455, %dma_wait3A_456] : memref<50x1024x768xf32, #tpu.memory_space<hbm>> -> memref<1x1024x768xf32, #tpu.memory_space<hbm>>
    %dma_wait3A_458 = tpu.memref_squeeze %dma_wait3A_457 : memref<1x1024x768xf32, #tpu.memory_space<hbm>> -> memref<1024x768xf32, #tpu.memory_space<hbm>>
    %dma_wait3A_459 = arith.constant 0 : i32
    %dma_wait3A_460 = tpu.memref_slice %dma_wait3A_458[%mul3A_2, %dma_wait3A_459] : memref<1024x768xf32, #tpu.memory_space<hbm>> -> memref<32x768xf32, #tpu.memory_space<hbm>>
    %dma_wait3A_461 = arith.constant 0 : i32
    %dma_wait3A_462 = arith.constant 0 : i32
    %dma_wait3A_463 = tpu.memref_slice %arg6[%dma_wait3A_461, %dma_wait3A_462] : memref<64x768xf32, #tpu.memory_space<vmem>> -> memref<32x768xf32, #tpu.memory_space<vmem>>
    tpu.wait_dma2 semaphore(%arg9 : memref<!tpu.dma_semaphore, #tpu.memory_space<semaphore_mem>>) src(%dma_wait3A_463 : memref<32x768xf32, #tpu.memory_space<vmem>>) dst(%dma_wait3A_460 : memref<32x768xf32, #tpu.memory_space<hbm>>)
    %dma_wait3A_464 = arith.constant 9 : i32
    %dma_wait3A_465 = arith.constant 32 : i32
    %dma_wait3A_466 = arith.constant 0 : i32
    %dma_wait3A_467 = tpu.memref_slice %arg6[%dma_wait3A_465, %dma_wait3A_466] : memref<64x768xf32, #tpu.memory_space<vmem>> -> memref<32x768xf32, #tpu.memory_space<vmem>>
    %dma_wait3A_468 = arith.constant 0 : i32
    %dma_wait3A_469 = arith.constant 0 : i32
    %dma_wait3A_470 = tpu.memref_slice %arg4[%dma_wait3A_464, %dma_wait3A_468, %dma_wait3A_469] : memref<50x1024x768xf32, #tpu.memory_space<hbm>> -> memref<1x1024x768xf32, #tpu.memory_space<hbm>>
    %dma_wait3A_471 = tpu.memref_squeeze %dma_wait3A_470 : memref<1x1024x768xf32, #tpu.memory_space<hbm>> -> memref<1024x768xf32, #tpu.memory_space<hbm>>
    %dma_wait3A_472 = arith.constant 0 : i32
    %dma_wait3A_473 = tpu.memref_slice %dma_wait3A_471[%mul3A_2, %dma_wait3A_472] : memref<1024x768xf32, #tpu.memory_space<hbm>> -> memref<32x768xf32, #tpu.memory_space<hbm>>
    %dma_wait3A_474 = arith.constant 0 : i32
    %dma_wait3A_475 = arith.constant 0 : i32
    %dma_wait3A_476 = tpu.memref_slice %arg4[%dma_wait3A_464, %dma_wait3A_474, %dma_wait3A_475] : memref<50x1024x768xf32, #tpu.memory_space<hbm>> -> memref<1x1024x768xf32, #tpu.memory_space<hbm>>
    %dma_wait3A_477 = tpu.memref_squeeze %dma_wait3A_476 : memref<1x1024x768xf32, #tpu.memory_space<hbm>> -> memref<1024x768xf32, #tpu.memory_space<hbm>>
    %dma_wait3A_478 = arith.constant 0 : i32
    %dma_wait3A_479 = tpu.memref_slice %dma_wait3A_477[%mul3A_2, %dma_wait3A_478] : memref<1024x768xf32, #tpu.memory_space<hbm>> -> memref<32x768xf32, #tpu.memory_space<hbm>>
    %dma_wait3A_480 = arith.constant 32 : i32
    %dma_wait3A_481 = arith.constant 0 : i32
    %dma_wait3A_482 = tpu.memref_slice %arg6[%dma_wait3A_480, %dma_wait3A_481] : memref<64x768xf32, #tpu.memory_space<vmem>> -> memref<32x768xf32, #tpu.memory_space<vmem>>
    tpu.wait_dma2 semaphore(%arg9 : memref<!tpu.dma_semaphore, #tpu.memory_space<semaphore_mem>>) src(%dma_wait3A_482 : memref<32x768xf32, #tpu.memory_space<vmem>>) dst(%dma_wait3A_479 : memref<32x768xf32, #tpu.memory_space<hbm>>)
    %dma_start3A_483 = arith.constant 384 : i32
    %dma_start3A_484 = tpu.memref_slice %arg5[%dma_start3A_483] : memref<1600xi32, #tpu.memory_space<vmem>> -> memref<64xi32, #tpu.memory_space<vmem>>
    %dma_start3A_485 = arith.constant 0 : i32
    %dma_start3A_486 = arith.constant 0 : i32
    %dma_start3A_487 = tpu.memref_slice %arg3[%dma_start3A_485, %dma_start3A_486] : memref<32128x768xf32, #tpu.memory_space<hbm>> -> memref<32128x768xf32, #tpu.memory_space<hbm>>
    tpu.enqueue_indirect_dma source(%dma_start3A_487 : memref<32128x768xf32, #tpu.memory_space<hbm>>) target(%arg6 : memref<64x768xf32, #tpu.memory_space<vmem>>) offsets(%dma_start3A_484 : memref<64xi32, #tpu.memory_space<vmem>>) semaphore(%arg8 : memref<!tpu.dma_semaphore, #tpu.memory_space<semaphore_mem>>)
    %dma_wait3A_488 = arith.constant 384 : i32
    %dma_wait3A_489 = tpu.memref_slice %arg5[%dma_wait3A_488] : memref<1600xi32, #tpu.memory_space<vmem>> -> memref<64xi32, #tpu.memory_space<vmem>>
    %dma_wait3A_490 = arith.constant 0 : i32
    %dma_wait3A_491 = arith.constant 0 : i32
    %dma_wait3A_492 = tpu.memref_slice %arg3[%dma_wait3A_490, %dma_wait3A_491] : memref<32128x768xf32, #tpu.memory_space<hbm>> -> memref<32128x768xf32, #tpu.memory_space<hbm>>
    tpu.wait_indirect_dma semaphore(%arg8 : memref<!tpu.dma_semaphore, #tpu.memory_space<semaphore_mem>>) src(%dma_wait3A_492 : memref<32128x768xf32, #tpu.memory_space<hbm>>) dst(%arg6 : memref<64x768xf32, #tpu.memory_space<vmem>>)
    %dma_start3A_493 = arith.constant 12 : i32
    %dma_start3A_494 = arith.constant 0 : i32
    %dma_start3A_495 = arith.constant 0 : i32
    %dma_start3A_496 = tpu.memref_slice %arg6[%dma_start3A_494, %dma_start3A_495] : memref<64x768xf32, #tpu.memory_space<vmem>> -> memref<32x768xf32, #tpu.memory_space<vmem>>
    %dma_start3A_497 = arith.constant 0 : i32
    %dma_start3A_498 = arith.constant 0 : i32
    %dma_start3A_499 = tpu.memref_slice %arg4[%dma_start3A_493, %dma_start3A_497, %dma_start3A_498] : memref<50x1024x768xf32, #tpu.memory_space<hbm>> -> memref<1x1024x768xf32, #tpu.memory_space<hbm>>
    %dma_start3A_500 = tpu.memref_squeeze %dma_start3A_499 : memref<1x1024x768xf32, #tpu.memory_space<hbm>> -> memref<1024x768xf32, #tpu.memory_space<hbm>>
    %dma_start3A_501 = arith.constant 0 : i32
    %dma_start3A_502 = tpu.memref_slice %dma_start3A_500[%mul3A_2, %dma_start3A_501] : memref<1024x768xf32, #tpu.memory_space<hbm>> -> memref<32x768xf32, #tpu.memory_space<hbm>>
    %dma_start3A_503 = arith.constant 0 : i32
    %dma_start3A_504 = arith.constant 0 : i32
    %dma_start3A_505 = tpu.memref_slice %arg4[%dma_start3A_493, %dma_start3A_503, %dma_start3A_504] : memref<50x1024x768xf32, #tpu.memory_space<hbm>> -> memref<1x1024x768xf32, #tpu.memory_space<hbm>>
    %dma_start3A_506 = tpu.memref_squeeze %dma_start3A_505 : memref<1x1024x768xf32, #tpu.memory_space<hbm>> -> memref<1024x768xf32, #tpu.memory_space<hbm>>
    %dma_start3A_507 = arith.constant 0 : i32
    %dma_start3A_508 = tpu.memref_slice %dma_start3A_506[%mul3A_2, %dma_start3A_507] : memref<1024x768xf32, #tpu.memory_space<hbm>> -> memref<32x768xf32, #tpu.memory_space<hbm>>
    %dma_start3A_509 = arith.constant 0 : i32
    %dma_start3A_510 = arith.constant 0 : i32
    %dma_start3A_511 = tpu.memref_slice %arg6[%dma_start3A_509, %dma_start3A_510] : memref<64x768xf32, #tpu.memory_space<vmem>> -> memref<32x768xf32, #tpu.memory_space<vmem>>
    tpu.enqueue_dma source(%dma_start3A_511 : memref<32x768xf32, #tpu.memory_space<vmem>>) target(%dma_start3A_508 : memref<32x768xf32, #tpu.memory_space<hbm>>) target_semaphore(%arg9 : memref<!tpu.dma_semaphore, #tpu.memory_space<semaphore_mem>>)
    %dma_start3A_512 = arith.constant 13 : i32
    %dma_start3A_513 = arith.constant 32 : i32
    %dma_start3A_514 = arith.constant 0 : i32
    %dma_start3A_515 = tpu.memref_slice %arg6[%dma_start3A_513, %dma_start3A_514] : memref<64x768xf32, #tpu.memory_space<vmem>> -> memref<32x768xf32, #tpu.memory_space<vmem>>
    %dma_start3A_516 = arith.constant 0 : i32
    %dma_start3A_517 = arith.constant 0 : i32
    %dma_start3A_518 = tpu.memref_slice %arg4[%dma_start3A_512, %dma_start3A_516, %dma_start3A_517] : memref<50x1024x768xf32, #tpu.memory_space<hbm>> -> memref<1x1024x768xf32, #tpu.memory_space<hbm>>
    %dma_start3A_519 = tpu.memref_squeeze %dma_start3A_518 : memref<1x1024x768xf32, #tpu.memory_space<hbm>> -> memref<1024x768xf32, #tpu.memory_space<hbm>>
    %dma_start3A_520 = arith.constant 0 : i32
    %dma_start3A_521 = tpu.memref_slice %dma_start3A_519[%mul3A_2, %dma_start3A_520] : memref<1024x768xf32, #tpu.memory_space<hbm>> -> memref<32x768xf32, #tpu.memory_space<hbm>>
    %dma_start3A_522 = arith.constant 0 : i32
    %dma_start3A_523 = arith.constant 0 : i32
    %dma_start3A_524 = tpu.memref_slice %arg4[%dma_start3A_512, %dma_start3A_522, %dma_start3A_523] : memref<50x1024x768xf32, #tpu.memory_space<hbm>> -> memref<1x1024x768xf32, #tpu.memory_space<hbm>>
    %dma_start3A_525 = tpu.memref_squeeze %dma_start3A_524 : memref<1x1024x768xf32, #tpu.memory_space<hbm>> -> memref<1024x768xf32, #tpu.memory_space<hbm>>
    %dma_start3A_526 = arith.constant 0 : i32
    %dma_start3A_527 = tpu.memref_slice %dma_start3A_525[%mul3A_2, %dma_start3A_526] : memref<1024x768xf32, #tpu.memory_space<hbm>> -> memref<32x768xf32, #tpu.memory_space<hbm>>
    %dma_start3A_528 = arith.constant 32 : i32
    %dma_start3A_529 = arith.constant 0 : i32
    %dma_start3A_530 = tpu.memref_slice %arg6[%dma_start3A_528, %dma_start3A_529] : memref<64x768xf32, #tpu.memory_space<vmem>> -> memref<32x768xf32, #tpu.memory_space<vmem>>
    tpu.enqueue_dma source(%dma_start3A_530 : memref<32x768xf32, #tpu.memory_space<vmem>>) target(%dma_start3A_527 : memref<32x768xf32, #tpu.memory_space<hbm>>) target_semaphore(%arg9 : memref<!tpu.dma_semaphore, #tpu.memory_space<semaphore_mem>>)
    %dma_wait3A_531 = arith.constant 10 : i32
    %dma_wait3A_532 = arith.constant 0 : i32
    %dma_wait3A_533 = arith.constant 0 : i32
    %dma_wait3A_534 = tpu.memref_slice %arg7[%dma_wait3A_532, %dma_wait3A_533] : memref<64x768xf32, #tpu.memory_space<vmem>> -> memref<32x768xf32, #tpu.memory_space<vmem>>
    %dma_wait3A_535 = arith.constant 0 : i32
    %dma_wait3A_536 = arith.constant 0 : i32
    %dma_wait3A_537 = tpu.memref_slice %arg4[%dma_wait3A_531, %dma_wait3A_535, %dma_wait3A_536] : memref<50x1024x768xf32, #tpu.memory_space<hbm>> -> memref<1x1024x768xf32, #tpu.memory_space<hbm>>
    %dma_wait3A_538 = tpu.memref_squeeze %dma_wait3A_537 : memref<1x1024x768xf32, #tpu.memory_space<hbm>> -> memref<1024x768xf32, #tpu.memory_space<hbm>>
    %dma_wait3A_539 = arith.constant 0 : i32
    %dma_wait3A_540 = tpu.memref_slice %dma_wait3A_538[%mul3A_2, %dma_wait3A_539] : memref<1024x768xf32, #tpu.memory_space<hbm>> -> memref<32x768xf32, #tpu.memory_space<hbm>>
    %dma_wait3A_541 = arith.constant 0 : i32
    %dma_wait3A_542 = arith.constant 0 : i32
    %dma_wait3A_543 = tpu.memref_slice %arg4[%dma_wait3A_531, %dma_wait3A_541, %dma_wait3A_542] : memref<50x1024x768xf32, #tpu.memory_space<hbm>> -> memref<1x1024x768xf32, #tpu.memory_space<hbm>>
    %dma_wait3A_544 = tpu.memref_squeeze %dma_wait3A_543 : memref<1x1024x768xf32, #tpu.memory_space<hbm>> -> memref<1024x768xf32, #tpu.memory_space<hbm>>
    %dma_wait3A_545 = arith.constant 0 : i32
    %dma_wait3A_546 = tpu.memref_slice %dma_wait3A_544[%mul3A_2, %dma_wait3A_545] : memref<1024x768xf32, #tpu.memory_space<hbm>> -> memref<32x768xf32, #tpu.memory_space<hbm>>
    %dma_wait3A_547 = arith.constant 0 : i32
    %dma_wait3A_548 = arith.constant 0 : i32
    %dma_wait3A_549 = tpu.memref_slice %arg7[%dma_wait3A_547, %dma_wait3A_548] : memref<64x768xf32, #tpu.memory_space<vmem>> -> memref<32x768xf32, #tpu.memory_space<vmem>>
    tpu.wait_dma2 semaphore(%arg9 : memref<!tpu.dma_semaphore, #tpu.memory_space<semaphore_mem>>) src(%dma_wait3A_549 : memref<32x768xf32, #tpu.memory_space<vmem>>) dst(%dma_wait3A_546 : memref<32x768xf32, #tpu.memory_space<hbm>>)
    %dma_wait3A_550 = arith.constant 11 : i32
    %dma_wait3A_551 = arith.constant 32 : i32
    %dma_wait3A_552 = arith.constant 0 : i32
    %dma_wait3A_553 = tpu.memref_slice %arg7[%dma_wait3A_551, %dma_wait3A_552] : memref<64x768xf32, #tpu.memory_space<vmem>> -> memref<32x768xf32, #tpu.memory_space<vmem>>
    %dma_wait3A_554 = arith.constant 0 : i32
    %dma_wait3A_555 = arith.constant 0 : i32
    %dma_wait3A_556 = tpu.memref_slice %arg4[%dma_wait3A_550, %dma_wait3A_554, %dma_wait3A_555] : memref<50x1024x768xf32, #tpu.memory_space<hbm>> -> memref<1x1024x768xf32, #tpu.memory_space<hbm>>
    %dma_wait3A_557 = tpu.memref_squeeze %dma_wait3A_556 : memref<1x1024x768xf32, #tpu.memory_space<hbm>> -> memref<1024x768xf32, #tpu.memory_space<hbm>>
    %dma_wait3A_558 = arith.constant 0 : i32
    %dma_wait3A_559 = tpu.memref_slice %dma_wait3A_557[%mul3A_2, %dma_wait3A_558] : memref<1024x768xf32, #tpu.memory_space<hbm>> -> memref<32x768xf32, #tpu.memory_space<hbm>>
    %dma_wait3A_560 = arith.constant 0 : i32
    %dma_wait3A_561 = arith.constant 0 : i32
    %dma_wait3A_562 = tpu.memref_slice %arg4[%dma_wait3A_550, %dma_wait3A_560, %dma_wait3A_561] : memref<50x1024x768xf32, #tpu.memory_space<hbm>> -> memref<1x1024x768xf32, #tpu.memory_space<hbm>>
    %dma_wait3A_563 = tpu.memref_squeeze %dma_wait3A_562 : memref<1x1024x768xf32, #tpu.memory_space<hbm>> -> memref<1024x768xf32, #tpu.memory_space<hbm>>
    %dma_wait3A_564 = arith.constant 0 : i32
    %dma_wait3A_565 = tpu.memref_slice %dma_wait3A_563[%mul3A_2, %dma_wait3A_564] : memref<1024x768xf32, #tpu.memory_space<hbm>> -> memref<32x768xf32, #tpu.memory_space<hbm>>
    %dma_wait3A_566 = arith.constant 32 : i32
    %dma_wait3A_567 = arith.constant 0 : i32
    %dma_wait3A_568 = tpu.memref_slice %arg7[%dma_wait3A_566, %dma_wait3A_567] : memref<64x768xf32, #tpu.memory_space<vmem>> -> memref<32x768xf32, #tpu.memory_space<vmem>>
    tpu.wait_dma2 semaphore(%arg9 : memref<!tpu.dma_semaphore, #tpu.memory_space<semaphore_mem>>) src(%dma_wait3A_568 : memref<32x768xf32, #tpu.memory_space<vmem>>) dst(%dma_wait3A_565 : memref<32x768xf32, #tpu.memory_space<hbm>>)
    %dma_start3A_569 = arith.constant 448 : i32
    %dma_start3A_570 = tpu.memref_slice %arg5[%dma_start3A_569] : memref<1600xi32, #tpu.memory_space<vmem>> -> memref<64xi32, #tpu.memory_space<vmem>>
    %dma_start3A_571 = arith.constant 0 : i32
    %dma_start3A_572 = arith.constant 0 : i32
    %dma_start3A_573 = tpu.memref_slice %arg3[%dma_start3A_571, %dma_start3A_572] : memref<32128x768xf32, #tpu.memory_space<hbm>> -> memref<32128x768xf32, #tpu.memory_space<hbm>>
    tpu.enqueue_indirect_dma source(%dma_start3A_573 : memref<32128x768xf32, #tpu.memory_space<hbm>>) target(%arg7 : memref<64x768xf32, #tpu.memory_space<vmem>>) offsets(%dma_start3A_570 : memref<64xi32, #tpu.memory_space<vmem>>) semaphore(%arg8 : memref<!tpu.dma_semaphore, #tpu.memory_space<semaphore_mem>>)
    %dma_wait3A_574 = arith.constant 448 : i32
    %dma_wait3A_575 = tpu.memref_slice %arg5[%dma_wait3A_574] : memref<1600xi32, #tpu.memory_space<vmem>> -> memref<64xi32, #tpu.memory_space<vmem>>
    %dma_wait3A_576 = arith.constant 0 : i32
    %dma_wait3A_577 = arith.constant 0 : i32
    %dma_wait3A_578 = tpu.memref_slice %arg3[%dma_wait3A_576, %dma_wait3A_577] : memref<32128x768xf32, #tpu.memory_space<hbm>> -> memref<32128x768xf32, #tpu.memory_space<hbm>>
    tpu.wait_indirect_dma semaphore(%arg8 : memref<!tpu.dma_semaphore, #tpu.memory_space<semaphore_mem>>) src(%dma_wait3A_578 : memref<32128x768xf32, #tpu.memory_space<hbm>>) dst(%arg7 : memref<64x768xf32, #tpu.memory_space<vmem>>)
    %dma_start3A_579 = arith.constant 14 : i32
    %dma_start3A_580 = arith.constant 0 : i32
    %dma_start3A_581 = arith.constant 0 : i32
    %dma_start3A_582 = tpu.memref_slice %arg7[%dma_start3A_580, %dma_start3A_581] : memref<64x768xf32, #tpu.memory_space<vmem>> -> memref<32x768xf32, #tpu.memory_space<vmem>>
    %dma_start3A_583 = arith.constant 0 : i32
    %dma_start3A_584 = arith.constant 0 : i32
    %dma_start3A_585 = tpu.memref_slice %arg4[%dma_start3A_579, %dma_start3A_583, %dma_start3A_584] : memref<50x1024x768xf32, #tpu.memory_space<hbm>> -> memref<1x1024x768xf32, #tpu.memory_space<hbm>>
    %dma_start3A_586 = tpu.memref_squeeze %dma_start3A_585 : memref<1x1024x768xf32, #tpu.memory_space<hbm>> -> memref<1024x768xf32, #tpu.memory_space<hbm>>
    %dma_start3A_587 = arith.constant 0 : i32
    %dma_start3A_588 = tpu.memref_slice %dma_start3A_586[%mul3A_2, %dma_start3A_587] : memref<1024x768xf32, #tpu.memory_space<hbm>> -> memref<32x768xf32, #tpu.memory_space<hbm>>
    %dma_start3A_589 = arith.constant 0 : i32
    %dma_start3A_590 = arith.constant 0 : i32
    %dma_start3A_591 = tpu.memref_slice %arg4[%dma_start3A_579, %dma_start3A_589, %dma_start3A_590] : memref<50x1024x768xf32, #tpu.memory_space<hbm>> -> memref<1x1024x768xf32, #tpu.memory_space<hbm>>
    %dma_start3A_592 = tpu.memref_squeeze %dma_start3A_591 : memref<1x1024x768xf32, #tpu.memory_space<hbm>> -> memref<1024x768xf32, #tpu.memory_space<hbm>>
    %dma_start3A_593 = arith.constant 0 : i32
    %dma_start3A_594 = tpu.memref_slice %dma_start3A_592[%mul3A_2, %dma_start3A_593] : memref<1024x768xf32, #tpu.memory_space<hbm>> -> memref<32x768xf32, #tpu.memory_space<hbm>>
    %dma_start3A_595 = arith.constant 0 : i32
    %dma_start3A_596 = arith.constant 0 : i32
    %dma_start3A_597 = tpu.memref_slice %arg7[%dma_start3A_595, %dma_start3A_596] : memref<64x768xf32, #tpu.memory_space<vmem>> -> memref<32x768xf32, #tpu.memory_space<vmem>>
    tpu.enqueue_dma source(%dma_start3A_597 : memref<32x768xf32, #tpu.memory_space<vmem>>) target(%dma_start3A_594 : memref<32x768xf32, #tpu.memory_space<hbm>>) target_semaphore(%arg9 : memref<!tpu.dma_semaphore, #tpu.memory_space<semaphore_mem>>)
    %dma_start3A_598 = arith.constant 15 : i32
    %dma_start3A_599 = arith.constant 32 : i32
    %dma_start3A_600 = arith.constant 0 : i32
    %dma_start3A_601 = tpu.memref_slice %arg7[%dma_start3A_599, %dma_start3A_600] : memref<64x768xf32, #tpu.memory_space<vmem>> -> memref<32x768xf32, #tpu.memory_space<vmem>>
    %dma_start3A_602 = arith.constant 0 : i32
    %dma_start3A_603 = arith.constant 0 : i32
    %dma_start3A_604 = tpu.memref_slice %arg4[%dma_start3A_598, %dma_start3A_602, %dma_start3A_603] : memref<50x1024x768xf32, #tpu.memory_space<hbm>> -> memref<1x1024x768xf32, #tpu.memory_space<hbm>>
    %dma_start3A_605 = tpu.memref_squeeze %dma_start3A_604 : memref<1x1024x768xf32, #tpu.memory_space<hbm>> -> memref<1024x768xf32, #tpu.memory_space<hbm>>
    %dma_start3A_606 = arith.constant 0 : i32
    %dma_start3A_607 = tpu.memref_slice %dma_start3A_605[%mul3A_2, %dma_start3A_606] : memref<1024x768xf32, #tpu.memory_space<hbm>> -> memref<32x768xf32, #tpu.memory_space<hbm>>
    %dma_start3A_608 = arith.constant 0 : i32
    %dma_start3A_609 = arith.constant 0 : i32
    %dma_start3A_610 = tpu.memref_slice %arg4[%dma_start3A_598, %dma_start3A_608, %dma_start3A_609] : memref<50x1024x768xf32, #tpu.memory_space<hbm>> -> memref<1x1024x768xf32, #tpu.memory_space<hbm>>
    %dma_start3A_611 = tpu.memref_squeeze %dma_start3A_610 : memref<1x1024x768xf32, #tpu.memory_space<hbm>> -> memref<1024x768xf32, #tpu.memory_space<hbm>>
    %dma_start3A_612 = arith.constant 0 : i32
    %dma_start3A_613 = tpu.memref_slice %dma_start3A_611[%mul3A_2, %dma_start3A_612] : memref<1024x768xf32, #tpu.memory_space<hbm>> -> memref<32x768xf32, #tpu.memory_space<hbm>>
    %dma_start3A_614 = arith.constant 32 : i32
    %dma_start3A_615 = arith.constant 0 : i32
    %dma_start3A_616 = tpu.memref_slice %arg7[%dma_start3A_614, %dma_start3A_615] : memref<64x768xf32, #tpu.memory_space<vmem>> -> memref<32x768xf32, #tpu.memory_space<vmem>>
    tpu.enqueue_dma source(%dma_start3A_616 : memref<32x768xf32, #tpu.memory_space<vmem>>) target(%dma_start3A_613 : memref<32x768xf32, #tpu.memory_space<hbm>>) target_semaphore(%arg9 : memref<!tpu.dma_semaphore, #tpu.memory_space<semaphore_mem>>)
    %dma_wait3A_617 = arith.constant 12 : i32
    %dma_wait3A_618 = arith.constant 0 : i32
    %dma_wait3A_619 = arith.constant 0 : i32
    %dma_wait3A_620 = tpu.memref_slice %arg6[%dma_wait3A_618, %dma_wait3A_619] : memref<64x768xf32, #tpu.memory_space<vmem>> -> memref<32x768xf32, #tpu.memory_space<vmem>>
    %dma_wait3A_621 = arith.constant 0 : i32
    %dma_wait3A_622 = arith.constant 0 : i32
    %dma_wait3A_623 = tpu.memref_slice %arg4[%dma_wait3A_617, %dma_wait3A_621, %dma_wait3A_622] : memref<50x1024x768xf32, #tpu.memory_space<hbm>> -> memref<1x1024x768xf32, #tpu.memory_space<hbm>>
    %dma_wait3A_624 = tpu.memref_squeeze %dma_wait3A_623 : memref<1x1024x768xf32, #tpu.memory_space<hbm>> -> memref<1024x768xf32, #tpu.memory_space<hbm>>
    %dma_wait3A_625 = arith.constant 0 : i32
    %dma_wait3A_626 = tpu.memref_slice %dma_wait3A_624[%mul3A_2, %dma_wait3A_625] : memref<1024x768xf32, #tpu.memory_space<hbm>> -> memref<32x768xf32, #tpu.memory_space<hbm>>
    %dma_wait3A_627 = arith.constant 0 : i32
    %dma_wait3A_628 = arith.constant 0 : i32
    %dma_wait3A_629 = tpu.memref_slice %arg4[%dma_wait3A_617, %dma_wait3A_627, %dma_wait3A_628] : memref<50x1024x768xf32, #tpu.memory_space<hbm>> -> memref<1x1024x768xf32, #tpu.memory_space<hbm>>
    %dma_wait3A_630 = tpu.memref_squeeze %dma_wait3A_629 : memref<1x1024x768xf32, #tpu.memory_space<hbm>> -> memref<1024x768xf32, #tpu.memory_space<hbm>>
    %dma_wait3A_631 = arith.constant 0 : i32
    %dma_wait3A_632 = tpu.memref_slice %dma_wait3A_630[%mul3A_2, %dma_wait3A_631] : memref<1024x768xf32, #tpu.memory_space<hbm>> -> memref<32x768xf32, #tpu.memory_space<hbm>>
    %dma_wait3A_633 = arith.constant 0 : i32
    %dma_wait3A_634 = arith.constant 0 : i32
    %dma_wait3A_635 = tpu.memref_slice %arg6[%dma_wait3A_633, %dma_wait3A_634] : memref<64x768xf32, #tpu.memory_space<vmem>> -> memref<32x768xf32, #tpu.memory_space<vmem>>
    tpu.wait_dma2 semaphore(%arg9 : memref<!tpu.dma_semaphore, #tpu.memory_space<semaphore_mem>>) src(%dma_wait3A_635 : memref<32x768xf32, #tpu.memory_space<vmem>>) dst(%dma_wait3A_632 : memref<32x768xf32, #tpu.memory_space<hbm>>)
    %dma_wait3A_636 = arith.constant 13 : i32
    %dma_wait3A_637 = arith.constant 32 : i32
    %dma_wait3A_638 = arith.constant 0 : i32
    %dma_wait3A_639 = tpu.memref_slice %arg6[%dma_wait3A_637, %dma_wait3A_638] : memref<64x768xf32, #tpu.memory_space<vmem>> -> memref<32x768xf32, #tpu.memory_space<vmem>>
    %dma_wait3A_640 = arith.constant 0 : i32
    %dma_wait3A_641 = arith.constant 0 : i32
    %dma_wait3A_642 = tpu.memref_slice %arg4[%dma_wait3A_636, %dma_wait3A_640, %dma_wait3A_641] : memref<50x1024x768xf32, #tpu.memory_space<hbm>> -> memref<1x1024x768xf32, #tpu.memory_space<hbm>>
    %dma_wait3A_643 = tpu.memref_squeeze %dma_wait3A_642 : memref<1x1024x768xf32, #tpu.memory_space<hbm>> -> memref<1024x768xf32, #tpu.memory_space<hbm>>
    %dma_wait3A_644 = arith.constant 0 : i32
    %dma_wait3A_645 = tpu.memref_slice %dma_wait3A_643[%mul3A_2, %dma_wait3A_644] : memref<1024x768xf32, #tpu.memory_space<hbm>> -> memref<32x768xf32, #tpu.memory_space<hbm>>
    %dma_wait3A_646 = arith.constant 0 : i32
    %dma_wait3A_647 = arith.constant 0 : i32
    %dma_wait3A_648 = tpu.memref_slice %arg4[%dma_wait3A_636, %dma_wait3A_646, %dma_wait3A_647] : memref<50x1024x768xf32, #tpu.memory_space<hbm>> -> memref<1x1024x768xf32, #tpu.memory_space<hbm>>
    %dma_wait3A_649 = tpu.memref_squeeze %dma_wait3A_648 : memref<1x1024x768xf32, #tpu.memory_space<hbm>> -> memref<1024x768xf32, #tpu.memory_space<hbm>>
    %dma_wait3A_650 = arith.constant 0 : i32
    %dma_wait3A_651 = tpu.memref_slice %dma_wait3A_649[%mul3A_2, %dma_wait3A_650] : memref<1024x768xf32, #tpu.memory_space<hbm>> -> memref<32x768xf32, #tpu.memory_space<hbm>>
    %dma_wait3A_652 = arith.constant 32 : i32
    %dma_wait3A_653 = arith.constant 0 : i32
    %dma_wait3A_654 = tpu.memref_slice %arg6[%dma_wait3A_652, %dma_wait3A_653] : memref<64x768xf32, #tpu.memory_space<vmem>> -> memref<32x768xf32, #tpu.memory_space<vmem>>
    tpu.wait_dma2 semaphore(%arg9 : memref<!tpu.dma_semaphore, #tpu.memory_space<semaphore_mem>>) src(%dma_wait3A_654 : memref<32x768xf32, #tpu.memory_space<vmem>>) dst(%dma_wait3A_651 : memref<32x768xf32, #tpu.memory_space<hbm>>)
    %dma_start3A_655 = arith.constant 512 : i32
    %dma_start3A_656 = tpu.memref_slice %arg5[%dma_start3A_655] : memref<1600xi32, #tpu.memory_space<vmem>> -> memref<64xi32, #tpu.memory_space<vmem>>
    %dma_start3A_657 = arith.constant 0 : i32
    %dma_start3A_658 = arith.constant 0 : i32
    %dma_start3A_659 = tpu.memref_slice %arg3[%dma_start3A_657, %dma_start3A_658] : memref<32128x768xf32, #tpu.memory_space<hbm>> -> memref<32128x768xf32, #tpu.memory_space<hbm>>
    tpu.enqueue_indirect_dma source(%dma_start3A_659 : memref<32128x768xf32, #tpu.memory_space<hbm>>) target(%arg6 : memref<64x768xf32, #tpu.memory_space<vmem>>) offsets(%dma_start3A_656 : memref<64xi32, #tpu.memory_space<vmem>>) semaphore(%arg8 : memref<!tpu.dma_semaphore, #tpu.memory_space<semaphore_mem>>)
    %dma_wait3A_660 = arith.constant 512 : i32
    %dma_wait3A_661 = tpu.memref_slice %arg5[%dma_wait3A_660] : memref<1600xi32, #tpu.memory_space<vmem>> -> memref<64xi32, #tpu.memory_space<vmem>>
    %dma_wait3A_662 = arith.constant 0 : i32
    %dma_wait3A_663 = arith.constant 0 : i32
    %dma_wait3A_664 = tpu.memref_slice %arg3[%dma_wait3A_662, %dma_wait3A_663] : memref<32128x768xf32, #tpu.memory_space<hbm>> -> memref<32128x768xf32, #tpu.memory_space<hbm>>
    tpu.wait_indirect_dma semaphore(%arg8 : memref<!tpu.dma_semaphore, #tpu.memory_space<semaphore_mem>>) src(%dma_wait3A_664 : memref<32128x768xf32, #tpu.memory_space<hbm>>) dst(%arg6 : memref<64x768xf32, #tpu.memory_space<vmem>>)
    %dma_start3A_665 = arith.constant 16 : i32
    %dma_start3A_666 = arith.constant 0 : i32
    %dma_start3A_667 = arith.constant 0 : i32
    %dma_start3A_668 = tpu.memref_slice %arg6[%dma_start3A_666, %dma_start3A_667] : memref<64x768xf32, #tpu.memory_space<vmem>> -> memref<32x768xf32, #tpu.memory_space<vmem>>
    %dma_start3A_669 = arith.constant 0 : i32
    %dma_start3A_670 = arith.constant 0 : i32
    %dma_start3A_671 = tpu.memref_slice %arg4[%dma_start3A_665, %dma_start3A_669, %dma_start3A_670] : memref<50x1024x768xf32, #tpu.memory_space<hbm>> -> memref<1x1024x768xf32, #tpu.memory_space<hbm>>
    %dma_start3A_672 = tpu.memref_squeeze %dma_start3A_671 : memref<1x1024x768xf32, #tpu.memory_space<hbm>> -> memref<1024x768xf32, #tpu.memory_space<hbm>>
    %dma_start3A_673 = arith.constant 0 : i32
    %dma_start3A_674 = tpu.memref_slice %dma_start3A_672[%mul3A_2, %dma_start3A_673] : memref<1024x768xf32, #tpu.memory_space<hbm>> -> memref<32x768xf32, #tpu.memory_space<hbm>>
    %dma_start3A_675 = arith.constant 0 : i32
    %dma_start3A_676 = arith.constant 0 : i32
    %dma_start3A_677 = tpu.memref_slice %arg4[%dma_start3A_665, %dma_start3A_675, %dma_start3A_676] : memref<50x1024x768xf32, #tpu.memory_space<hbm>> -> memref<1x1024x768xf32, #tpu.memory_space<hbm>>
    %dma_start3A_678 = tpu.memref_squeeze %dma_start3A_677 : memref<1x1024x768xf32, #tpu.memory_space<hbm>> -> memref<1024x768xf32, #tpu.memory_space<hbm>>
    %dma_start3A_679 = arith.constant 0 : i32
    %dma_start3A_680 = tpu.memref_slice %dma_start3A_678[%mul3A_2, %dma_start3A_679] : memref<1024x768xf32, #tpu.memory_space<hbm>> -> memref<32x768xf32, #tpu.memory_space<hbm>>
    %dma_start3A_681 = arith.constant 0 : i32
    %dma_start3A_682 = arith.constant 0 : i32
    %dma_start3A_683 = tpu.memref_slice %arg6[%dma_start3A_681, %dma_start3A_682] : memref<64x768xf32, #tpu.memory_space<vmem>> -> memref<32x768xf32, #tpu.memory_space<vmem>>
    tpu.enqueue_dma source(%dma_start3A_683 : memref<32x768xf32, #tpu.memory_space<vmem>>) target(%dma_start3A_680 : memref<32x768xf32, #tpu.memory_space<hbm>>) target_semaphore(%arg9 : memref<!tpu.dma_semaphore, #tpu.memory_space<semaphore_mem>>)
    %dma_start3A_684 = arith.constant 17 : i32
    %dma_start3A_685 = arith.constant 32 : i32
    %dma_start3A_686 = arith.constant 0 : i32
    %dma_start3A_687 = tpu.memref_slice %arg6[%dma_start3A_685, %dma_start3A_686] : memref<64x768xf32, #tpu.memory_space<vmem>> -> memref<32x768xf32, #tpu.memory_space<vmem>>
    %dma_start3A_688 = arith.constant 0 : i32
    %dma_start3A_689 = arith.constant 0 : i32
    %dma_start3A_690 = tpu.memref_slice %arg4[%dma_start3A_684, %dma_start3A_688, %dma_start3A_689] : memref<50x1024x768xf32, #tpu.memory_space<hbm>> -> memref<1x1024x768xf32, #tpu.memory_space<hbm>>
    %dma_start3A_691 = tpu.memref_squeeze %dma_start3A_690 : memref<1x1024x768xf32, #tpu.memory_space<hbm>> -> memref<1024x768xf32, #tpu.memory_space<hbm>>
    %dma_start3A_692 = arith.constant 0 : i32
    %dma_start3A_693 = tpu.memref_slice %dma_start3A_691[%mul3A_2, %dma_start3A_692] : memref<1024x768xf32, #tpu.memory_space<hbm>> -> memref<32x768xf32, #tpu.memory_space<hbm>>
    %dma_start3A_694 = arith.constant 0 : i32
    %dma_start3A_695 = arith.constant 0 : i32
    %dma_start3A_696 = tpu.memref_slice %arg4[%dma_start3A_684, %dma_start3A_694, %dma_start3A_695] : memref<50x1024x768xf32, #tpu.memory_space<hbm>> -> memref<1x1024x768xf32, #tpu.memory_space<hbm>>
    %dma_start3A_697 = tpu.memref_squeeze %dma_start3A_696 : memref<1x1024x768xf32, #tpu.memory_space<hbm>> -> memref<1024x768xf32, #tpu.memory_space<hbm>>
    %dma_start3A_698 = arith.constant 0 : i32
    %dma_start3A_699 = tpu.memref_slice %dma_start3A_697[%mul3A_2, %dma_start3A_698] : memref<1024x768xf32, #tpu.memory_space<hbm>> -> memref<32x768xf32, #tpu.memory_space<hbm>>
    %dma_start3A_700 = arith.constant 32 : i32
    %dma_start3A_701 = arith.constant 0 : i32
    %dma_start3A_702 = tpu.memref_slice %arg6[%dma_start3A_700, %dma_start3A_701] : memref<64x768xf32, #tpu.memory_space<vmem>> -> memref<32x768xf32, #tpu.memory_space<vmem>>
    tpu.enqueue_dma source(%dma_start3A_702 : memref<32x768xf32, #tpu.memory_space<vmem>>) target(%dma_start3A_699 : memref<32x768xf32, #tpu.memory_space<hbm>>) target_semaphore(%arg9 : memref<!tpu.dma_semaphore, #tpu.memory_space<semaphore_mem>>)
    %dma_wait3A_703 = arith.constant 14 : i32
    %dma_wait3A_704 = arith.constant 0 : i32
    %dma_wait3A_705 = arith.constant 0 : i32
    %dma_wait3A_706 = tpu.memref_slice %arg7[%dma_wait3A_704, %dma_wait3A_705] : memref<64x768xf32, #tpu.memory_space<vmem>> -> memref<32x768xf32, #tpu.memory_space<vmem>>
    %dma_wait3A_707 = arith.constant 0 : i32
    %dma_wait3A_708 = arith.constant 0 : i32
    %dma_wait3A_709 = tpu.memref_slice %arg4[%dma_wait3A_703, %dma_wait3A_707, %dma_wait3A_708] : memref<50x1024x768xf32, #tpu.memory_space<hbm>> -> memref<1x1024x768xf32, #tpu.memory_space<hbm>>
    %dma_wait3A_710 = tpu.memref_squeeze %dma_wait3A_709 : memref<1x1024x768xf32, #tpu.memory_space<hbm>> -> memref<1024x768xf32, #tpu.memory_space<hbm>>
    %dma_wait3A_711 = arith.constant 0 : i32
    %dma_wait3A_712 = tpu.memref_slice %dma_wait3A_710[%mul3A_2, %dma_wait3A_711] : memref<1024x768xf32, #tpu.memory_space<hbm>> -> memref<32x768xf32, #tpu.memory_space<hbm>>
    %dma_wait3A_713 = arith.constant 0 : i32
    %dma_wait3A_714 = arith.constant 0 : i32
    %dma_wait3A_715 = tpu.memref_slice %arg4[%dma_wait3A_703, %dma_wait3A_713, %dma_wait3A_714] : memref<50x1024x768xf32, #tpu.memory_space<hbm>> -> memref<1x1024x768xf32, #tpu.memory_space<hbm>>
    %dma_wait3A_716 = tpu.memref_squeeze %dma_wait3A_715 : memref<1x1024x768xf32, #tpu.memory_space<hbm>> -> memref<1024x768xf32, #tpu.memory_space<hbm>>
    %dma_wait3A_717 = arith.constant 0 : i32
    %dma_wait3A_718 = tpu.memref_slice %dma_wait3A_716[%mul3A_2, %dma_wait3A_717] : memref<1024x768xf32, #tpu.memory_space<hbm>> -> memref<32x768xf32, #tpu.memory_space<hbm>>
    %dma_wait3A_719 = arith.constant 0 : i32
    %dma_wait3A_720 = arith.constant 0 : i32
    %dma_wait3A_721 = tpu.memref_slice %arg7[%dma_wait3A_719, %dma_wait3A_720] : memref<64x768xf32, #tpu.memory_space<vmem>> -> memref<32x768xf32, #tpu.memory_space<vmem>>
    tpu.wait_dma2 semaphore(%arg9 : memref<!tpu.dma_semaphore, #tpu.memory_space<semaphore_mem>>) src(%dma_wait3A_721 : memref<32x768xf32, #tpu.memory_space<vmem>>) dst(%dma_wait3A_718 : memref<32x768xf32, #tpu.memory_space<hbm>>)
    %dma_wait3A_722 = arith.constant 15 : i32
    %dma_wait3A_723 = arith.constant 32 : i32
    %dma_wait3A_724 = arith.constant 0 : i32
    %dma_wait3A_725 = tpu.memref_slice %arg7[%dma_wait3A_723, %dma_wait3A_724] : memref<64x768xf32, #tpu.memory_space<vmem>> -> memref<32x768xf32, #tpu.memory_space<vmem>>
    %dma_wait3A_726 = arith.constant 0 : i32
    %dma_wait3A_727 = arith.constant 0 : i32
    %dma_wait3A_728 = tpu.memref_slice %arg4[%dma_wait3A_722, %dma_wait3A_726, %dma_wait3A_727] : memref<50x1024x768xf32, #tpu.memory_space<hbm>> -> memref<1x1024x768xf32, #tpu.memory_space<hbm>>
    %dma_wait3A_729 = tpu.memref_squeeze %dma_wait3A_728 : memref<1x1024x768xf32, #tpu.memory_space<hbm>> -> memref<1024x768xf32, #tpu.memory_space<hbm>>
    %dma_wait3A_730 = arith.constant 0 : i32
    %dma_wait3A_731 = tpu.memref_slice %dma_wait3A_729[%mul3A_2, %dma_wait3A_730] : memref<1024x768xf32, #tpu.memory_space<hbm>> -> memref<32x768xf32, #tpu.memory_space<hbm>>
    %dma_wait3A_732 = arith.constant 0 : i32
    %dma_wait3A_733 = arith.constant 0 : i32
    %dma_wait3A_734 = tpu.memref_slice %arg4[%dma_wait3A_722, %dma_wait3A_732, %dma_wait3A_733] : memref<50x1024x768xf32, #tpu.memory_space<hbm>> -> memref<1x1024x768xf32, #tpu.memory_space<hbm>>
    %dma_wait3A_735 = tpu.memref_squeeze %dma_wait3A_734 : memref<1x1024x768xf32, #tpu.memory_space<hbm>> -> memref<1024x768xf32, #tpu.memory_space<hbm>>
    %dma_wait3A_736 = arith.constant 0 : i32
    %dma_wait3A_737 = tpu.memref_slice %dma_wait3A_735[%mul3A_2, %dma_wait3A_736] : memref<1024x768xf32, #tpu.memory_space<hbm>> -> memref<32x768xf32, #tpu.memory_space<hbm>>
    %dma_wait3A_738 = arith.constant 32 : i32
    %dma_wait3A_739 = arith.constant 0 : i32
    %dma_wait3A_740 = tpu.memref_slice %arg7[%dma_wait3A_738, %dma_wait3A_739] : memref<64x768xf32, #tpu.memory_space<vmem>> -> memref<32x768xf32, #tpu.memory_space<vmem>>
    tpu.wait_dma2 semaphore(%arg9 : memref<!tpu.dma_semaphore, #tpu.memory_space<semaphore_mem>>) src(%dma_wait3A_740 : memref<32x768xf32, #tpu.memory_space<vmem>>) dst(%dma_wait3A_737 : memref<32x768xf32, #tpu.memory_space<hbm>>)
    %dma_start3A_741 = arith.constant 576 : i32
    %dma_start3A_742 = tpu.memref_slice %arg5[%dma_start3A_741] : memref<1600xi32, #tpu.memory_space<vmem>> -> memref<64xi32, #tpu.memory_space<vmem>>
    %dma_start3A_743 = arith.constant 0 : i32
    %dma_start3A_744 = arith.constant 0 : i32
    %dma_start3A_745 = tpu.memref_slice %arg3[%dma_start3A_743, %dma_start3A_744] : memref<32128x768xf32, #tpu.memory_space<hbm>> -> memref<32128x768xf32, #tpu.memory_space<hbm>>
    tpu.enqueue_indirect_dma source(%dma_start3A_745 : memref<32128x768xf32, #tpu.memory_space<hbm>>) target(%arg7 : memref<64x768xf32, #tpu.memory_space<vmem>>) offsets(%dma_start3A_742 : memref<64xi32, #tpu.memory_space<vmem>>) semaphore(%arg8 : memref<!tpu.dma_semaphore, #tpu.memory_space<semaphore_mem>>)
    %dma_wait3A_746 = arith.constant 576 : i32
    %dma_wait3A_747 = tpu.memref_slice %arg5[%dma_wait3A_746] : memref<1600xi32, #tpu.memory_space<vmem>> -> memref<64xi32, #tpu.memory_space<vmem>>
    %dma_wait3A_748 = arith.constant 0 : i32
    %dma_wait3A_749 = arith.constant 0 : i32
    %dma_wait3A_750 = tpu.memref_slice %arg3[%dma_wait3A_748, %dma_wait3A_749] : memref<32128x768xf32, #tpu.memory_space<hbm>> -> memref<32128x768xf32, #tpu.memory_space<hbm>>
    tpu.wait_indirect_dma semaphore(%arg8 : memref<!tpu.dma_semaphore, #tpu.memory_space<semaphore_mem>>) src(%dma_wait3A_750 : memref<32128x768xf32, #tpu.memory_space<hbm>>) dst(%arg7 : memref<64x768xf32, #tpu.memory_space<vmem>>)
    %dma_start3A_751 = arith.constant 18 : i32
    %dma_start3A_752 = arith.constant 0 : i32
    %dma_start3A_753 = arith.constant 0 : i32
    %dma_start3A_754 = tpu.memref_slice %arg7[%dma_start3A_752, %dma_start3A_753] : memref<64x768xf32, #tpu.memory_space<vmem>> -> memref<32x768xf32, #tpu.memory_space<vmem>>
    %dma_start3A_755 = arith.constant 0 : i32
    %dma_start3A_756 = arith.constant 0 : i32
    %dma_start3A_757 = tpu.memref_slice %arg4[%dma_start3A_751, %dma_start3A_755, %dma_start3A_756] : memref<50x1024x768xf32, #tpu.memory_space<hbm>> -> memref<1x1024x768xf32, #tpu.memory_space<hbm>>
    %dma_start3A_758 = tpu.memref_squeeze %dma_start3A_757 : memref<1x1024x768xf32, #tpu.memory_space<hbm>> -> memref<1024x768xf32, #tpu.memory_space<hbm>>
    %dma_start3A_759 = arith.constant 0 : i32
    %dma_start3A_760 = tpu.memref_slice %dma_start3A_758[%mul3A_2, %dma_start3A_759] : memref<1024x768xf32, #tpu.memory_space<hbm>> -> memref<32x768xf32, #tpu.memory_space<hbm>>
    %dma_start3A_761 = arith.constant 0 : i32
    %dma_start3A_762 = arith.constant 0 : i32
    %dma_start3A_763 = tpu.memref_slice %arg4[%dma_start3A_751, %dma_start3A_761, %dma_start3A_762] : memref<50x1024x768xf32, #tpu.memory_space<hbm>> -> memref<1x1024x768xf32, #tpu.memory_space<hbm>>
    %dma_start3A_764 = tpu.memref_squeeze %dma_start3A_763 : memref<1x1024x768xf32, #tpu.memory_space<hbm>> -> memref<1024x768xf32, #tpu.memory_space<hbm>>
    %dma_start3A_765 = arith.constant 0 : i32
    %dma_start3A_766 = tpu.memref_slice %dma_start3A_764[%mul3A_2, %dma_start3A_765] : memref<1024x768xf32, #tpu.memory_space<hbm>> -> memref<32x768xf32, #tpu.memory_space<hbm>>
    %dma_start3A_767 = arith.constant 0 : i32
    %dma_start3A_768 = arith.constant 0 : i32
    %dma_start3A_769 = tpu.memref_slice %arg7[%dma_start3A_767, %dma_start3A_768] : memref<64x768xf32, #tpu.memory_space<vmem>> -> memref<32x768xf32, #tpu.memory_space<vmem>>
    tpu.enqueue_dma source(%dma_start3A_769 : memref<32x768xf32, #tpu.memory_space<vmem>>) target(%dma_start3A_766 : memref<32x768xf32, #tpu.memory_space<hbm>>) target_semaphore(%arg9 : memref<!tpu.dma_semaphore, #tpu.memory_space<semaphore_mem>>)
    %dma_start3A_770 = arith.constant 19 : i32
    %dma_start3A_771 = arith.constant 32 : i32
    %dma_start3A_772 = arith.constant 0 : i32
    %dma_start3A_773 = tpu.memref_slice %arg7[%dma_start3A_771, %dma_start3A_772] : memref<64x768xf32, #tpu.memory_space<vmem>> -> memref<32x768xf32, #tpu.memory_space<vmem>>
    %dma_start3A_774 = arith.constant 0 : i32
    %dma_start3A_775 = arith.constant 0 : i32
    %dma_start3A_776 = tpu.memref_slice %arg4[%dma_start3A_770, %dma_start3A_774, %dma_start3A_775] : memref<50x1024x768xf32, #tpu.memory_space<hbm>> -> memref<1x1024x768xf32, #tpu.memory_space<hbm>>
    %dma_start3A_777 = tpu.memref_squeeze %dma_start3A_776 : memref<1x1024x768xf32, #tpu.memory_space<hbm>> -> memref<1024x768xf32, #tpu.memory_space<hbm>>
    %dma_start3A_778 = arith.constant 0 : i32
    %dma_start3A_779 = tpu.memref_slice %dma_start3A_777[%mul3A_2, %dma_start3A_778] : memref<1024x768xf32, #tpu.memory_space<hbm>> -> memref<32x768xf32, #tpu.memory_space<hbm>>
    %dma_start3A_780 = arith.constant 0 : i32
    %dma_start3A_781 = arith.constant 0 : i32
    %dma_start3A_782 = tpu.memref_slice %arg4[%dma_start3A_770, %dma_start3A_780, %dma_start3A_781] : memref<50x1024x768xf32, #tpu.memory_space<hbm>> -> memref<1x1024x768xf32, #tpu.memory_space<hbm>>
    %dma_start3A_783 = tpu.memref_squeeze %dma_start3A_782 : memref<1x1024x768xf32, #tpu.memory_space<hbm>> -> memref<1024x768xf32, #tpu.memory_space<hbm>>
    %dma_start3A_784 = arith.constant 0 : i32
    %dma_start3A_785 = tpu.memref_slice %dma_start3A_783[%mul3A_2, %dma_start3A_784] : memref<1024x768xf32, #tpu.memory_space<hbm>> -> memref<32x768xf32, #tpu.memory_space<hbm>>
    %dma_start3A_786 = arith.constant 32 : i32
    %dma_start3A_787 = arith.constant 0 : i32
    %dma_start3A_788 = tpu.memref_slice %arg7[%dma_start3A_786, %dma_start3A_787] : memref<64x768xf32, #tpu.memory_space<vmem>> -> memref<32x768xf32, #tpu.memory_space<vmem>>
    tpu.enqueue_dma source(%dma_start3A_788 : memref<32x768xf32, #tpu.memory_space<vmem>>) target(%dma_start3A_785 : memref<32x768xf32, #tpu.memory_space<hbm>>) target_semaphore(%arg9 : memref<!tpu.dma_semaphore, #tpu.memory_space<semaphore_mem>>)
    %dma_wait3A_789 = arith.constant 16 : i32
    %dma_wait3A_790 = arith.constant 0 : i32
    %dma_wait3A_791 = arith.constant 0 : i32
    %dma_wait3A_792 = tpu.memref_slice %arg6[%dma_wait3A_790, %dma_wait3A_791] : memref<64x768xf32, #tpu.memory_space<vmem>> -> memref<32x768xf32, #tpu.memory_space<vmem>>
    %dma_wait3A_793 = arith.constant 0 : i32
    %dma_wait3A_794 = arith.constant 0 : i32
    %dma_wait3A_795 = tpu.memref_slice %arg4[%dma_wait3A_789, %dma_wait3A_793, %dma_wait3A_794] : memref<50x1024x768xf32, #tpu.memory_space<hbm>> -> memref<1x1024x768xf32, #tpu.memory_space<hbm>>
    %dma_wait3A_796 = tpu.memref_squeeze %dma_wait3A_795 : memref<1x1024x768xf32, #tpu.memory_space<hbm>> -> memref<1024x768xf32, #tpu.memory_space<hbm>>
    %dma_wait3A_797 = arith.constant 0 : i32
    %dma_wait3A_798 = tpu.memref_slice %dma_wait3A_796[%mul3A_2, %dma_wait3A_797] : memref<1024x768xf32, #tpu.memory_space<hbm>> -> memref<32x768xf32, #tpu.memory_space<hbm>>
    %dma_wait3A_799 = arith.constant 0 : i32
    %dma_wait3A_800 = arith.constant 0 : i32
    %dma_wait3A_801 = tpu.memref_slice %arg4[%dma_wait3A_789, %dma_wait3A_799, %dma_wait3A_800] : memref<50x1024x768xf32, #tpu.memory_space<hbm>> -> memref<1x1024x768xf32, #tpu.memory_space<hbm>>
    %dma_wait3A_802 = tpu.memref_squeeze %dma_wait3A_801 : memref<1x1024x768xf32, #tpu.memory_space<hbm>> -> memref<1024x768xf32, #tpu.memory_space<hbm>>
    %dma_wait3A_803 = arith.constant 0 : i32
    %dma_wait3A_804 = tpu.memref_slice %dma_wait3A_802[%mul3A_2, %dma_wait3A_803] : memref<1024x768xf32, #tpu.memory_space<hbm>> -> memref<32x768xf32, #tpu.memory_space<hbm>>
    %dma_wait3A_805 = arith.constant 0 : i32
    %dma_wait3A_806 = arith.constant 0 : i32
    %dma_wait3A_807 = tpu.memref_slice %arg6[%dma_wait3A_805, %dma_wait3A_806] : memref<64x768xf32, #tpu.memory_space<vmem>> -> memref<32x768xf32, #tpu.memory_space<vmem>>
    tpu.wait_dma2 semaphore(%arg9 : memref<!tpu.dma_semaphore, #tpu.memory_space<semaphore_mem>>) src(%dma_wait3A_807 : memref<32x768xf32, #tpu.memory_space<vmem>>) dst(%dma_wait3A_804 : memref<32x768xf32, #tpu.memory_space<hbm>>)
    %dma_wait3A_808 = arith.constant 17 : i32
    %dma_wait3A_809 = arith.constant 32 : i32
    %dma_wait3A_810 = arith.constant 0 : i32
    %dma_wait3A_811 = tpu.memref_slice %arg6[%dma_wait3A_809, %dma_wait3A_810] : memref<64x768xf32, #tpu.memory_space<vmem>> -> memref<32x768xf32, #tpu.memory_space<vmem>>
    %dma_wait3A_812 = arith.constant 0 : i32
    %dma_wait3A_813 = arith.constant 0 : i32
    %dma_wait3A_814 = tpu.memref_slice %arg4[%dma_wait3A_808, %dma_wait3A_812, %dma_wait3A_813] : memref<50x1024x768xf32, #tpu.memory_space<hbm>> -> memref<1x1024x768xf32, #tpu.memory_space<hbm>>
    %dma_wait3A_815 = tpu.memref_squeeze %dma_wait3A_814 : memref<1x1024x768xf32, #tpu.memory_space<hbm>> -> memref<1024x768xf32, #tpu.memory_space<hbm>>
    %dma_wait3A_816 = arith.constant 0 : i32
    %dma_wait3A_817 = tpu.memref_slice %dma_wait3A_815[%mul3A_2, %dma_wait3A_816] : memref<1024x768xf32, #tpu.memory_space<hbm>> -> memref<32x768xf32, #tpu.memory_space<hbm>>
    %dma_wait3A_818 = arith.constant 0 : i32
    %dma_wait3A_819 = arith.constant 0 : i32
    %dma_wait3A_820 = tpu.memref_slice %arg4[%dma_wait3A_808, %dma_wait3A_818, %dma_wait3A_819] : memref<50x1024x768xf32, #tpu.memory_space<hbm>> -> memref<1x1024x768xf32, #tpu.memory_space<hbm>>
    %dma_wait3A_821 = tpu.memref_squeeze %dma_wait3A_820 : memref<1x1024x768xf32, #tpu.memory_space<hbm>> -> memref<1024x768xf32, #tpu.memory_space<hbm>>
    %dma_wait3A_822 = arith.constant 0 : i32
    %dma_wait3A_823 = tpu.memref_slice %dma_wait3A_821[%mul3A_2, %dma_wait3A_822] : memref<1024x768xf32, #tpu.memory_space<hbm>> -> memref<32x768xf32, #tpu.memory_space<hbm>>
    %dma_wait3A_824 = arith.constant 32 : i32
    %dma_wait3A_825 = arith.constant 0 : i32
    %dma_wait3A_826 = tpu.memref_slice %arg6[%dma_wait3A_824, %dma_wait3A_825] : memref<64x768xf32, #tpu.memory_space<vmem>> -> memref<32x768xf32, #tpu.memory_space<vmem>>
    tpu.wait_dma2 semaphore(%arg9 : memref<!tpu.dma_semaphore, #tpu.memory_space<semaphore_mem>>) src(%dma_wait3A_826 : memref<32x768xf32, #tpu.memory_space<vmem>>) dst(%dma_wait3A_823 : memref<32x768xf32, #tpu.memory_space<hbm>>)
    %dma_start3A_827 = arith.constant 640 : i32
    %dma_start3A_828 = tpu.memref_slice %arg5[%dma_start3A_827] : memref<1600xi32, #tpu.memory_space<vmem>> -> memref<64xi32, #tpu.memory_space<vmem>>
    %dma_start3A_829 = arith.constant 0 : i32
    %dma_start3A_830 = arith.constant 0 : i32
    %dma_start3A_831 = tpu.memref_slice %arg3[%dma_start3A_829, %dma_start3A_830] : memref<32128x768xf32, #tpu.memory_space<hbm>> -> memref<32128x768xf32, #tpu.memory_space<hbm>>
    tpu.enqueue_indirect_dma source(%dma_start3A_831 : memref<32128x768xf32, #tpu.memory_space<hbm>>) target(%arg6 : memref<64x768xf32, #tpu.memory_space<vmem>>) offsets(%dma_start3A_828 : memref<64xi32, #tpu.memory_space<vmem>>) semaphore(%arg8 : memref<!tpu.dma_semaphore, #tpu.memory_space<semaphore_mem>>)
    %dma_wait3A_832 = arith.constant 640 : i32
    %dma_wait3A_833 = tpu.memref_slice %arg5[%dma_wait3A_832] : memref<1600xi32, #tpu.memory_space<vmem>> -> memref<64xi32, #tpu.memory_space<vmem>>
    %dma_wait3A_834 = arith.constant 0 : i32
    %dma_wait3A_835 = arith.constant 0 : i32
    %dma_wait3A_836 = tpu.memref_slice %arg3[%dma_wait3A_834, %dma_wait3A_835] : memref<32128x768xf32, #tpu.memory_space<hbm>> -> memref<32128x768xf32, #tpu.memory_space<hbm>>
    tpu.wait_indirect_dma semaphore(%arg8 : memref<!tpu.dma_semaphore, #tpu.memory_space<semaphore_mem>>) src(%dma_wait3A_836 : memref<32128x768xf32, #tpu.memory_space<hbm>>) dst(%arg6 : memref<64x768xf32, #tpu.memory_space<vmem>>)
    %dma_start3A_837 = arith.constant 20 : i32
    %dma_start3A_838 = arith.constant 0 : i32
    %dma_start3A_839 = arith.constant 0 : i32
    %dma_start3A_840 = tpu.memref_slice %arg6[%dma_start3A_838, %dma_start3A_839] : memref<64x768xf32, #tpu.memory_space<vmem>> -> memref<32x768xf32, #tpu.memory_space<vmem>>
    %dma_start3A_841 = arith.constant 0 : i32
    %dma_start3A_842 = arith.constant 0 : i32
    %dma_start3A_843 = tpu.memref_slice %arg4[%dma_start3A_837, %dma_start3A_841, %dma_start3A_842] : memref<50x1024x768xf32, #tpu.memory_space<hbm>> -> memref<1x1024x768xf32, #tpu.memory_space<hbm>>
    %dma_start3A_844 = tpu.memref_squeeze %dma_start3A_843 : memref<1x1024x768xf32, #tpu.memory_space<hbm>> -> memref<1024x768xf32, #tpu.memory_space<hbm>>
    %dma_start3A_845 = arith.constant 0 : i32
    %dma_start3A_846 = tpu.memref_slice %dma_start3A_844[%mul3A_2, %dma_start3A_845] : memref<1024x768xf32, #tpu.memory_space<hbm>> -> memref<32x768xf32, #tpu.memory_space<hbm>>
    %dma_start3A_847 = arith.constant 0 : i32
    %dma_start3A_848 = arith.constant 0 : i32
    %dma_start3A_849 = tpu.memref_slice %arg4[%dma_start3A_837, %dma_start3A_847, %dma_start3A_848] : memref<50x1024x768xf32, #tpu.memory_space<hbm>> -> memref<1x1024x768xf32, #tpu.memory_space<hbm>>
    %dma_start3A_850 = tpu.memref_squeeze %dma_start3A_849 : memref<1x1024x768xf32, #tpu.memory_space<hbm>> -> memref<1024x768xf32, #tpu.memory_space<hbm>>
    %dma_start3A_851 = arith.constant 0 : i32
    %dma_start3A_852 = tpu.memref_slice %dma_start3A_850[%mul3A_2, %dma_start3A_851] : memref<1024x768xf32, #tpu.memory_space<hbm>> -> memref<32x768xf32, #tpu.memory_space<hbm>>
    %dma_start3A_853 = arith.constant 0 : i32
    %dma_start3A_854 = arith.constant 0 : i32
    %dma_start3A_855 = tpu.memref_slice %arg6[%dma_start3A_853, %dma_start3A_854] : memref<64x768xf32, #tpu.memory_space<vmem>> -> memref<32x768xf32, #tpu.memory_space<vmem>>
    tpu.enqueue_dma source(%dma_start3A_855 : memref<32x768xf32, #tpu.memory_space<vmem>>) target(%dma_start3A_852 : memref<32x768xf32, #tpu.memory_space<hbm>>) target_semaphore(%arg9 : memref<!tpu.dma_semaphore, #tpu.memory_space<semaphore_mem>>)
    %dma_start3A_856 = arith.constant 21 : i32
    %dma_start3A_857 = arith.constant 32 : i32
    %dma_start3A_858 = arith.constant 0 : i32
    %dma_start3A_859 = tpu.memref_slice %arg6[%dma_start3A_857, %dma_start3A_858] : memref<64x768xf32, #tpu.memory_space<vmem>> -> memref<32x768xf32, #tpu.memory_space<vmem>>
    %dma_start3A_860 = arith.constant 0 : i32
    %dma_start3A_861 = arith.constant 0 : i32
    %dma_start3A_862 = tpu.memref_slice %arg4[%dma_start3A_856, %dma_start3A_860, %dma_start3A_861] : memref<50x1024x768xf32, #tpu.memory_space<hbm>> -> memref<1x1024x768xf32, #tpu.memory_space<hbm>>
    %dma_start3A_863 = tpu.memref_squeeze %dma_start3A_862 : memref<1x1024x768xf32, #tpu.memory_space<hbm>> -> memref<1024x768xf32, #tpu.memory_space<hbm>>
    %dma_start3A_864 = arith.constant 0 : i32
    %dma_start3A_865 = tpu.memref_slice %dma_start3A_863[%mul3A_2, %dma_start3A_864] : memref<1024x768xf32, #tpu.memory_space<hbm>> -> memref<32x768xf32, #tpu.memory_space<hbm>>
    %dma_start3A_866 = arith.constant 0 : i32
    %dma_start3A_867 = arith.constant 0 : i32
    %dma_start3A_868 = tpu.memref_slice %arg4[%dma_start3A_856, %dma_start3A_866, %dma_start3A_867] : memref<50x1024x768xf32, #tpu.memory_space<hbm>> -> memref<1x1024x768xf32, #tpu.memory_space<hbm>>
    %dma_start3A_869 = tpu.memref_squeeze %dma_start3A_868 : memref<1x1024x768xf32, #tpu.memory_space<hbm>> -> memref<1024x768xf32, #tpu.memory_space<hbm>>
    %dma_start3A_870 = arith.constant 0 : i32
    %dma_start3A_871 = tpu.memref_slice %dma_start3A_869[%mul3A_2, %dma_start3A_870] : memref<1024x768xf32, #tpu.memory_space<hbm>> -> memref<32x768xf32, #tpu.memory_space<hbm>>
    %dma_start3A_872 = arith.constant 32 : i32
    %dma_start3A_873 = arith.constant 0 : i32
    %dma_start3A_874 = tpu.memref_slice %arg6[%dma_start3A_872, %dma_start3A_873] : memref<64x768xf32, #tpu.memory_space<vmem>> -> memref<32x768xf32, #tpu.memory_space<vmem>>
    tpu.enqueue_dma source(%dma_start3A_874 : memref<32x768xf32, #tpu.memory_space<vmem>>) target(%dma_start3A_871 : memref<32x768xf32, #tpu.memory_space<hbm>>) target_semaphore(%arg9 : memref<!tpu.dma_semaphore, #tpu.memory_space<semaphore_mem>>)
    %dma_wait3A_875 = arith.constant 18 : i32
    %dma_wait3A_876 = arith.constant 0 : i32
    %dma_wait3A_877 = arith.constant 0 : i32
    %dma_wait3A_878 = tpu.memref_slice %arg7[%dma_wait3A_876, %dma_wait3A_877] : memref<64x768xf32, #tpu.memory_space<vmem>> -> memref<32x768xf32, #tpu.memory_space<vmem>>
    %dma_wait3A_879 = arith.constant 0 : i32
    %dma_wait3A_880 = arith.constant 0 : i32
    %dma_wait3A_881 = tpu.memref_slice %arg4[%dma_wait3A_875, %dma_wait3A_879, %dma_wait3A_880] : memref<50x1024x768xf32, #tpu.memory_space<hbm>> -> memref<1x1024x768xf32, #tpu.memory_space<hbm>>
    %dma_wait3A_882 = tpu.memref_squeeze %dma_wait3A_881 : memref<1x1024x768xf32, #tpu.memory_space<hbm>> -> memref<1024x768xf32, #tpu.memory_space<hbm>>
    %dma_wait3A_883 = arith.constant 0 : i32
    %dma_wait3A_884 = tpu.memref_slice %dma_wait3A_882[%mul3A_2, %dma_wait3A_883] : memref<1024x768xf32, #tpu.memory_space<hbm>> -> memref<32x768xf32, #tpu.memory_space<hbm>>
    %dma_wait3A_885 = arith.constant 0 : i32
    %dma_wait3A_886 = arith.constant 0 : i32
    %dma_wait3A_887 = tpu.memref_slice %arg4[%dma_wait3A_875, %dma_wait3A_885, %dma_wait3A_886] : memref<50x1024x768xf32, #tpu.memory_space<hbm>> -> memref<1x1024x768xf32, #tpu.memory_space<hbm>>
    %dma_wait3A_888 = tpu.memref_squeeze %dma_wait3A_887 : memref<1x1024x768xf32, #tpu.memory_space<hbm>> -> memref<1024x768xf32, #tpu.memory_space<hbm>>
    %dma_wait3A_889 = arith.constant 0 : i32
    %dma_wait3A_890 = tpu.memref_slice %dma_wait3A_888[%mul3A_2, %dma_wait3A_889] : memref<1024x768xf32, #tpu.memory_space<hbm>> -> memref<32x768xf32, #tpu.memory_space<hbm>>
    %dma_wait3A_891 = arith.constant 0 : i32
    %dma_wait3A_892 = arith.constant 0 : i32
    %dma_wait3A_893 = tpu.memref_slice %arg7[%dma_wait3A_891, %dma_wait3A_892] : memref<64x768xf32, #tpu.memory_space<vmem>> -> memref<32x768xf32, #tpu.memory_space<vmem>>
    tpu.wait_dma2 semaphore(%arg9 : memref<!tpu.dma_semaphore, #tpu.memory_space<semaphore_mem>>) src(%dma_wait3A_893 : memref<32x768xf32, #tpu.memory_space<vmem>>) dst(%dma_wait3A_890 : memref<32x768xf32, #tpu.memory_space<hbm>>)
    %dma_wait3A_894 = arith.constant 19 : i32
    %dma_wait3A_895 = arith.constant 32 : i32
    %dma_wait3A_896 = arith.constant 0 : i32
    %dma_wait3A_897 = tpu.memref_slice %arg7[%dma_wait3A_895, %dma_wait3A_896] : memref<64x768xf32, #tpu.memory_space<vmem>> -> memref<32x768xf32, #tpu.memory_space<vmem>>
    %dma_wait3A_898 = arith.constant 0 : i32
    %dma_wait3A_899 = arith.constant 0 : i32
    %dma_wait3A_900 = tpu.memref_slice %arg4[%dma_wait3A_894, %dma_wait3A_898, %dma_wait3A_899] : memref<50x1024x768xf32, #tpu.memory_space<hbm>> -> memref<1x1024x768xf32, #tpu.memory_space<hbm>>
    %dma_wait3A_901 = tpu.memref_squeeze %dma_wait3A_900 : memref<1x1024x768xf32, #tpu.memory_space<hbm>> -> memref<1024x768xf32, #tpu.memory_space<hbm>>
    %dma_wait3A_902 = arith.constant 0 : i32
    %dma_wait3A_903 = tpu.memref_slice %dma_wait3A_901[%mul3A_2, %dma_wait3A_902] : memref<1024x768xf32, #tpu.memory_space<hbm>> -> memref<32x768xf32, #tpu.memory_space<hbm>>
    %dma_wait3A_904 = arith.constant 0 : i32
    %dma_wait3A_905 = arith.constant 0 : i32
    %dma_wait3A_906 = tpu.memref_slice %arg4[%dma_wait3A_894, %dma_wait3A_904, %dma_wait3A_905] : memref<50x1024x768xf32, #tpu.memory_space<hbm>> -> memref<1x1024x768xf32, #tpu.memory_space<hbm>>
    %dma_wait3A_907 = tpu.memref_squeeze %dma_wait3A_906 : memref<1x1024x768xf32, #tpu.memory_space<hbm>> -> memref<1024x768xf32, #tpu.memory_space<hbm>>
    %dma_wait3A_908 = arith.constant 0 : i32
    %dma_wait3A_909 = tpu.memref_slice %dma_wait3A_907[%mul3A_2, %dma_wait3A_908] : memref<1024x768xf32, #tpu.memory_space<hbm>> -> memref<32x768xf32, #tpu.memory_space<hbm>>
    %dma_wait3A_910 = arith.constant 32 : i32
    %dma_wait3A_911 = arith.constant 0 : i32
    %dma_wait3A_912 = tpu.memref_slice %arg7[%dma_wait3A_910, %dma_wait3A_911] : memref<64x768xf32, #tpu.memory_space<vmem>> -> memref<32x768xf32, #tpu.memory_space<vmem>>
    tpu.wait_dma2 semaphore(%arg9 : memref<!tpu.dma_semaphore, #tpu.memory_space<semaphore_mem>>) src(%dma_wait3A_912 : memref<32x768xf32, #tpu.memory_space<vmem>>) dst(%dma_wait3A_909 : memref<32x768xf32, #tpu.memory_space<hbm>>)
    %dma_start3A_913 = arith.constant 704 : i32
    %dma_start3A_914 = tpu.memref_slice %arg5[%dma_start3A_913] : memref<1600xi32, #tpu.memory_space<vmem>> -> memref<64xi32, #tpu.memory_space<vmem>>
    %dma_start3A_915 = arith.constant 0 : i32
    %dma_start3A_916 = arith.constant 0 : i32
    %dma_start3A_917 = tpu.memref_slice %arg3[%dma_start3A_915, %dma_start3A_916] : memref<32128x768xf32, #tpu.memory_space<hbm>> -> memref<32128x768xf32, #tpu.memory_space<hbm>>
    tpu.enqueue_indirect_dma source(%dma_start3A_917 : memref<32128x768xf32, #tpu.memory_space<hbm>>) target(%arg7 : memref<64x768xf32, #tpu.memory_space<vmem>>) offsets(%dma_start3A_914 : memref<64xi32, #tpu.memory_space<vmem>>) semaphore(%arg8 : memref<!tpu.dma_semaphore, #tpu.memory_space<semaphore_mem>>)
    %dma_wait3A_918 = arith.constant 704 : i32
    %dma_wait3A_919 = tpu.memref_slice %arg5[%dma_wait3A_918] : memref<1600xi32, #tpu.memory_space<vmem>> -> memref<64xi32, #tpu.memory_space<vmem>>
    %dma_wait3A_920 = arith.constant 0 : i32
    %dma_wait3A_921 = arith.constant 0 : i32
    %dma_wait3A_922 = tpu.memref_slice %arg3[%dma_wait3A_920, %dma_wait3A_921] : memref<32128x768xf32, #tpu.memory_space<hbm>> -> memref<32128x768xf32, #tpu.memory_space<hbm>>
    tpu.wait_indirect_dma semaphore(%arg8 : memref<!tpu.dma_semaphore, #tpu.memory_space<semaphore_mem>>) src(%dma_wait3A_922 : memref<32128x768xf32, #tpu.memory_space<hbm>>) dst(%arg7 : memref<64x768xf32, #tpu.memory_space<vmem>>)
    %dma_start3A_923 = arith.constant 22 : i32
    %dma_start3A_924 = arith.constant 0 : i32
    %dma_start3A_925 = arith.constant 0 : i32
    %dma_start3A_926 = tpu.memref_slice %arg7[%dma_start3A_924, %dma_start3A_925] : memref<64x768xf32, #tpu.memory_space<vmem>> -> memref<32x768xf32, #tpu.memory_space<vmem>>
    %dma_start3A_927 = arith.constant 0 : i32
    %dma_start3A_928 = arith.constant 0 : i32
    %dma_start3A_929 = tpu.memref_slice %arg4[%dma_start3A_923, %dma_start3A_927, %dma_start3A_928] : memref<50x1024x768xf32, #tpu.memory_space<hbm>> -> memref<1x1024x768xf32, #tpu.memory_space<hbm>>
    %dma_start3A_930 = tpu.memref_squeeze %dma_start3A_929 : memref<1x1024x768xf32, #tpu.memory_space<hbm>> -> memref<1024x768xf32, #tpu.memory_space<hbm>>
    %dma_start3A_931 = arith.constant 0 : i32
    %dma_start3A_932 = tpu.memref_slice %dma_start3A_930[%mul3A_2, %dma_start3A_931] : memref<1024x768xf32, #tpu.memory_space<hbm>> -> memref<32x768xf32, #tpu.memory_space<hbm>>
    %dma_start3A_933 = arith.constant 0 : i32
    %dma_start3A_934 = arith.constant 0 : i32
    %dma_start3A_935 = tpu.memref_slice %arg4[%dma_start3A_923, %dma_start3A_933, %dma_start3A_934] : memref<50x1024x768xf32, #tpu.memory_space<hbm>> -> memref<1x1024x768xf32, #tpu.memory_space<hbm>>
    %dma_start3A_936 = tpu.memref_squeeze %dma_start3A_935 : memref<1x1024x768xf32, #tpu.memory_space<hbm>> -> memref<1024x768xf32, #tpu.memory_space<hbm>>
    %dma_start3A_937 = arith.constant 0 : i32
    %dma_start3A_938 = tpu.memref_slice %dma_start3A_936[%mul3A_2, %dma_start3A_937] : memref<1024x768xf32, #tpu.memory_space<hbm>> -> memref<32x768xf32, #tpu.memory_space<hbm>>
    %dma_start3A_939 = arith.constant 0 : i32
    %dma_start3A_940 = arith.constant 0 : i32
    %dma_start3A_941 = tpu.memref_slice %arg7[%dma_start3A_939, %dma_start3A_940] : memref<64x768xf32, #tpu.memory_space<vmem>> -> memref<32x768xf32, #tpu.memory_space<vmem>>
    tpu.enqueue_dma source(%dma_start3A_941 : memref<32x768xf32, #tpu.memory_space<vmem>>) target(%dma_start3A_938 : memref<32x768xf32, #tpu.memory_space<hbm>>) target_semaphore(%arg9 : memref<!tpu.dma_semaphore, #tpu.memory_space<semaphore_mem>>)
    %dma_start3A_942 = arith.constant 23 : i32
    %dma_start3A_943 = arith.constant 32 : i32
    %dma_start3A_944 = arith.constant 0 : i32
    %dma_start3A_945 = tpu.memref_slice %arg7[%dma_start3A_943, %dma_start3A_944] : memref<64x768xf32, #tpu.memory_space<vmem>> -> memref<32x768xf32, #tpu.memory_space<vmem>>
    %dma_start3A_946 = arith.constant 0 : i32
    %dma_start3A_947 = arith.constant 0 : i32
    %dma_start3A_948 = tpu.memref_slice %arg4[%dma_start3A_942, %dma_start3A_946, %dma_start3A_947] : memref<50x1024x768xf32, #tpu.memory_space<hbm>> -> memref<1x1024x768xf32, #tpu.memory_space<hbm>>
    %dma_start3A_949 = tpu.memref_squeeze %dma_start3A_948 : memref<1x1024x768xf32, #tpu.memory_space<hbm>> -> memref<1024x768xf32, #tpu.memory_space<hbm>>
    %dma_start3A_950 = arith.constant 0 : i32
    %dma_start3A_951 = tpu.memref_slice %dma_start3A_949[%mul3A_2, %dma_start3A_950] : memref<1024x768xf32, #tpu.memory_space<hbm>> -> memref<32x768xf32, #tpu.memory_space<hbm>>
    %dma_start3A_952 = arith.constant 0 : i32
    %dma_start3A_953 = arith.constant 0 : i32
    %dma_start3A_954 = tpu.memref_slice %arg4[%dma_start3A_942, %dma_start3A_952, %dma_start3A_953] : memref<50x1024x768xf32, #tpu.memory_space<hbm>> -> memref<1x1024x768xf32, #tpu.memory_space<hbm>>
    %dma_start3A_955 = tpu.memref_squeeze %dma_start3A_954 : memref<1x1024x768xf32, #tpu.memory_space<hbm>> -> memref<1024x768xf32, #tpu.memory_space<hbm>>
    %dma_start3A_956 = arith.constant 0 : i32
    %dma_start3A_957 = tpu.memref_slice %dma_start3A_955[%mul3A_2, %dma_start3A_956] : memref<1024x768xf32, #tpu.memory_space<hbm>> -> memref<32x768xf32, #tpu.memory_space<hbm>>
    %dma_start3A_958 = arith.constant 32 : i32
    %dma_start3A_959 = arith.constant 0 : i32
    %dma_start3A_960 = tpu.memref_slice %arg7[%dma_start3A_958, %dma_start3A_959] : memref<64x768xf32, #tpu.memory_space<vmem>> -> memref<32x768xf32, #tpu.memory_space<vmem>>
    tpu.enqueue_dma source(%dma_start3A_960 : memref<32x768xf32, #tpu.memory_space<vmem>>) target(%dma_start3A_957 : memref<32x768xf32, #tpu.memory_space<hbm>>) target_semaphore(%arg9 : memref<!tpu.dma_semaphore, #tpu.memory_space<semaphore_mem>>)
    %dma_wait3A_961 = arith.constant 20 : i32
    %dma_wait3A_962 = arith.constant 0 : i32
    %dma_wait3A_963 = arith.constant 0 : i32
    %dma_wait3A_964 = tpu.memref_slice %arg6[%dma_wait3A_962, %dma_wait3A_963] : memref<64x768xf32, #tpu.memory_space<vmem>> -> memref<32x768xf32, #tpu.memory_space<vmem>>
    %dma_wait3A_965 = arith.constant 0 : i32
    %dma_wait3A_966 = arith.constant 0 : i32
    %dma_wait3A_967 = tpu.memref_slice %arg4[%dma_wait3A_961, %dma_wait3A_965, %dma_wait3A_966] : memref<50x1024x768xf32, #tpu.memory_space<hbm>> -> memref<1x1024x768xf32, #tpu.memory_space<hbm>>
    %dma_wait3A_968 = tpu.memref_squeeze %dma_wait3A_967 : memref<1x1024x768xf32, #tpu.memory_space<hbm>> -> memref<1024x768xf32, #tpu.memory_space<hbm>>
    %dma_wait3A_969 = arith.constant 0 : i32
    %dma_wait3A_970 = tpu.memref_slice %dma_wait3A_968[%mul3A_2, %dma_wait3A_969] : memref<1024x768xf32, #tpu.memory_space<hbm>> -> memref<32x768xf32, #tpu.memory_space<hbm>>
    %dma_wait3A_971 = arith.constant 0 : i32
    %dma_wait3A_972 = arith.constant 0 : i32
    %dma_wait3A_973 = tpu.memref_slice %arg4[%dma_wait3A_961, %dma_wait3A_971, %dma_wait3A_972] : memref<50x1024x768xf32, #tpu.memory_space<hbm>> -> memref<1x1024x768xf32, #tpu.memory_space<hbm>>
    %dma_wait3A_974 = tpu.memref_squeeze %dma_wait3A_973 : memref<1x1024x768xf32, #tpu.memory_space<hbm>> -> memref<1024x768xf32, #tpu.memory_space<hbm>>
    %dma_wait3A_975 = arith.constant 0 : i32
    %dma_wait3A_976 = tpu.memref_slice %dma_wait3A_974[%mul3A_2, %dma_wait3A_975] : memref<1024x768xf32, #tpu.memory_space<hbm>> -> memref<32x768xf32, #tpu.memory_space<hbm>>
    %dma_wait3A_977 = arith.constant 0 : i32
    %dma_wait3A_978 = arith.constant 0 : i32
    %dma_wait3A_979 = tpu.memref_slice %arg6[%dma_wait3A_977, %dma_wait3A_978] : memref<64x768xf32, #tpu.memory_space<vmem>> -> memref<32x768xf32, #tpu.memory_space<vmem>>
    tpu.wait_dma2 semaphore(%arg9 : memref<!tpu.dma_semaphore, #tpu.memory_space<semaphore_mem>>) src(%dma_wait3A_979 : memref<32x768xf32, #tpu.memory_space<vmem>>) dst(%dma_wait3A_976 : memref<32x768xf32, #tpu.memory_space<hbm>>)
    %dma_wait3A_980 = arith.constant 21 : i32
    %dma_wait3A_981 = arith.constant 32 : i32
    %dma_wait3A_982 = arith.constant 0 : i32
    %dma_wait3A_983 = tpu.memref_slice %arg6[%dma_wait3A_981, %dma_wait3A_982] : memref<64x768xf32, #tpu.memory_space<vmem>> -> memref<32x768xf32, #tpu.memory_space<vmem>>
    %dma_wait3A_984 = arith.constant 0 : i32
    %dma_wait3A_985 = arith.constant 0 : i32
    %dma_wait3A_986 = tpu.memref_slice %arg4[%dma_wait3A_980, %dma_wait3A_984, %dma_wait3A_985] : memref<50x1024x768xf32, #tpu.memory_space<hbm>> -> memref<1x1024x768xf32, #tpu.memory_space<hbm>>
    %dma_wait3A_987 = tpu.memref_squeeze %dma_wait3A_986 : memref<1x1024x768xf32, #tpu.memory_space<hbm>> -> memref<1024x768xf32, #tpu.memory_space<hbm>>
    %dma_wait3A_988 = arith.constant 0 : i32
    %dma_wait3A_989 = tpu.memref_slice %dma_wait3A_987[%mul3A_2, %dma_wait3A_988] : memref<1024x768xf32, #tpu.memory_space<hbm>> -> memref<32x768xf32, #tpu.memory_space<hbm>>
    %dma_wait3A_990 = arith.constant 0 : i32
    %dma_wait3A_991 = arith.constant 0 : i32
    %dma_wait3A_992 = tpu.memref_slice %arg4[%dma_wait3A_980, %dma_wait3A_990, %dma_wait3A_991] : memref<50x1024x768xf32, #tpu.memory_space<hbm>> -> memref<1x1024x768xf32, #tpu.memory_space<hbm>>
    %dma_wait3A_993 = tpu.memref_squeeze %dma_wait3A_992 : memref<1x1024x768xf32, #tpu.memory_space<hbm>> -> memref<1024x768xf32, #tpu.memory_space<hbm>>
    %dma_wait3A_994 = arith.constant 0 : i32
    %dma_wait3A_995 = tpu.memref_slice %dma_wait3A_993[%mul3A_2, %dma_wait3A_994] : memref<1024x768xf32, #tpu.memory_space<hbm>> -> memref<32x768xf32, #tpu.memory_space<hbm>>
    %dma_wait3A_996 = arith.constant 32 : i32
    %dma_wait3A_997 = arith.constant 0 : i32
    %dma_wait3A_998 = tpu.memref_slice %arg6[%dma_wait3A_996, %dma_wait3A_997] : memref<64x768xf32, #tpu.memory_space<vmem>> -> memref<32x768xf32, #tpu.memory_space<vmem>>
    tpu.wait_dma2 semaphore(%arg9 : memref<!tpu.dma_semaphore, #tpu.memory_space<semaphore_mem>>) src(%dma_wait3A_998 : memref<32x768xf32, #tpu.memory_space<vmem>>) dst(%dma_wait3A_995 : memref<32x768xf32, #tpu.memory_space<hbm>>)
    %dma_start3A_999 = arith.constant 768 : i32
    %dma_start3A_1000 = tpu.memref_slice %arg5[%dma_start3A_999] : memref<1600xi32, #tpu.memory_space<vmem>> -> memref<64xi32, #tpu.memory_space<vmem>>
    %dma_start3A_1001 = arith.constant 0 : i32
    %dma_start3A_1002 = arith.constant 0 : i32
    %dma_start3A_1003 = tpu.memref_slice %arg3[%dma_start3A_1001, %dma_start3A_1002] : memref<32128x768xf32, #tpu.memory_space<hbm>> -> memref<32128x768xf32, #tpu.memory_space<hbm>>
    tpu.enqueue_indirect_dma source(%dma_start3A_1003 : memref<32128x768xf32, #tpu.memory_space<hbm>>) target(%arg6 : memref<64x768xf32, #tpu.memory_space<vmem>>) offsets(%dma_start3A_1000 : memref<64xi32, #tpu.memory_space<vmem>>) semaphore(%arg8 : memref<!tpu.dma_semaphore, #tpu.memory_space<semaphore_mem>>)
    %dma_wait3A_1004 = arith.constant 768 : i32
    %dma_wait3A_1005 = tpu.memref_slice %arg5[%dma_wait3A_1004] : memref<1600xi32, #tpu.memory_space<vmem>> -> memref<64xi32, #tpu.memory_space<vmem>>
    %dma_wait3A_1006 = arith.constant 0 : i32
    %dma_wait3A_1007 = arith.constant 0 : i32
    %dma_wait3A_1008 = tpu.memref_slice %arg3[%dma_wait3A_1006, %dma_wait3A_1007] : memref<32128x768xf32, #tpu.memory_space<hbm>> -> memref<32128x768xf32, #tpu.memory_space<hbm>>
    tpu.wait_indirect_dma semaphore(%arg8 : memref<!tpu.dma_semaphore, #tpu.memory_space<semaphore_mem>>) src(%dma_wait3A_1008 : memref<32128x768xf32, #tpu.memory_space<hbm>>) dst(%arg6 : memref<64x768xf32, #tpu.memory_space<vmem>>)
    %dma_start3A_1009 = arith.constant 24 : i32
    %dma_start3A_1010 = arith.constant 0 : i32
    %dma_start3A_1011 = arith.constant 0 : i32
    %dma_start3A_1012 = tpu.memref_slice %arg6[%dma_start3A_1010, %dma_start3A_1011] : memref<64x768xf32, #tpu.memory_space<vmem>> -> memref<32x768xf32, #tpu.memory_space<vmem>>
    %dma_start3A_1013 = arith.constant 0 : i32
    %dma_start3A_1014 = arith.constant 0 : i32
    %dma_start3A_1015 = tpu.memref_slice %arg4[%dma_start3A_1009, %dma_start3A_1013, %dma_start3A_1014] : memref<50x1024x768xf32, #tpu.memory_space<hbm>> -> memref<1x1024x768xf32, #tpu.memory_space<hbm>>
    %dma_start3A_1016 = tpu.memref_squeeze %dma_start3A_1015 : memref<1x1024x768xf32, #tpu.memory_space<hbm>> -> memref<1024x768xf32, #tpu.memory_space<hbm>>
    %dma_start3A_1017 = arith.constant 0 : i32
    %dma_start3A_1018 = tpu.memref_slice %dma_start3A_1016[%mul3A_2, %dma_start3A_1017] : memref<1024x768xf32, #tpu.memory_space<hbm>> -> memref<32x768xf32, #tpu.memory_space<hbm>>
    %dma_start3A_1019 = arith.constant 0 : i32
    %dma_start3A_1020 = arith.constant 0 : i32
    %dma_start3A_1021 = tpu.memref_slice %arg4[%dma_start3A_1009, %dma_start3A_1019, %dma_start3A_1020] : memref<50x1024x768xf32, #tpu.memory_space<hbm>> -> memref<1x1024x768xf32, #tpu.memory_space<hbm>>
    %dma_start3A_1022 = tpu.memref_squeeze %dma_start3A_1021 : memref<1x1024x768xf32, #tpu.memory_space<hbm>> -> memref<1024x768xf32, #tpu.memory_space<hbm>>
    %dma_start3A_1023 = arith.constant 0 : i32
    %dma_start3A_1024 = tpu.memref_slice %dma_start3A_1022[%mul3A_2, %dma_start3A_1023] : memref<1024x768xf32, #tpu.memory_space<hbm>> -> memref<32x768xf32, #tpu.memory_space<hbm>>
    %dma_start3A_1025 = arith.constant 0 : i32
    %dma_start3A_1026 = arith.constant 0 : i32
    %dma_start3A_1027 = tpu.memref_slice %arg6[%dma_start3A_1025, %dma_start3A_1026] : memref<64x768xf32, #tpu.memory_space<vmem>> -> memref<32x768xf32, #tpu.memory_space<vmem>>
    tpu.enqueue_dma source(%dma_start3A_1027 : memref<32x768xf32, #tpu.memory_space<vmem>>) target(%dma_start3A_1024 : memref<32x768xf32, #tpu.memory_space<hbm>>) target_semaphore(%arg9 : memref<!tpu.dma_semaphore, #tpu.memory_space<semaphore_mem>>)
    %dma_start3A_1028 = arith.constant 25 : i32
    %dma_start3A_1029 = arith.constant 32 : i32
    %dma_start3A_1030 = arith.constant 0 : i32
    %dma_start3A_1031 = tpu.memref_slice %arg6[%dma_start3A_1029, %dma_start3A_1030] : memref<64x768xf32, #tpu.memory_space<vmem>> -> memref<32x768xf32, #tpu.memory_space<vmem>>
    %dma_start3A_1032 = arith.constant 0 : i32
    %dma_start3A_1033 = arith.constant 0 : i32
    %dma_start3A_1034 = tpu.memref_slice %arg4[%dma_start3A_1028, %dma_start3A_1032, %dma_start3A_1033] : memref<50x1024x768xf32, #tpu.memory_space<hbm>> -> memref<1x1024x768xf32, #tpu.memory_space<hbm>>
    %dma_start3A_1035 = tpu.memref_squeeze %dma_start3A_1034 : memref<1x1024x768xf32, #tpu.memory_space<hbm>> -> memref<1024x768xf32, #tpu.memory_space<hbm>>
    %dma_start3A_1036 = arith.constant 0 : i32
    %dma_start3A_1037 = tpu.memref_slice %dma_start3A_1035[%mul3A_2, %dma_start3A_1036] : memref<1024x768xf32, #tpu.memory_space<hbm>> -> memref<32x768xf32, #tpu.memory_space<hbm>>
    %dma_start3A_1038 = arith.constant 0 : i32
    %dma_start3A_1039 = arith.constant 0 : i32
    %dma_start3A_1040 = tpu.memref_slice %arg4[%dma_start3A_1028, %dma_start3A_1038, %dma_start3A_1039] : memref<50x1024x768xf32, #tpu.memory_space<hbm>> -> memref<1x1024x768xf32, #tpu.memory_space<hbm>>
    %dma_start3A_1041 = tpu.memref_squeeze %dma_start3A_1040 : memref<1x1024x768xf32, #tpu.memory_space<hbm>> -> memref<1024x768xf32, #tpu.memory_space<hbm>>
    %dma_start3A_1042 = arith.constant 0 : i32
    %dma_start3A_1043 = tpu.memref_slice %dma_start3A_1041[%mul3A_2, %dma_start3A_1042] : memref<1024x768xf32, #tpu.memory_space<hbm>> -> memref<32x768xf32, #tpu.memory_space<hbm>>
    %dma_start3A_1044 = arith.constant 32 : i32
    %dma_start3A_1045 = arith.constant 0 : i32
    %dma_start3A_1046 = tpu.memref_slice %arg6[%dma_start3A_1044, %dma_start3A_1045] : memref<64x768xf32, #tpu.memory_space<vmem>> -> memref<32x768xf32, #tpu.memory_space<vmem>>
    tpu.enqueue_dma source(%dma_start3A_1046 : memref<32x768xf32, #tpu.memory_space<vmem>>) target(%dma_start3A_1043 : memref<32x768xf32, #tpu.memory_space<hbm>>) target_semaphore(%arg9 : memref<!tpu.dma_semaphore, #tpu.memory_space<semaphore_mem>>)
    %dma_wait3A_1047 = arith.constant 22 : i32
    %dma_wait3A_1048 = arith.constant 0 : i32
    %dma_wait3A_1049 = arith.constant 0 : i32
    %dma_wait3A_1050 = tpu.memref_slice %arg7[%dma_wait3A_1048, %dma_wait3A_1049] : memref<64x768xf32, #tpu.memory_space<vmem>> -> memref<32x768xf32, #tpu.memory_space<vmem>>
    %dma_wait3A_1051 = arith.constant 0 : i32
    %dma_wait3A_1052 = arith.constant 0 : i32
    %dma_wait3A_1053 = tpu.memref_slice %arg4[%dma_wait3A_1047, %dma_wait3A_1051, %dma_wait3A_1052] : memref<50x1024x768xf32, #tpu.memory_space<hbm>> -> memref<1x1024x768xf32, #tpu.memory_space<hbm>>
    %dma_wait3A_1054 = tpu.memref_squeeze %dma_wait3A_1053 : memref<1x1024x768xf32, #tpu.memory_space<hbm>> -> memref<1024x768xf32, #tpu.memory_space<hbm>>
    %dma_wait3A_1055 = arith.constant 0 : i32
    %dma_wait3A_1056 = tpu.memref_slice %dma_wait3A_1054[%mul3A_2, %dma_wait3A_1055] : memref<1024x768xf32, #tpu.memory_space<hbm>> -> memref<32x768xf32, #tpu.memory_space<hbm>>
    %dma_wait3A_1057 = arith.constant 0 : i32
    %dma_wait3A_1058 = arith.constant 0 : i32
    %dma_wait3A_1059 = tpu.memref_slice %arg4[%dma_wait3A_1047, %dma_wait3A_1057, %dma_wait3A_1058] : memref<50x1024x768xf32, #tpu.memory_space<hbm>> -> memref<1x1024x768xf32, #tpu.memory_space<hbm>>
    %dma_wait3A_1060 = tpu.memref_squeeze %dma_wait3A_1059 : memref<1x1024x768xf32, #tpu.memory_space<hbm>> -> memref<1024x768xf32, #tpu.memory_space<hbm>>
    %dma_wait3A_1061 = arith.constant 0 : i32
    %dma_wait3A_1062 = tpu.memref_slice %dma_wait3A_1060[%mul3A_2, %dma_wait3A_1061] : memref<1024x768xf32, #tpu.memory_space<hbm>> -> memref<32x768xf32, #tpu.memory_space<hbm>>
    %dma_wait3A_1063 = arith.constant 0 : i32
    %dma_wait3A_1064 = arith.constant 0 : i32
    %dma_wait3A_1065 = tpu.memref_slice %arg7[%dma_wait3A_1063, %dma_wait3A_1064] : memref<64x768xf32, #tpu.memory_space<vmem>> -> memref<32x768xf32, #tpu.memory_space<vmem>>
    tpu.wait_dma2 semaphore(%arg9 : memref<!tpu.dma_semaphore, #tpu.memory_space<semaphore_mem>>) src(%dma_wait3A_1065 : memref<32x768xf32, #tpu.memory_space<vmem>>) dst(%dma_wait3A_1062 : memref<32x768xf32, #tpu.memory_space<hbm>>)
    %dma_wait3A_1066 = arith.constant 23 : i32
    %dma_wait3A_1067 = arith.constant 32 : i32
    %dma_wait3A_1068 = arith.constant 0 : i32
    %dma_wait3A_1069 = tpu.memref_slice %arg7[%dma_wait3A_1067, %dma_wait3A_1068] : memref<64x768xf32, #tpu.memory_space<vmem>> -> memref<32x768xf32, #tpu.memory_space<vmem>>
    %dma_wait3A_1070 = arith.constant 0 : i32
    %dma_wait3A_1071 = arith.constant 0 : i32
    %dma_wait3A_1072 = tpu.memref_slice %arg4[%dma_wait3A_1066, %dma_wait3A_1070, %dma_wait3A_1071] : memref<50x1024x768xf32, #tpu.memory_space<hbm>> -> memref<1x1024x768xf32, #tpu.memory_space<hbm>>
    %dma_wait3A_1073 = tpu.memref_squeeze %dma_wait3A_1072 : memref<1x1024x768xf32, #tpu.memory_space<hbm>> -> memref<1024x768xf32, #tpu.memory_space<hbm>>
    %dma_wait3A_1074 = arith.constant 0 : i32
    %dma_wait3A_1075 = tpu.memref_slice %dma_wait3A_1073[%mul3A_2, %dma_wait3A_1074] : memref<1024x768xf32, #tpu.memory_space<hbm>> -> memref<32x768xf32, #tpu.memory_space<hbm>>
    %dma_wait3A_1076 = arith.constant 0 : i32
    %dma_wait3A_1077 = arith.constant 0 : i32
    %dma_wait3A_1078 = tpu.memref_slice %arg4[%dma_wait3A_1066, %dma_wait3A_1076, %dma_wait3A_1077] : memref<50x1024x768xf32, #tpu.memory_space<hbm>> -> memref<1x1024x768xf32, #tpu.memory_space<hbm>>
    %dma_wait3A_1079 = tpu.memref_squeeze %dma_wait3A_1078 : memref<1x1024x768xf32, #tpu.memory_space<hbm>> -> memref<1024x768xf32, #tpu.memory_space<hbm>>
    %dma_wait3A_1080 = arith.constant 0 : i32
    %dma_wait3A_1081 = tpu.memref_slice %dma_wait3A_1079[%mul3A_2, %dma_wait3A_1080] : memref<1024x768xf32, #tpu.memory_space<hbm>> -> memref<32x768xf32, #tpu.memory_space<hbm>>
    %dma_wait3A_1082 = arith.constant 32 : i32
    %dma_wait3A_1083 = arith.constant 0 : i32
    %dma_wait3A_1084 = tpu.memref_slice %arg7[%dma_wait3A_1082, %dma_wait3A_1083] : memref<64x768xf32, #tpu.memory_space<vmem>> -> memref<32x768xf32, #tpu.memory_space<vmem>>
    tpu.wait_dma2 semaphore(%arg9 : memref<!tpu.dma_semaphore, #tpu.memory_space<semaphore_mem>>) src(%dma_wait3A_1084 : memref<32x768xf32, #tpu.memory_space<vmem>>) dst(%dma_wait3A_1081 : memref<32x768xf32, #tpu.memory_space<hbm>>)
    %dma_start3A_1085 = arith.constant 832 : i32
    %dma_start3A_1086 = tpu.memref_slice %arg5[%dma_start3A_1085] : memref<1600xi32, #tpu.memory_space<vmem>> -> memref<64xi32, #tpu.memory_space<vmem>>
    %dma_start3A_1087 = arith.constant 0 : i32
    %dma_start3A_1088 = arith.constant 0 : i32
    %dma_start3A_1089 = tpu.memref_slice %arg3[%dma_start3A_1087, %dma_start3A_1088] : memref<32128x768xf32, #tpu.memory_space<hbm>> -> memref<32128x768xf32, #tpu.memory_space<hbm>>
    tpu.enqueue_indirect_dma source(%dma_start3A_1089 : memref<32128x768xf32, #tpu.memory_space<hbm>>) target(%arg7 : memref<64x768xf32, #tpu.memory_space<vmem>>) offsets(%dma_start3A_1086 : memref<64xi32, #tpu.memory_space<vmem>>) semaphore(%arg8 : memref<!tpu.dma_semaphore, #tpu.memory_space<semaphore_mem>>)
    %dma_wait3A_1090 = arith.constant 832 : i32
    %dma_wait3A_1091 = tpu.memref_slice %arg5[%dma_wait3A_1090] : memref<1600xi32, #tpu.memory_space<vmem>> -> memref<64xi32, #tpu.memory_space<vmem>>
    %dma_wait3A_1092 = arith.constant 0 : i32
    %dma_wait3A_1093 = arith.constant 0 : i32
    %dma_wait3A_1094 = tpu.memref_slice %arg3[%dma_wait3A_1092, %dma_wait3A_1093] : memref<32128x768xf32, #tpu.memory_space<hbm>> -> memref<32128x768xf32, #tpu.memory_space<hbm>>
    tpu.wait_indirect_dma semaphore(%arg8 : memref<!tpu.dma_semaphore, #tpu.memory_space<semaphore_mem>>) src(%dma_wait3A_1094 : memref<32128x768xf32, #tpu.memory_space<hbm>>) dst(%arg7 : memref<64x768xf32, #tpu.memory_space<vmem>>)
    %dma_start3A_1095 = arith.constant 26 : i32
    %dma_start3A_1096 = arith.constant 0 : i32
    %dma_start3A_1097 = arith.constant 0 : i32
    %dma_start3A_1098 = tpu.memref_slice %arg7[%dma_start3A_1096, %dma_start3A_1097] : memref<64x768xf32, #tpu.memory_space<vmem>> -> memref<32x768xf32, #tpu.memory_space<vmem>>
    %dma_start3A_1099 = arith.constant 0 : i32
    %dma_start3A_1100 = arith.constant 0 : i32
    %dma_start3A_1101 = tpu.memref_slice %arg4[%dma_start3A_1095, %dma_start3A_1099, %dma_start3A_1100] : memref<50x1024x768xf32, #tpu.memory_space<hbm>> -> memref<1x1024x768xf32, #tpu.memory_space<hbm>>
    %dma_start3A_1102 = tpu.memref_squeeze %dma_start3A_1101 : memref<1x1024x768xf32, #tpu.memory_space<hbm>> -> memref<1024x768xf32, #tpu.memory_space<hbm>>
    %dma_start3A_1103 = arith.constant 0 : i32
    %dma_start3A_1104 = tpu.memref_slice %dma_start3A_1102[%mul3A_2, %dma_start3A_1103] : memref<1024x768xf32, #tpu.memory_space<hbm>> -> memref<32x768xf32, #tpu.memory_space<hbm>>
    %dma_start3A_1105 = arith.constant 0 : i32
    %dma_start3A_1106 = arith.constant 0 : i32
    %dma_start3A_1107 = tpu.memref_slice %arg4[%dma_start3A_1095, %dma_start3A_1105, %dma_start3A_1106] : memref<50x1024x768xf32, #tpu.memory_space<hbm>> -> memref<1x1024x768xf32, #tpu.memory_space<hbm>>
    %dma_start3A_1108 = tpu.memref_squeeze %dma_start3A_1107 : memref<1x1024x768xf32, #tpu.memory_space<hbm>> -> memref<1024x768xf32, #tpu.memory_space<hbm>>
    %dma_start3A_1109 = arith.constant 0 : i32
    %dma_start3A_1110 = tpu.memref_slice %dma_start3A_1108[%mul3A_2, %dma_start3A_1109] : memref<1024x768xf32, #tpu.memory_space<hbm>> -> memref<32x768xf32, #tpu.memory_space<hbm>>
    %dma_start3A_1111 = arith.constant 0 : i32
    %dma_start3A_1112 = arith.constant 0 : i32
    %dma_start3A_1113 = tpu.memref_slice %arg7[%dma_start3A_1111, %dma_start3A_1112] : memref<64x768xf32, #tpu.memory_space<vmem>> -> memref<32x768xf32, #tpu.memory_space<vmem>>
    tpu.enqueue_dma source(%dma_start3A_1113 : memref<32x768xf32, #tpu.memory_space<vmem>>) target(%dma_start3A_1110 : memref<32x768xf32, #tpu.memory_space<hbm>>) target_semaphore(%arg9 : memref<!tpu.dma_semaphore, #tpu.memory_space<semaphore_mem>>)
    %dma_start3A_1114 = arith.constant 27 : i32
    %dma_start3A_1115 = arith.constant 32 : i32
    %dma_start3A_1116 = arith.constant 0 : i32
    %dma_start3A_1117 = tpu.memref_slice %arg7[%dma_start3A_1115, %dma_start3A_1116] : memref<64x768xf32, #tpu.memory_space<vmem>> -> memref<32x768xf32, #tpu.memory_space<vmem>>
    %dma_start3A_1118 = arith.constant 0 : i32
    %dma_start3A_1119 = arith.constant 0 : i32
    %dma_start3A_1120 = tpu.memref_slice %arg4[%dma_start3A_1114, %dma_start3A_1118, %dma_start3A_1119] : memref<50x1024x768xf32, #tpu.memory_space<hbm>> -> memref<1x1024x768xf32, #tpu.memory_space<hbm>>
    %dma_start3A_1121 = tpu.memref_squeeze %dma_start3A_1120 : memref<1x1024x768xf32, #tpu.memory_space<hbm>> -> memref<1024x768xf32, #tpu.memory_space<hbm>>
    %dma_start3A_1122 = arith.constant 0 : i32
    %dma_start3A_1123 = tpu.memref_slice %dma_start3A_1121[%mul3A_2, %dma_start3A_1122] : memref<1024x768xf32, #tpu.memory_space<hbm>> -> memref<32x768xf32, #tpu.memory_space<hbm>>
    %dma_start3A_1124 = arith.constant 0 : i32
    %dma_start3A_1125 = arith.constant 0 : i32
    %dma_start3A_1126 = tpu.memref_slice %arg4[%dma_start3A_1114, %dma_start3A_1124, %dma_start3A_1125] : memref<50x1024x768xf32, #tpu.memory_space<hbm>> -> memref<1x1024x768xf32, #tpu.memory_space<hbm>>
    %dma_start3A_1127 = tpu.memref_squeeze %dma_start3A_1126 : memref<1x1024x768xf32, #tpu.memory_space<hbm>> -> memref<1024x768xf32, #tpu.memory_space<hbm>>
    %dma_start3A_1128 = arith.constant 0 : i32
    %dma_start3A_1129 = tpu.memref_slice %dma_start3A_1127[%mul3A_2, %dma_start3A_1128] : memref<1024x768xf32, #tpu.memory_space<hbm>> -> memref<32x768xf32, #tpu.memory_space<hbm>>
    %dma_start3A_1130 = arith.constant 32 : i32
    %dma_start3A_1131 = arith.constant 0 : i32
    %dma_start3A_1132 = tpu.memref_slice %arg7[%dma_start3A_1130, %dma_start3A_1131] : memref<64x768xf32, #tpu.memory_space<vmem>> -> memref<32x768xf32, #tpu.memory_space<vmem>>
    tpu.enqueue_dma source(%dma_start3A_1132 : memref<32x768xf32, #tpu.memory_space<vmem>>) target(%dma_start3A_1129 : memref<32x768xf32, #tpu.memory_space<hbm>>) target_semaphore(%arg9 : memref<!tpu.dma_semaphore, #tpu.memory_space<semaphore_mem>>)
    %dma_wait3A_1133 = arith.constant 24 : i32
    %dma_wait3A_1134 = arith.constant 0 : i32
    %dma_wait3A_1135 = arith.constant 0 : i32
    %dma_wait3A_1136 = tpu.memref_slice %arg6[%dma_wait3A_1134, %dma_wait3A_1135] : memref<64x768xf32, #tpu.memory_space<vmem>> -> memref<32x768xf32, #tpu.memory_space<vmem>>
    %dma_wait3A_1137 = arith.constant 0 : i32
    %dma_wait3A_1138 = arith.constant 0 : i32
    %dma_wait3A_1139 = tpu.memref_slice %arg4[%dma_wait3A_1133, %dma_wait3A_1137, %dma_wait3A_1138] : memref<50x1024x768xf32, #tpu.memory_space<hbm>> -> memref<1x1024x768xf32, #tpu.memory_space<hbm>>
    %dma_wait3A_1140 = tpu.memref_squeeze %dma_wait3A_1139 : memref<1x1024x768xf32, #tpu.memory_space<hbm>> -> memref<1024x768xf32, #tpu.memory_space<hbm>>
    %dma_wait3A_1141 = arith.constant 0 : i32
    %dma_wait3A_1142 = tpu.memref_slice %dma_wait3A_1140[%mul3A_2, %dma_wait3A_1141] : memref<1024x768xf32, #tpu.memory_space<hbm>> -> memref<32x768xf32, #tpu.memory_space<hbm>>
    %dma_wait3A_1143 = arith.constant 0 : i32
    %dma_wait3A_1144 = arith.constant 0 : i32
    %dma_wait3A_1145 = tpu.memref_slice %arg4[%dma_wait3A_1133, %dma_wait3A_1143, %dma_wait3A_1144] : memref<50x1024x768xf32, #tpu.memory_space<hbm>> -> memref<1x1024x768xf32, #tpu.memory_space<hbm>>
    %dma_wait3A_1146 = tpu.memref_squeeze %dma_wait3A_1145 : memref<1x1024x768xf32, #tpu.memory_space<hbm>> -> memref<1024x768xf32, #tpu.memory_space<hbm>>
    %dma_wait3A_1147 = arith.constant 0 : i32
    %dma_wait3A_1148 = tpu.memref_slice %dma_wait3A_1146[%mul3A_2, %dma_wait3A_1147] : memref<1024x768xf32, #tpu.memory_space<hbm>> -> memref<32x768xf32, #tpu.memory_space<hbm>>
    %dma_wait3A_1149 = arith.constant 0 : i32
    %dma_wait3A_1150 = arith.constant 0 : i32
    %dma_wait3A_1151 = tpu.memref_slice %arg6[%dma_wait3A_1149, %dma_wait3A_1150] : memref<64x768xf32, #tpu.memory_space<vmem>> -> memref<32x768xf32, #tpu.memory_space<vmem>>
    tpu.wait_dma2 semaphore(%arg9 : memref<!tpu.dma_semaphore, #tpu.memory_space<semaphore_mem>>) src(%dma_wait3A_1151 : memref<32x768xf32, #tpu.memory_space<vmem>>) dst(%dma_wait3A_1148 : memref<32x768xf32, #tpu.memory_space<hbm>>)
    %dma_wait3A_1152 = arith.constant 25 : i32
    %dma_wait3A_1153 = arith.constant 32 : i32
    %dma_wait3A_1154 = arith.constant 0 : i32
    %dma_wait3A_1155 = tpu.memref_slice %arg6[%dma_wait3A_1153, %dma_wait3A_1154] : memref<64x768xf32, #tpu.memory_space<vmem>> -> memref<32x768xf32, #tpu.memory_space<vmem>>
    %dma_wait3A_1156 = arith.constant 0 : i32
    %dma_wait3A_1157 = arith.constant 0 : i32
    %dma_wait3A_1158 = tpu.memref_slice %arg4[%dma_wait3A_1152, %dma_wait3A_1156, %dma_wait3A_1157] : memref<50x1024x768xf32, #tpu.memory_space<hbm>> -> memref<1x1024x768xf32, #tpu.memory_space<hbm>>
    %dma_wait3A_1159 = tpu.memref_squeeze %dma_wait3A_1158 : memref<1x1024x768xf32, #tpu.memory_space<hbm>> -> memref<1024x768xf32, #tpu.memory_space<hbm>>
    %dma_wait3A_1160 = arith.constant 0 : i32
    %dma_wait3A_1161 = tpu.memref_slice %dma_wait3A_1159[%mul3A_2, %dma_wait3A_1160] : memref<1024x768xf32, #tpu.memory_space<hbm>> -> memref<32x768xf32, #tpu.memory_space<hbm>>
    %dma_wait3A_1162 = arith.constant 0 : i32
    %dma_wait3A_1163 = arith.constant 0 : i32
    %dma_wait3A_1164 = tpu.memref_slice %arg4[%dma_wait3A_1152, %dma_wait3A_1162, %dma_wait3A_1163] : memref<50x1024x768xf32, #tpu.memory_space<hbm>> -> memref<1x1024x768xf32, #tpu.memory_space<hbm>>
    %dma_wait3A_1165 = tpu.memref_squeeze %dma_wait3A_1164 : memref<1x1024x768xf32, #tpu.memory_space<hbm>> -> memref<1024x768xf32, #tpu.memory_space<hbm>>
    %dma_wait3A_1166 = arith.constant 0 : i32
    %dma_wait3A_1167 = tpu.memref_slice %dma_wait3A_1165[%mul3A_2, %dma_wait3A_1166] : memref<1024x768xf32, #tpu.memory_space<hbm>> -> memref<32x768xf32, #tpu.memory_space<hbm>>
    %dma_wait3A_1168 = arith.constant 32 : i32
    %dma_wait3A_1169 = arith.constant 0 : i32
    %dma_wait3A_1170 = tpu.memref_slice %arg6[%dma_wait3A_1168, %dma_wait3A_1169] : memref<64x768xf32, #tpu.memory_space<vmem>> -> memref<32x768xf32, #tpu.memory_space<vmem>>
    tpu.wait_dma2 semaphore(%arg9 : memref<!tpu.dma_semaphore, #tpu.memory_space<semaphore_mem>>) src(%dma_wait3A_1170 : memref<32x768xf32, #tpu.memory_space<vmem>>) dst(%dma_wait3A_1167 : memref<32x768xf32, #tpu.memory_space<hbm>>)
    %dma_start3A_1171 = arith.constant 896 : i32
    %dma_start3A_1172 = tpu.memref_slice %arg5[%dma_start3A_1171] : memref<1600xi32, #tpu.memory_space<vmem>> -> memref<64xi32, #tpu.memory_space<vmem>>
    %dma_start3A_1173 = arith.constant 0 : i32
    %dma_start3A_1174 = arith.constant 0 : i32
    %dma_start3A_1175 = tpu.memref_slice %arg3[%dma_start3A_1173, %dma_start3A_1174] : memref<32128x768xf32, #tpu.memory_space<hbm>> -> memref<32128x768xf32, #tpu.memory_space<hbm>>
    tpu.enqueue_indirect_dma source(%dma_start3A_1175 : memref<32128x768xf32, #tpu.memory_space<hbm>>) target(%arg6 : memref<64x768xf32, #tpu.memory_space<vmem>>) offsets(%dma_start3A_1172 : memref<64xi32, #tpu.memory_space<vmem>>) semaphore(%arg8 : memref<!tpu.dma_semaphore, #tpu.memory_space<semaphore_mem>>)
    %dma_wait3A_1176 = arith.constant 896 : i32
    %dma_wait3A_1177 = tpu.memref_slice %arg5[%dma_wait3A_1176] : memref<1600xi32, #tpu.memory_space<vmem>> -> memref<64xi32, #tpu.memory_space<vmem>>
    %dma_wait3A_1178 = arith.constant 0 : i32
    %dma_wait3A_1179 = arith.constant 0 : i32
    %dma_wait3A_1180 = tpu.memref_slice %arg3[%dma_wait3A_1178, %dma_wait3A_1179] : memref<32128x768xf32, #tpu.memory_space<hbm>> -> memref<32128x768xf32, #tpu.memory_space<hbm>>
    tpu.wait_indirect_dma semaphore(%arg8 : memref<!tpu.dma_semaphore, #tpu.memory_space<semaphore_mem>>) src(%dma_wait3A_1180 : memref<32128x768xf32, #tpu.memory_space<hbm>>) dst(%arg6 : memref<64x768xf32, #tpu.memory_space<vmem>>)
    %dma_start3A_1181 = arith.constant 28 : i32
    %dma_start3A_1182 = arith.constant 0 : i32
    %dma_start3A_1183 = arith.constant 0 : i32
    %dma_start3A_1184 = tpu.memref_slice %arg6[%dma_start3A_1182, %dma_start3A_1183] : memref<64x768xf32, #tpu.memory_space<vmem>> -> memref<32x768xf32, #tpu.memory_space<vmem>>
    %dma_start3A_1185 = arith.constant 0 : i32
    %dma_start3A_1186 = arith.constant 0 : i32
    %dma_start3A_1187 = tpu.memref_slice %arg4[%dma_start3A_1181, %dma_start3A_1185, %dma_start3A_1186] : memref<50x1024x768xf32, #tpu.memory_space<hbm>> -> memref<1x1024x768xf32, #tpu.memory_space<hbm>>
    %dma_start3A_1188 = tpu.memref_squeeze %dma_start3A_1187 : memref<1x1024x768xf32, #tpu.memory_space<hbm>> -> memref<1024x768xf32, #tpu.memory_space<hbm>>
    %dma_start3A_1189 = arith.constant 0 : i32
    %dma_start3A_1190 = tpu.memref_slice %dma_start3A_1188[%mul3A_2, %dma_start3A_1189] : memref<1024x768xf32, #tpu.memory_space<hbm>> -> memref<32x768xf32, #tpu.memory_space<hbm>>
    %dma_start3A_1191 = arith.constant 0 : i32
    %dma_start3A_1192 = arith.constant 0 : i32
    %dma_start3A_1193 = tpu.memref_slice %arg4[%dma_start3A_1181, %dma_start3A_1191, %dma_start3A_1192] : memref<50x1024x768xf32, #tpu.memory_space<hbm>> -> memref<1x1024x768xf32, #tpu.memory_space<hbm>>
    %dma_start3A_1194 = tpu.memref_squeeze %dma_start3A_1193 : memref<1x1024x768xf32, #tpu.memory_space<hbm>> -> memref<1024x768xf32, #tpu.memory_space<hbm>>
    %dma_start3A_1195 = arith.constant 0 : i32
    %dma_start3A_1196 = tpu.memref_slice %dma_start3A_1194[%mul3A_2, %dma_start3A_1195] : memref<1024x768xf32, #tpu.memory_space<hbm>> -> memref<32x768xf32, #tpu.memory_space<hbm>>
    %dma_start3A_1197 = arith.constant 0 : i32
    %dma_start3A_1198 = arith.constant 0 : i32
    %dma_start3A_1199 = tpu.memref_slice %arg6[%dma_start3A_1197, %dma_start3A_1198] : memref<64x768xf32, #tpu.memory_space<vmem>> -> memref<32x768xf32, #tpu.memory_space<vmem>>
    tpu.enqueue_dma source(%dma_start3A_1199 : memref<32x768xf32, #tpu.memory_space<vmem>>) target(%dma_start3A_1196 : memref<32x768xf32, #tpu.memory_space<hbm>>) target_semaphore(%arg9 : memref<!tpu.dma_semaphore, #tpu.memory_space<semaphore_mem>>)
    %dma_start3A_1200 = arith.constant 29 : i32
    %dma_start3A_1201 = arith.constant 32 : i32
    %dma_start3A_1202 = arith.constant 0 : i32
    %dma_start3A_1203 = tpu.memref_slice %arg6[%dma_start3A_1201, %dma_start3A_1202] : memref<64x768xf32, #tpu.memory_space<vmem>> -> memref<32x768xf32, #tpu.memory_space<vmem>>
    %dma_start3A_1204 = arith.constant 0 : i32
    %dma_start3A_1205 = arith.constant 0 : i32
    %dma_start3A_1206 = tpu.memref_slice %arg4[%dma_start3A_1200, %dma_start3A_1204, %dma_start3A_1205] : memref<50x1024x768xf32, #tpu.memory_space<hbm>> -> memref<1x1024x768xf32, #tpu.memory_space<hbm>>
    %dma_start3A_1207 = tpu.memref_squeeze %dma_start3A_1206 : memref<1x1024x768xf32, #tpu.memory_space<hbm>> -> memref<1024x768xf32, #tpu.memory_space<hbm>>
    %dma_start3A_1208 = arith.constant 0 : i32
    %dma_start3A_1209 = tpu.memref_slice %dma_start3A_1207[%mul3A_2, %dma_start3A_1208] : memref<1024x768xf32, #tpu.memory_space<hbm>> -> memref<32x768xf32, #tpu.memory_space<hbm>>
    %dma_start3A_1210 = arith.constant 0 : i32
    %dma_start3A_1211 = arith.constant 0 : i32
    %dma_start3A_1212 = tpu.memref_slice %arg4[%dma_start3A_1200, %dma_start3A_1210, %dma_start3A_1211] : memref<50x1024x768xf32, #tpu.memory_space<hbm>> -> memref<1x1024x768xf32, #tpu.memory_space<hbm>>
    %dma_start3A_1213 = tpu.memref_squeeze %dma_start3A_1212 : memref<1x1024x768xf32, #tpu.memory_space<hbm>> -> memref<1024x768xf32, #tpu.memory_space<hbm>>
    %dma_start3A_1214 = arith.constant 0 : i32
    %dma_start3A_1215 = tpu.memref_slice %dma_start3A_1213[%mul3A_2, %dma_start3A_1214] : memref<1024x768xf32, #tpu.memory_space<hbm>> -> memref<32x768xf32, #tpu.memory_space<hbm>>
    %dma_start3A_1216 = arith.constant 32 : i32
    %dma_start3A_1217 = arith.constant 0 : i32
    %dma_start3A_1218 = tpu.memref_slice %arg6[%dma_start3A_1216, %dma_start3A_1217] : memref<64x768xf32, #tpu.memory_space<vmem>> -> memref<32x768xf32, #tpu.memory_space<vmem>>
    tpu.enqueue_dma source(%dma_start3A_1218 : memref<32x768xf32, #tpu.memory_space<vmem>>) target(%dma_start3A_1215 : memref<32x768xf32, #tpu.memory_space<hbm>>) target_semaphore(%arg9 : memref<!tpu.dma_semaphore, #tpu.memory_space<semaphore_mem>>)
    %dma_wait3A_1219 = arith.constant 26 : i32
    %dma_wait3A_1220 = arith.constant 0 : i32
    %dma_wait3A_1221 = arith.constant 0 : i32
    %dma_wait3A_1222 = tpu.memref_slice %arg7[%dma_wait3A_1220, %dma_wait3A_1221] : memref<64x768xf32, #tpu.memory_space<vmem>> -> memref<32x768xf32, #tpu.memory_space<vmem>>
    %dma_wait3A_1223 = arith.constant 0 : i32
    %dma_wait3A_1224 = arith.constant 0 : i32
    %dma_wait3A_1225 = tpu.memref_slice %arg4[%dma_wait3A_1219, %dma_wait3A_1223, %dma_wait3A_1224] : memref<50x1024x768xf32, #tpu.memory_space<hbm>> -> memref<1x1024x768xf32, #tpu.memory_space<hbm>>
    %dma_wait3A_1226 = tpu.memref_squeeze %dma_wait3A_1225 : memref<1x1024x768xf32, #tpu.memory_space<hbm>> -> memref<1024x768xf32, #tpu.memory_space<hbm>>
    %dma_wait3A_1227 = arith.constant 0 : i32
    %dma_wait3A_1228 = tpu.memref_slice %dma_wait3A_1226[%mul3A_2, %dma_wait3A_1227] : memref<1024x768xf32, #tpu.memory_space<hbm>> -> memref<32x768xf32, #tpu.memory_space<hbm>>
    %dma_wait3A_1229 = arith.constant 0 : i32
    %dma_wait3A_1230 = arith.constant 0 : i32
    %dma_wait3A_1231 = tpu.memref_slice %arg4[%dma_wait3A_1219, %dma_wait3A_1229, %dma_wait3A_1230] : memref<50x1024x768xf32, #tpu.memory_space<hbm>> -> memref<1x1024x768xf32, #tpu.memory_space<hbm>>
    %dma_wait3A_1232 = tpu.memref_squeeze %dma_wait3A_1231 : memref<1x1024x768xf32, #tpu.memory_space<hbm>> -> memref<1024x768xf32, #tpu.memory_space<hbm>>
    %dma_wait3A_1233 = arith.constant 0 : i32
    %dma_wait3A_1234 = tpu.memref_slice %dma_wait3A_1232[%mul3A_2, %dma_wait3A_1233] : memref<1024x768xf32, #tpu.memory_space<hbm>> -> memref<32x768xf32, #tpu.memory_space<hbm>>
    %dma_wait3A_1235 = arith.constant 0 : i32
    %dma_wait3A_1236 = arith.constant 0 : i32
    %dma_wait3A_1237 = tpu.memref_slice %arg7[%dma_wait3A_1235, %dma_wait3A_1236] : memref<64x768xf32, #tpu.memory_space<vmem>> -> memref<32x768xf32, #tpu.memory_space<vmem>>
    tpu.wait_dma2 semaphore(%arg9 : memref<!tpu.dma_semaphore, #tpu.memory_space<semaphore_mem>>) src(%dma_wait3A_1237 : memref<32x768xf32, #tpu.memory_space<vmem>>) dst(%dma_wait3A_1234 : memref<32x768xf32, #tpu.memory_space<hbm>>)
    %dma_wait3A_1238 = arith.constant 27 : i32
    %dma_wait3A_1239 = arith.constant 32 : i32
    %dma_wait3A_1240 = arith.constant 0 : i32
    %dma_wait3A_1241 = tpu.memref_slice %arg7[%dma_wait3A_1239, %dma_wait3A_1240] : memref<64x768xf32, #tpu.memory_space<vmem>> -> memref<32x768xf32, #tpu.memory_space<vmem>>
    %dma_wait3A_1242 = arith.constant 0 : i32
    %dma_wait3A_1243 = arith.constant 0 : i32
    %dma_wait3A_1244 = tpu.memref_slice %arg4[%dma_wait3A_1238, %dma_wait3A_1242, %dma_wait3A_1243] : memref<50x1024x768xf32, #tpu.memory_space<hbm>> -> memref<1x1024x768xf32, #tpu.memory_space<hbm>>
    %dma_wait3A_1245 = tpu.memref_squeeze %dma_wait3A_1244 : memref<1x1024x768xf32, #tpu.memory_space<hbm>> -> memref<1024x768xf32, #tpu.memory_space<hbm>>
    %dma_wait3A_1246 = arith.constant 0 : i32
    %dma_wait3A_1247 = tpu.memref_slice %dma_wait3A_1245[%mul3A_2, %dma_wait3A_1246] : memref<1024x768xf32, #tpu.memory_space<hbm>> -> memref<32x768xf32, #tpu.memory_space<hbm>>
    %dma_wait3A_1248 = arith.constant 0 : i32
    %dma_wait3A_1249 = arith.constant 0 : i32
    %dma_wait3A_1250 = tpu.memref_slice %arg4[%dma_wait3A_1238, %dma_wait3A_1248, %dma_wait3A_1249] : memref<50x1024x768xf32, #tpu.memory_space<hbm>> -> memref<1x1024x768xf32, #tpu.memory_space<hbm>>
    %dma_wait3A_1251 = tpu.memref_squeeze %dma_wait3A_1250 : memref<1x1024x768xf32, #tpu.memory_space<hbm>> -> memref<1024x768xf32, #tpu.memory_space<hbm>>
    %dma_wait3A_1252 = arith.constant 0 : i32
    %dma_wait3A_1253 = tpu.memref_slice %dma_wait3A_1251[%mul3A_2, %dma_wait3A_1252] : memref<1024x768xf32, #tpu.memory_space<hbm>> -> memref<32x768xf32, #tpu.memory_space<hbm>>
    %dma_wait3A_1254 = arith.constant 32 : i32
    %dma_wait3A_1255 = arith.constant 0 : i32
    %dma_wait3A_1256 = tpu.memref_slice %arg7[%dma_wait3A_1254, %dma_wait3A_1255] : memref<64x768xf32, #tpu.memory_space<vmem>> -> memref<32x768xf32, #tpu.memory_space<vmem>>
    tpu.wait_dma2 semaphore(%arg9 : memref<!tpu.dma_semaphore, #tpu.memory_space<semaphore_mem>>) src(%dma_wait3A_1256 : memref<32x768xf32, #tpu.memory_space<vmem>>) dst(%dma_wait3A_1253 : memref<32x768xf32, #tpu.memory_space<hbm>>)
    %dma_start3A_1257 = arith.constant 960 : i32
    %dma_start3A_1258 = tpu.memref_slice %arg5[%dma_start3A_1257] : memref<1600xi32, #tpu.memory_space<vmem>> -> memref<64xi32, #tpu.memory_space<vmem>>
    %dma_start3A_1259 = arith.constant 0 : i32
    %dma_start3A_1260 = arith.constant 0 : i32
    %dma_start3A_1261 = tpu.memref_slice %arg3[%dma_start3A_1259, %dma_start3A_1260] : memref<32128x768xf32, #tpu.memory_space<hbm>> -> memref<32128x768xf32, #tpu.memory_space<hbm>>
    tpu.enqueue_indirect_dma source(%dma_start3A_1261 : memref<32128x768xf32, #tpu.memory_space<hbm>>) target(%arg7 : memref<64x768xf32, #tpu.memory_space<vmem>>) offsets(%dma_start3A_1258 : memref<64xi32, #tpu.memory_space<vmem>>) semaphore(%arg8 : memref<!tpu.dma_semaphore, #tpu.memory_space<semaphore_mem>>)
    %dma_wait3A_1262 = arith.constant 960 : i32
    %dma_wait3A_1263 = tpu.memref_slice %arg5[%dma_wait3A_1262] : memref<1600xi32, #tpu.memory_space<vmem>> -> memref<64xi32, #tpu.memory_space<vmem>>
    %dma_wait3A_1264 = arith.constant 0 : i32
    %dma_wait3A_1265 = arith.constant 0 : i32
    %dma_wait3A_1266 = tpu.memref_slice %arg3[%dma_wait3A_1264, %dma_wait3A_1265] : memref<32128x768xf32, #tpu.memory_space<hbm>> -> memref<32128x768xf32, #tpu.memory_space<hbm>>
    tpu.wait_indirect_dma semaphore(%arg8 : memref<!tpu.dma_semaphore, #tpu.memory_space<semaphore_mem>>) src(%dma_wait3A_1266 : memref<32128x768xf32, #tpu.memory_space<hbm>>) dst(%arg7 : memref<64x768xf32, #tpu.memory_space<vmem>>)
    %dma_start3A_1267 = arith.constant 30 : i32
    %dma_start3A_1268 = arith.constant 0 : i32
    %dma_start3A_1269 = arith.constant 0 : i32
    %dma_start3A_1270 = tpu.memref_slice %arg7[%dma_start3A_1268, %dma_start3A_1269] : memref<64x768xf32, #tpu.memory_space<vmem>> -> memref<32x768xf32, #tpu.memory_space<vmem>>
    %dma_start3A_1271 = arith.constant 0 : i32
    %dma_start3A_1272 = arith.constant 0 : i32
    %dma_start3A_1273 = tpu.memref_slice %arg4[%dma_start3A_1267, %dma_start3A_1271, %dma_start3A_1272] : memref<50x1024x768xf32, #tpu.memory_space<hbm>> -> memref<1x1024x768xf32, #tpu.memory_space<hbm>>
    %dma_start3A_1274 = tpu.memref_squeeze %dma_start3A_1273 : memref<1x1024x768xf32, #tpu.memory_space<hbm>> -> memref<1024x768xf32, #tpu.memory_space<hbm>>
    %dma_start3A_1275 = arith.constant 0 : i32
    %dma_start3A_1276 = tpu.memref_slice %dma_start3A_1274[%mul3A_2, %dma_start3A_1275] : memref<1024x768xf32, #tpu.memory_space<hbm>> -> memref<32x768xf32, #tpu.memory_space<hbm>>
    %dma_start3A_1277 = arith.constant 0 : i32
    %dma_start3A_1278 = arith.constant 0 : i32
    %dma_start3A_1279 = tpu.memref_slice %arg4[%dma_start3A_1267, %dma_start3A_1277, %dma_start3A_1278] : memref<50x1024x768xf32, #tpu.memory_space<hbm>> -> memref<1x1024x768xf32, #tpu.memory_space<hbm>>
    %dma_start3A_1280 = tpu.memref_squeeze %dma_start3A_1279 : memref<1x1024x768xf32, #tpu.memory_space<hbm>> -> memref<1024x768xf32, #tpu.memory_space<hbm>>
    %dma_start3A_1281 = arith.constant 0 : i32
    %dma_start3A_1282 = tpu.memref_slice %dma_start3A_1280[%mul3A_2, %dma_start3A_1281] : memref<1024x768xf32, #tpu.memory_space<hbm>> -> memref<32x768xf32, #tpu.memory_space<hbm>>
    %dma_start3A_1283 = arith.constant 0 : i32
    %dma_start3A_1284 = arith.constant 0 : i32
    %dma_start3A_1285 = tpu.memref_slice %arg7[%dma_start3A_1283, %dma_start3A_1284] : memref<64x768xf32, #tpu.memory_space<vmem>> -> memref<32x768xf32, #tpu.memory_space<vmem>>
    tpu.enqueue_dma source(%dma_start3A_1285 : memref<32x768xf32, #tpu.memory_space<vmem>>) target(%dma_start3A_1282 : memref<32x768xf32, #tpu.memory_space<hbm>>) target_semaphore(%arg9 : memref<!tpu.dma_semaphore, #tpu.memory_space<semaphore_mem>>)
    %dma_start3A_1286 = arith.constant 31 : i32
    %dma_start3A_1287 = arith.constant 32 : i32
    %dma_start3A_1288 = arith.constant 0 : i32
    %dma_start3A_1289 = tpu.memref_slice %arg7[%dma_start3A_1287, %dma_start3A_1288] : memref<64x768xf32, #tpu.memory_space<vmem>> -> memref<32x768xf32, #tpu.memory_space<vmem>>
    %dma_start3A_1290 = arith.constant 0 : i32
    %dma_start3A_1291 = arith.constant 0 : i32
    %dma_start3A_1292 = tpu.memref_slice %arg4[%dma_start3A_1286, %dma_start3A_1290, %dma_start3A_1291] : memref<50x1024x768xf32, #tpu.memory_space<hbm>> -> memref<1x1024x768xf32, #tpu.memory_space<hbm>>
    %dma_start3A_1293 = tpu.memref_squeeze %dma_start3A_1292 : memref<1x1024x768xf32, #tpu.memory_space<hbm>> -> memref<1024x768xf32, #tpu.memory_space<hbm>>
    %dma_start3A_1294 = arith.constant 0 : i32
    %dma_start3A_1295 = tpu.memref_slice %dma_start3A_1293[%mul3A_2, %dma_start3A_1294] : memref<1024x768xf32, #tpu.memory_space<hbm>> -> memref<32x768xf32, #tpu.memory_space<hbm>>
    %dma_start3A_1296 = arith.constant 0 : i32
    %dma_start3A_1297 = arith.constant 0 : i32
    %dma_start3A_1298 = tpu.memref_slice %arg4[%dma_start3A_1286, %dma_start3A_1296, %dma_start3A_1297] : memref<50x1024x768xf32, #tpu.memory_space<hbm>> -> memref<1x1024x768xf32, #tpu.memory_space<hbm>>
    %dma_start3A_1299 = tpu.memref_squeeze %dma_start3A_1298 : memref<1x1024x768xf32, #tpu.memory_space<hbm>> -> memref<1024x768xf32, #tpu.memory_space<hbm>>
    %dma_start3A_1300 = arith.constant 0 : i32
    %dma_start3A_1301 = tpu.memref_slice %dma_start3A_1299[%mul3A_2, %dma_start3A_1300] : memref<1024x768xf32, #tpu.memory_space<hbm>> -> memref<32x768xf32, #tpu.memory_space<hbm>>
    %dma_start3A_1302 = arith.constant 32 : i32
    %dma_start3A_1303 = arith.constant 0 : i32
    %dma_start3A_1304 = tpu.memref_slice %arg7[%dma_start3A_1302, %dma_start3A_1303] : memref<64x768xf32, #tpu.memory_space<vmem>> -> memref<32x768xf32, #tpu.memory_space<vmem>>
    tpu.enqueue_dma source(%dma_start3A_1304 : memref<32x768xf32, #tpu.memory_space<vmem>>) target(%dma_start3A_1301 : memref<32x768xf32, #tpu.memory_space<hbm>>) target_semaphore(%arg9 : memref<!tpu.dma_semaphore, #tpu.memory_space<semaphore_mem>>)
    %dma_wait3A_1305 = arith.constant 28 : i32
    %dma_wait3A_1306 = arith.constant 0 : i32
    %dma_wait3A_1307 = arith.constant 0 : i32
    %dma_wait3A_1308 = tpu.memref_slice %arg6[%dma_wait3A_1306, %dma_wait3A_1307] : memref<64x768xf32, #tpu.memory_space<vmem>> -> memref<32x768xf32, #tpu.memory_space<vmem>>
    %dma_wait3A_1309 = arith.constant 0 : i32
    %dma_wait3A_1310 = arith.constant 0 : i32
    %dma_wait3A_1311 = tpu.memref_slice %arg4[%dma_wait3A_1305, %dma_wait3A_1309, %dma_wait3A_1310] : memref<50x1024x768xf32, #tpu.memory_space<hbm>> -> memref<1x1024x768xf32, #tpu.memory_space<hbm>>
    %dma_wait3A_1312 = tpu.memref_squeeze %dma_wait3A_1311 : memref<1x1024x768xf32, #tpu.memory_space<hbm>> -> memref<1024x768xf32, #tpu.memory_space<hbm>>
    %dma_wait3A_1313 = arith.constant 0 : i32
    %dma_wait3A_1314 = tpu.memref_slice %dma_wait3A_1312[%mul3A_2, %dma_wait3A_1313] : memref<1024x768xf32, #tpu.memory_space<hbm>> -> memref<32x768xf32, #tpu.memory_space<hbm>>
    %dma_wait3A_1315 = arith.constant 0 : i32
    %dma_wait3A_1316 = arith.constant 0 : i32
    %dma_wait3A_1317 = tpu.memref_slice %arg4[%dma_wait3A_1305, %dma_wait3A_1315, %dma_wait3A_1316] : memref<50x1024x768xf32, #tpu.memory_space<hbm>> -> memref<1x1024x768xf32, #tpu.memory_space<hbm>>
    %dma_wait3A_1318 = tpu.memref_squeeze %dma_wait3A_1317 : memref<1x1024x768xf32, #tpu.memory_space<hbm>> -> memref<1024x768xf32, #tpu.memory_space<hbm>>
    %dma_wait3A_1319 = arith.constant 0 : i32
    %dma_wait3A_1320 = tpu.memref_slice %dma_wait3A_1318[%mul3A_2, %dma_wait3A_1319] : memref<1024x768xf32, #tpu.memory_space<hbm>> -> memref<32x768xf32, #tpu.memory_space<hbm>>
    %dma_wait3A_1321 = arith.constant 0 : i32
    %dma_wait3A_1322 = arith.constant 0 : i32
    %dma_wait3A_1323 = tpu.memref_slice %arg6[%dma_wait3A_1321, %dma_wait3A_1322] : memref<64x768xf32, #tpu.memory_space<vmem>> -> memref<32x768xf32, #tpu.memory_space<vmem>>
    tpu.wait_dma2 semaphore(%arg9 : memref<!tpu.dma_semaphore, #tpu.memory_space<semaphore_mem>>) src(%dma_wait3A_1323 : memref<32x768xf32, #tpu.memory_space<vmem>>) dst(%dma_wait3A_1320 : memref<32x768xf32, #tpu.memory_space<hbm>>)
    %dma_wait3A_1324 = arith.constant 29 : i32
    %dma_wait3A_1325 = arith.constant 32 : i32
    %dma_wait3A_1326 = arith.constant 0 : i32
    %dma_wait3A_1327 = tpu.memref_slice %arg6[%dma_wait3A_1325, %dma_wait3A_1326] : memref<64x768xf32, #tpu.memory_space<vmem>> -> memref<32x768xf32, #tpu.memory_space<vmem>>
    %dma_wait3A_1328 = arith.constant 0 : i32
    %dma_wait3A_1329 = arith.constant 0 : i32
    %dma_wait3A_1330 = tpu.memref_slice %arg4[%dma_wait3A_1324, %dma_wait3A_1328, %dma_wait3A_1329] : memref<50x1024x768xf32, #tpu.memory_space<hbm>> -> memref<1x1024x768xf32, #tpu.memory_space<hbm>>
    %dma_wait3A_1331 = tpu.memref_squeeze %dma_wait3A_1330 : memref<1x1024x768xf32, #tpu.memory_space<hbm>> -> memref<1024x768xf32, #tpu.memory_space<hbm>>
    %dma_wait3A_1332 = arith.constant 0 : i32
    %dma_wait3A_1333 = tpu.memref_slice %dma_wait3A_1331[%mul3A_2, %dma_wait3A_1332] : memref<1024x768xf32, #tpu.memory_space<hbm>> -> memref<32x768xf32, #tpu.memory_space<hbm>>
    %dma_wait3A_1334 = arith.constant 0 : i32
    %dma_wait3A_1335 = arith.constant 0 : i32
    %dma_wait3A_1336 = tpu.memref_slice %arg4[%dma_wait3A_1324, %dma_wait3A_1334, %dma_wait3A_1335] : memref<50x1024x768xf32, #tpu.memory_space<hbm>> -> memref<1x1024x768xf32, #tpu.memory_space<hbm>>
    %dma_wait3A_1337 = tpu.memref_squeeze %dma_wait3A_1336 : memref<1x1024x768xf32, #tpu.memory_space<hbm>> -> memref<1024x768xf32, #tpu.memory_space<hbm>>
    %dma_wait3A_1338 = arith.constant 0 : i32
    %dma_wait3A_1339 = tpu.memref_slice %dma_wait3A_1337[%mul3A_2, %dma_wait3A_1338] : memref<1024x768xf32, #tpu.memory_space<hbm>> -> memref<32x768xf32, #tpu.memory_space<hbm>>
    %dma_wait3A_1340 = arith.constant 32 : i32
    %dma_wait3A_1341 = arith.constant 0 : i32
    %dma_wait3A_1342 = tpu.memref_slice %arg6[%dma_wait3A_1340, %dma_wait3A_1341] : memref<64x768xf32, #tpu.memory_space<vmem>> -> memref<32x768xf32, #tpu.memory_space<vmem>>
    tpu.wait_dma2 semaphore(%arg9 : memref<!tpu.dma_semaphore, #tpu.memory_space<semaphore_mem>>) src(%dma_wait3A_1342 : memref<32x768xf32, #tpu.memory_space<vmem>>) dst(%dma_wait3A_1339 : memref<32x768xf32, #tpu.memory_space<hbm>>)
    %dma_start3A_1343 = arith.constant 1024 : i32
    %dma_start3A_1344 = tpu.memref_slice %arg5[%dma_start3A_1343] : memref<1600xi32, #tpu.memory_space<vmem>> -> memref<64xi32, #tpu.memory_space<vmem>>
    %dma_start3A_1345 = arith.constant 0 : i32
    %dma_start3A_1346 = arith.constant 0 : i32
    %dma_start3A_1347 = tpu.memref_slice %arg3[%dma_start3A_1345, %dma_start3A_1346] : memref<32128x768xf32, #tpu.memory_space<hbm>> -> memref<32128x768xf32, #tpu.memory_space<hbm>>
    tpu.enqueue_indirect_dma source(%dma_start3A_1347 : memref<32128x768xf32, #tpu.memory_space<hbm>>) target(%arg6 : memref<64x768xf32, #tpu.memory_space<vmem>>) offsets(%dma_start3A_1344 : memref<64xi32, #tpu.memory_space<vmem>>) semaphore(%arg8 : memref<!tpu.dma_semaphore, #tpu.memory_space<semaphore_mem>>)
    %dma_wait3A_1348 = arith.constant 1024 : i32
    %dma_wait3A_1349 = tpu.memref_slice %arg5[%dma_wait3A_1348] : memref<1600xi32, #tpu.memory_space<vmem>> -> memref<64xi32, #tpu.memory_space<vmem>>
    %dma_wait3A_1350 = arith.constant 0 : i32
    %dma_wait3A_1351 = arith.constant 0 : i32
    %dma_wait3A_1352 = tpu.memref_slice %arg3[%dma_wait3A_1350, %dma_wait3A_1351] : memref<32128x768xf32, #tpu.memory_space<hbm>> -> memref<32128x768xf32, #tpu.memory_space<hbm>>
    tpu.wait_indirect_dma semaphore(%arg8 : memref<!tpu.dma_semaphore, #tpu.memory_space<semaphore_mem>>) src(%dma_wait3A_1352 : memref<32128x768xf32, #tpu.memory_space<hbm>>) dst(%arg6 : memref<64x768xf32, #tpu.memory_space<vmem>>)
    %dma_start3A_1353 = arith.constant 32 : i32
    %dma_start3A_1354 = arith.constant 0 : i32
    %dma_start3A_1355 = arith.constant 0 : i32
    %dma_start3A_1356 = tpu.memref_slice %arg6[%dma_start3A_1354, %dma_start3A_1355] : memref<64x768xf32, #tpu.memory_space<vmem>> -> memref<32x768xf32, #tpu.memory_space<vmem>>
    %dma_start3A_1357 = arith.constant 0 : i32
    %dma_start3A_1358 = arith.constant 0 : i32
    %dma_start3A_1359 = tpu.memref_slice %arg4[%dma_start3A_1353, %dma_start3A_1357, %dma_start3A_1358] : memref<50x1024x768xf32, #tpu.memory_space<hbm>> -> memref<1x1024x768xf32, #tpu.memory_space<hbm>>
    %dma_start3A_1360 = tpu.memref_squeeze %dma_start3A_1359 : memref<1x1024x768xf32, #tpu.memory_space<hbm>> -> memref<1024x768xf32, #tpu.memory_space<hbm>>
    %dma_start3A_1361 = arith.constant 0 : i32
    %dma_start3A_1362 = tpu.memref_slice %dma_start3A_1360[%mul3A_2, %dma_start3A_1361] : memref<1024x768xf32, #tpu.memory_space<hbm>> -> memref<32x768xf32, #tpu.memory_space<hbm>>
    %dma_start3A_1363 = arith.constant 0 : i32
    %dma_start3A_1364 = arith.constant 0 : i32
    %dma_start3A_1365 = tpu.memref_slice %arg4[%dma_start3A_1353, %dma_start3A_1363, %dma_start3A_1364] : memref<50x1024x768xf32, #tpu.memory_space<hbm>> -> memref<1x1024x768xf32, #tpu.memory_space<hbm>>
    %dma_start3A_1366 = tpu.memref_squeeze %dma_start3A_1365 : memref<1x1024x768xf32, #tpu.memory_space<hbm>> -> memref<1024x768xf32, #tpu.memory_space<hbm>>
    %dma_start3A_1367 = arith.constant 0 : i32
    %dma_start3A_1368 = tpu.memref_slice %dma_start3A_1366[%mul3A_2, %dma_start3A_1367] : memref<1024x768xf32, #tpu.memory_space<hbm>> -> memref<32x768xf32, #tpu.memory_space<hbm>>
    %dma_start3A_1369 = arith.constant 0 : i32
    %dma_start3A_1370 = arith.constant 0 : i32
    %dma_start3A_1371 = tpu.memref_slice %arg6[%dma_start3A_1369, %dma_start3A_1370] : memref<64x768xf32, #tpu.memory_space<vmem>> -> memref<32x768xf32, #tpu.memory_space<vmem>>
    tpu.enqueue_dma source(%dma_start3A_1371 : memref<32x768xf32, #tpu.memory_space<vmem>>) target(%dma_start3A_1368 : memref<32x768xf32, #tpu.memory_space<hbm>>) target_semaphore(%arg9 : memref<!tpu.dma_semaphore, #tpu.memory_space<semaphore_mem>>)
    %dma_start3A_1372 = arith.constant 33 : i32
    %dma_start3A_1373 = arith.constant 32 : i32
    %dma_start3A_1374 = arith.constant 0 : i32
    %dma_start3A_1375 = tpu.memref_slice %arg6[%dma_start3A_1373, %dma_start3A_1374] : memref<64x768xf32, #tpu.memory_space<vmem>> -> memref<32x768xf32, #tpu.memory_space<vmem>>
    %dma_start3A_1376 = arith.constant 0 : i32
    %dma_start3A_1377 = arith.constant 0 : i32
    %dma_start3A_1378 = tpu.memref_slice %arg4[%dma_start3A_1372, %dma_start3A_1376, %dma_start3A_1377] : memref<50x1024x768xf32, #tpu.memory_space<hbm>> -> memref<1x1024x768xf32, #tpu.memory_space<hbm>>
    %dma_start3A_1379 = tpu.memref_squeeze %dma_start3A_1378 : memref<1x1024x768xf32, #tpu.memory_space<hbm>> -> memref<1024x768xf32, #tpu.memory_space<hbm>>
    %dma_start3A_1380 = arith.constant 0 : i32
    %dma_start3A_1381 = tpu.memref_slice %dma_start3A_1379[%mul3A_2, %dma_start3A_1380] : memref<1024x768xf32, #tpu.memory_space<hbm>> -> memref<32x768xf32, #tpu.memory_space<hbm>>
    %dma_start3A_1382 = arith.constant 0 : i32
    %dma_start3A_1383 = arith.constant 0 : i32
    %dma_start3A_1384 = tpu.memref_slice %arg4[%dma_start3A_1372, %dma_start3A_1382, %dma_start3A_1383] : memref<50x1024x768xf32, #tpu.memory_space<hbm>> -> memref<1x1024x768xf32, #tpu.memory_space<hbm>>
    %dma_start3A_1385 = tpu.memref_squeeze %dma_start3A_1384 : memref<1x1024x768xf32, #tpu.memory_space<hbm>> -> memref<1024x768xf32, #tpu.memory_space<hbm>>
    %dma_start3A_1386 = arith.constant 0 : i32
    %dma_start3A_1387 = tpu.memref_slice %dma_start3A_1385[%mul3A_2, %dma_start3A_1386] : memref<1024x768xf32, #tpu.memory_space<hbm>> -> memref<32x768xf32, #tpu.memory_space<hbm>>
    %dma_start3A_1388 = arith.constant 32 : i32
    %dma_start3A_1389 = arith.constant 0 : i32
    %dma_start3A_1390 = tpu.memref_slice %arg6[%dma_start3A_1388, %dma_start3A_1389] : memref<64x768xf32, #tpu.memory_space<vmem>> -> memref<32x768xf32, #tpu.memory_space<vmem>>
    tpu.enqueue_dma source(%dma_start3A_1390 : memref<32x768xf32, #tpu.memory_space<vmem>>) target(%dma_start3A_1387 : memref<32x768xf32, #tpu.memory_space<hbm>>) target_semaphore(%arg9 : memref<!tpu.dma_semaphore, #tpu.memory_space<semaphore_mem>>)
    %dma_wait3A_1391 = arith.constant 30 : i32
    %dma_wait3A_1392 = arith.constant 0 : i32
    %dma_wait3A_1393 = arith.constant 0 : i32
    %dma_wait3A_1394 = tpu.memref_slice %arg7[%dma_wait3A_1392, %dma_wait3A_1393] : memref<64x768xf32, #tpu.memory_space<vmem>> -> memref<32x768xf32, #tpu.memory_space<vmem>>
    %dma_wait3A_1395 = arith.constant 0 : i32
    %dma_wait3A_1396 = arith.constant 0 : i32
    %dma_wait3A_1397 = tpu.memref_slice %arg4[%dma_wait3A_1391, %dma_wait3A_1395, %dma_wait3A_1396] : memref<50x1024x768xf32, #tpu.memory_space<hbm>> -> memref<1x1024x768xf32, #tpu.memory_space<hbm>>
    %dma_wait3A_1398 = tpu.memref_squeeze %dma_wait3A_1397 : memref<1x1024x768xf32, #tpu.memory_space<hbm>> -> memref<1024x768xf32, #tpu.memory_space<hbm>>
    %dma_wait3A_1399 = arith.constant 0 : i32
    %dma_wait3A_1400 = tpu.memref_slice %dma_wait3A_1398[%mul3A_2, %dma_wait3A_1399] : memref<1024x768xf32, #tpu.memory_space<hbm>> -> memref<32x768xf32, #tpu.memory_space<hbm>>
    %dma_wait3A_1401 = arith.constant 0 : i32
    %dma_wait3A_1402 = arith.constant 0 : i32
    %dma_wait3A_1403 = tpu.memref_slice %arg4[%dma_wait3A_1391, %dma_wait3A_1401, %dma_wait3A_1402] : memref<50x1024x768xf32, #tpu.memory_space<hbm>> -> memref<1x1024x768xf32, #tpu.memory_space<hbm>>
    %dma_wait3A_1404 = tpu.memref_squeeze %dma_wait3A_1403 : memref<1x1024x768xf32, #tpu.memory_space<hbm>> -> memref<1024x768xf32, #tpu.memory_space<hbm>>
    %dma_wait3A_1405 = arith.constant 0 : i32
    %dma_wait3A_1406 = tpu.memref_slice %dma_wait3A_1404[%mul3A_2, %dma_wait3A_1405] : memref<1024x768xf32, #tpu.memory_space<hbm>> -> memref<32x768xf32, #tpu.memory_space<hbm>>
    %dma_wait3A_1407 = arith.constant 0 : i32
    %dma_wait3A_1408 = arith.constant 0 : i32
    %dma_wait3A_1409 = tpu.memref_slice %arg7[%dma_wait3A_1407, %dma_wait3A_1408] : memref<64x768xf32, #tpu.memory_space<vmem>> -> memref<32x768xf32, #tpu.memory_space<vmem>>
    tpu.wait_dma2 semaphore(%arg9 : memref<!tpu.dma_semaphore, #tpu.memory_space<semaphore_mem>>) src(%dma_wait3A_1409 : memref<32x768xf32, #tpu.memory_space<vmem>>) dst(%dma_wait3A_1406 : memref<32x768xf32, #tpu.memory_space<hbm>>)
    %dma_wait3A_1410 = arith.constant 31 : i32
    %dma_wait3A_1411 = arith.constant 32 : i32
    %dma_wait3A_1412 = arith.constant 0 : i32
    %dma_wait3A_1413 = tpu.memref_slice %arg7[%dma_wait3A_1411, %dma_wait3A_1412] : memref<64x768xf32, #tpu.memory_space<vmem>> -> memref<32x768xf32, #tpu.memory_space<vmem>>
    %dma_wait3A_1414 = arith.constant 0 : i32
    %dma_wait3A_1415 = arith.constant 0 : i32
    %dma_wait3A_1416 = tpu.memref_slice %arg4[%dma_wait3A_1410, %dma_wait3A_1414, %dma_wait3A_1415] : memref<50x1024x768xf32, #tpu.memory_space<hbm>> -> memref<1x1024x768xf32, #tpu.memory_space<hbm>>
    %dma_wait3A_1417 = tpu.memref_squeeze %dma_wait3A_1416 : memref<1x1024x768xf32, #tpu.memory_space<hbm>> -> memref<1024x768xf32, #tpu.memory_space<hbm>>
    %dma_wait3A_1418 = arith.constant 0 : i32
    %dma_wait3A_1419 = tpu.memref_slice %dma_wait3A_1417[%mul3A_2, %dma_wait3A_1418] : memref<1024x768xf32, #tpu.memory_space<hbm>> -> memref<32x768xf32, #tpu.memory_space<hbm>>
    %dma_wait3A_1420 = arith.constant 0 : i32
    %dma_wait3A_1421 = arith.constant 0 : i32
    %dma_wait3A_1422 = tpu.memref_slice %arg4[%dma_wait3A_1410, %dma_wait3A_1420, %dma_wait3A_1421] : memref<50x1024x768xf32, #tpu.memory_space<hbm>> -> memref<1x1024x768xf32, #tpu.memory_space<hbm>>
    %dma_wait3A_1423 = tpu.memref_squeeze %dma_wait3A_1422 : memref<1x1024x768xf32, #tpu.memory_space<hbm>> -> memref<1024x768xf32, #tpu.memory_space<hbm>>
    %dma_wait3A_1424 = arith.constant 0 : i32
    %dma_wait3A_1425 = tpu.memref_slice %dma_wait3A_1423[%mul3A_2, %dma_wait3A_1424] : memref<1024x768xf32, #tpu.memory_space<hbm>> -> memref<32x768xf32, #tpu.memory_space<hbm>>
    %dma_wait3A_1426 = arith.constant 32 : i32
    %dma_wait3A_1427 = arith.constant 0 : i32
    %dma_wait3A_1428 = tpu.memref_slice %arg7[%dma_wait3A_1426, %dma_wait3A_1427] : memref<64x768xf32, #tpu.memory_space<vmem>> -> memref<32x768xf32, #tpu.memory_space<vmem>>
    tpu.wait_dma2 semaphore(%arg9 : memref<!tpu.dma_semaphore, #tpu.memory_space<semaphore_mem>>) src(%dma_wait3A_1428 : memref<32x768xf32, #tpu.memory_space<vmem>>) dst(%dma_wait3A_1425 : memref<32x768xf32, #tpu.memory_space<hbm>>)
    %dma_start3A_1429 = arith.constant 1088 : i32
    %dma_start3A_1430 = tpu.memref_slice %arg5[%dma_start3A_1429] : memref<1600xi32, #tpu.memory_space<vmem>> -> memref<64xi32, #tpu.memory_space<vmem>>
    %dma_start3A_1431 = arith.constant 0 : i32
    %dma_start3A_1432 = arith.constant 0 : i32
    %dma_start3A_1433 = tpu.memref_slice %arg3[%dma_start3A_1431, %dma_start3A_1432] : memref<32128x768xf32, #tpu.memory_space<hbm>> -> memref<32128x768xf32, #tpu.memory_space<hbm>>
    tpu.enqueue_indirect_dma source(%dma_start3A_1433 : memref<32128x768xf32, #tpu.memory_space<hbm>>) target(%arg7 : memref<64x768xf32, #tpu.memory_space<vmem>>) offsets(%dma_start3A_1430 : memref<64xi32, #tpu.memory_space<vmem>>) semaphore(%arg8 : memref<!tpu.dma_semaphore, #tpu.memory_space<semaphore_mem>>)
    %dma_wait3A_1434 = arith.constant 1088 : i32
    %dma_wait3A_1435 = tpu.memref_slice %arg5[%dma_wait3A_1434] : memref<1600xi32, #tpu.memory_space<vmem>> -> memref<64xi32, #tpu.memory_space<vmem>>
    %dma_wait3A_1436 = arith.constant 0 : i32
    %dma_wait3A_1437 = arith.constant 0 : i32
    %dma_wait3A_1438 = tpu.memref_slice %arg3[%dma_wait3A_1436, %dma_wait3A_1437] : memref<32128x768xf32, #tpu.memory_space<hbm>> -> memref<32128x768xf32, #tpu.memory_space<hbm>>
    tpu.wait_indirect_dma semaphore(%arg8 : memref<!tpu.dma_semaphore, #tpu.memory_space<semaphore_mem>>) src(%dma_wait3A_1438 : memref<32128x768xf32, #tpu.memory_space<hbm>>) dst(%arg7 : memref<64x768xf32, #tpu.memory_space<vmem>>)
    %dma_start3A_1439 = arith.constant 34 : i32
    %dma_start3A_1440 = arith.constant 0 : i32
    %dma_start3A_1441 = arith.constant 0 : i32
    %dma_start3A_1442 = tpu.memref_slice %arg7[%dma_start3A_1440, %dma_start3A_1441] : memref<64x768xf32, #tpu.memory_space<vmem>> -> memref<32x768xf32, #tpu.memory_space<vmem>>
    %dma_start3A_1443 = arith.constant 0 : i32
    %dma_start3A_1444 = arith.constant 0 : i32
    %dma_start3A_1445 = tpu.memref_slice %arg4[%dma_start3A_1439, %dma_start3A_1443, %dma_start3A_1444] : memref<50x1024x768xf32, #tpu.memory_space<hbm>> -> memref<1x1024x768xf32, #tpu.memory_space<hbm>>
    %dma_start3A_1446 = tpu.memref_squeeze %dma_start3A_1445 : memref<1x1024x768xf32, #tpu.memory_space<hbm>> -> memref<1024x768xf32, #tpu.memory_space<hbm>>
    %dma_start3A_1447 = arith.constant 0 : i32
    %dma_start3A_1448 = tpu.memref_slice %dma_start3A_1446[%mul3A_2, %dma_start3A_1447] : memref<1024x768xf32, #tpu.memory_space<hbm>> -> memref<32x768xf32, #tpu.memory_space<hbm>>
    %dma_start3A_1449 = arith.constant 0 : i32
    %dma_start3A_1450 = arith.constant 0 : i32
    %dma_start3A_1451 = tpu.memref_slice %arg4[%dma_start3A_1439, %dma_start3A_1449, %dma_start3A_1450] : memref<50x1024x768xf32, #tpu.memory_space<hbm>> -> memref<1x1024x768xf32, #tpu.memory_space<hbm>>
    %dma_start3A_1452 = tpu.memref_squeeze %dma_start3A_1451 : memref<1x1024x768xf32, #tpu.memory_space<hbm>> -> memref<1024x768xf32, #tpu.memory_space<hbm>>
    %dma_start3A_1453 = arith.constant 0 : i32
    %dma_start3A_1454 = tpu.memref_slice %dma_start3A_1452[%mul3A_2, %dma_start3A_1453] : memref<1024x768xf32, #tpu.memory_space<hbm>> -> memref<32x768xf32, #tpu.memory_space<hbm>>
    %dma_start3A_1455 = arith.constant 0 : i32
    %dma_start3A_1456 = arith.constant 0 : i32
    %dma_start3A_1457 = tpu.memref_slice %arg7[%dma_start3A_1455, %dma_start3A_1456] : memref<64x768xf32, #tpu.memory_space<vmem>> -> memref<32x768xf32, #tpu.memory_space<vmem>>
    tpu.enqueue_dma source(%dma_start3A_1457 : memref<32x768xf32, #tpu.memory_space<vmem>>) target(%dma_start3A_1454 : memref<32x768xf32, #tpu.memory_space<hbm>>) target_semaphore(%arg9 : memref<!tpu.dma_semaphore, #tpu.memory_space<semaphore_mem>>)
    %dma_start3A_1458 = arith.constant 35 : i32
    %dma_start3A_1459 = arith.constant 32 : i32
    %dma_start3A_1460 = arith.constant 0 : i32
    %dma_start3A_1461 = tpu.memref_slice %arg7[%dma_start3A_1459, %dma_start3A_1460] : memref<64x768xf32, #tpu.memory_space<vmem>> -> memref<32x768xf32, #tpu.memory_space<vmem>>
    %dma_start3A_1462 = arith.constant 0 : i32
    %dma_start3A_1463 = arith.constant 0 : i32
    %dma_start3A_1464 = tpu.memref_slice %arg4[%dma_start3A_1458, %dma_start3A_1462, %dma_start3A_1463] : memref<50x1024x768xf32, #tpu.memory_space<hbm>> -> memref<1x1024x768xf32, #tpu.memory_space<hbm>>
    %dma_start3A_1465 = tpu.memref_squeeze %dma_start3A_1464 : memref<1x1024x768xf32, #tpu.memory_space<hbm>> -> memref<1024x768xf32, #tpu.memory_space<hbm>>
    %dma_start3A_1466 = arith.constant 0 : i32
    %dma_start3A_1467 = tpu.memref_slice %dma_start3A_1465[%mul3A_2, %dma_start3A_1466] : memref<1024x768xf32, #tpu.memory_space<hbm>> -> memref<32x768xf32, #tpu.memory_space<hbm>>
    %dma_start3A_1468 = arith.constant 0 : i32
    %dma_start3A_1469 = arith.constant 0 : i32
    %dma_start3A_1470 = tpu.memref_slice %arg4[%dma_start3A_1458, %dma_start3A_1468, %dma_start3A_1469] : memref<50x1024x768xf32, #tpu.memory_space<hbm>> -> memref<1x1024x768xf32, #tpu.memory_space<hbm>>
    %dma_start3A_1471 = tpu.memref_squeeze %dma_start3A_1470 : memref<1x1024x768xf32, #tpu.memory_space<hbm>> -> memref<1024x768xf32, #tpu.memory_space<hbm>>
    %dma_start3A_1472 = arith.constant 0 : i32
    %dma_start3A_1473 = tpu.memref_slice %dma_start3A_1471[%mul3A_2, %dma_start3A_1472] : memref<1024x768xf32, #tpu.memory_space<hbm>> -> memref<32x768xf32, #tpu.memory_space<hbm>>
    %dma_start3A_1474 = arith.constant 32 : i32
    %dma_start3A_1475 = arith.constant 0 : i32
    %dma_start3A_1476 = tpu.memref_slice %arg7[%dma_start3A_1474, %dma_start3A_1475] : memref<64x768xf32, #tpu.memory_space<vmem>> -> memref<32x768xf32, #tpu.memory_space<vmem>>
    tpu.enqueue_dma source(%dma_start3A_1476 : memref<32x768xf32, #tpu.memory_space<vmem>>) target(%dma_start3A_1473 : memref<32x768xf32, #tpu.memory_space<hbm>>) target_semaphore(%arg9 : memref<!tpu.dma_semaphore, #tpu.memory_space<semaphore_mem>>)
    %dma_wait3A_1477 = arith.constant 32 : i32
    %dma_wait3A_1478 = arith.constant 0 : i32
    %dma_wait3A_1479 = arith.constant 0 : i32
    %dma_wait3A_1480 = tpu.memref_slice %arg6[%dma_wait3A_1478, %dma_wait3A_1479] : memref<64x768xf32, #tpu.memory_space<vmem>> -> memref<32x768xf32, #tpu.memory_space<vmem>>
    %dma_wait3A_1481 = arith.constant 0 : i32
    %dma_wait3A_1482 = arith.constant 0 : i32
    %dma_wait3A_1483 = tpu.memref_slice %arg4[%dma_wait3A_1477, %dma_wait3A_1481, %dma_wait3A_1482] : memref<50x1024x768xf32, #tpu.memory_space<hbm>> -> memref<1x1024x768xf32, #tpu.memory_space<hbm>>
    %dma_wait3A_1484 = tpu.memref_squeeze %dma_wait3A_1483 : memref<1x1024x768xf32, #tpu.memory_space<hbm>> -> memref<1024x768xf32, #tpu.memory_space<hbm>>
    %dma_wait3A_1485 = arith.constant 0 : i32
    %dma_wait3A_1486 = tpu.memref_slice %dma_wait3A_1484[%mul3A_2, %dma_wait3A_1485] : memref<1024x768xf32, #tpu.memory_space<hbm>> -> memref<32x768xf32, #tpu.memory_space<hbm>>
    %dma_wait3A_1487 = arith.constant 0 : i32
    %dma_wait3A_1488 = arith.constant 0 : i32
    %dma_wait3A_1489 = tpu.memref_slice %arg4[%dma_wait3A_1477, %dma_wait3A_1487, %dma_wait3A_1488] : memref<50x1024x768xf32, #tpu.memory_space<hbm>> -> memref<1x1024x768xf32, #tpu.memory_space<hbm>>
    %dma_wait3A_1490 = tpu.memref_squeeze %dma_wait3A_1489 : memref<1x1024x768xf32, #tpu.memory_space<hbm>> -> memref<1024x768xf32, #tpu.memory_space<hbm>>
    %dma_wait3A_1491 = arith.constant 0 : i32
    %dma_wait3A_1492 = tpu.memref_slice %dma_wait3A_1490[%mul3A_2, %dma_wait3A_1491] : memref<1024x768xf32, #tpu.memory_space<hbm>> -> memref<32x768xf32, #tpu.memory_space<hbm>>
    %dma_wait3A_1493 = arith.constant 0 : i32
    %dma_wait3A_1494 = arith.constant 0 : i32
    %dma_wait3A_1495 = tpu.memref_slice %arg6[%dma_wait3A_1493, %dma_wait3A_1494] : memref<64x768xf32, #tpu.memory_space<vmem>> -> memref<32x768xf32, #tpu.memory_space<vmem>>
    tpu.wait_dma2 semaphore(%arg9 : memref<!tpu.dma_semaphore, #tpu.memory_space<semaphore_mem>>) src(%dma_wait3A_1495 : memref<32x768xf32, #tpu.memory_space<vmem>>) dst(%dma_wait3A_1492 : memref<32x768xf32, #tpu.memory_space<hbm>>)
    %dma_wait3A_1496 = arith.constant 33 : i32
    %dma_wait3A_1497 = arith.constant 32 : i32
    %dma_wait3A_1498 = arith.constant 0 : i32
    %dma_wait3A_1499 = tpu.memref_slice %arg6[%dma_wait3A_1497, %dma_wait3A_1498] : memref<64x768xf32, #tpu.memory_space<vmem>> -> memref<32x768xf32, #tpu.memory_space<vmem>>
    %dma_wait3A_1500 = arith.constant 0 : i32
    %dma_wait3A_1501 = arith.constant 0 : i32
    %dma_wait3A_1502 = tpu.memref_slice %arg4[%dma_wait3A_1496, %dma_wait3A_1500, %dma_wait3A_1501] : memref<50x1024x768xf32, #tpu.memory_space<hbm>> -> memref<1x1024x768xf32, #tpu.memory_space<hbm>>
    %dma_wait3A_1503 = tpu.memref_squeeze %dma_wait3A_1502 : memref<1x1024x768xf32, #tpu.memory_space<hbm>> -> memref<1024x768xf32, #tpu.memory_space<hbm>>
    %dma_wait3A_1504 = arith.constant 0 : i32
    %dma_wait3A_1505 = tpu.memref_slice %dma_wait3A_1503[%mul3A_2, %dma_wait3A_1504] : memref<1024x768xf32, #tpu.memory_space<hbm>> -> memref<32x768xf32, #tpu.memory_space<hbm>>
    %dma_wait3A_1506 = arith.constant 0 : i32
    %dma_wait3A_1507 = arith.constant 0 : i32
    %dma_wait3A_1508 = tpu.memref_slice %arg4[%dma_wait3A_1496, %dma_wait3A_1506, %dma_wait3A_1507] : memref<50x1024x768xf32, #tpu.memory_space<hbm>> -> memref<1x1024x768xf32, #tpu.memory_space<hbm>>
    %dma_wait3A_1509 = tpu.memref_squeeze %dma_wait3A_1508 : memref<1x1024x768xf32, #tpu.memory_space<hbm>> -> memref<1024x768xf32, #tpu.memory_space<hbm>>
    %dma_wait3A_1510 = arith.constant 0 : i32
    %dma_wait3A_1511 = tpu.memref_slice %dma_wait3A_1509[%mul3A_2, %dma_wait3A_1510] : memref<1024x768xf32, #tpu.memory_space<hbm>> -> memref<32x768xf32, #tpu.memory_space<hbm>>
    %dma_wait3A_1512 = arith.constant 32 : i32
    %dma_wait3A_1513 = arith.constant 0 : i32
    %dma_wait3A_1514 = tpu.memref_slice %arg6[%dma_wait3A_1512, %dma_wait3A_1513] : memref<64x768xf32, #tpu.memory_space<vmem>> -> memref<32x768xf32, #tpu.memory_space<vmem>>
    tpu.wait_dma2 semaphore(%arg9 : memref<!tpu.dma_semaphore, #tpu.memory_space<semaphore_mem>>) src(%dma_wait3A_1514 : memref<32x768xf32, #tpu.memory_space<vmem>>) dst(%dma_wait3A_1511 : memref<32x768xf32, #tpu.memory_space<hbm>>)
    %dma_start3A_1515 = arith.constant 1152 : i32
    %dma_start3A_1516 = tpu.memref_slice %arg5[%dma_start3A_1515] : memref<1600xi32, #tpu.memory_space<vmem>> -> memref<64xi32, #tpu.memory_space<vmem>>
    %dma_start3A_1517 = arith.constant 0 : i32
    %dma_start3A_1518 = arith.constant 0 : i32
    %dma_start3A_1519 = tpu.memref_slice %arg3[%dma_start3A_1517, %dma_start3A_1518] : memref<32128x768xf32, #tpu.memory_space<hbm>> -> memref<32128x768xf32, #tpu.memory_space<hbm>>
    tpu.enqueue_indirect_dma source(%dma_start3A_1519 : memref<32128x768xf32, #tpu.memory_space<hbm>>) target(%arg6 : memref<64x768xf32, #tpu.memory_space<vmem>>) offsets(%dma_start3A_1516 : memref<64xi32, #tpu.memory_space<vmem>>) semaphore(%arg8 : memref<!tpu.dma_semaphore, #tpu.memory_space<semaphore_mem>>)
    %dma_wait3A_1520 = arith.constant 1152 : i32
    %dma_wait3A_1521 = tpu.memref_slice %arg5[%dma_wait3A_1520] : memref<1600xi32, #tpu.memory_space<vmem>> -> memref<64xi32, #tpu.memory_space<vmem>>
    %dma_wait3A_1522 = arith.constant 0 : i32
    %dma_wait3A_1523 = arith.constant 0 : i32
    %dma_wait3A_1524 = tpu.memref_slice %arg3[%dma_wait3A_1522, %dma_wait3A_1523] : memref<32128x768xf32, #tpu.memory_space<hbm>> -> memref<32128x768xf32, #tpu.memory_space<hbm>>
    tpu.wait_indirect_dma semaphore(%arg8 : memref<!tpu.dma_semaphore, #tpu.memory_space<semaphore_mem>>) src(%dma_wait3A_1524 : memref<32128x768xf32, #tpu.memory_space<hbm>>) dst(%arg6 : memref<64x768xf32, #tpu.memory_space<vmem>>)
    %dma_start3A_1525 = arith.constant 36 : i32
    %dma_start3A_1526 = arith.constant 0 : i32
    %dma_start3A_1527 = arith.constant 0 : i32
    %dma_start3A_1528 = tpu.memref_slice %arg6[%dma_start3A_1526, %dma_start3A_1527] : memref<64x768xf32, #tpu.memory_space<vmem>> -> memref<32x768xf32, #tpu.memory_space<vmem>>
    %dma_start3A_1529 = arith.constant 0 : i32
    %dma_start3A_1530 = arith.constant 0 : i32
    %dma_start3A_1531 = tpu.memref_slice %arg4[%dma_start3A_1525, %dma_start3A_1529, %dma_start3A_1530] : memref<50x1024x768xf32, #tpu.memory_space<hbm>> -> memref<1x1024x768xf32, #tpu.memory_space<hbm>>
    %dma_start3A_1532 = tpu.memref_squeeze %dma_start3A_1531 : memref<1x1024x768xf32, #tpu.memory_space<hbm>> -> memref<1024x768xf32, #tpu.memory_space<hbm>>
    %dma_start3A_1533 = arith.constant 0 : i32
    %dma_start3A_1534 = tpu.memref_slice %dma_start3A_1532[%mul3A_2, %dma_start3A_1533] : memref<1024x768xf32, #tpu.memory_space<hbm>> -> memref<32x768xf32, #tpu.memory_space<hbm>>
    %dma_start3A_1535 = arith.constant 0 : i32
    %dma_start3A_1536 = arith.constant 0 : i32
    %dma_start3A_1537 = tpu.memref_slice %arg4[%dma_start3A_1525, %dma_start3A_1535, %dma_start3A_1536] : memref<50x1024x768xf32, #tpu.memory_space<hbm>> -> memref<1x1024x768xf32, #tpu.memory_space<hbm>>
    %dma_start3A_1538 = tpu.memref_squeeze %dma_start3A_1537 : memref<1x1024x768xf32, #tpu.memory_space<hbm>> -> memref<1024x768xf32, #tpu.memory_space<hbm>>
    %dma_start3A_1539 = arith.constant 0 : i32
    %dma_start3A_1540 = tpu.memref_slice %dma_start3A_1538[%mul3A_2, %dma_start3A_1539] : memref<1024x768xf32, #tpu.memory_space<hbm>> -> memref<32x768xf32, #tpu.memory_space<hbm>>
    %dma_start3A_1541 = arith.constant 0 : i32
    %dma_start3A_1542 = arith.constant 0 : i32
    %dma_start3A_1543 = tpu.memref_slice %arg6[%dma_start3A_1541, %dma_start3A_1542] : memref<64x768xf32, #tpu.memory_space<vmem>> -> memref<32x768xf32, #tpu.memory_space<vmem>>
    tpu.enqueue_dma source(%dma_start3A_1543 : memref<32x768xf32, #tpu.memory_space<vmem>>) target(%dma_start3A_1540 : memref<32x768xf32, #tpu.memory_space<hbm>>) target_semaphore(%arg9 : memref<!tpu.dma_semaphore, #tpu.memory_space<semaphore_mem>>)
    %dma_start3A_1544 = arith.constant 37 : i32
    %dma_start3A_1545 = arith.constant 32 : i32
    %dma_start3A_1546 = arith.constant 0 : i32
    %dma_start3A_1547 = tpu.memref_slice %arg6[%dma_start3A_1545, %dma_start3A_1546] : memref<64x768xf32, #tpu.memory_space<vmem>> -> memref<32x768xf32, #tpu.memory_space<vmem>>
    %dma_start3A_1548 = arith.constant 0 : i32
    %dma_start3A_1549 = arith.constant 0 : i32
    %dma_start3A_1550 = tpu.memref_slice %arg4[%dma_start3A_1544, %dma_start3A_1548, %dma_start3A_1549] : memref<50x1024x768xf32, #tpu.memory_space<hbm>> -> memref<1x1024x768xf32, #tpu.memory_space<hbm>>
    %dma_start3A_1551 = tpu.memref_squeeze %dma_start3A_1550 : memref<1x1024x768xf32, #tpu.memory_space<hbm>> -> memref<1024x768xf32, #tpu.memory_space<hbm>>
    %dma_start3A_1552 = arith.constant 0 : i32
    %dma_start3A_1553 = tpu.memref_slice %dma_start3A_1551[%mul3A_2, %dma_start3A_1552] : memref<1024x768xf32, #tpu.memory_space<hbm>> -> memref<32x768xf32, #tpu.memory_space<hbm>>
    %dma_start3A_1554 = arith.constant 0 : i32
    %dma_start3A_1555 = arith.constant 0 : i32
    %dma_start3A_1556 = tpu.memref_slice %arg4[%dma_start3A_1544, %dma_start3A_1554, %dma_start3A_1555] : memref<50x1024x768xf32, #tpu.memory_space<hbm>> -> memref<1x1024x768xf32, #tpu.memory_space<hbm>>
    %dma_start3A_1557 = tpu.memref_squeeze %dma_start3A_1556 : memref<1x1024x768xf32, #tpu.memory_space<hbm>> -> memref<1024x768xf32, #tpu.memory_space<hbm>>
    %dma_start3A_1558 = arith.constant 0 : i32
    %dma_start3A_1559 = tpu.memref_slice %dma_start3A_1557[%mul3A_2, %dma_start3A_1558] : memref<1024x768xf32, #tpu.memory_space<hbm>> -> memref<32x768xf32, #tpu.memory_space<hbm>>
    %dma_start3A_1560 = arith.constant 32 : i32
    %dma_start3A_1561 = arith.constant 0 : i32
    %dma_start3A_1562 = tpu.memref_slice %arg6[%dma_start3A_1560, %dma_start3A_1561] : memref<64x768xf32, #tpu.memory_space<vmem>> -> memref<32x768xf32, #tpu.memory_space<vmem>>
    tpu.enqueue_dma source(%dma_start3A_1562 : memref<32x768xf32, #tpu.memory_space<vmem>>) target(%dma_start3A_1559 : memref<32x768xf32, #tpu.memory_space<hbm>>) target_semaphore(%arg9 : memref<!tpu.dma_semaphore, #tpu.memory_space<semaphore_mem>>)
    %dma_wait3A_1563 = arith.constant 34 : i32
    %dma_wait3A_1564 = arith.constant 0 : i32
    %dma_wait3A_1565 = arith.constant 0 : i32
    %dma_wait3A_1566 = tpu.memref_slice %arg7[%dma_wait3A_1564, %dma_wait3A_1565] : memref<64x768xf32, #tpu.memory_space<vmem>> -> memref<32x768xf32, #tpu.memory_space<vmem>>
    %dma_wait3A_1567 = arith.constant 0 : i32
    %dma_wait3A_1568 = arith.constant 0 : i32
    %dma_wait3A_1569 = tpu.memref_slice %arg4[%dma_wait3A_1563, %dma_wait3A_1567, %dma_wait3A_1568] : memref<50x1024x768xf32, #tpu.memory_space<hbm>> -> memref<1x1024x768xf32, #tpu.memory_space<hbm>>
    %dma_wait3A_1570 = tpu.memref_squeeze %dma_wait3A_1569 : memref<1x1024x768xf32, #tpu.memory_space<hbm>> -> memref<1024x768xf32, #tpu.memory_space<hbm>>
    %dma_wait3A_1571 = arith.constant 0 : i32
    %dma_wait3A_1572 = tpu.memref_slice %dma_wait3A_1570[%mul3A_2, %dma_wait3A_1571] : memref<1024x768xf32, #tpu.memory_space<hbm>> -> memref<32x768xf32, #tpu.memory_space<hbm>>
    %dma_wait3A_1573 = arith.constant 0 : i32
    %dma_wait3A_1574 = arith.constant 0 : i32
    %dma_wait3A_1575 = tpu.memref_slice %arg4[%dma_wait3A_1563, %dma_wait3A_1573, %dma_wait3A_1574] : memref<50x1024x768xf32, #tpu.memory_space<hbm>> -> memref<1x1024x768xf32, #tpu.memory_space<hbm>>
    %dma_wait3A_1576 = tpu.memref_squeeze %dma_wait3A_1575 : memref<1x1024x768xf32, #tpu.memory_space<hbm>> -> memref<1024x768xf32, #tpu.memory_space<hbm>>
    %dma_wait3A_1577 = arith.constant 0 : i32
    %dma_wait3A_1578 = tpu.memref_slice %dma_wait3A_1576[%mul3A_2, %dma_wait3A_1577] : memref<1024x768xf32, #tpu.memory_space<hbm>> -> memref<32x768xf32, #tpu.memory_space<hbm>>
    %dma_wait3A_1579 = arith.constant 0 : i32
    %dma_wait3A_1580 = arith.constant 0 : i32
    %dma_wait3A_1581 = tpu.memref_slice %arg7[%dma_wait3A_1579, %dma_wait3A_1580] : memref<64x768xf32, #tpu.memory_space<vmem>> -> memref<32x768xf32, #tpu.memory_space<vmem>>
    tpu.wait_dma2 semaphore(%arg9 : memref<!tpu.dma_semaphore, #tpu.memory_space<semaphore_mem>>) src(%dma_wait3A_1581 : memref<32x768xf32, #tpu.memory_space<vmem>>) dst(%dma_wait3A_1578 : memref<32x768xf32, #tpu.memory_space<hbm>>)
    %dma_wait3A_1582 = arith.constant 35 : i32
    %dma_wait3A_1583 = arith.constant 32 : i32
    %dma_wait3A_1584 = arith.constant 0 : i32
    %dma_wait3A_1585 = tpu.memref_slice %arg7[%dma_wait3A_1583, %dma_wait3A_1584] : memref<64x768xf32, #tpu.memory_space<vmem>> -> memref<32x768xf32, #tpu.memory_space<vmem>>
    %dma_wait3A_1586 = arith.constant 0 : i32
    %dma_wait3A_1587 = arith.constant 0 : i32
    %dma_wait3A_1588 = tpu.memref_slice %arg4[%dma_wait3A_1582, %dma_wait3A_1586, %dma_wait3A_1587] : memref<50x1024x768xf32, #tpu.memory_space<hbm>> -> memref<1x1024x768xf32, #tpu.memory_space<hbm>>
    %dma_wait3A_1589 = tpu.memref_squeeze %dma_wait3A_1588 : memref<1x1024x768xf32, #tpu.memory_space<hbm>> -> memref<1024x768xf32, #tpu.memory_space<hbm>>
    %dma_wait3A_1590 = arith.constant 0 : i32
    %dma_wait3A_1591 = tpu.memref_slice %dma_wait3A_1589[%mul3A_2, %dma_wait3A_1590] : memref<1024x768xf32, #tpu.memory_space<hbm>> -> memref<32x768xf32, #tpu.memory_space<hbm>>
    %dma_wait3A_1592 = arith.constant 0 : i32
    %dma_wait3A_1593 = arith.constant 0 : i32
    %dma_wait3A_1594 = tpu.memref_slice %arg4[%dma_wait3A_1582, %dma_wait3A_1592, %dma_wait3A_1593] : memref<50x1024x768xf32, #tpu.memory_space<hbm>> -> memref<1x1024x768xf32, #tpu.memory_space<hbm>>
    %dma_wait3A_1595 = tpu.memref_squeeze %dma_wait3A_1594 : memref<1x1024x768xf32, #tpu.memory_space<hbm>> -> memref<1024x768xf32, #tpu.memory_space<hbm>>
    %dma_wait3A_1596 = arith.constant 0 : i32
    %dma_wait3A_1597 = tpu.memref_slice %dma_wait3A_1595[%mul3A_2, %dma_wait3A_1596] : memref<1024x768xf32, #tpu.memory_space<hbm>> -> memref<32x768xf32, #tpu.memory_space<hbm>>
    %dma_wait3A_1598 = arith.constant 32 : i32
    %dma_wait3A_1599 = arith.constant 0 : i32
    %dma_wait3A_1600 = tpu.memref_slice %arg7[%dma_wait3A_1598, %dma_wait3A_1599] : memref<64x768xf32, #tpu.memory_space<vmem>> -> memref<32x768xf32, #tpu.memory_space<vmem>>
    tpu.wait_dma2 semaphore(%arg9 : memref<!tpu.dma_semaphore, #tpu.memory_space<semaphore_mem>>) src(%dma_wait3A_1600 : memref<32x768xf32, #tpu.memory_space<vmem>>) dst(%dma_wait3A_1597 : memref<32x768xf32, #tpu.memory_space<hbm>>)
    %dma_start3A_1601 = arith.constant 1216 : i32
    %dma_start3A_1602 = tpu.memref_slice %arg5[%dma_start3A_1601] : memref<1600xi32, #tpu.memory_space<vmem>> -> memref<64xi32, #tpu.memory_space<vmem>>
    %dma_start3A_1603 = arith.constant 0 : i32
    %dma_start3A_1604 = arith.constant 0 : i32
    %dma_start3A_1605 = tpu.memref_slice %arg3[%dma_start3A_1603, %dma_start3A_1604] : memref<32128x768xf32, #tpu.memory_space<hbm>> -> memref<32128x768xf32, #tpu.memory_space<hbm>>
    tpu.enqueue_indirect_dma source(%dma_start3A_1605 : memref<32128x768xf32, #tpu.memory_space<hbm>>) target(%arg7 : memref<64x768xf32, #tpu.memory_space<vmem>>) offsets(%dma_start3A_1602 : memref<64xi32, #tpu.memory_space<vmem>>) semaphore(%arg8 : memref<!tpu.dma_semaphore, #tpu.memory_space<semaphore_mem>>)
    %dma_wait3A_1606 = arith.constant 1216 : i32
    %dma_wait3A_1607 = tpu.memref_slice %arg5[%dma_wait3A_1606] : memref<1600xi32, #tpu.memory_space<vmem>> -> memref<64xi32, #tpu.memory_space<vmem>>
    %dma_wait3A_1608 = arith.constant 0 : i32
    %dma_wait3A_1609 = arith.constant 0 : i32
    %dma_wait3A_1610 = tpu.memref_slice %arg3[%dma_wait3A_1608, %dma_wait3A_1609] : memref<32128x768xf32, #tpu.memory_space<hbm>> -> memref<32128x768xf32, #tpu.memory_space<hbm>>
    tpu.wait_indirect_dma semaphore(%arg8 : memref<!tpu.dma_semaphore, #tpu.memory_space<semaphore_mem>>) src(%dma_wait3A_1610 : memref<32128x768xf32, #tpu.memory_space<hbm>>) dst(%arg7 : memref<64x768xf32, #tpu.memory_space<vmem>>)
    %dma_start3A_1611 = arith.constant 38 : i32
    %dma_start3A_1612 = arith.constant 0 : i32
    %dma_start3A_1613 = arith.constant 0 : i32
    %dma_start3A_1614 = tpu.memref_slice %arg7[%dma_start3A_1612, %dma_start3A_1613] : memref<64x768xf32, #tpu.memory_space<vmem>> -> memref<32x768xf32, #tpu.memory_space<vmem>>
    %dma_start3A_1615 = arith.constant 0 : i32
    %dma_start3A_1616 = arith.constant 0 : i32
    %dma_start3A_1617 = tpu.memref_slice %arg4[%dma_start3A_1611, %dma_start3A_1615, %dma_start3A_1616] : memref<50x1024x768xf32, #tpu.memory_space<hbm>> -> memref<1x1024x768xf32, #tpu.memory_space<hbm>>
    %dma_start3A_1618 = tpu.memref_squeeze %dma_start3A_1617 : memref<1x1024x768xf32, #tpu.memory_space<hbm>> -> memref<1024x768xf32, #tpu.memory_space<hbm>>
    %dma_start3A_1619 = arith.constant 0 : i32
    %dma_start3A_1620 = tpu.memref_slice %dma_start3A_1618[%mul3A_2, %dma_start3A_1619] : memref<1024x768xf32, #tpu.memory_space<hbm>> -> memref<32x768xf32, #tpu.memory_space<hbm>>
    %dma_start3A_1621 = arith.constant 0 : i32
    %dma_start3A_1622 = arith.constant 0 : i32
    %dma_start3A_1623 = tpu.memref_slice %arg4[%dma_start3A_1611, %dma_start3A_1621, %dma_start3A_1622] : memref<50x1024x768xf32, #tpu.memory_space<hbm>> -> memref<1x1024x768xf32, #tpu.memory_space<hbm>>
    %dma_start3A_1624 = tpu.memref_squeeze %dma_start3A_1623 : memref<1x1024x768xf32, #tpu.memory_space<hbm>> -> memref<1024x768xf32, #tpu.memory_space<hbm>>
    %dma_start3A_1625 = arith.constant 0 : i32
    %dma_start3A_1626 = tpu.memref_slice %dma_start3A_1624[%mul3A_2, %dma_start3A_1625] : memref<1024x768xf32, #tpu.memory_space<hbm>> -> memref<32x768xf32, #tpu.memory_space<hbm>>
    %dma_start3A_1627 = arith.constant 0 : i32
    %dma_start3A_1628 = arith.constant 0 : i32
    %dma_start3A_1629 = tpu.memref_slice %arg7[%dma_start3A_1627, %dma_start3A_1628] : memref<64x768xf32, #tpu.memory_space<vmem>> -> memref<32x768xf32, #tpu.memory_space<vmem>>
    tpu.enqueue_dma source(%dma_start3A_1629 : memref<32x768xf32, #tpu.memory_space<vmem>>) target(%dma_start3A_1626 : memref<32x768xf32, #tpu.memory_space<hbm>>) target_semaphore(%arg9 : memref<!tpu.dma_semaphore, #tpu.memory_space<semaphore_mem>>)
    %dma_start3A_1630 = arith.constant 39 : i32
    %dma_start3A_1631 = arith.constant 32 : i32
    %dma_start3A_1632 = arith.constant 0 : i32
    %dma_start3A_1633 = tpu.memref_slice %arg7[%dma_start3A_1631, %dma_start3A_1632] : memref<64x768xf32, #tpu.memory_space<vmem>> -> memref<32x768xf32, #tpu.memory_space<vmem>>
    %dma_start3A_1634 = arith.constant 0 : i32
    %dma_start3A_1635 = arith.constant 0 : i32
    %dma_start3A_1636 = tpu.memref_slice %arg4[%dma_start3A_1630, %dma_start3A_1634, %dma_start3A_1635] : memref<50x1024x768xf32, #tpu.memory_space<hbm>> -> memref<1x1024x768xf32, #tpu.memory_space<hbm>>
    %dma_start3A_1637 = tpu.memref_squeeze %dma_start3A_1636 : memref<1x1024x768xf32, #tpu.memory_space<hbm>> -> memref<1024x768xf32, #tpu.memory_space<hbm>>
    %dma_start3A_1638 = arith.constant 0 : i32
    %dma_start3A_1639 = tpu.memref_slice %dma_start3A_1637[%mul3A_2, %dma_start3A_1638] : memref<1024x768xf32, #tpu.memory_space<hbm>> -> memref<32x768xf32, #tpu.memory_space<hbm>>
    %dma_start3A_1640 = arith.constant 0 : i32
    %dma_start3A_1641 = arith.constant 0 : i32
    %dma_start3A_1642 = tpu.memref_slice %arg4[%dma_start3A_1630, %dma_start3A_1640, %dma_start3A_1641] : memref<50x1024x768xf32, #tpu.memory_space<hbm>> -> memref<1x1024x768xf32, #tpu.memory_space<hbm>>
    %dma_start3A_1643 = tpu.memref_squeeze %dma_start3A_1642 : memref<1x1024x768xf32, #tpu.memory_space<hbm>> -> memref<1024x768xf32, #tpu.memory_space<hbm>>
    %dma_start3A_1644 = arith.constant 0 : i32
    %dma_start3A_1645 = tpu.memref_slice %dma_start3A_1643[%mul3A_2, %dma_start3A_1644] : memref<1024x768xf32, #tpu.memory_space<hbm>> -> memref<32x768xf32, #tpu.memory_space<hbm>>
    %dma_start3A_1646 = arith.constant 32 : i32
    %dma_start3A_1647 = arith.constant 0 : i32
    %dma_start3A_1648 = tpu.memref_slice %arg7[%dma_start3A_1646, %dma_start3A_1647] : memref<64x768xf32, #tpu.memory_space<vmem>> -> memref<32x768xf32, #tpu.memory_space<vmem>>
    tpu.enqueue_dma source(%dma_start3A_1648 : memref<32x768xf32, #tpu.memory_space<vmem>>) target(%dma_start3A_1645 : memref<32x768xf32, #tpu.memory_space<hbm>>) target_semaphore(%arg9 : memref<!tpu.dma_semaphore, #tpu.memory_space<semaphore_mem>>)
    %dma_wait3A_1649 = arith.constant 36 : i32
    %dma_wait3A_1650 = arith.constant 0 : i32
    %dma_wait3A_1651 = arith.constant 0 : i32
    %dma_wait3A_1652 = tpu.memref_slice %arg6[%dma_wait3A_1650, %dma_wait3A_1651] : memref<64x768xf32, #tpu.memory_space<vmem>> -> memref<32x768xf32, #tpu.memory_space<vmem>>
    %dma_wait3A_1653 = arith.constant 0 : i32
    %dma_wait3A_1654 = arith.constant 0 : i32
    %dma_wait3A_1655 = tpu.memref_slice %arg4[%dma_wait3A_1649, %dma_wait3A_1653, %dma_wait3A_1654] : memref<50x1024x768xf32, #tpu.memory_space<hbm>> -> memref<1x1024x768xf32, #tpu.memory_space<hbm>>
    %dma_wait3A_1656 = tpu.memref_squeeze %dma_wait3A_1655 : memref<1x1024x768xf32, #tpu.memory_space<hbm>> -> memref<1024x768xf32, #tpu.memory_space<hbm>>
    %dma_wait3A_1657 = arith.constant 0 : i32
    %dma_wait3A_1658 = tpu.memref_slice %dma_wait3A_1656[%mul3A_2, %dma_wait3A_1657] : memref<1024x768xf32, #tpu.memory_space<hbm>> -> memref<32x768xf32, #tpu.memory_space<hbm>>
    %dma_wait3A_1659 = arith.constant 0 : i32
    %dma_wait3A_1660 = arith.constant 0 : i32
    %dma_wait3A_1661 = tpu.memref_slice %arg4[%dma_wait3A_1649, %dma_wait3A_1659, %dma_wait3A_1660] : memref<50x1024x768xf32, #tpu.memory_space<hbm>> -> memref<1x1024x768xf32, #tpu.memory_space<hbm>>
    %dma_wait3A_1662 = tpu.memref_squeeze %dma_wait3A_1661 : memref<1x1024x768xf32, #tpu.memory_space<hbm>> -> memref<1024x768xf32, #tpu.memory_space<hbm>>
    %dma_wait3A_1663 = arith.constant 0 : i32
    %dma_wait3A_1664 = tpu.memref_slice %dma_wait3A_1662[%mul3A_2, %dma_wait3A_1663] : memref<1024x768xf32, #tpu.memory_space<hbm>> -> memref<32x768xf32, #tpu.memory_space<hbm>>
    %dma_wait3A_1665 = arith.constant 0 : i32
    %dma_wait3A_1666 = arith.constant 0 : i32
    %dma_wait3A_1667 = tpu.memref_slice %arg6[%dma_wait3A_1665, %dma_wait3A_1666] : memref<64x768xf32, #tpu.memory_space<vmem>> -> memref<32x768xf32, #tpu.memory_space<vmem>>
    tpu.wait_dma2 semaphore(%arg9 : memref<!tpu.dma_semaphore, #tpu.memory_space<semaphore_mem>>) src(%dma_wait3A_1667 : memref<32x768xf32, #tpu.memory_space<vmem>>) dst(%dma_wait3A_1664 : memref<32x768xf32, #tpu.memory_space<hbm>>)
    %dma_wait3A_1668 = arith.constant 37 : i32
    %dma_wait3A_1669 = arith.constant 32 : i32
    %dma_wait3A_1670 = arith.constant 0 : i32
    %dma_wait3A_1671 = tpu.memref_slice %arg6[%dma_wait3A_1669, %dma_wait3A_1670] : memref<64x768xf32, #tpu.memory_space<vmem>> -> memref<32x768xf32, #tpu.memory_space<vmem>>
    %dma_wait3A_1672 = arith.constant 0 : i32
    %dma_wait3A_1673 = arith.constant 0 : i32
    %dma_wait3A_1674 = tpu.memref_slice %arg4[%dma_wait3A_1668, %dma_wait3A_1672, %dma_wait3A_1673] : memref<50x1024x768xf32, #tpu.memory_space<hbm>> -> memref<1x1024x768xf32, #tpu.memory_space<hbm>>
    %dma_wait3A_1675 = tpu.memref_squeeze %dma_wait3A_1674 : memref<1x1024x768xf32, #tpu.memory_space<hbm>> -> memref<1024x768xf32, #tpu.memory_space<hbm>>
    %dma_wait3A_1676 = arith.constant 0 : i32
    %dma_wait3A_1677 = tpu.memref_slice %dma_wait3A_1675[%mul3A_2, %dma_wait3A_1676] : memref<1024x768xf32, #tpu.memory_space<hbm>> -> memref<32x768xf32, #tpu.memory_space<hbm>>
    %dma_wait3A_1678 = arith.constant 0 : i32
    %dma_wait3A_1679 = arith.constant 0 : i32
    %dma_wait3A_1680 = tpu.memref_slice %arg4[%dma_wait3A_1668, %dma_wait3A_1678, %dma_wait3A_1679] : memref<50x1024x768xf32, #tpu.memory_space<hbm>> -> memref<1x1024x768xf32, #tpu.memory_space<hbm>>
    %dma_wait3A_1681 = tpu.memref_squeeze %dma_wait3A_1680 : memref<1x1024x768xf32, #tpu.memory_space<hbm>> -> memref<1024x768xf32, #tpu.memory_space<hbm>>
    %dma_wait3A_1682 = arith.constant 0 : i32
    %dma_wait3A_1683 = tpu.memref_slice %dma_wait3A_1681[%mul3A_2, %dma_wait3A_1682] : memref<1024x768xf32, #tpu.memory_space<hbm>> -> memref<32x768xf32, #tpu.memory_space<hbm>>
    %dma_wait3A_1684 = arith.constant 32 : i32
    %dma_wait3A_1685 = arith.constant 0 : i32
    %dma_wait3A_1686 = tpu.memref_slice %arg6[%dma_wait3A_1684, %dma_wait3A_1685] : memref<64x768xf32, #tpu.memory_space<vmem>> -> memref<32x768xf32, #tpu.memory_space<vmem>>
    tpu.wait_dma2 semaphore(%arg9 : memref<!tpu.dma_semaphore, #tpu.memory_space<semaphore_mem>>) src(%dma_wait3A_1686 : memref<32x768xf32, #tpu.memory_space<vmem>>) dst(%dma_wait3A_1683 : memref<32x768xf32, #tpu.memory_space<hbm>>)
    %dma_start3A_1687 = arith.constant 1280 : i32
    %dma_start3A_1688 = tpu.memref_slice %arg5[%dma_start3A_1687] : memref<1600xi32, #tpu.memory_space<vmem>> -> memref<64xi32, #tpu.memory_space<vmem>>
    %dma_start3A_1689 = arith.constant 0 : i32
    %dma_start3A_1690 = arith.constant 0 : i32
    %dma_start3A_1691 = tpu.memref_slice %arg3[%dma_start3A_1689, %dma_start3A_1690] : memref<32128x768xf32, #tpu.memory_space<hbm>> -> memref<32128x768xf32, #tpu.memory_space<hbm>>
    tpu.enqueue_indirect_dma source(%dma_start3A_1691 : memref<32128x768xf32, #tpu.memory_space<hbm>>) target(%arg6 : memref<64x768xf32, #tpu.memory_space<vmem>>) offsets(%dma_start3A_1688 : memref<64xi32, #tpu.memory_space<vmem>>) semaphore(%arg8 : memref<!tpu.dma_semaphore, #tpu.memory_space<semaphore_mem>>)
    %dma_wait3A_1692 = arith.constant 1280 : i32
    %dma_wait3A_1693 = tpu.memref_slice %arg5[%dma_wait3A_1692] : memref<1600xi32, #tpu.memory_space<vmem>> -> memref<64xi32, #tpu.memory_space<vmem>>
    %dma_wait3A_1694 = arith.constant 0 : i32
    %dma_wait3A_1695 = arith.constant 0 : i32
    %dma_wait3A_1696 = tpu.memref_slice %arg3[%dma_wait3A_1694, %dma_wait3A_1695] : memref<32128x768xf32, #tpu.memory_space<hbm>> -> memref<32128x768xf32, #tpu.memory_space<hbm>>
    tpu.wait_indirect_dma semaphore(%arg8 : memref<!tpu.dma_semaphore, #tpu.memory_space<semaphore_mem>>) src(%dma_wait3A_1696 : memref<32128x768xf32, #tpu.memory_space<hbm>>) dst(%arg6 : memref<64x768xf32, #tpu.memory_space<vmem>>)
    %dma_start3A_1697 = arith.constant 40 : i32
    %dma_start3A_1698 = arith.constant 0 : i32
    %dma_start3A_1699 = arith.constant 0 : i32
    %dma_start3A_1700 = tpu.memref_slice %arg6[%dma_start3A_1698, %dma_start3A_1699] : memref<64x768xf32, #tpu.memory_space<vmem>> -> memref<32x768xf32, #tpu.memory_space<vmem>>
    %dma_start3A_1701 = arith.constant 0 : i32
    %dma_start3A_1702 = arith.constant 0 : i32
    %dma_start3A_1703 = tpu.memref_slice %arg4[%dma_start3A_1697, %dma_start3A_1701, %dma_start3A_1702] : memref<50x1024x768xf32, #tpu.memory_space<hbm>> -> memref<1x1024x768xf32, #tpu.memory_space<hbm>>
    %dma_start3A_1704 = tpu.memref_squeeze %dma_start3A_1703 : memref<1x1024x768xf32, #tpu.memory_space<hbm>> -> memref<1024x768xf32, #tpu.memory_space<hbm>>
    %dma_start3A_1705 = arith.constant 0 : i32
    %dma_start3A_1706 = tpu.memref_slice %dma_start3A_1704[%mul3A_2, %dma_start3A_1705] : memref<1024x768xf32, #tpu.memory_space<hbm>> -> memref<32x768xf32, #tpu.memory_space<hbm>>
    %dma_start3A_1707 = arith.constant 0 : i32
    %dma_start3A_1708 = arith.constant 0 : i32
    %dma_start3A_1709 = tpu.memref_slice %arg4[%dma_start3A_1697, %dma_start3A_1707, %dma_start3A_1708] : memref<50x1024x768xf32, #tpu.memory_space<hbm>> -> memref<1x1024x768xf32, #tpu.memory_space<hbm>>
    %dma_start3A_1710 = tpu.memref_squeeze %dma_start3A_1709 : memref<1x1024x768xf32, #tpu.memory_space<hbm>> -> memref<1024x768xf32, #tpu.memory_space<hbm>>
    %dma_start3A_1711 = arith.constant 0 : i32
    %dma_start3A_1712 = tpu.memref_slice %dma_start3A_1710[%mul3A_2, %dma_start3A_1711] : memref<1024x768xf32, #tpu.memory_space<hbm>> -> memref<32x768xf32, #tpu.memory_space<hbm>>
    %dma_start3A_1713 = arith.constant 0 : i32
    %dma_start3A_1714 = arith.constant 0 : i32
    %dma_start3A_1715 = tpu.memref_slice %arg6[%dma_start3A_1713, %dma_start3A_1714] : memref<64x768xf32, #tpu.memory_space<vmem>> -> memref<32x768xf32, #tpu.memory_space<vmem>>
    tpu.enqueue_dma source(%dma_start3A_1715 : memref<32x768xf32, #tpu.memory_space<vmem>>) target(%dma_start3A_1712 : memref<32x768xf32, #tpu.memory_space<hbm>>) target_semaphore(%arg9 : memref<!tpu.dma_semaphore, #tpu.memory_space<semaphore_mem>>)
    %dma_start3A_1716 = arith.constant 41 : i32
    %dma_start3A_1717 = arith.constant 32 : i32
    %dma_start3A_1718 = arith.constant 0 : i32
    %dma_start3A_1719 = tpu.memref_slice %arg6[%dma_start3A_1717, %dma_start3A_1718] : memref<64x768xf32, #tpu.memory_space<vmem>> -> memref<32x768xf32, #tpu.memory_space<vmem>>
    %dma_start3A_1720 = arith.constant 0 : i32
    %dma_start3A_1721 = arith.constant 0 : i32
    %dma_start3A_1722 = tpu.memref_slice %arg4[%dma_start3A_1716, %dma_start3A_1720, %dma_start3A_1721] : memref<50x1024x768xf32, #tpu.memory_space<hbm>> -> memref<1x1024x768xf32, #tpu.memory_space<hbm>>
    %dma_start3A_1723 = tpu.memref_squeeze %dma_start3A_1722 : memref<1x1024x768xf32, #tpu.memory_space<hbm>> -> memref<1024x768xf32, #tpu.memory_space<hbm>>
    %dma_start3A_1724 = arith.constant 0 : i32
    %dma_start3A_1725 = tpu.memref_slice %dma_start3A_1723[%mul3A_2, %dma_start3A_1724] : memref<1024x768xf32, #tpu.memory_space<hbm>> -> memref<32x768xf32, #tpu.memory_space<hbm>>
    %dma_start3A_1726 = arith.constant 0 : i32
    %dma_start3A_1727 = arith.constant 0 : i32
    %dma_start3A_1728 = tpu.memref_slice %arg4[%dma_start3A_1716, %dma_start3A_1726, %dma_start3A_1727] : memref<50x1024x768xf32, #tpu.memory_space<hbm>> -> memref<1x1024x768xf32, #tpu.memory_space<hbm>>
    %dma_start3A_1729 = tpu.memref_squeeze %dma_start3A_1728 : memref<1x1024x768xf32, #tpu.memory_space<hbm>> -> memref<1024x768xf32, #tpu.memory_space<hbm>>
    %dma_start3A_1730 = arith.constant 0 : i32
    %dma_start3A_1731 = tpu.memref_slice %dma_start3A_1729[%mul3A_2, %dma_start3A_1730] : memref<1024x768xf32, #tpu.memory_space<hbm>> -> memref<32x768xf32, #tpu.memory_space<hbm>>
    %dma_start3A_1732 = arith.constant 32 : i32
    %dma_start3A_1733 = arith.constant 0 : i32
    %dma_start3A_1734 = tpu.memref_slice %arg6[%dma_start3A_1732, %dma_start3A_1733] : memref<64x768xf32, #tpu.memory_space<vmem>> -> memref<32x768xf32, #tpu.memory_space<vmem>>
    tpu.enqueue_dma source(%dma_start3A_1734 : memref<32x768xf32, #tpu.memory_space<vmem>>) target(%dma_start3A_1731 : memref<32x768xf32, #tpu.memory_space<hbm>>) target_semaphore(%arg9 : memref<!tpu.dma_semaphore, #tpu.memory_space<semaphore_mem>>)
    %dma_wait3A_1735 = arith.constant 38 : i32
    %dma_wait3A_1736 = arith.constant 0 : i32
    %dma_wait3A_1737 = arith.constant 0 : i32
    %dma_wait3A_1738 = tpu.memref_slice %arg7[%dma_wait3A_1736, %dma_wait3A_1737] : memref<64x768xf32, #tpu.memory_space<vmem>> -> memref<32x768xf32, #tpu.memory_space<vmem>>
    %dma_wait3A_1739 = arith.constant 0 : i32
    %dma_wait3A_1740 = arith.constant 0 : i32
    %dma_wait3A_1741 = tpu.memref_slice %arg4[%dma_wait3A_1735, %dma_wait3A_1739, %dma_wait3A_1740] : memref<50x1024x768xf32, #tpu.memory_space<hbm>> -> memref<1x1024x768xf32, #tpu.memory_space<hbm>>
    %dma_wait3A_1742 = tpu.memref_squeeze %dma_wait3A_1741 : memref<1x1024x768xf32, #tpu.memory_space<hbm>> -> memref<1024x768xf32, #tpu.memory_space<hbm>>
    %dma_wait3A_1743 = arith.constant 0 : i32
    %dma_wait3A_1744 = tpu.memref_slice %dma_wait3A_1742[%mul3A_2, %dma_wait3A_1743] : memref<1024x768xf32, #tpu.memory_space<hbm>> -> memref<32x768xf32, #tpu.memory_space<hbm>>
    %dma_wait3A_1745 = arith.constant 0 : i32
    %dma_wait3A_1746 = arith.constant 0 : i32
    %dma_wait3A_1747 = tpu.memref_slice %arg4[%dma_wait3A_1735, %dma_wait3A_1745, %dma_wait3A_1746] : memref<50x1024x768xf32, #tpu.memory_space<hbm>> -> memref<1x1024x768xf32, #tpu.memory_space<hbm>>
    %dma_wait3A_1748 = tpu.memref_squeeze %dma_wait3A_1747 : memref<1x1024x768xf32, #tpu.memory_space<hbm>> -> memref<1024x768xf32, #tpu.memory_space<hbm>>
    %dma_wait3A_1749 = arith.constant 0 : i32
    %dma_wait3A_1750 = tpu.memref_slice %dma_wait3A_1748[%mul3A_2, %dma_wait3A_1749] : memref<1024x768xf32, #tpu.memory_space<hbm>> -> memref<32x768xf32, #tpu.memory_space<hbm>>
    %dma_wait3A_1751 = arith.constant 0 : i32
    %dma_wait3A_1752 = arith.constant 0 : i32
    %dma_wait3A_1753 = tpu.memref_slice %arg7[%dma_wait3A_1751, %dma_wait3A_1752] : memref<64x768xf32, #tpu.memory_space<vmem>> -> memref<32x768xf32, #tpu.memory_space<vmem>>
    tpu.wait_dma2 semaphore(%arg9 : memref<!tpu.dma_semaphore, #tpu.memory_space<semaphore_mem>>) src(%dma_wait3A_1753 : memref<32x768xf32, #tpu.memory_space<vmem>>) dst(%dma_wait3A_1750 : memref<32x768xf32, #tpu.memory_space<hbm>>)
    %dma_wait3A_1754 = arith.constant 39 : i32
    %dma_wait3A_1755 = arith.constant 32 : i32
    %dma_wait3A_1756 = arith.constant 0 : i32
    %dma_wait3A_1757 = tpu.memref_slice %arg7[%dma_wait3A_1755, %dma_wait3A_1756] : memref<64x768xf32, #tpu.memory_space<vmem>> -> memref<32x768xf32, #tpu.memory_space<vmem>>
    %dma_wait3A_1758 = arith.constant 0 : i32
    %dma_wait3A_1759 = arith.constant 0 : i32
    %dma_wait3A_1760 = tpu.memref_slice %arg4[%dma_wait3A_1754, %dma_wait3A_1758, %dma_wait3A_1759] : memref<50x1024x768xf32, #tpu.memory_space<hbm>> -> memref<1x1024x768xf32, #tpu.memory_space<hbm>>
    %dma_wait3A_1761 = tpu.memref_squeeze %dma_wait3A_1760 : memref<1x1024x768xf32, #tpu.memory_space<hbm>> -> memref<1024x768xf32, #tpu.memory_space<hbm>>
    %dma_wait3A_1762 = arith.constant 0 : i32
    %dma_wait3A_1763 = tpu.memref_slice %dma_wait3A_1761[%mul3A_2, %dma_wait3A_1762] : memref<1024x768xf32, #tpu.memory_space<hbm>> -> memref<32x768xf32, #tpu.memory_space<hbm>>
    %dma_wait3A_1764 = arith.constant 0 : i32
    %dma_wait3A_1765 = arith.constant 0 : i32
    %dma_wait3A_1766 = tpu.memref_slice %arg4[%dma_wait3A_1754, %dma_wait3A_1764, %dma_wait3A_1765] : memref<50x1024x768xf32, #tpu.memory_space<hbm>> -> memref<1x1024x768xf32, #tpu.memory_space<hbm>>
    %dma_wait3A_1767 = tpu.memref_squeeze %dma_wait3A_1766 : memref<1x1024x768xf32, #tpu.memory_space<hbm>> -> memref<1024x768xf32, #tpu.memory_space<hbm>>
    %dma_wait3A_1768 = arith.constant 0 : i32
    %dma_wait3A_1769 = tpu.memref_slice %dma_wait3A_1767[%mul3A_2, %dma_wait3A_1768] : memref<1024x768xf32, #tpu.memory_space<hbm>> -> memref<32x768xf32, #tpu.memory_space<hbm>>
    %dma_wait3A_1770 = arith.constant 32 : i32
    %dma_wait3A_1771 = arith.constant 0 : i32
    %dma_wait3A_1772 = tpu.memref_slice %arg7[%dma_wait3A_1770, %dma_wait3A_1771] : memref<64x768xf32, #tpu.memory_space<vmem>> -> memref<32x768xf32, #tpu.memory_space<vmem>>
    tpu.wait_dma2 semaphore(%arg9 : memref<!tpu.dma_semaphore, #tpu.memory_space<semaphore_mem>>) src(%dma_wait3A_1772 : memref<32x768xf32, #tpu.memory_space<vmem>>) dst(%dma_wait3A_1769 : memref<32x768xf32, #tpu.memory_space<hbm>>)
    %dma_start3A_1773 = arith.constant 1344 : i32
    %dma_start3A_1774 = tpu.memref_slice %arg5[%dma_start3A_1773] : memref<1600xi32, #tpu.memory_space<vmem>> -> memref<64xi32, #tpu.memory_space<vmem>>
    %dma_start3A_1775 = arith.constant 0 : i32
    %dma_start3A_1776 = arith.constant 0 : i32
    %dma_start3A_1777 = tpu.memref_slice %arg3[%dma_start3A_1775, %dma_start3A_1776] : memref<32128x768xf32, #tpu.memory_space<hbm>> -> memref<32128x768xf32, #tpu.memory_space<hbm>>
    tpu.enqueue_indirect_dma source(%dma_start3A_1777 : memref<32128x768xf32, #tpu.memory_space<hbm>>) target(%arg7 : memref<64x768xf32, #tpu.memory_space<vmem>>) offsets(%dma_start3A_1774 : memref<64xi32, #tpu.memory_space<vmem>>) semaphore(%arg8 : memref<!tpu.dma_semaphore, #tpu.memory_space<semaphore_mem>>)
    %dma_wait3A_1778 = arith.constant 1344 : i32
    %dma_wait3A_1779 = tpu.memref_slice %arg5[%dma_wait3A_1778] : memref<1600xi32, #tpu.memory_space<vmem>> -> memref<64xi32, #tpu.memory_space<vmem>>
    %dma_wait3A_1780 = arith.constant 0 : i32
    %dma_wait3A_1781 = arith.constant 0 : i32
    %dma_wait3A_1782 = tpu.memref_slice %arg3[%dma_wait3A_1780, %dma_wait3A_1781] : memref<32128x768xf32, #tpu.memory_space<hbm>> -> memref<32128x768xf32, #tpu.memory_space<hbm>>
    tpu.wait_indirect_dma semaphore(%arg8 : memref<!tpu.dma_semaphore, #tpu.memory_space<semaphore_mem>>) src(%dma_wait3A_1782 : memref<32128x768xf32, #tpu.memory_space<hbm>>) dst(%arg7 : memref<64x768xf32, #tpu.memory_space<vmem>>)
    %dma_start3A_1783 = arith.constant 42 : i32
    %dma_start3A_1784 = arith.constant 0 : i32
    %dma_start3A_1785 = arith.constant 0 : i32
    %dma_start3A_1786 = tpu.memref_slice %arg7[%dma_start3A_1784, %dma_start3A_1785] : memref<64x768xf32, #tpu.memory_space<vmem>> -> memref<32x768xf32, #tpu.memory_space<vmem>>
    %dma_start3A_1787 = arith.constant 0 : i32
    %dma_start3A_1788 = arith.constant 0 : i32
    %dma_start3A_1789 = tpu.memref_slice %arg4[%dma_start3A_1783, %dma_start3A_1787, %dma_start3A_1788] : memref<50x1024x768xf32, #tpu.memory_space<hbm>> -> memref<1x1024x768xf32, #tpu.memory_space<hbm>>
    %dma_start3A_1790 = tpu.memref_squeeze %dma_start3A_1789 : memref<1x1024x768xf32, #tpu.memory_space<hbm>> -> memref<1024x768xf32, #tpu.memory_space<hbm>>
    %dma_start3A_1791 = arith.constant 0 : i32
    %dma_start3A_1792 = tpu.memref_slice %dma_start3A_1790[%mul3A_2, %dma_start3A_1791] : memref<1024x768xf32, #tpu.memory_space<hbm>> -> memref<32x768xf32, #tpu.memory_space<hbm>>
    %dma_start3A_1793 = arith.constant 0 : i32
    %dma_start3A_1794 = arith.constant 0 : i32
    %dma_start3A_1795 = tpu.memref_slice %arg4[%dma_start3A_1783, %dma_start3A_1793, %dma_start3A_1794] : memref<50x1024x768xf32, #tpu.memory_space<hbm>> -> memref<1x1024x768xf32, #tpu.memory_space<hbm>>
    %dma_start3A_1796 = tpu.memref_squeeze %dma_start3A_1795 : memref<1x1024x768xf32, #tpu.memory_space<hbm>> -> memref<1024x768xf32, #tpu.memory_space<hbm>>
    %dma_start3A_1797 = arith.constant 0 : i32
    %dma_start3A_1798 = tpu.memref_slice %dma_start3A_1796[%mul3A_2, %dma_start3A_1797] : memref<1024x768xf32, #tpu.memory_space<hbm>> -> memref<32x768xf32, #tpu.memory_space<hbm>>
    %dma_start3A_1799 = arith.constant 0 : i32
    %dma_start3A_1800 = arith.constant 0 : i32
    %dma_start3A_1801 = tpu.memref_slice %arg7[%dma_start3A_1799, %dma_start3A_1800] : memref<64x768xf32, #tpu.memory_space<vmem>> -> memref<32x768xf32, #tpu.memory_space<vmem>>
    tpu.enqueue_dma source(%dma_start3A_1801 : memref<32x768xf32, #tpu.memory_space<vmem>>) target(%dma_start3A_1798 : memref<32x768xf32, #tpu.memory_space<hbm>>) target_semaphore(%arg9 : memref<!tpu.dma_semaphore, #tpu.memory_space<semaphore_mem>>)
    %dma_start3A_1802 = arith.constant 43 : i32
    %dma_start3A_1803 = arith.constant 32 : i32
    %dma_start3A_1804 = arith.constant 0 : i32
    %dma_start3A_1805 = tpu.memref_slice %arg7[%dma_start3A_1803, %dma_start3A_1804] : memref<64x768xf32, #tpu.memory_space<vmem>> -> memref<32x768xf32, #tpu.memory_space<vmem>>
    %dma_start3A_1806 = arith.constant 0 : i32
    %dma_start3A_1807 = arith.constant 0 : i32
    %dma_start3A_1808 = tpu.memref_slice %arg4[%dma_start3A_1802, %dma_start3A_1806, %dma_start3A_1807] : memref<50x1024x768xf32, #tpu.memory_space<hbm>> -> memref<1x1024x768xf32, #tpu.memory_space<hbm>>
    %dma_start3A_1809 = tpu.memref_squeeze %dma_start3A_1808 : memref<1x1024x768xf32, #tpu.memory_space<hbm>> -> memref<1024x768xf32, #tpu.memory_space<hbm>>
    %dma_start3A_1810 = arith.constant 0 : i32
    %dma_start3A_1811 = tpu.memref_slice %dma_start3A_1809[%mul3A_2, %dma_start3A_1810] : memref<1024x768xf32, #tpu.memory_space<hbm>> -> memref<32x768xf32, #tpu.memory_space<hbm>>
    %dma_start3A_1812 = arith.constant 0 : i32
    %dma_start3A_1813 = arith.constant 0 : i32
    %dma_start3A_1814 = tpu.memref_slice %arg4[%dma_start3A_1802, %dma_start3A_1812, %dma_start3A_1813] : memref<50x1024x768xf32, #tpu.memory_space<hbm>> -> memref<1x1024x768xf32, #tpu.memory_space<hbm>>
    %dma_start3A_1815 = tpu.memref_squeeze %dma_start3A_1814 : memref<1x1024x768xf32, #tpu.memory_space<hbm>> -> memref<1024x768xf32, #tpu.memory_space<hbm>>
    %dma_start3A_1816 = arith.constant 0 : i32
    %dma_start3A_1817 = tpu.memref_slice %dma_start3A_1815[%mul3A_2, %dma_start3A_1816] : memref<1024x768xf32, #tpu.memory_space<hbm>> -> memref<32x768xf32, #tpu.memory_space<hbm>>
    %dma_start3A_1818 = arith.constant 32 : i32
    %dma_start3A_1819 = arith.constant 0 : i32
    %dma_start3A_1820 = tpu.memref_slice %arg7[%dma_start3A_1818, %dma_start3A_1819] : memref<64x768xf32, #tpu.memory_space<vmem>> -> memref<32x768xf32, #tpu.memory_space<vmem>>
    tpu.enqueue_dma source(%dma_start3A_1820 : memref<32x768xf32, #tpu.memory_space<vmem>>) target(%dma_start3A_1817 : memref<32x768xf32, #tpu.memory_space<hbm>>) target_semaphore(%arg9 : memref<!tpu.dma_semaphore, #tpu.memory_space<semaphore_mem>>)
    %dma_wait3A_1821 = arith.constant 40 : i32
    %dma_wait3A_1822 = arith.constant 0 : i32
    %dma_wait3A_1823 = arith.constant 0 : i32
    %dma_wait3A_1824 = tpu.memref_slice %arg6[%dma_wait3A_1822, %dma_wait3A_1823] : memref<64x768xf32, #tpu.memory_space<vmem>> -> memref<32x768xf32, #tpu.memory_space<vmem>>
    %dma_wait3A_1825 = arith.constant 0 : i32
    %dma_wait3A_1826 = arith.constant 0 : i32
    %dma_wait3A_1827 = tpu.memref_slice %arg4[%dma_wait3A_1821, %dma_wait3A_1825, %dma_wait3A_1826] : memref<50x1024x768xf32, #tpu.memory_space<hbm>> -> memref<1x1024x768xf32, #tpu.memory_space<hbm>>
    %dma_wait3A_1828 = tpu.memref_squeeze %dma_wait3A_1827 : memref<1x1024x768xf32, #tpu.memory_space<hbm>> -> memref<1024x768xf32, #tpu.memory_space<hbm>>
    %dma_wait3A_1829 = arith.constant 0 : i32
    %dma_wait3A_1830 = tpu.memref_slice %dma_wait3A_1828[%mul3A_2, %dma_wait3A_1829] : memref<1024x768xf32, #tpu.memory_space<hbm>> -> memref<32x768xf32, #tpu.memory_space<hbm>>
    %dma_wait3A_1831 = arith.constant 0 : i32
    %dma_wait3A_1832 = arith.constant 0 : i32
    %dma_wait3A_1833 = tpu.memref_slice %arg4[%dma_wait3A_1821, %dma_wait3A_1831, %dma_wait3A_1832] : memref<50x1024x768xf32, #tpu.memory_space<hbm>> -> memref<1x1024x768xf32, #tpu.memory_space<hbm>>
    %dma_wait3A_1834 = tpu.memref_squeeze %dma_wait3A_1833 : memref<1x1024x768xf32, #tpu.memory_space<hbm>> -> memref<1024x768xf32, #tpu.memory_space<hbm>>
    %dma_wait3A_1835 = arith.constant 0 : i32
    %dma_wait3A_1836 = tpu.memref_slice %dma_wait3A_1834[%mul3A_2, %dma_wait3A_1835] : memref<1024x768xf32, #tpu.memory_space<hbm>> -> memref<32x768xf32, #tpu.memory_space<hbm>>
    %dma_wait3A_1837 = arith.constant 0 : i32
    %dma_wait3A_1838 = arith.constant 0 : i32
    %dma_wait3A_1839 = tpu.memref_slice %arg6[%dma_wait3A_1837, %dma_wait3A_1838] : memref<64x768xf32, #tpu.memory_space<vmem>> -> memref<32x768xf32, #tpu.memory_space<vmem>>
    tpu.wait_dma2 semaphore(%arg9 : memref<!tpu.dma_semaphore, #tpu.memory_space<semaphore_mem>>) src(%dma_wait3A_1839 : memref<32x768xf32, #tpu.memory_space<vmem>>) dst(%dma_wait3A_1836 : memref<32x768xf32, #tpu.memory_space<hbm>>)
    %dma_wait3A_1840 = arith.constant 41 : i32
    %dma_wait3A_1841 = arith.constant 32 : i32
    %dma_wait3A_1842 = arith.constant 0 : i32
    %dma_wait3A_1843 = tpu.memref_slice %arg6[%dma_wait3A_1841, %dma_wait3A_1842] : memref<64x768xf32, #tpu.memory_space<vmem>> -> memref<32x768xf32, #tpu.memory_space<vmem>>
    %dma_wait3A_1844 = arith.constant 0 : i32
    %dma_wait3A_1845 = arith.constant 0 : i32
    %dma_wait3A_1846 = tpu.memref_slice %arg4[%dma_wait3A_1840, %dma_wait3A_1844, %dma_wait3A_1845] : memref<50x1024x768xf32, #tpu.memory_space<hbm>> -> memref<1x1024x768xf32, #tpu.memory_space<hbm>>
    %dma_wait3A_1847 = tpu.memref_squeeze %dma_wait3A_1846 : memref<1x1024x768xf32, #tpu.memory_space<hbm>> -> memref<1024x768xf32, #tpu.memory_space<hbm>>
    %dma_wait3A_1848 = arith.constant 0 : i32
    %dma_wait3A_1849 = tpu.memref_slice %dma_wait3A_1847[%mul3A_2, %dma_wait3A_1848] : memref<1024x768xf32, #tpu.memory_space<hbm>> -> memref<32x768xf32, #tpu.memory_space<hbm>>
    %dma_wait3A_1850 = arith.constant 0 : i32
    %dma_wait3A_1851 = arith.constant 0 : i32
    %dma_wait3A_1852 = tpu.memref_slice %arg4[%dma_wait3A_1840, %dma_wait3A_1850, %dma_wait3A_1851] : memref<50x1024x768xf32, #tpu.memory_space<hbm>> -> memref<1x1024x768xf32, #tpu.memory_space<hbm>>
    %dma_wait3A_1853 = tpu.memref_squeeze %dma_wait3A_1852 : memref<1x1024x768xf32, #tpu.memory_space<hbm>> -> memref<1024x768xf32, #tpu.memory_space<hbm>>
    %dma_wait3A_1854 = arith.constant 0 : i32
    %dma_wait3A_1855 = tpu.memref_slice %dma_wait3A_1853[%mul3A_2, %dma_wait3A_1854] : memref<1024x768xf32, #tpu.memory_space<hbm>> -> memref<32x768xf32, #tpu.memory_space<hbm>>
    %dma_wait3A_1856 = arith.constant 32 : i32
    %dma_wait3A_1857 = arith.constant 0 : i32
    %dma_wait3A_1858 = tpu.memref_slice %arg6[%dma_wait3A_1856, %dma_wait3A_1857] : memref<64x768xf32, #tpu.memory_space<vmem>> -> memref<32x768xf32, #tpu.memory_space<vmem>>
    tpu.wait_dma2 semaphore(%arg9 : memref<!tpu.dma_semaphore, #tpu.memory_space<semaphore_mem>>) src(%dma_wait3A_1858 : memref<32x768xf32, #tpu.memory_space<vmem>>) dst(%dma_wait3A_1855 : memref<32x768xf32, #tpu.memory_space<hbm>>)
    %dma_start3A_1859 = arith.constant 1408 : i32
    %dma_start3A_1860 = tpu.memref_slice %arg5[%dma_start3A_1859] : memref<1600xi32, #tpu.memory_space<vmem>> -> memref<64xi32, #tpu.memory_space<vmem>>
    %dma_start3A_1861 = arith.constant 0 : i32
    %dma_start3A_1862 = arith.constant 0 : i32
    %dma_start3A_1863 = tpu.memref_slice %arg3[%dma_start3A_1861, %dma_start3A_1862] : memref<32128x768xf32, #tpu.memory_space<hbm>> -> memref<32128x768xf32, #tpu.memory_space<hbm>>
    tpu.enqueue_indirect_dma source(%dma_start3A_1863 : memref<32128x768xf32, #tpu.memory_space<hbm>>) target(%arg6 : memref<64x768xf32, #tpu.memory_space<vmem>>) offsets(%dma_start3A_1860 : memref<64xi32, #tpu.memory_space<vmem>>) semaphore(%arg8 : memref<!tpu.dma_semaphore, #tpu.memory_space<semaphore_mem>>)
    %dma_wait3A_1864 = arith.constant 1408 : i32
    %dma_wait3A_1865 = tpu.memref_slice %arg5[%dma_wait3A_1864] : memref<1600xi32, #tpu.memory_space<vmem>> -> memref<64xi32, #tpu.memory_space<vmem>>
    %dma_wait3A_1866 = arith.constant 0 : i32
    %dma_wait3A_1867 = arith.constant 0 : i32
    %dma_wait3A_1868 = tpu.memref_slice %arg3[%dma_wait3A_1866, %dma_wait3A_1867] : memref<32128x768xf32, #tpu.memory_space<hbm>> -> memref<32128x768xf32, #tpu.memory_space<hbm>>
    tpu.wait_indirect_dma semaphore(%arg8 : memref<!tpu.dma_semaphore, #tpu.memory_space<semaphore_mem>>) src(%dma_wait3A_1868 : memref<32128x768xf32, #tpu.memory_space<hbm>>) dst(%arg6 : memref<64x768xf32, #tpu.memory_space<vmem>>)
    %dma_start3A_1869 = arith.constant 44 : i32
    %dma_start3A_1870 = arith.constant 0 : i32
    %dma_start3A_1871 = arith.constant 0 : i32
    %dma_start3A_1872 = tpu.memref_slice %arg6[%dma_start3A_1870, %dma_start3A_1871] : memref<64x768xf32, #tpu.memory_space<vmem>> -> memref<32x768xf32, #tpu.memory_space<vmem>>
    %dma_start3A_1873 = arith.constant 0 : i32
    %dma_start3A_1874 = arith.constant 0 : i32
    %dma_start3A_1875 = tpu.memref_slice %arg4[%dma_start3A_1869, %dma_start3A_1873, %dma_start3A_1874] : memref<50x1024x768xf32, #tpu.memory_space<hbm>> -> memref<1x1024x768xf32, #tpu.memory_space<hbm>>
    %dma_start3A_1876 = tpu.memref_squeeze %dma_start3A_1875 : memref<1x1024x768xf32, #tpu.memory_space<hbm>> -> memref<1024x768xf32, #tpu.memory_space<hbm>>
    %dma_start3A_1877 = arith.constant 0 : i32
    %dma_start3A_1878 = tpu.memref_slice %dma_start3A_1876[%mul3A_2, %dma_start3A_1877] : memref<1024x768xf32, #tpu.memory_space<hbm>> -> memref<32x768xf32, #tpu.memory_space<hbm>>
    %dma_start3A_1879 = arith.constant 0 : i32
    %dma_start3A_1880 = arith.constant 0 : i32
    %dma_start3A_1881 = tpu.memref_slice %arg4[%dma_start3A_1869, %dma_start3A_1879, %dma_start3A_1880] : memref<50x1024x768xf32, #tpu.memory_space<hbm>> -> memref<1x1024x768xf32, #tpu.memory_space<hbm>>
    %dma_start3A_1882 = tpu.memref_squeeze %dma_start3A_1881 : memref<1x1024x768xf32, #tpu.memory_space<hbm>> -> memref<1024x768xf32, #tpu.memory_space<hbm>>
    %dma_start3A_1883 = arith.constant 0 : i32
    %dma_start3A_1884 = tpu.memref_slice %dma_start3A_1882[%mul3A_2, %dma_start3A_1883] : memref<1024x768xf32, #tpu.memory_space<hbm>> -> memref<32x768xf32, #tpu.memory_space<hbm>>
    %dma_start3A_1885 = arith.constant 0 : i32
    %dma_start3A_1886 = arith.constant 0 : i32
    %dma_start3A_1887 = tpu.memref_slice %arg6[%dma_start3A_1885, %dma_start3A_1886] : memref<64x768xf32, #tpu.memory_space<vmem>> -> memref<32x768xf32, #tpu.memory_space<vmem>>
    tpu.enqueue_dma source(%dma_start3A_1887 : memref<32x768xf32, #tpu.memory_space<vmem>>) target(%dma_start3A_1884 : memref<32x768xf32, #tpu.memory_space<hbm>>) target_semaphore(%arg9 : memref<!tpu.dma_semaphore, #tpu.memory_space<semaphore_mem>>)
    %dma_start3A_1888 = arith.constant 45 : i32
    %dma_start3A_1889 = arith.constant 32 : i32
    %dma_start3A_1890 = arith.constant 0 : i32
    %dma_start3A_1891 = tpu.memref_slice %arg6[%dma_start3A_1889, %dma_start3A_1890] : memref<64x768xf32, #tpu.memory_space<vmem>> -> memref<32x768xf32, #tpu.memory_space<vmem>>
    %dma_start3A_1892 = arith.constant 0 : i32
    %dma_start3A_1893 = arith.constant 0 : i32
    %dma_start3A_1894 = tpu.memref_slice %arg4[%dma_start3A_1888, %dma_start3A_1892, %dma_start3A_1893] : memref<50x1024x768xf32, #tpu.memory_space<hbm>> -> memref<1x1024x768xf32, #tpu.memory_space<hbm>>
    %dma_start3A_1895 = tpu.memref_squeeze %dma_start3A_1894 : memref<1x1024x768xf32, #tpu.memory_space<hbm>> -> memref<1024x768xf32, #tpu.memory_space<hbm>>
    %dma_start3A_1896 = arith.constant 0 : i32
    %dma_start3A_1897 = tpu.memref_slice %dma_start3A_1895[%mul3A_2, %dma_start3A_1896] : memref<1024x768xf32, #tpu.memory_space<hbm>> -> memref<32x768xf32, #tpu.memory_space<hbm>>
    %dma_start3A_1898 = arith.constant 0 : i32
    %dma_start3A_1899 = arith.constant 0 : i32
    %dma_start3A_1900 = tpu.memref_slice %arg4[%dma_start3A_1888, %dma_start3A_1898, %dma_start3A_1899] : memref<50x1024x768xf32, #tpu.memory_space<hbm>> -> memref<1x1024x768xf32, #tpu.memory_space<hbm>>
    %dma_start3A_1901 = tpu.memref_squeeze %dma_start3A_1900 : memref<1x1024x768xf32, #tpu.memory_space<hbm>> -> memref<1024x768xf32, #tpu.memory_space<hbm>>
    %dma_start3A_1902 = arith.constant 0 : i32
    %dma_start3A_1903 = tpu.memref_slice %dma_start3A_1901[%mul3A_2, %dma_start3A_1902] : memref<1024x768xf32, #tpu.memory_space<hbm>> -> memref<32x768xf32, #tpu.memory_space<hbm>>
    %dma_start3A_1904 = arith.constant 32 : i32
    %dma_start3A_1905 = arith.constant 0 : i32
    %dma_start3A_1906 = tpu.memref_slice %arg6[%dma_start3A_1904, %dma_start3A_1905] : memref<64x768xf32, #tpu.memory_space<vmem>> -> memref<32x768xf32, #tpu.memory_space<vmem>>
    tpu.enqueue_dma source(%dma_start3A_1906 : memref<32x768xf32, #tpu.memory_space<vmem>>) target(%dma_start3A_1903 : memref<32x768xf32, #tpu.memory_space<hbm>>) target_semaphore(%arg9 : memref<!tpu.dma_semaphore, #tpu.memory_space<semaphore_mem>>)
    %dma_wait3A_1907 = arith.constant 42 : i32
    %dma_wait3A_1908 = arith.constant 0 : i32
    %dma_wait3A_1909 = arith.constant 0 : i32
    %dma_wait3A_1910 = tpu.memref_slice %arg7[%dma_wait3A_1908, %dma_wait3A_1909] : memref<64x768xf32, #tpu.memory_space<vmem>> -> memref<32x768xf32, #tpu.memory_space<vmem>>
    %dma_wait3A_1911 = arith.constant 0 : i32
    %dma_wait3A_1912 = arith.constant 0 : i32
    %dma_wait3A_1913 = tpu.memref_slice %arg4[%dma_wait3A_1907, %dma_wait3A_1911, %dma_wait3A_1912] : memref<50x1024x768xf32, #tpu.memory_space<hbm>> -> memref<1x1024x768xf32, #tpu.memory_space<hbm>>
    %dma_wait3A_1914 = tpu.memref_squeeze %dma_wait3A_1913 : memref<1x1024x768xf32, #tpu.memory_space<hbm>> -> memref<1024x768xf32, #tpu.memory_space<hbm>>
    %dma_wait3A_1915 = arith.constant 0 : i32
    %dma_wait3A_1916 = tpu.memref_slice %dma_wait3A_1914[%mul3A_2, %dma_wait3A_1915] : memref<1024x768xf32, #tpu.memory_space<hbm>> -> memref<32x768xf32, #tpu.memory_space<hbm>>
    %dma_wait3A_1917 = arith.constant 0 : i32
    %dma_wait3A_1918 = arith.constant 0 : i32
    %dma_wait3A_1919 = tpu.memref_slice %arg4[%dma_wait3A_1907, %dma_wait3A_1917, %dma_wait3A_1918] : memref<50x1024x768xf32, #tpu.memory_space<hbm>> -> memref<1x1024x768xf32, #tpu.memory_space<hbm>>
    %dma_wait3A_1920 = tpu.memref_squeeze %dma_wait3A_1919 : memref<1x1024x768xf32, #tpu.memory_space<hbm>> -> memref<1024x768xf32, #tpu.memory_space<hbm>>
    %dma_wait3A_1921 = arith.constant 0 : i32
    %dma_wait3A_1922 = tpu.memref_slice %dma_wait3A_1920[%mul3A_2, %dma_wait3A_1921] : memref<1024x768xf32, #tpu.memory_space<hbm>> -> memref<32x768xf32, #tpu.memory_space<hbm>>
    %dma_wait3A_1923 = arith.constant 0 : i32
    %dma_wait3A_1924 = arith.constant 0 : i32
    %dma_wait3A_1925 = tpu.memref_slice %arg7[%dma_wait3A_1923, %dma_wait3A_1924] : memref<64x768xf32, #tpu.memory_space<vmem>> -> memref<32x768xf32, #tpu.memory_space<vmem>>
    tpu.wait_dma2 semaphore(%arg9 : memref<!tpu.dma_semaphore, #tpu.memory_space<semaphore_mem>>) src(%dma_wait3A_1925 : memref<32x768xf32, #tpu.memory_space<vmem>>) dst(%dma_wait3A_1922 : memref<32x768xf32, #tpu.memory_space<hbm>>)
    %dma_wait3A_1926 = arith.constant 43 : i32
    %dma_wait3A_1927 = arith.constant 32 : i32
    %dma_wait3A_1928 = arith.constant 0 : i32
    %dma_wait3A_1929 = tpu.memref_slice %arg7[%dma_wait3A_1927, %dma_wait3A_1928] : memref<64x768xf32, #tpu.memory_space<vmem>> -> memref<32x768xf32, #tpu.memory_space<vmem>>
    %dma_wait3A_1930 = arith.constant 0 : i32
    %dma_wait3A_1931 = arith.constant 0 : i32
    %dma_wait3A_1932 = tpu.memref_slice %arg4[%dma_wait3A_1926, %dma_wait3A_1930, %dma_wait3A_1931] : memref<50x1024x768xf32, #tpu.memory_space<hbm>> -> memref<1x1024x768xf32, #tpu.memory_space<hbm>>
    %dma_wait3A_1933 = tpu.memref_squeeze %dma_wait3A_1932 : memref<1x1024x768xf32, #tpu.memory_space<hbm>> -> memref<1024x768xf32, #tpu.memory_space<hbm>>
    %dma_wait3A_1934 = arith.constant 0 : i32
    %dma_wait3A_1935 = tpu.memref_slice %dma_wait3A_1933[%mul3A_2, %dma_wait3A_1934] : memref<1024x768xf32, #tpu.memory_space<hbm>> -> memref<32x768xf32, #tpu.memory_space<hbm>>
    %dma_wait3A_1936 = arith.constant 0 : i32
    %dma_wait3A_1937 = arith.constant 0 : i32
    %dma_wait3A_1938 = tpu.memref_slice %arg4[%dma_wait3A_1926, %dma_wait3A_1936, %dma_wait3A_1937] : memref<50x1024x768xf32, #tpu.memory_space<hbm>> -> memref<1x1024x768xf32, #tpu.memory_space<hbm>>
    %dma_wait3A_1939 = tpu.memref_squeeze %dma_wait3A_1938 : memref<1x1024x768xf32, #tpu.memory_space<hbm>> -> memref<1024x768xf32, #tpu.memory_space<hbm>>
    %dma_wait3A_1940 = arith.constant 0 : i32
    %dma_wait3A_1941 = tpu.memref_slice %dma_wait3A_1939[%mul3A_2, %dma_wait3A_1940] : memref<1024x768xf32, #tpu.memory_space<hbm>> -> memref<32x768xf32, #tpu.memory_space<hbm>>
    %dma_wait3A_1942 = arith.constant 32 : i32
    %dma_wait3A_1943 = arith.constant 0 : i32
    %dma_wait3A_1944 = tpu.memref_slice %arg7[%dma_wait3A_1942, %dma_wait3A_1943] : memref<64x768xf32, #tpu.memory_space<vmem>> -> memref<32x768xf32, #tpu.memory_space<vmem>>
    tpu.wait_dma2 semaphore(%arg9 : memref<!tpu.dma_semaphore, #tpu.memory_space<semaphore_mem>>) src(%dma_wait3A_1944 : memref<32x768xf32, #tpu.memory_space<vmem>>) dst(%dma_wait3A_1941 : memref<32x768xf32, #tpu.memory_space<hbm>>)
    %dma_start3A_1945 = arith.constant 1472 : i32
    %dma_start3A_1946 = tpu.memref_slice %arg5[%dma_start3A_1945] : memref<1600xi32, #tpu.memory_space<vmem>> -> memref<64xi32, #tpu.memory_space<vmem>>
    %dma_start3A_1947 = arith.constant 0 : i32
    %dma_start3A_1948 = arith.constant 0 : i32
    %dma_start3A_1949 = tpu.memref_slice %arg3[%dma_start3A_1947, %dma_start3A_1948] : memref<32128x768xf32, #tpu.memory_space<hbm>> -> memref<32128x768xf32, #tpu.memory_space<hbm>>
    tpu.enqueue_indirect_dma source(%dma_start3A_1949 : memref<32128x768xf32, #tpu.memory_space<hbm>>) target(%arg7 : memref<64x768xf32, #tpu.memory_space<vmem>>) offsets(%dma_start3A_1946 : memref<64xi32, #tpu.memory_space<vmem>>) semaphore(%arg8 : memref<!tpu.dma_semaphore, #tpu.memory_space<semaphore_mem>>)
    %dma_wait3A_1950 = arith.constant 1472 : i32
    %dma_wait3A_1951 = tpu.memref_slice %arg5[%dma_wait3A_1950] : memref<1600xi32, #tpu.memory_space<vmem>> -> memref<64xi32, #tpu.memory_space<vmem>>
    %dma_wait3A_1952 = arith.constant 0 : i32
    %dma_wait3A_1953 = arith.constant 0 : i32
    %dma_wait3A_1954 = tpu.memref_slice %arg3[%dma_wait3A_1952, %dma_wait3A_1953] : memref<32128x768xf32, #tpu.memory_space<hbm>> -> memref<32128x768xf32, #tpu.memory_space<hbm>>
    tpu.wait_indirect_dma semaphore(%arg8 : memref<!tpu.dma_semaphore, #tpu.memory_space<semaphore_mem>>) src(%dma_wait3A_1954 : memref<32128x768xf32, #tpu.memory_space<hbm>>) dst(%arg7 : memref<64x768xf32, #tpu.memory_space<vmem>>)
    %dma_start3A_1955 = arith.constant 46 : i32
    %dma_start3A_1956 = arith.constant 0 : i32
    %dma_start3A_1957 = arith.constant 0 : i32
    %dma_start3A_1958 = tpu.memref_slice %arg7[%dma_start3A_1956, %dma_start3A_1957] : memref<64x768xf32, #tpu.memory_space<vmem>> -> memref<32x768xf32, #tpu.memory_space<vmem>>
    %dma_start3A_1959 = arith.constant 0 : i32
    %dma_start3A_1960 = arith.constant 0 : i32
    %dma_start3A_1961 = tpu.memref_slice %arg4[%dma_start3A_1955, %dma_start3A_1959, %dma_start3A_1960] : memref<50x1024x768xf32, #tpu.memory_space<hbm>> -> memref<1x1024x768xf32, #tpu.memory_space<hbm>>
    %dma_start3A_1962 = tpu.memref_squeeze %dma_start3A_1961 : memref<1x1024x768xf32, #tpu.memory_space<hbm>> -> memref<1024x768xf32, #tpu.memory_space<hbm>>
    %dma_start3A_1963 = arith.constant 0 : i32
    %dma_start3A_1964 = tpu.memref_slice %dma_start3A_1962[%mul3A_2, %dma_start3A_1963] : memref<1024x768xf32, #tpu.memory_space<hbm>> -> memref<32x768xf32, #tpu.memory_space<hbm>>
    %dma_start3A_1965 = arith.constant 0 : i32
    %dma_start3A_1966 = arith.constant 0 : i32
    %dma_start3A_1967 = tpu.memref_slice %arg4[%dma_start3A_1955, %dma_start3A_1965, %dma_start3A_1966] : memref<50x1024x768xf32, #tpu.memory_space<hbm>> -> memref<1x1024x768xf32, #tpu.memory_space<hbm>>
    %dma_start3A_1968 = tpu.memref_squeeze %dma_start3A_1967 : memref<1x1024x768xf32, #tpu.memory_space<hbm>> -> memref<1024x768xf32, #tpu.memory_space<hbm>>
    %dma_start3A_1969 = arith.constant 0 : i32
    %dma_start3A_1970 = tpu.memref_slice %dma_start3A_1968[%mul3A_2, %dma_start3A_1969] : memref<1024x768xf32, #tpu.memory_space<hbm>> -> memref<32x768xf32, #tpu.memory_space<hbm>>
    %dma_start3A_1971 = arith.constant 0 : i32
    %dma_start3A_1972 = arith.constant 0 : i32
    %dma_start3A_1973 = tpu.memref_slice %arg7[%dma_start3A_1971, %dma_start3A_1972] : memref<64x768xf32, #tpu.memory_space<vmem>> -> memref<32x768xf32, #tpu.memory_space<vmem>>
    tpu.enqueue_dma source(%dma_start3A_1973 : memref<32x768xf32, #tpu.memory_space<vmem>>) target(%dma_start3A_1970 : memref<32x768xf32, #tpu.memory_space<hbm>>) target_semaphore(%arg9 : memref<!tpu.dma_semaphore, #tpu.memory_space<semaphore_mem>>)
    %dma_start3A_1974 = arith.constant 47 : i32
    %dma_start3A_1975 = arith.constant 32 : i32
    %dma_start3A_1976 = arith.constant 0 : i32
    %dma_start3A_1977 = tpu.memref_slice %arg7[%dma_start3A_1975, %dma_start3A_1976] : memref<64x768xf32, #tpu.memory_space<vmem>> -> memref<32x768xf32, #tpu.memory_space<vmem>>
    %dma_start3A_1978 = arith.constant 0 : i32
    %dma_start3A_1979 = arith.constant 0 : i32
    %dma_start3A_1980 = tpu.memref_slice %arg4[%dma_start3A_1974, %dma_start3A_1978, %dma_start3A_1979] : memref<50x1024x768xf32, #tpu.memory_space<hbm>> -> memref<1x1024x768xf32, #tpu.memory_space<hbm>>
    %dma_start3A_1981 = tpu.memref_squeeze %dma_start3A_1980 : memref<1x1024x768xf32, #tpu.memory_space<hbm>> -> memref<1024x768xf32, #tpu.memory_space<hbm>>
    %dma_start3A_1982 = arith.constant 0 : i32
    %dma_start3A_1983 = tpu.memref_slice %dma_start3A_1981[%mul3A_2, %dma_start3A_1982] : memref<1024x768xf32, #tpu.memory_space<hbm>> -> memref<32x768xf32, #tpu.memory_space<hbm>>
    %dma_start3A_1984 = arith.constant 0 : i32
    %dma_start3A_1985 = arith.constant 0 : i32
    %dma_start3A_1986 = tpu.memref_slice %arg4[%dma_start3A_1974, %dma_start3A_1984, %dma_start3A_1985] : memref<50x1024x768xf32, #tpu.memory_space<hbm>> -> memref<1x1024x768xf32, #tpu.memory_space<hbm>>
    %dma_start3A_1987 = tpu.memref_squeeze %dma_start3A_1986 : memref<1x1024x768xf32, #tpu.memory_space<hbm>> -> memref<1024x768xf32, #tpu.memory_space<hbm>>
    %dma_start3A_1988 = arith.constant 0 : i32
    %dma_start3A_1989 = tpu.memref_slice %dma_start3A_1987[%mul3A_2, %dma_start3A_1988] : memref<1024x768xf32, #tpu.memory_space<hbm>> -> memref<32x768xf32, #tpu.memory_space<hbm>>
    %dma_start3A_1990 = arith.constant 32 : i32
    %dma_start3A_1991 = arith.constant 0 : i32
    %dma_start3A_1992 = tpu.memref_slice %arg7[%dma_start3A_1990, %dma_start3A_1991] : memref<64x768xf32, #tpu.memory_space<vmem>> -> memref<32x768xf32, #tpu.memory_space<vmem>>
    tpu.enqueue_dma source(%dma_start3A_1992 : memref<32x768xf32, #tpu.memory_space<vmem>>) target(%dma_start3A_1989 : memref<32x768xf32, #tpu.memory_space<hbm>>) target_semaphore(%arg9 : memref<!tpu.dma_semaphore, #tpu.memory_space<semaphore_mem>>)
    %dma_wait3A_1993 = arith.constant 44 : i32
    %dma_wait3A_1994 = arith.constant 0 : i32
    %dma_wait3A_1995 = arith.constant 0 : i32
    %dma_wait3A_1996 = tpu.memref_slice %arg6[%dma_wait3A_1994, %dma_wait3A_1995] : memref<64x768xf32, #tpu.memory_space<vmem>> -> memref<32x768xf32, #tpu.memory_space<vmem>>
    %dma_wait3A_1997 = arith.constant 0 : i32
    %dma_wait3A_1998 = arith.constant 0 : i32
    %dma_wait3A_1999 = tpu.memref_slice %arg4[%dma_wait3A_1993, %dma_wait3A_1997, %dma_wait3A_1998] : memref<50x1024x768xf32, #tpu.memory_space<hbm>> -> memref<1x1024x768xf32, #tpu.memory_space<hbm>>
    %dma_wait3A_2000 = tpu.memref_squeeze %dma_wait3A_1999 : memref<1x1024x768xf32, #tpu.memory_space<hbm>> -> memref<1024x768xf32, #tpu.memory_space<hbm>>
    %dma_wait3A_2001 = arith.constant 0 : i32
    %dma_wait3A_2002 = tpu.memref_slice %dma_wait3A_2000[%mul3A_2, %dma_wait3A_2001] : memref<1024x768xf32, #tpu.memory_space<hbm>> -> memref<32x768xf32, #tpu.memory_space<hbm>>
    %dma_wait3A_2003 = arith.constant 0 : i32
    %dma_wait3A_2004 = arith.constant 0 : i32
    %dma_wait3A_2005 = tpu.memref_slice %arg4[%dma_wait3A_1993, %dma_wait3A_2003, %dma_wait3A_2004] : memref<50x1024x768xf32, #tpu.memory_space<hbm>> -> memref<1x1024x768xf32, #tpu.memory_space<hbm>>
    %dma_wait3A_2006 = tpu.memref_squeeze %dma_wait3A_2005 : memref<1x1024x768xf32, #tpu.memory_space<hbm>> -> memref<1024x768xf32, #tpu.memory_space<hbm>>
    %dma_wait3A_2007 = arith.constant 0 : i32
    %dma_wait3A_2008 = tpu.memref_slice %dma_wait3A_2006[%mul3A_2, %dma_wait3A_2007] : memref<1024x768xf32, #tpu.memory_space<hbm>> -> memref<32x768xf32, #tpu.memory_space<hbm>>
    %dma_wait3A_2009 = arith.constant 0 : i32
    %dma_wait3A_2010 = arith.constant 0 : i32
    %dma_wait3A_2011 = tpu.memref_slice %arg6[%dma_wait3A_2009, %dma_wait3A_2010] : memref<64x768xf32, #tpu.memory_space<vmem>> -> memref<32x768xf32, #tpu.memory_space<vmem>>
    tpu.wait_dma2 semaphore(%arg9 : memref<!tpu.dma_semaphore, #tpu.memory_space<semaphore_mem>>) src(%dma_wait3A_2011 : memref<32x768xf32, #tpu.memory_space<vmem>>) dst(%dma_wait3A_2008 : memref<32x768xf32, #tpu.memory_space<hbm>>)
    %dma_wait3A_2012 = arith.constant 45 : i32
    %dma_wait3A_2013 = arith.constant 32 : i32
    %dma_wait3A_2014 = arith.constant 0 : i32
    %dma_wait3A_2015 = tpu.memref_slice %arg6[%dma_wait3A_2013, %dma_wait3A_2014] : memref<64x768xf32, #tpu.memory_space<vmem>> -> memref<32x768xf32, #tpu.memory_space<vmem>>
    %dma_wait3A_2016 = arith.constant 0 : i32
    %dma_wait3A_2017 = arith.constant 0 : i32
    %dma_wait3A_2018 = tpu.memref_slice %arg4[%dma_wait3A_2012, %dma_wait3A_2016, %dma_wait3A_2017] : memref<50x1024x768xf32, #tpu.memory_space<hbm>> -> memref<1x1024x768xf32, #tpu.memory_space<hbm>>
    %dma_wait3A_2019 = tpu.memref_squeeze %dma_wait3A_2018 : memref<1x1024x768xf32, #tpu.memory_space<hbm>> -> memref<1024x768xf32, #tpu.memory_space<hbm>>
    %dma_wait3A_2020 = arith.constant 0 : i32
    %dma_wait3A_2021 = tpu.memref_slice %dma_wait3A_2019[%mul3A_2, %dma_wait3A_2020] : memref<1024x768xf32, #tpu.memory_space<hbm>> -> memref<32x768xf32, #tpu.memory_space<hbm>>
    %dma_wait3A_2022 = arith.constant 0 : i32
    %dma_wait3A_2023 = arith.constant 0 : i32
    %dma_wait3A_2024 = tpu.memref_slice %arg4[%dma_wait3A_2012, %dma_wait3A_2022, %dma_wait3A_2023] : memref<50x1024x768xf32, #tpu.memory_space<hbm>> -> memref<1x1024x768xf32, #tpu.memory_space<hbm>>
    %dma_wait3A_2025 = tpu.memref_squeeze %dma_wait3A_2024 : memref<1x1024x768xf32, #tpu.memory_space<hbm>> -> memref<1024x768xf32, #tpu.memory_space<hbm>>
    %dma_wait3A_2026 = arith.constant 0 : i32
    %dma_wait3A_2027 = tpu.memref_slice %dma_wait3A_2025[%mul3A_2, %dma_wait3A_2026] : memref<1024x768xf32, #tpu.memory_space<hbm>> -> memref<32x768xf32, #tpu.memory_space<hbm>>
    %dma_wait3A_2028 = arith.constant 32 : i32
    %dma_wait3A_2029 = arith.constant 0 : i32
    %dma_wait3A_2030 = tpu.memref_slice %arg6[%dma_wait3A_2028, %dma_wait3A_2029] : memref<64x768xf32, #tpu.memory_space<vmem>> -> memref<32x768xf32, #tpu.memory_space<vmem>>
    tpu.wait_dma2 semaphore(%arg9 : memref<!tpu.dma_semaphore, #tpu.memory_space<semaphore_mem>>) src(%dma_wait3A_2030 : memref<32x768xf32, #tpu.memory_space<vmem>>) dst(%dma_wait3A_2027 : memref<32x768xf32, #tpu.memory_space<hbm>>)
    %dma_start3A_2031 = arith.constant 1536 : i32
    %dma_start3A_2032 = tpu.memref_slice %arg5[%dma_start3A_2031] : memref<1600xi32, #tpu.memory_space<vmem>> -> memref<64xi32, #tpu.memory_space<vmem>>
    %dma_start3A_2033 = arith.constant 0 : i32
    %dma_start3A_2034 = arith.constant 0 : i32
    %dma_start3A_2035 = tpu.memref_slice %arg3[%dma_start3A_2033, %dma_start3A_2034] : memref<32128x768xf32, #tpu.memory_space<hbm>> -> memref<32128x768xf32, #tpu.memory_space<hbm>>
    tpu.enqueue_indirect_dma source(%dma_start3A_2035 : memref<32128x768xf32, #tpu.memory_space<hbm>>) target(%arg6 : memref<64x768xf32, #tpu.memory_space<vmem>>) offsets(%dma_start3A_2032 : memref<64xi32, #tpu.memory_space<vmem>>) semaphore(%arg8 : memref<!tpu.dma_semaphore, #tpu.memory_space<semaphore_mem>>)
    %dma_wait3A_2036 = arith.constant 1536 : i32
    %dma_wait3A_2037 = tpu.memref_slice %arg5[%dma_wait3A_2036] : memref<1600xi32, #tpu.memory_space<vmem>> -> memref<64xi32, #tpu.memory_space<vmem>>
    %dma_wait3A_2038 = arith.constant 0 : i32
    %dma_wait3A_2039 = arith.constant 0 : i32
    %dma_wait3A_2040 = tpu.memref_slice %arg3[%dma_wait3A_2038, %dma_wait3A_2039] : memref<32128x768xf32, #tpu.memory_space<hbm>> -> memref<32128x768xf32, #tpu.memory_space<hbm>>
    tpu.wait_indirect_dma semaphore(%arg8 : memref<!tpu.dma_semaphore, #tpu.memory_space<semaphore_mem>>) src(%dma_wait3A_2040 : memref<32128x768xf32, #tpu.memory_space<hbm>>) dst(%arg6 : memref<64x768xf32, #tpu.memory_space<vmem>>)
    %dma_start3A_2041 = arith.constant 48 : i32
    %dma_start3A_2042 = arith.constant 0 : i32
    %dma_start3A_2043 = arith.constant 0 : i32
    %dma_start3A_2044 = tpu.memref_slice %arg6[%dma_start3A_2042, %dma_start3A_2043] : memref<64x768xf32, #tpu.memory_space<vmem>> -> memref<32x768xf32, #tpu.memory_space<vmem>>
    %dma_start3A_2045 = arith.constant 0 : i32
    %dma_start3A_2046 = arith.constant 0 : i32
    %dma_start3A_2047 = tpu.memref_slice %arg4[%dma_start3A_2041, %dma_start3A_2045, %dma_start3A_2046] : memref<50x1024x768xf32, #tpu.memory_space<hbm>> -> memref<1x1024x768xf32, #tpu.memory_space<hbm>>
    %dma_start3A_2048 = tpu.memref_squeeze %dma_start3A_2047 : memref<1x1024x768xf32, #tpu.memory_space<hbm>> -> memref<1024x768xf32, #tpu.memory_space<hbm>>
    %dma_start3A_2049 = arith.constant 0 : i32
    %dma_start3A_2050 = tpu.memref_slice %dma_start3A_2048[%mul3A_2, %dma_start3A_2049] : memref<1024x768xf32, #tpu.memory_space<hbm>> -> memref<32x768xf32, #tpu.memory_space<hbm>>
    %dma_start3A_2051 = arith.constant 0 : i32
    %dma_start3A_2052 = arith.constant 0 : i32
    %dma_start3A_2053 = tpu.memref_slice %arg4[%dma_start3A_2041, %dma_start3A_2051, %dma_start3A_2052] : memref<50x1024x768xf32, #tpu.memory_space<hbm>> -> memref<1x1024x768xf32, #tpu.memory_space<hbm>>
    %dma_start3A_2054 = tpu.memref_squeeze %dma_start3A_2053 : memref<1x1024x768xf32, #tpu.memory_space<hbm>> -> memref<1024x768xf32, #tpu.memory_space<hbm>>
    %dma_start3A_2055 = arith.constant 0 : i32
    %dma_start3A_2056 = tpu.memref_slice %dma_start3A_2054[%mul3A_2, %dma_start3A_2055] : memref<1024x768xf32, #tpu.memory_space<hbm>> -> memref<32x768xf32, #tpu.memory_space<hbm>>
    %dma_start3A_2057 = arith.constant 0 : i32
    %dma_start3A_2058 = arith.constant 0 : i32
    %dma_start3A_2059 = tpu.memref_slice %arg6[%dma_start3A_2057, %dma_start3A_2058] : memref<64x768xf32, #tpu.memory_space<vmem>> -> memref<32x768xf32, #tpu.memory_space<vmem>>
    tpu.enqueue_dma source(%dma_start3A_2059 : memref<32x768xf32, #tpu.memory_space<vmem>>) target(%dma_start3A_2056 : memref<32x768xf32, #tpu.memory_space<hbm>>) target_semaphore(%arg9 : memref<!tpu.dma_semaphore, #tpu.memory_space<semaphore_mem>>)
    %dma_start3A_2060 = arith.constant 49 : i32
    %dma_start3A_2061 = arith.constant 32 : i32
    %dma_start3A_2062 = arith.constant 0 : i32
    %dma_start3A_2063 = tpu.memref_slice %arg6[%dma_start3A_2061, %dma_start3A_2062] : memref<64x768xf32, #tpu.memory_space<vmem>> -> memref<32x768xf32, #tpu.memory_space<vmem>>
    %dma_start3A_2064 = arith.constant 0 : i32
    %dma_start3A_2065 = arith.constant 0 : i32
    %dma_start3A_2066 = tpu.memref_slice %arg4[%dma_start3A_2060, %dma_start3A_2064, %dma_start3A_2065] : memref<50x1024x768xf32, #tpu.memory_space<hbm>> -> memref<1x1024x768xf32, #tpu.memory_space<hbm>>
    %dma_start3A_2067 = tpu.memref_squeeze %dma_start3A_2066 : memref<1x1024x768xf32, #tpu.memory_space<hbm>> -> memref<1024x768xf32, #tpu.memory_space<hbm>>
    %dma_start3A_2068 = arith.constant 0 : i32
    %dma_start3A_2069 = tpu.memref_slice %dma_start3A_2067[%mul3A_2, %dma_start3A_2068] : memref<1024x768xf32, #tpu.memory_space<hbm>> -> memref<32x768xf32, #tpu.memory_space<hbm>>
    %dma_start3A_2070 = arith.constant 0 : i32
    %dma_start3A_2071 = arith.constant 0 : i32
    %dma_start3A_2072 = tpu.memref_slice %arg4[%dma_start3A_2060, %dma_start3A_2070, %dma_start3A_2071] : memref<50x1024x768xf32, #tpu.memory_space<hbm>> -> memref<1x1024x768xf32, #tpu.memory_space<hbm>>
    %dma_start3A_2073 = tpu.memref_squeeze %dma_start3A_2072 : memref<1x1024x768xf32, #tpu.memory_space<hbm>> -> memref<1024x768xf32, #tpu.memory_space<hbm>>
    %dma_start3A_2074 = arith.constant 0 : i32
    %dma_start3A_2075 = tpu.memref_slice %dma_start3A_2073[%mul3A_2, %dma_start3A_2074] : memref<1024x768xf32, #tpu.memory_space<hbm>> -> memref<32x768xf32, #tpu.memory_space<hbm>>
    %dma_start3A_2076 = arith.constant 32 : i32
    %dma_start3A_2077 = arith.constant 0 : i32
    %dma_start3A_2078 = tpu.memref_slice %arg6[%dma_start3A_2076, %dma_start3A_2077] : memref<64x768xf32, #tpu.memory_space<vmem>> -> memref<32x768xf32, #tpu.memory_space<vmem>>
    tpu.enqueue_dma source(%dma_start3A_2078 : memref<32x768xf32, #tpu.memory_space<vmem>>) target(%dma_start3A_2075 : memref<32x768xf32, #tpu.memory_space<hbm>>) target_semaphore(%arg9 : memref<!tpu.dma_semaphore, #tpu.memory_space<semaphore_mem>>)
    %dma_wait3A_2079 = arith.constant 46 : i32
    %dma_wait3A_2080 = arith.constant 0 : i32
    %dma_wait3A_2081 = arith.constant 0 : i32
    %dma_wait3A_2082 = tpu.memref_slice %arg7[%dma_wait3A_2080, %dma_wait3A_2081] : memref<64x768xf32, #tpu.memory_space<vmem>> -> memref<32x768xf32, #tpu.memory_space<vmem>>
    %dma_wait3A_2083 = arith.constant 0 : i32
    %dma_wait3A_2084 = arith.constant 0 : i32
    %dma_wait3A_2085 = tpu.memref_slice %arg4[%dma_wait3A_2079, %dma_wait3A_2083, %dma_wait3A_2084] : memref<50x1024x768xf32, #tpu.memory_space<hbm>> -> memref<1x1024x768xf32, #tpu.memory_space<hbm>>
    %dma_wait3A_2086 = tpu.memref_squeeze %dma_wait3A_2085 : memref<1x1024x768xf32, #tpu.memory_space<hbm>> -> memref<1024x768xf32, #tpu.memory_space<hbm>>
    %dma_wait3A_2087 = arith.constant 0 : i32
    %dma_wait3A_2088 = tpu.memref_slice %dma_wait3A_2086[%mul3A_2, %dma_wait3A_2087] : memref<1024x768xf32, #tpu.memory_space<hbm>> -> memref<32x768xf32, #tpu.memory_space<hbm>>
    %dma_wait3A_2089 = arith.constant 0 : i32
    %dma_wait3A_2090 = arith.constant 0 : i32
    %dma_wait3A_2091 = tpu.memref_slice %arg4[%dma_wait3A_2079, %dma_wait3A_2089, %dma_wait3A_2090] : memref<50x1024x768xf32, #tpu.memory_space<hbm>> -> memref<1x1024x768xf32, #tpu.memory_space<hbm>>
    %dma_wait3A_2092 = tpu.memref_squeeze %dma_wait3A_2091 : memref<1x1024x768xf32, #tpu.memory_space<hbm>> -> memref<1024x768xf32, #tpu.memory_space<hbm>>
    %dma_wait3A_2093 = arith.constant 0 : i32
    %dma_wait3A_2094 = tpu.memref_slice %dma_wait3A_2092[%mul3A_2, %dma_wait3A_2093] : memref<1024x768xf32, #tpu.memory_space<hbm>> -> memref<32x768xf32, #tpu.memory_space<hbm>>
    %dma_wait3A_2095 = arith.constant 0 : i32
    %dma_wait3A_2096 = arith.constant 0 : i32
    %dma_wait3A_2097 = tpu.memref_slice %arg7[%dma_wait3A_2095, %dma_wait3A_2096] : memref<64x768xf32, #tpu.memory_space<vmem>> -> memref<32x768xf32, #tpu.memory_space<vmem>>
    tpu.wait_dma2 semaphore(%arg9 : memref<!tpu.dma_semaphore, #tpu.memory_space<semaphore_mem>>) src(%dma_wait3A_2097 : memref<32x768xf32, #tpu.memory_space<vmem>>) dst(%dma_wait3A_2094 : memref<32x768xf32, #tpu.memory_space<hbm>>)
    %dma_wait3A_2098 = arith.constant 47 : i32
    %dma_wait3A_2099 = arith.constant 32 : i32
    %dma_wait3A_2100 = arith.constant 0 : i32
    %dma_wait3A_2101 = tpu.memref_slice %arg7[%dma_wait3A_2099, %dma_wait3A_2100] : memref<64x768xf32, #tpu.memory_space<vmem>> -> memref<32x768xf32, #tpu.memory_space<vmem>>
    %dma_wait3A_2102 = arith.constant 0 : i32
    %dma_wait3A_2103 = arith.constant 0 : i32
    %dma_wait3A_2104 = tpu.memref_slice %arg4[%dma_wait3A_2098, %dma_wait3A_2102, %dma_wait3A_2103] : memref<50x1024x768xf32, #tpu.memory_space<hbm>> -> memref<1x1024x768xf32, #tpu.memory_space<hbm>>
    %dma_wait3A_2105 = tpu.memref_squeeze %dma_wait3A_2104 : memref<1x1024x768xf32, #tpu.memory_space<hbm>> -> memref<1024x768xf32, #tpu.memory_space<hbm>>
    %dma_wait3A_2106 = arith.constant 0 : i32
    %dma_wait3A_2107 = tpu.memref_slice %dma_wait3A_2105[%mul3A_2, %dma_wait3A_2106] : memref<1024x768xf32, #tpu.memory_space<hbm>> -> memref<32x768xf32, #tpu.memory_space<hbm>>
    %dma_wait3A_2108 = arith.constant 0 : i32
    %dma_wait3A_2109 = arith.constant 0 : i32
    %dma_wait3A_2110 = tpu.memref_slice %arg4[%dma_wait3A_2098, %dma_wait3A_2108, %dma_wait3A_2109] : memref<50x1024x768xf32, #tpu.memory_space<hbm>> -> memref<1x1024x768xf32, #tpu.memory_space<hbm>>
    %dma_wait3A_2111 = tpu.memref_squeeze %dma_wait3A_2110 : memref<1x1024x768xf32, #tpu.memory_space<hbm>> -> memref<1024x768xf32, #tpu.memory_space<hbm>>
    %dma_wait3A_2112 = arith.constant 0 : i32
    %dma_wait3A_2113 = tpu.memref_slice %dma_wait3A_2111[%mul3A_2, %dma_wait3A_2112] : memref<1024x768xf32, #tpu.memory_space<hbm>> -> memref<32x768xf32, #tpu.memory_space<hbm>>
    %dma_wait3A_2114 = arith.constant 32 : i32
    %dma_wait3A_2115 = arith.constant 0 : i32
    %dma_wait3A_2116 = tpu.memref_slice %arg7[%dma_wait3A_2114, %dma_wait3A_2115] : memref<64x768xf32, #tpu.memory_space<vmem>> -> memref<32x768xf32, #tpu.memory_space<vmem>>
    tpu.wait_dma2 semaphore(%arg9 : memref<!tpu.dma_semaphore, #tpu.memory_space<semaphore_mem>>) src(%dma_wait3A_2116 : memref<32x768xf32, #tpu.memory_space<vmem>>) dst(%dma_wait3A_2113 : memref<32x768xf32, #tpu.memory_space<hbm>>)
    %dma_wait3A_2117 = arith.constant 48 : i32
    %dma_wait3A_2118 = arith.constant 0 : i32
    %dma_wait3A_2119 = arith.constant 0 : i32
    %dma_wait3A_2120 = tpu.memref_slice %arg6[%dma_wait3A_2118, %dma_wait3A_2119] : memref<64x768xf32, #tpu.memory_space<vmem>> -> memref<32x768xf32, #tpu.memory_space<vmem>>
    %dma_wait3A_2121 = arith.constant 0 : i32
    %dma_wait3A_2122 = arith.constant 0 : i32
    %dma_wait3A_2123 = tpu.memref_slice %arg4[%dma_wait3A_2117, %dma_wait3A_2121, %dma_wait3A_2122] : memref<50x1024x768xf32, #tpu.memory_space<hbm>> -> memref<1x1024x768xf32, #tpu.memory_space<hbm>>
    %dma_wait3A_2124 = tpu.memref_squeeze %dma_wait3A_2123 : memref<1x1024x768xf32, #tpu.memory_space<hbm>> -> memref<1024x768xf32, #tpu.memory_space<hbm>>
    %dma_wait3A_2125 = arith.constant 0 : i32
    %dma_wait3A_2126 = tpu.memref_slice %dma_wait3A_2124[%mul3A_2, %dma_wait3A_2125] : memref<1024x768xf32, #tpu.memory_space<hbm>> -> memref<32x768xf32, #tpu.memory_space<hbm>>
    %dma_wait3A_2127 = arith.constant 0 : i32
    %dma_wait3A_2128 = arith.constant 0 : i32
    %dma_wait3A_2129 = tpu.memref_slice %arg4[%dma_wait3A_2117, %dma_wait3A_2127, %dma_wait3A_2128] : memref<50x1024x768xf32, #tpu.memory_space<hbm>> -> memref<1x1024x768xf32, #tpu.memory_space<hbm>>
    %dma_wait3A_2130 = tpu.memref_squeeze %dma_wait3A_2129 : memref<1x1024x768xf32, #tpu.memory_space<hbm>> -> memref<1024x768xf32, #tpu.memory_space<hbm>>
    %dma_wait3A_2131 = arith.constant 0 : i32
    %dma_wait3A_2132 = tpu.memref_slice %dma_wait3A_2130[%mul3A_2, %dma_wait3A_2131] : memref<1024x768xf32, #tpu.memory_space<hbm>> -> memref<32x768xf32, #tpu.memory_space<hbm>>
    %dma_wait3A_2133 = arith.constant 0 : i32
    %dma_wait3A_2134 = arith.constant 0 : i32
    %dma_wait3A_2135 = tpu.memref_slice %arg6[%dma_wait3A_2133, %dma_wait3A_2134] : memref<64x768xf32, #tpu.memory_space<vmem>> -> memref<32x768xf32, #tpu.memory_space<vmem>>
    tpu.wait_dma2 semaphore(%arg9 : memref<!tpu.dma_semaphore, #tpu.memory_space<semaphore_mem>>) src(%dma_wait3A_2135 : memref<32x768xf32, #tpu.memory_space<vmem>>) dst(%dma_wait3A_2132 : memref<32x768xf32, #tpu.memory_space<hbm>>)
    %dma_wait3A_2136 = arith.constant 49 : i32
    %dma_wait3A_2137 = arith.constant 32 : i32
    %dma_wait3A_2138 = arith.constant 0 : i32
    %dma_wait3A_2139 = tpu.memref_slice %arg6[%dma_wait3A_2137, %dma_wait3A_2138] : memref<64x768xf32, #tpu.memory_space<vmem>> -> memref<32x768xf32, #tpu.memory_space<vmem>>
    %dma_wait3A_2140 = arith.constant 0 : i32
    %dma_wait3A_2141 = arith.constant 0 : i32
    %dma_wait3A_2142 = tpu.memref_slice %arg4[%dma_wait3A_2136, %dma_wait3A_2140, %dma_wait3A_2141] : memref<50x1024x768xf32, #tpu.memory_space<hbm>> -> memref<1x1024x768xf32, #tpu.memory_space<hbm>>
    %dma_wait3A_2143 = tpu.memref_squeeze %dma_wait3A_2142 : memref<1x1024x768xf32, #tpu.memory_space<hbm>> -> memref<1024x768xf32, #tpu.memory_space<hbm>>
    %dma_wait3A_2144 = arith.constant 0 : i32
    %dma_wait3A_2145 = tpu.memref_slice %dma_wait3A_2143[%mul3A_2, %dma_wait3A_2144] : memref<1024x768xf32, #tpu.memory_space<hbm>> -> memref<32x768xf32, #tpu.memory_space<hbm>>
    %dma_wait3A_2146 = arith.constant 0 : i32
    %dma_wait3A_2147 = arith.constant 0 : i32
    %dma_wait3A_2148 = tpu.memref_slice %arg4[%dma_wait3A_2136, %dma_wait3A_2146, %dma_wait3A_2147] : memref<50x1024x768xf32, #tpu.memory_space<hbm>> -> memref<1x1024x768xf32, #tpu.memory_space<hbm>>
    %dma_wait3A_2149 = tpu.memref_squeeze %dma_wait3A_2148 : memref<1x1024x768xf32, #tpu.memory_space<hbm>> -> memref<1024x768xf32, #tpu.memory_space<hbm>>
    %dma_wait3A_2150 = arith.constant 0 : i32
    %dma_wait3A_2151 = tpu.memref_slice %dma_wait3A_2149[%mul3A_2, %dma_wait3A_2150] : memref<1024x768xf32, #tpu.memory_space<hbm>> -> memref<32x768xf32, #tpu.memory_space<hbm>>
    %dma_wait3A_2152 = arith.constant 32 : i32
    %dma_wait3A_2153 = arith.constant 0 : i32
    %dma_wait3A_2154 = tpu.memref_slice %arg6[%dma_wait3A_2152, %dma_wait3A_2153] : memref<64x768xf32, #tpu.memory_space<vmem>> -> memref<32x768xf32, #tpu.memory_space<vmem>>
    tpu.wait_dma2 semaphore(%arg9 : memref<!tpu.dma_semaphore, #tpu.memory_space<semaphore_mem>>) src(%dma_wait3A_2154 : memref<32x768xf32, #tpu.memory_space<vmem>>) dst(%dma_wait3A_2151 : memref<32x768xf32, #tpu.memory_space<hbm>>)
    return
  }
}

</mosaic_0001>

<sc_bundles>
// kernel: kernel.3.cloned.1.call-start
scs
__scs_entry_jumppad:
0x0: {  	(pc) =	sbr.rel $0x88, $3  }
0x1: {  	(tag) =	ssettag $0x0;
	lr =	simm.s32 $0x1  }
0x2: {  	[smem:$0x3F9F] =	sst lr;
	_ =	strace $0xD0000000  }
0x3: {  	_ = 	snop  }
0x4: {  	_ = 	snop  }
0x5: {  	_ = 	snop  }
0x6: {  	_ = 	snop  }
0x7: {  	_ = 	snop  }
__scs_overlays_trampoline_lowered:
0x8: {  	[smem:$0x3FAE] =	sst s0  }
0x9: {  	[smem:$0x3FAF] =	sst s1  }
0xa: {  	[smem:$0x3FB0] =	sst s2  }
0xb: {  	[smem:$0x3FB1] =	sst s3  }
0xc: {  	[smem:$0x3FB2] =	sst s4  }
0xd: {  	[smem:$0x3FB3] =	sst s5  }
0xe: {  	[smem:$0x3FB4] =	sst s6  }
0xf: {  	[smem:$0x3FB5] =	sst s7  }
0x10: {  	[smem:$0x3FB6] =	sst s8  }
0x11: {  	[smem:$0x3FB7] =	sst s9;
	s0 =	simm.s32 @!p0 $0x0  }
0x12: {  	s1 =	sld [smem:$0x3F9D];
	s0 =	simm.s32 @p0 $0x1  }
0x13: {  	[smem:$0x3FB8] =	sst s0;
	s0 =	simm.s32 @!p1 $0x0  }
0x14: {  	s2 =	sld [smem:$0x3F9C];
	s0 =	simm.s32 @p1 $0x1  }
0x15: {  	[smem:$0x3FB9] =	sst s0;
	s0 =	simm.s32 @!p2 $0x0  }
0x16: {  	s3 =	sld [smem:$0x3FDB];
	s0 =	simm.s32 @p2 $0x1  }
0x17: {  	s4 =	simm.s32 $0x1BF5;
	[smem:$0x3FBB] =	sst s0  }
0x18: {  	s0 =	sld [smem:$0x3F9E];
	_ =	swait.ge [sflag:s4], $0x0  }
0x19: {  	s7 =	sld [smem:$0x3F9F]  }
0x1a: {  	s8 =	sadd.s32 $0xFFFFE003, lr  }
0x1b: {  	s9 =	sadd.s32 $0xFFFFFEF7, lr;
	s5 =	simm.s32 $0xFFFFFFFF;
	p2 =	slt.u32 s8, $0xFFFFF086  }
0x1c: {  	p1 =	slt.u32 s9, $0xF7A;
	s5 =	simm.s32 @!p2 $0x0  }
0x1d: {  	s5 =	simm.s32 @p1 $0x1;
	p0 =	seq.s32 s7, s2  }
0x1e: {  	s7 =	smul.u32 @!p0 $0xF7A, s2;
	p2 =	seq.s32 @!p0 s5, $0x0  }
0x1f: {  	s9 =	smul.u32 $0xF7A, s1;
	s8 =	simm.s32 @!p0 $0x1BF5;
	p2 =	por !p2, p0  }
0x20: {  	[sflag:s8] =	ssyncset.s32 @!p0 $0xFFFFF086;
	s6 =	sadd.s32 @!p0 s3, s7;
	s7 =	simm.s32 @!p0 $0x108  }
0x21: {  	s3 =	sadd.s32 s3, s9;
	s6 =	sadd.s32 @!p0 $0x88, s6;
	s7 =	simm.s32 @p2 $0x1082  }
0x22: {  	[simem:s7], [sflag:s8] =	dma.local @!p0 [hbm:s6], $0xF7A  }
0x23: {  	s9 =	sor.u32 $0xD0000000, s2;
	s6 =	simm.s32 $0x108;
	_ =	swait.ge @!p0 [sflag:s8], $0x0  }
0x24: {  	s3 =	sadd.s32 $0x88, s3;
	s6 =	simm.s32 @!p1 $0x1082;
	[sflag:s4] =	ssyncset.s32 $0xFFFFF086  }
0x25: {  	[simem:s6], [sflag:s4] =	dma.local [hbm:s3], $0xF7A  }
0x26: {  	[smem:$0x3F9F] =	sst s1;
	(tag) =	ssettag s2;
	_ =	strace s9  }
0x27: {  	s1 =	sld [smem:$0x3FAF]  }
0x28: {  	s2 =	sld [smem:$0x3FB0]  }
0x29: {  	s4 =	sld [smem:$0x3FB2]  }
0x2a: {  	p0 =	seq.s32 s5, $0x0;
	s5 =	sld [smem:$0x3FB3]  }
0x2b: {  	s6 =	sld [smem:$0x3FB4]  }
0x2c: {  	s7 =	sld [smem:$0x3FB5]  }
0x2d: {  	s3 =	simm.s32 $0x108;
	s8 =	sld [smem:$0x3FB6]  }
0x2e: {  	s3 =	simm.s32 @!p0 $0x1082;
	s9 =	sld [smem:$0x3FB7]  }
0x2f: {  	lr =	sadd.s32 s0, s3;
	s0 =	sld [smem:$0x3FAE]  }
0x30: {  	s3 =	sld [smem:$0x3FB1]  }
0x31: {  	[smem:$0x3FBA] =	sst s10  }
0x32: {  	s10 =	sld [smem:$0x3FB8];
	_ =	sdelay $0x3  }
0x33: {  	p0 =	seq.s32 s10, $0x1;
	s10 =	sld [smem:$0x3FBA];
	_ =	sdelay $0x3  }
0x34: {  	[smem:$0x3FBA] =	sst s10  }
0x35: {  	s10 =	sld [smem:$0x3FB9];
	_ =	sdelay $0x3  }
0x36: {  	p1 =	seq.s32 s10, $0x1;
	s10 =	sld [smem:$0x3FBA];
	_ =	sdelay $0x3  }
0x37: {  	[smem:$0x3FBA] =	sst s10  }
0x38: {  	s10 =	sld [smem:$0x3FBB]  }
0x39: {  	_ = 	snop;
	(pc) =	sbr.ind lr, $3  }
0x3a: {  	_ = 	snop  }
0x3b: {  	_ = 	snop  }
0x3c: {  	p2 =	seq.s32 s10, $0x1;
	s10 =	sld [smem:$0x3FBA]  }
0x3d: {  	_ =	shalt  }
0x3e: {  	_ =	shalt  }
0x3f: {  	_ =	shalt  }
0x40: {  	_ =	shalt  }
0x41: {  	_ =	shalt  }
0x42: {  	_ =	shalt  }
0x43: {  	_ =	shalt  }
0x44: {  	_ =	shalt  }
0x45: {  	_ =	shalt  }
0x46: {  	_ =	shalt  }
0x47: {  	_ =	shalt  }
0x48: {  	_ =	shalt  }
0x49: {  	_ =	shalt  }
0x4a: {  	_ =	shalt  }
0x4b: {  	_ =	shalt  }
0x4c: {  	_ =	shalt  }
0x4d: {  	_ =	shalt  }
0x4e: {  	_ =	shalt  }
0x4f: {  	_ =	shalt  }
0x50: {  	_ =	shalt  }
0x51: {  	_ =	shalt  }
0x52: {  	_ =	shalt  }
0x53: {  	_ =	shalt  }
0x54: {  	_ =	shalt  }
0x55: {  	_ =	shalt  }
0x56: {  	_ =	shalt  }
0x57: {  	_ =	shalt  }
0x58: {  	_ =	shalt  }
0x59: {  	_ =	shalt  }
0x5a: {  	_ =	shalt  }
0x5b: {  	_ =	shalt  }
0x5c: {  	_ =	shalt  }
0x5d: {  	_ =	shalt  }
0x5e: {  	_ =	shalt  }
0x5f: {  	_ =	shalt  }
0x60: {  	_ =	shalt  }
0x61: {  	_ =	shalt  }
0x62: {  	_ =	shalt  }
0x63: {  	_ =	shalt  }
0x64: {  	_ =	shalt  }
0x65: {  	_ =	shalt  }
0x66: {  	_ =	shalt  }
0x67: {  	_ =	shalt  }
0x68: {  	_ =	shalt  }
0x69: {  	_ =	shalt  }
0x6a: {  	_ =	shalt  }
0x6b: {  	_ =	shalt  }
0x6c: {  	_ =	shalt  }
0x6d: {  	_ =	shalt  }
0x6e: {  	_ =	shalt  }
0x6f: {  	_ =	shalt  }
0x70: {  	_ =	shalt  }
0x71: {  	_ =	shalt  }
0x72: {  	_ =	shalt  }
0x73: {  	_ =	shalt  }
0x74: {  	_ =	shalt  }
0x75: {  	_ =	shalt  }
0x76: {  	_ =	shalt  }
0x77: {  	_ =	shalt  }
0x78: {  	_ =	shalt  }
0x79: {  	_ =	shalt  }
0x7a: {  	_ =	shalt  }
0x7b: {  	_ =	shalt  }
0x7c: {  	_ =	shalt  }
0x7d: {  	_ =	shalt  }
0x7e: {  	_ =	shalt  }
0x7f: {  	_ =	shalt  }
0x80: {  	_ =	shalt  }
0x81: {  	_ =	shalt  }
0x82: {  	_ =	shalt  }
0x83: {  	_ =	shalt  }
0x84: {  	_ =	shalt  }
0x85: {  	_ =	shalt  }
0x86: {  	_ =	shalt  }
0x87: {  	_ =	shalt  }
.Lfunc_end0:
.L_simem_size_0:
called_computation_lowered:
.L_overlay_start_0:
0x88: {  	s2 =	sld [smem:$0x3FD9]  }
0x89: {  	s3 =	sld [smem:$0x3FFE];
	_ =	sdelay $0x1  }
0x8a: {  	s1 =	srdreg.scid  }
0x8b: {  	s0 =	sand.u32 $0x1, s1  }
0x8c: {  	s17 =	sshll.u32 s0, $0xA;
	s2 =	sadd.s32 s3, s2  }
0x8d: {  	s2 =	sadd.s32 s2, s17  }
0x8e: {  	[smem:$0x3FC6] =	sst s2  }
0x8f: {  	_ = 	snop  }
0x90: {  	s2 =	sld [smem:$0x3FC8]  }
0x91: {  	s18 =	sld [smem:$0x3FD0];
	(tm) =	ssettm $0x1  }
0x92: {  	s4 =	sld [smem:$0x3FFB];
	_ =	sdelay $0x3  }
0x93: {  	_ =	strace s4  }
0x94: {  	s4 =	sld [smem:$0x3FFC];
	_ =	sdelay $0x3  }
0x95: {  	_ =	strace s4  }
0x96: {  	s4 =	sld [smem:$0x3FFD];
	_ =	sdelay $0x3  }
0x97: {  	_ =	strace s4  }
0x98: {  	_ =	strace $0x8FFFFFFF  }
0x99: {  	s19 =	sld [smem:$0x3FDB];
	_ =	sdelay $0x1  }
0x9a: {  	s5 =	simm.s32 $_scs_section_size  }
0x9b: {  	s6 =	simm.s32 $_size__tile_overlayer_lowered;
	s7 =	simm.s32 $_tile_overlayer_lowered  }
0x9c: {  	s22 =	simm.s32 $0x1BFF;
	s21 =	sshll.u32 s7, $0x1;
	s4 =	sadd.s32 s5, s19  }
0x9d: {  	s8 =	simm.s32 $0x0;
	s20 =	sshll.u32 s6, $0x1;
	s6 =	sadd.s32 s21, s4  }
0x9e: {  	[timem:s8], [sflag:s22] =	dma.local [hbm:s6], s20  }
0x9f: {  	_ =	swait.ge [sflag:s22], s20  }
0xa0: {  	s5 =	ssub.s32 $0x0, s20;
	[sflag:s22] =	ssyncset.done $0x0  }
0xa1: {  	[sflag:s22] =	ssyncadd.s32 s5;
	_ =	sdelay $0x1  }
0xa2: {  	s23 =	simm.s32 $0x1B8B  }
0xa3: {  	_ =	swait.ge [sflag:s23], $0x1  }
0xa4: {  	[sflag:s23] =	ssyncset.done $0x0  }
0xa5: {  	s25 =	simm.s32 $0x1B8E;
	s24 =	sld [smem:$0x3FFE];
	[sflag:s23] =	ssyncadd.s32 $0xFFFFFFFF  }
0xa6: {  	s26 =	simm.s32 $execute0_lowered;
	[smem:$0x3FD2] =	sst s25  }
0xa7: {  	s6 =	sshll.u32 s26, $0x1;
	_ =	strace $0x80000046;
	[dreg:$0x1] =	wrdreg $0xFFFFFFFF  }
0xa8: {  	s28 =	simm.s32 $_size_execute0_lowered;
	s4 =	sadd.s32 s4, s6;
	[dreg:$0x0] =	wrdreg $0x0  }
0xa9: {  	s6 =	sshll.u32 s28, $0x1;
	[dreg:$0x2] =	wrdreg s4  }
0xaa: {  	[dreg:$0x3] =	wrdreg s6  }
0xab: {  	[dreg:$0x4] =	wrdreg $0xC0  }
0xac: {  	_ =	task [dreg:s8], $0x5FFFF  }
0xad: {  	[dreg:$0x1] =	wrdreg $0xFFFFFFFF  }
0xae: {  	[dreg:$0x0] =	wrdreg $0x60  }
0xaf: {  	[dreg:$0x2] =	wrdreg s24  }
0xb0: {  	[dreg:$0x3] =	wrdreg s2  }
0xb1: {  	[dreg:$0x4] =	wrdreg s18  }
0xb2: {  	[dreg:$0x5] =	wrdreg $0x9  }
0xb3: {  	_ =	task.clear_ibuf [dreg:s8], $0x6FFFF;
	_ =	strace $0x90000046  }
0xb4: {  	s29 =	simm.s32 $0x9;
	_ =	strace $0x80000048  }
0xb5: {  	_ =	swait.ge [sflag:s29], $0x1  }
0xb6: {  	[sflag:s29] =	ssyncadd.s32 $0xFFFFFFFF  }
0xb7: {  	_ =	strace $0x90000048  }
0xb8: {  	_ =	sfence  }
0xb9: {  	s30 =	sld [smem:$0x0];
	_ =	sdelay $0x2  }
0xba: {  	s31 =	sshll.u32 s1, $0xD;
	s1 =	sshrl.u32 s1, $0x2  }
0xbb: {  	s3 =	sand.u32 $0x4000, s31;
	s1 =	sadd.s32 s1, s30  }
0xbc: {  	s0 =	sor.u32 s3, s0;
	s1 =	sshll.u32 s1, $0x11  }
0xbd: {  	s0 =	sor.u32 s1, s0  }
0xbe: {  	s0 =	sadd.s32 $0x8F2B, s0  }
0xbf: {  	[sflag:s0] =	ssyncadd.remote.s32 $0x1  }
0xc0: {  	_ =	sfence.sel $0xFFFF  }
0xc1: {  	[dreg:$0x0] =	wrdreg $0xFFFFFFFF;
	(pc) =	sbr.abs _section_cstart, $3  }
0xc2: {  	[dreg:$0x1] =	wrdreg $0xFFFFFFFF  }
0xc3: {  	_ =	task.clear_ibuf [dreg:s8], $0x2FFFF;
	_ =	strace $0x9FFFFFFF  }
0xc4: {  	(tm) =	ssettm $0x7FFFFFFF  }
0xc5: {  	_ =	shalt  }
tec
execute0_lowered:
.L_overlay_start_1:
0x0: {  	(tag) =	ssettag $0x1  }
0x1: {  	s0 =	rddreg [dreg:$0x0]  }
0x2: {  	s1 =	srdreg.scid;
	s3 =	stileid.u32  }
0x3: {  	s2 =	rddreg [dreg:$0x1];
	s4 =	sand.u32 $0x1, s1;
	s3 =	sshll.u32 s3, $0x1  }
0x4: {  	s1 =	rddreg [dreg:$0x2];
	s5 =	sor.u32 s4, s3  }
0x5: {  	s3 =	simm.s32 $0x0;
	s4 =	ssub.s32 $0x2, s4;
	s6 =	smul.u32 $0xC8, s5  }
0x6: {  	s22 =	sadd.s32 $0x18000, s1;
	s8 =	sadd.s32 $0x30000, s1;
	s9 =	sadd.s32 $0x48000, s1  }
0x7: {  	s10 =	sadd.s32 $0x60000, s1;
	s7 =	sadd.s32 s6, s0;
	s0 =	smul.u32 $0xC00, s5  }
0x8: {  	s11 =	sadd.s32 $0x78000, s1;
	[smem:$0x7FF] =	sst s3;
	s20 =	sadd.s32 $0x400, s7  }
0x9: {  	_ =	strace $0x80000047;
	[dreg:$0x4] =	wrdreg s20;
	s21 =	sadd.s32 s1, s0  }
0xa: {  	s12 =	sadd.s32 $0x90000, s1;
	s7 =	sadd.s32 s0, s22;
	[dreg:$0x5] =	wrdreg s21  }
0xb: {  	s13 =	sadd.s32 $0xA8000, s1;
	s23 =	sadd.s32 s0, s8;
	[dreg:$0x6] =	wrdreg s7  }
0xc: {  	s14 =	sadd.s32 $0xC0000, s1;
	s24 =	sadd.s32 s0, s9;
	[dreg:$0x7] =	wrdreg s23  }
0xd: {  	s15 =	sadd.s32 $0xD8000, s1;
	s25 =	sadd.s32 s0, s10;
	[dreg:$0x8] =	wrdreg s24  }
0xe: {  	s16 =	sadd.s32 $0xF0000, s1;
	s26 =	sadd.s32 s0, s11;
	[dreg:$0x9] =	wrdreg s25  }
0xf: {  	s17 =	sadd.s32 $0x108000, s1;
	s28 =	sadd.s32 s0, s12;
	[dreg:$0xa] =	wrdreg s26  }
0x10: {  	s18 =	sadd.s32 $0x120000, s1;
	s29 =	sadd.s32 s0, s13;
	[dreg:$0xb] =	wrdreg s28  }
0x11: {  	s19 =	sshrl.u32 s4, $0x1;
	s30 =	sadd.s32 s0, s14;
	[dreg:$0xc] =	wrdreg s29  }
0x12: {  	s6 =	ssub.s32 s4, s19;
	s31 =	sadd.s32 s0, s15;
	[dreg:$0xd] =	wrdreg s30  }
0x13: {  	s4 =	sadd.s32 $0x100, s2;
	[dreg:$0xe] =	wrdreg s31;
	s23 =	sadd.s32 s0, s16  }
0x14: {  	s5 =	sadd.s32 $0x200, s2;
	s24 =	sadd.s32 s0, s17;
	[dreg:$0xf] =	wrdreg s23  }
0x15: {  	s19 =	sadd.s32 $0x138000, s1;
	s25 =	sadd.s32 s0, s18;
	[dreg:$0x10] =	wrdreg s24  }
0x16: {  	s20 =	sadd.s32 $0x150000, s1;
	s26 =	sadd.s32 s0, s19;
	[dreg:$0x11] =	wrdreg s25  }
0x17: {  	s22 =	sadd.s32 $0x180000, s1;
	s28 =	sadd.s32 s0, s20;
	[dreg:$0x12] =	wrdreg s26  }
0x18: {  	s8 =	sadd.s32 $0x198000, s1;
	s30 =	sadd.s32 s0, s22;
	[dreg:$0x13] =	wrdreg s28  }
0x19: {  	s21 =	sadd.s32 $0x168000, s1;
	s31 =	sadd.s32 s0, s8;
	[dreg:$0x15] =	wrdreg s30  }
0x1a: {  	s9 =	sadd.s32 $0x1B0000, s1;
	s29 =	sadd.s32 s0, s21;
	[dreg:$0x16] =	wrdreg s31  }
0x1b: {  	s10 =	sadd.s32 $0x1C8000, s1;
	s23 =	sadd.s32 s0, s9;
	[dreg:$0x14] =	wrdreg s29  }
0x1c: {  	s11 =	sadd.s32 $0x1E0000, s1;
	s24 =	sadd.s32 s0, s10;
	[dreg:$0x17] =	wrdreg s23  }
0x1d: {  	s12 =	sadd.s32 $0x1F8000, s1;
	s25 =	sadd.s32 s0, s11;
	[dreg:$0x18] =	wrdreg s24  }
0x1e: {  	s13 =	sadd.s32 $0x210000, s1;
	s26 =	sadd.s32 s0, s12;
	[dreg:$0x19] =	wrdreg s25  }
0x1f: {  	s15 =	sadd.s32 $0x240000, s1;
	s28 =	sadd.s32 s0, s13;
	[dreg:$0x1a] =	wrdreg s26  }
0x20: {  	s16 =	sadd.s32 $0x258000, s1;
	s30 =	sadd.s32 s0, s15;
	[dreg:$0x1b] =	wrdreg s28  }
0x21: {  	s8 =	sadd.s32 $0x300000, s1;
	s31 =	sadd.s32 s0, s16;
	[dreg:$0x1d] =	wrdreg s30  }
0x22: {  	s7 =	sadd.s32 $0x480000, s1;
	s8 =	sadd.s32 s0, s8;
	[dreg:$0x1e] =	wrdreg s31  }
0x23: {  	s14 =	sadd.s32 $0x228000, s1;
	s7 =	sadd.s32 s0, s7;
	[smem:$0x7EC] =	sst s8  }
0x24: {  	s17 =	sadd.s32 $0x270000, s1;
	s29 =	sadd.s32 s0, s14;
	[smem:$0x7FC] =	sst s7  }
0x25: {  	s18 =	sadd.s32 $0x288000, s1;
	s23 =	sadd.s32 s0, s17;
	[dreg:$0x1c] =	wrdreg s29  }
0x26: {  	s19 =	sadd.s32 $0x2A0000, s1;
	s24 =	sadd.s32 s0, s18;
	[dreg:$0x1f] =	wrdreg s23  }
0x27: {  	s20 =	sadd.s32 $0x2B8000, s1;
	s25 =	sadd.s32 s0, s19;
	[smem:$0x7E7] =	sst s24  }
0x28: {  	s21 =	sadd.s32 $0x2D0000, s1;
	s26 =	sadd.s32 s0, s20;
	[smem:$0x7E8] =	sst s25  }
0x29: {  	s22 =	sadd.s32 $0x2E8000, s1;
	s28 =	sadd.s32 s0, s21;
	[smem:$0x7E9] =	sst s26  }
0x2a: {  	s9 =	sadd.s32 $0x318000, s1;
	s30 =	sadd.s32 s0, s22;
	[smem:$0x7EA] =	sst s28  }
0x2b: {  	s10 =	sadd.s32 $0x330000, s1;
	s9 =	sadd.s32 s0, s9;
	[smem:$0x7EB] =	sst s30  }
0x2c: {  	s11 =	sadd.s32 $0x348000, s1;
	s10 =	sadd.s32 s0, s10;
	[smem:$0x7ED] =	sst s9  }
0x2d: {  	s12 =	sadd.s32 $0x360000, s1;
	s11 =	sadd.s32 s0, s11;
	[smem:$0x7EE] =	sst s10  }
0x2e: {  	s13 =	sadd.s32 $0x378000, s1;
	s12 =	sadd.s32 s0, s12;
	[smem:$0x7EF] =	sst s11  }
0x2f: {  	s15 =	sadd.s32 $0x3A8000, s1;
	s13 =	sadd.s32 s0, s13;
	[smem:$0x7F0] =	sst s12  }
0x30: {  	s16 =	sadd.s32 $0x3C0000, s1;
	s15 =	sadd.s32 s0, s15;
	[smem:$0x7F1] =	sst s13  }
0x31: {  	s14 =	sadd.s32 $0x390000, s1;
	s16 =	sadd.s32 s0, s16;
	[smem:$0x7F3] =	sst s15  }
0x32: {  	s17 =	sadd.s32 $0x3D8000, s1;
	s14 =	sadd.s32 s0, s14;
	[smem:$0x7F4] =	sst s16  }
0x33: {  	s18 =	sadd.s32 $0x3F0000, s1;
	s24 =	sadd.s32 s0, s17;
	[smem:$0x7F2] =	sst s14  }
0x34: {  	s19 =	sadd.s32 $0x408000, s1;
	s25 =	sadd.s32 s0, s18;
	[smem:$0x7F5] =	sst s24  }
0x35: {  	s20 =	sadd.s32 $0x420000, s1;
	s26 =	sadd.s32 s0, s19;
	[smem:$0x7F6] =	sst s25  }
0x36: {  	s31 =	sadd.s32 $0x450000, s1;
	s28 =	sadd.s32 s0, s20;
	[smem:$0x7F7] =	sst s26  }
0x37: {  	s29 =	sadd.s32 $0x438000, s1;
	s30 =	sadd.s32 s0, s31;
	[smem:$0x7F8] =	sst s28  }
0x38: {  	s23 =	sadd.s32 $0x468000, s1;
	s29 =	sadd.s32 s0, s29;
	[smem:$0x7FA] =	sst s30  }
0x39: {  	v2 =	vlaneseq.u32;
	s1 =	sadd.s32 $0x498000, s1;
	s31 =	sadd.s32 s0, s23;
	[smem:$0x7F9] =	sst s29  }
0x3a: {  	vm0 =	vmmov $0xffff;
	v1 =	vshrl.u32 v2, $0x3;
	s6 =	smax.u32 s6, $0x1;
	s0 =	sadd.s32 s0, s1;
	[smem:$0x7FB] =	sst s31  }
0x3b: {  	v0 =	vand.u32 $0x7, v2;
	v2 =	vor.u32 $0x8, v2;
	v1 =	vmul.u32 $0x8, v1;
	s7 =	simm.s32 $0x1;
	s10 =	simm.s32 $0x2;
	[smem:$0x7FD] =	sst s0  }
.LBB2_1:
0x3c: {  	[smem:$0x7E6] =	sst s6  }
0x3d: {  	s11 =	rddreg [dreg:$0x4];
	s22 =	simm.s32 $0x3  }
0x3e: {  	[tilespmem:s3], [sflag:$0x3] =	stream.linear.gather [hbm4b:s11+s3], $0x640, $0x38;
	[tilespmem:$0x18680] =	vst v63  }
0x3f: {  	_ =	swait.ge [sflag:s22], $0x640  }
0x40: {  	[sflag:s22] =	ssyncset.done $0x0  }
0x41: {  	[sflag:s22] =	ssyncadd.s32 $0xFFFFF9C0  }
0x42: {  	v3 =	vld [tilespmem:$0x0];
	_ =	sdelay $0x4  }
0x43: {  	v4 =	vshrl.u32 v3, $0x3  }
0x44: {  	v4 =	vmul.u32 $0x30, v4  }
0x45: {  	v3 =	vand.u32 $0x7, v3  }
0x46: {  	v3 =	vor.u32 v3, v4  }
0x47: {  	v4 =	vperm.xlane v3, v0;
	_ =	sdelay $0x1  }
0x48: {  	v4 =	vadd.s32 v1, v4;
	_ =	sdelay $0x3  }
0x49: {  	s1 =	simm.s32 $0x680;
	v3 =	vperm.xlane v3, v2  }
0x4a: {  	[tilespmem:s1], [sflag:$0x1] =	stream.indirect_vreg.gather [hbm4b:s2+s3], $0x80, v4, vm0, $0xb8;
	[tilespmem:$0x18680] =	vst v63  }
0x4b: {  	s23 =	simm.s32 $0xE80;
	v3 =	vadd.s32 v1, v3  }
0x4c: {  	[tilespmem:s23], [sflag:$0x1] =	stream.indirect_vreg.gather [hbm4b:s4+s3], $0x80, v4, vm0, $0xb8;
	[tilespmem:$0x18680] =	vst v63  }
0x4d: {  	s24 =	simm.s32 $0x1680  }
0x4e: {  	[tilespmem:s24], [sflag:$0x1] =	stream.indirect_vreg.gather [hbm4b:s5+s3], $0x80, v4, vm0, $0xb8;
	[tilespmem:$0x18680] =	vst v63  }
0x4f: {  	s25 =	simm.s32 $0x1E80  }
0x50: {  	[tilespmem:s25], [sflag:$0x1] =	stream.indirect_vreg.gather [hbm4b:s2+s3], $0x80, v3, vm0, $0xb8;
	[tilespmem:$0x18680] =	vst v63  }
0x51: {  	s26 =	simm.s32 $0x2680  }
0x52: {  	[tilespmem:s26], [sflag:$0x1] =	stream.indirect_vreg.gather [hbm4b:s4+s3], $0x80, v3, vm0, $0xb8;
	[tilespmem:$0x18680] =	vst v63  }
0x53: {  	s28 =	simm.s32 $0x2E80  }
0x54: {  	[tilespmem:s28], [sflag:$0x1] =	stream.indirect_vreg.gather [hbm4b:s5+s3], $0x80, v3, vm0, $0xb8;
	[tilespmem:$0x18680] =	vst v63  }
0x55: {  	v3 =	vld [tilespmem:$0x10];
	_ =	sdelay $0x4  }
0x56: {  	v21 =	vshrl.u32 v3, $0x3  }
0x57: {  	v4 =	vmul.u32 $0x30, v21  }
0x58: {  	v3 =	vand.u32 $0x7, v3  }
0x59: {  	v3 =	vor.u32 v3, v4  }
0x5a: {  	v4 =	vperm.xlane v3, v0;
	_ =	sdelay $0x1  }
0x5b: {  	v4 =	vadd.s32 v1, v4;
	_ =	sdelay $0x3  }
0x5c: {  	s29 =	simm.s32 $0x3680;
	v3 =	vperm.xlane v3, v2  }
0x5d: {  	[tilespmem:s29], [sflag:$0x1] =	stream.indirect_vreg.gather [hbm4b:s2+s3], $0x80, v4, vm0, $0xb8;
	[tilespmem:$0x18680] =	vst v63  }
0x5e: {  	s30 =	simm.s32 $0x3E80;
	v3 =	vadd.s32 v1, v3  }
0x5f: {  	[tilespmem:s30], [sflag:$0x1] =	stream.indirect_vreg.gather [hbm4b:s4+s3], $0x80, v4, vm0, $0xb8;
	[tilespmem:$0x18680] =	vst v63  }
0x60: {  	s31 =	simm.s32 $0x4680  }
0x61: {  	[tilespmem:s31], [sflag:$0x1] =	stream.indirect_vreg.gather [hbm4b:s5+s3], $0x80, v4, vm0, $0xb8;
	[tilespmem:$0x18680] =	vst v63  }
0x62: {  	s0 =	simm.s32 $0x4E80  }
0x63: {  	[tilespmem:s0], [sflag:$0x1] =	stream.indirect_vreg.gather [hbm4b:s2+s3], $0x80, v3, vm0, $0xb8;
	[tilespmem:$0x18680] =	vst v63  }
0x64: {  	s6 =	simm.s32 $0x5680  }
0x65: {  	[tilespmem:s6], [sflag:$0x1] =	stream.indirect_vreg.gather [hbm4b:s4+s3], $0x80, v3, vm0, $0xb8;
	[tilespmem:$0x18680] =	vst v63  }
0x66: {  	s9 =	simm.s32 $0x5E80  }
0x67: {  	[tilespmem:s9], [sflag:$0x1] =	stream.indirect_vreg.gather [hbm4b:s5+s3], $0x80, v3, vm0, $0xb8;
	[tilespmem:$0x18680] =	vst v63  }
0x68: {  	v3 =	vld [tilespmem:$0x20];
	_ =	sdelay $0x4  }
0x69: {  	v22 =	vshrl.u32 v3, $0x3  }
0x6a: {  	v4 =	vmul.u32 $0x30, v22  }
0x6b: {  	v3 =	vand.u32 $0x7, v3  }
0x6c: {  	v3 =	vor.u32 v3, v4  }
0x6d: {  	v4 =	vperm.xlane v3, v0;
	_ =	sdelay $0x1  }
0x6e: {  	v4 =	vadd.s32 v1, v4;
	_ =	sdelay $0x3  }
0x6f: {  	s11 =	simm.s32 $0x6680;
	v3 =	vperm.xlane v3, v2  }
0x70: {  	[tilespmem:s11], [sflag:$0x1] =	stream.indirect_vreg.gather [hbm4b:s2+s3], $0x80, v4, vm0, $0xb8;
	[tilespmem:$0x18680] =	vst v63  }
0x71: {  	s12 =	simm.s32 $0x6E80;
	v3 =	vadd.s32 v1, v3  }
0x72: {  	[tilespmem:s12], [sflag:$0x1] =	stream.indirect_vreg.gather [hbm4b:s4+s3], $0x80, v4, vm0, $0xb8;
	[tilespmem:$0x18680] =	vst v63  }
0x73: {  	s13 =	simm.s32 $0x7680  }
0x74: {  	[tilespmem:s13], [sflag:$0x1] =	stream.indirect_vreg.gather [hbm4b:s5+s3], $0x80, v4, vm0, $0xb8;
	[tilespmem:$0x18680] =	vst v63  }
0x75: {  	s14 =	simm.s32 $0x7E80  }
0x76: {  	[tilespmem:s14], [sflag:$0x1] =	stream.indirect_vreg.gather [hbm4b:s2+s3], $0x80, v3, vm0, $0xb8;
	[tilespmem:$0x18680] =	vst v63  }
0x77: {  	s15 =	simm.s32 $0x8680  }
0x78: {  	[tilespmem:s15], [sflag:$0x1] =	stream.indirect_vreg.gather [hbm4b:s4+s3], $0x80, v3, vm0, $0xb8;
	[tilespmem:$0x18680] =	vst v63  }
0x79: {  	s16 =	simm.s32 $0x8E80  }
0x7a: {  	[tilespmem:s16], [sflag:$0x1] =	stream.indirect_vreg.gather [hbm4b:s5+s3], $0x80, v3, vm0, $0xb8;
	[tilespmem:$0x18680] =	vst v63  }
0x7b: {  	v3 =	vld [tilespmem:$0x30];
	_ =	sdelay $0x4  }
0x7c: {  	v23 =	vshrl.u32 v3, $0x3  }
0x7d: {  	v4 =	vmul.u32 $0x30, v23  }
0x7e: {  	v3 =	vand.u32 $0x7, v3  }
0x7f: {  	v3 =	vor.u32 v3, v4  }
0x80: {  	v4 =	vperm.xlane v3, v0;
	_ =	sdelay $0x1  }
0x81: {  	v4 =	vadd.s32 v1, v4;
	_ =	sdelay $0x3  }
0x82: {  	s19 =	simm.s32 $0x9680;
	v3 =	vperm.xlane v3, v2  }
0x83: {  	[tilespmem:s19], [sflag:$0x1] =	stream.indirect_vreg.gather [hbm4b:s2+s3], $0x80, v4, vm0, $0xb8;
	[tilespmem:$0x18680] =	vst v63  }
0x84: {  	s6 =	simm.s32 $0x9E80;
	v3 =	vadd.s32 v1, v3  }
0x85: {  	[tilespmem:s6], [sflag:$0x1] =	stream.indirect_vreg.gather [hbm4b:s4+s3], $0x80, v4, vm0, $0xb8;
	[tilespmem:$0x18680] =	vst v63  }
0x86: {  	s11 =	simm.s32 $0xA680  }
0x87: {  	[tilespmem:s11], [sflag:$0x1] =	stream.indirect_vreg.gather [hbm4b:s5+s3], $0x80, v4, vm0, $0xb8;
	[tilespmem:$0x18680] =	vst v63  }
0x88: {  	s12 =	simm.s32 $0xAE80  }
0x89: {  	[tilespmem:s12], [sflag:$0x1] =	stream.indirect_vreg.gather [hbm4b:s2+s3], $0x80, v3, vm0, $0xb8;
	[tilespmem:$0x18680] =	vst v63  }
0x8a: {  	s13 =	simm.s32 $0xB680  }
0x8b: {  	[tilespmem:s13], [sflag:$0x1] =	stream.indirect_vreg.gather [hbm4b:s4+s3], $0x80, v3, vm0, $0xb8;
	[tilespmem:$0x18680] =	vst v63  }
0x8c: {  	s19 =	simm.s32 $0xBE80  }
0x8d: {  	[tilespmem:s19], [sflag:$0x1] =	stream.indirect_vreg.gather [hbm4b:s5+s3], $0x80, v3, vm0, $0xb8;
	[tilespmem:$0x18680] =	vst v63  }
0x8e: {  	_ =	swait.ge [sflag:s7], $0xC000  }
0x8f: {  	[sflag:s7] =	ssyncset.done $0x0  }
0x90: {  	s8 =	simm.s32 $0x680;
	s1 =	rddreg [dreg:$0x5];
	[sflag:s7] =	ssyncadd.s32 $0xFFFF4000  }
0x91: {  	[hbm4b:s1+s3] =	stream.linear.scatter [tilespmem:s8], [sflag:$0x2], $0x6000, $0x38;
	[tilespmem:$0x18680] =	vst v63  }
0x92: {  	s9 =	simm.s32 $0x6680;
	s12 =	rddreg [dreg:$0x6]  }
0x93: {  	[hbm4b:s12+s3] =	stream.linear.scatter [tilespmem:s9], [sflag:$0x2], $0x6000, $0x38;
	[tilespmem:$0x18680] =	vst v63  }
0x94: {  	v3 =	vld [tilespmem:$0x40];
	_ =	sdelay $0x4  }
0x95: {  	v24 =	vshrl.u32 v3, $0x3  }
0x96: {  	v4 =	vmul.u32 $0x30, v24  }
0x97: {  	v3 =	vand.u32 $0x7, v3  }
0x98: {  	v3 =	vor.u32 v3, v4  }
0x99: {  	v4 =	vperm.xlane v3, v0;
	_ =	sdelay $0x1  }
0x9a: {  	v4 =	vadd.s32 v1, v4;
	_ =	sdelay $0x3  }
0x9b: {  	s9 =	simm.s32 $0xC680;
	v3 =	vperm.xlane v3, v2  }
0x9c: {  	[tilespmem:s9], [sflag:$0x1] =	stream.indirect_vreg.gather [hbm4b:s2+s3], $0x80, v4, vm0, $0xb8;
	[tilespmem:$0x18680] =	vst v63  }
0x9d: {  	s11 =	simm.s32 $0xCE80;
	v3 =	vadd.s32 v1, v3  }
0x9e: {  	[tilespmem:s11], [sflag:$0x1] =	stream.indirect_vreg.gather [hbm4b:s4+s3], $0x80, v4, vm0, $0xb8;
	[tilespmem:$0x18680] =	vst v63  }
0x9f: {  	s12 =	simm.s32 $0xD680  }
0xa0: {  	[tilespmem:s12], [sflag:$0x1] =	stream.indirect_vreg.gather [hbm4b:s5+s3], $0x80, v4, vm0, $0xb8;
	[tilespmem:$0x18680] =	vst v63  }
0xa1: {  	s19 =	simm.s32 $0xDE80  }
0xa2: {  	[tilespmem:s19], [sflag:$0x1] =	stream.indirect_vreg.gather [hbm4b:s2+s3], $0x80, v3, vm0, $0xb8;
	[tilespmem:$0x18680] =	vst v63  }
0xa3: {  	s9 =	simm.s32 $0xE680  }
0xa4: {  	[tilespmem:s9], [sflag:$0x1] =	stream.indirect_vreg.gather [hbm4b:s4+s3], $0x80, v3, vm0, $0xb8;
	[tilespmem:$0x18680] =	vst v63  }
0xa5: {  	s11 =	simm.s32 $0xEE80  }
0xa6: {  	[tilespmem:s11], [sflag:$0x1] =	stream.indirect_vreg.gather [hbm4b:s5+s3], $0x80, v3, vm0, $0xb8;
	[tilespmem:$0x18680] =	vst v63  }
0xa7: {  	v3 =	vld [tilespmem:$0x50];
	_ =	sdelay $0x4  }
0xa8: {  	v25 =	vshrl.u32 v3, $0x3  }
0xa9: {  	v4 =	vmul.u32 $0x30, v25  }
0xaa: {  	v3 =	vand.u32 $0x7, v3  }
0xab: {  	v3 =	vor.u32 v3, v4  }
0xac: {  	v4 =	vperm.xlane v3, v0;
	_ =	sdelay $0x1  }
0xad: {  	v4 =	vadd.s32 v1, v4;
	_ =	sdelay $0x3  }
0xae: {  	s12 =	simm.s32 $0xF680;
	v3 =	vperm.xlane v3, v2  }
0xaf: {  	[tilespmem:s12], [sflag:$0x1] =	stream.indirect_vreg.gather [hbm4b:s2+s3], $0x80, v4, vm0, $0xb8;
	[tilespmem:$0x18680] =	vst v63  }
0xb0: {  	s19 =	simm.s32 $0xFE80;
	v3 =	vadd.s32 v1, v3  }
0xb1: {  	[tilespmem:s19], [sflag:$0x1] =	stream.indirect_vreg.gather [hbm4b:s4+s3], $0x80, v4, vm0, $0xb8;
	[tilespmem:$0x18680] =	vst v63  }
0xb2: {  	s9 =	simm.s32 $0x10680  }
0xb3: {  	[tilespmem:s9], [sflag:$0x1] =	stream.indirect_vreg.gather [hbm4b:s5+s3], $0x80, v4, vm0, $0xb8;
	[tilespmem:$0x18680] =	vst v63  }
0xb4: {  	s11 =	simm.s32 $0x10E80  }
0xb5: {  	[tilespmem:s11], [sflag:$0x1] =	stream.indirect_vreg.gather [hbm4b:s2+s3], $0x80, v3, vm0, $0xb8;
	[tilespmem:$0x18680] =	vst v63  }
0xb6: {  	s12 =	simm.s32 $0x11680  }
0xb7: {  	[tilespmem:s12], [sflag:$0x1] =	stream.indirect_vreg.gather [hbm4b:s4+s3], $0x80, v3, vm0, $0xb8;
	[tilespmem:$0x18680] =	vst v63  }
0xb8: {  	s19 =	simm.s32 $0x11E80  }
0xb9: {  	[tilespmem:s19], [sflag:$0x1] =	stream.indirect_vreg.gather [hbm4b:s5+s3], $0x80, v3, vm0, $0xb8;
	[tilespmem:$0x18680] =	vst v63  }
0xba: {  	v3 =	vld [tilespmem:$0x60];
	_ =	sdelay $0x4  }
0xbb: {  	v26 =	vshrl.u32 v3, $0x3  }
0xbc: {  	v4 =	vmul.u32 $0x30, v26  }
0xbd: {  	v3 =	vand.u32 $0x7, v3  }
0xbe: {  	v3 =	vor.u32 v3, v4  }
0xbf: {  	v4 =	vperm.xlane v3, v0;
	_ =	sdelay $0x1  }
0xc0: {  	v4 =	vadd.s32 v1, v4;
	_ =	sdelay $0x3  }
0xc1: {  	s9 =	simm.s32 $0x12680;
	v3 =	vperm.xlane v3, v2  }
0xc2: {  	[tilespmem:s9], [sflag:$0x1] =	stream.indirect_vreg.gather [hbm4b:s2+s3], $0x80, v4, vm0, $0xb8;
	[tilespmem:$0x18680] =	vst v63  }
0xc3: {  	s11 =	simm.s32 $0x12E80;
	v3 =	vadd.s32 v1, v3  }
0xc4: {  	[tilespmem:s11], [sflag:$0x1] =	stream.indirect_vreg.gather [hbm4b:s4+s3], $0x80, v4, vm0, $0xb8;
	[tilespmem:$0x18680] =	vst v63  }
0xc5: {  	s12 =	simm.s32 $0x13680  }
0xc6: {  	[tilespmem:s12], [sflag:$0x1] =	stream.indirect_vreg.gather [hbm4b:s5+s3], $0x80, v4, vm0, $0xb8;
	[tilespmem:$0x18680] =	vst v63  }
0xc7: {  	s19 =	simm.s32 $0x13E80  }
0xc8: {  	[tilespmem:s19], [sflag:$0x1] =	stream.indirect_vreg.gather [hbm4b:s2+s3], $0x80, v3, vm0, $0xb8;
	[tilespmem:$0x18680] =	vst v63  }
0xc9: {  	s11 =	simm.s32 $0x14680  }
0xca: {  	[tilespmem:s11], [sflag:$0x1] =	stream.indirect_vreg.gather [hbm4b:s4+s3], $0x80, v3, vm0, $0xb8;
	[tilespmem:$0x18680] =	vst v63  }
0xcb: {  	s12 =	simm.s32 $0x14E80  }
0xcc: {  	[tilespmem:s12], [sflag:$0x1] =	stream.indirect_vreg.gather [hbm4b:s5+s3], $0x80, v3, vm0, $0xb8;
	[tilespmem:$0x18680] =	vst v63  }
0xcd: {  	v3 =	vld [tilespmem:$0x70];
	_ =	sdelay $0x4  }
0xce: {  	v27 =	vshrl.u32 v3, $0x3  }
0xcf: {  	v4 =	vmul.u32 $0x30, v27  }
0xd0: {  	v3 =	vand.u32 $0x7, v3  }
0xd1: {  	v3 =	vor.u32 v3, v4  }
0xd2: {  	v4 =	vperm.xlane v3, v0;
	_ =	sdelay $0x1  }
0xd3: {  	v4 =	vadd.s32 v1, v4;
	_ =	sdelay $0x3  }
0xd4: {  	s19 =	simm.s32 $0x15680;
	v3 =	vperm.xlane v3, v2  }
0xd5: {  	[tilespmem:s19], [sflag:$0x1] =	stream.indirect_vreg.gather [hbm4b:s2+s3], $0x80, v4, vm0, $0xb8;
	[tilespmem:$0x18680] =	vst v63  }
0xd6: {  	s11 =	simm.s32 $0x15E80;
	v3 =	vadd.s32 v1, v3  }
0xd7: {  	[tilespmem:s11], [sflag:$0x1] =	stream.indirect_vreg.gather [hbm4b:s4+s3], $0x80, v4, vm0, $0xb8;
	[tilespmem:$0x18680] =	vst v63  }
0xd8: {  	s12 =	simm.s32 $0x16680  }
0xd9: {  	[tilespmem:s12], [sflag:$0x1] =	stream.indirect_vreg.gather [hbm4b:s5+s3], $0x80, v4, vm0, $0xb8;
	[tilespmem:$0x18680] =	vst v63  }
0xda: {  	s19 =	simm.s32 $0x16E80  }
0xdb: {  	[tilespmem:s19], [sflag:$0x1] =	stream.indirect_vreg.gather [hbm4b:s2+s3], $0x80, v3, vm0, $0xb8;
	[tilespmem:$0x18680] =	vst v63  }
0xdc: {  	s11 =	simm.s32 $0x17680  }
0xdd: {  	[tilespmem:s11], [sflag:$0x1] =	stream.indirect_vreg.gather [hbm4b:s4+s3], $0x80, v3, vm0, $0xb8;
	[tilespmem:$0x18680] =	vst v63  }
0xde: {  	s12 =	simm.s32 $0x17E80  }
0xdf: {  	[tilespmem:s12], [sflag:$0x1] =	stream.indirect_vreg.gather [hbm4b:s5+s3], $0x80, v3, vm0, $0xb8;
	[tilespmem:$0x18680] =	vst v63  }
0xe0: {  	_ =	swait.ge [sflag:s7], $0xC000  }
0xe1: {  	[sflag:s7] =	ssyncset.done $0x0  }
0xe2: {  	s8 =	simm.s32 $0xC680;
	s19 =	rddreg [dreg:$0x7];
	[sflag:s7] =	ssyncadd.s32 $0xFFFF4000  }
0xe3: {  	[hbm4b:s19+s3] =	stream.linear.scatter [tilespmem:s8], [sflag:$0x2], $0x6000, $0x38;
	[tilespmem:$0x18680] =	vst v63  }
0xe4: {  	s9 =	simm.s32 $0x12680;
	s1 =	rddreg [dreg:$0x8]  }
0xe5: {  	[hbm4b:s1+s3] =	stream.linear.scatter [tilespmem:s9], [sflag:$0x2], $0x6000, $0x38;
	[tilespmem:$0x18680] =	vst v63  }
0xe6: {  	_ =	swait.ge [sflag:s10], $0x6000  }
0xe7: {  	[sflag:s10] =	ssyncset.done $0x0  }
0xe8: {  	[sflag:s10] =	ssyncadd.s32 $0xFFFFA000  }
0xe9: {  	_ =	swait.ge [sflag:s10], $0x6000  }
0xea: {  	[sflag:s10] =	ssyncset.done $0x0  }
0xeb: {  	[sflag:s10] =	ssyncadd.s32 $0xFFFFA000  }
0xec: {  	v3 =	vld [tilespmem:$0x80];
	_ =	sdelay $0x4  }
0xed: {  	v28 =	vshrl.u32 v3, $0x3  }
0xee: {  	v4 =	vmul.u32 $0x30, v28  }
0xef: {  	v3 =	vand.u32 $0x7, v3  }
0xf0: {  	v3 =	vor.u32 v3, v4  }
0xf1: {  	v4 =	vperm.xlane v3, v0;
	_ =	sdelay $0x1  }
0xf2: {  	v4 =	vadd.s32 v1, v4;
	_ =	sdelay $0x3  }
0xf3: {  	s19 =	simm.s32 $0x680;
	v3 =	vperm.xlane v3, v2  }
0xf4: {  	[tilespmem:s19], [sflag:$0x1] =	stream.indirect_vreg.gather [hbm4b:s2+s3], $0x80, v4, vm0, $0xb8;
	[tilespmem:$0x18680] =	vst v63  }
0xf5: {  	s11 =	simm.s32 $0xE80;
	v3 =	vadd.s32 v1, v3  }
0xf6: {  	[tilespmem:s11], [sflag:$0x1] =	stream.indirect_vreg.gather [hbm4b:s4+s3], $0x80, v4, vm0, $0xb8;
	[tilespmem:$0x18680] =	vst v63  }
0xf7: {  	s22 =	simm.s32 $0x1680  }
0xf8: {  	[tilespmem:s22], [sflag:$0x1] =	stream.indirect_vreg.gather [hbm4b:s5+s3], $0x80, v4, vm0, $0xb8;
	[tilespmem:$0x18680] =	vst v63  }
0xf9: {  	s24 =	simm.s32 $0x1E80  }
0xfa: {  	[tilespmem:s24], [sflag:$0x1] =	stream.indirect_vreg.gather [hbm4b:s2+s3], $0x80, v3, vm0, $0xb8;
	[tilespmem:$0x18680] =	vst v63  }
0xfb: {  	s25 =	simm.s32 $0x2680  }
0xfc: {  	[tilespmem:s25], [sflag:$0x1] =	stream.indirect_vreg.gather [hbm4b:s4+s3], $0x80, v3, vm0, $0xb8;
	[tilespmem:$0x18680] =	vst v63  }
0xfd: {  	s17 =	simm.s32 $0x2E80  }
0xfe: {  	[tilespmem:s17], [sflag:$0x1] =	stream.indirect_vreg.gather [hbm4b:s5+s3], $0x80, v3, vm0, $0xb8;
	[tilespmem:$0x18680] =	vst v63  }
0xff: {  	v3 =	vld [tilespmem:$0x90];
	_ =	sdelay $0x4  }
0x100: {  	v29 =	vshrl.u32 v3, $0x3  }
0x101: {  	v4 =	vmul.u32 $0x30, v29  }
0x102: {  	v3 =	vand.u32 $0x7, v3  }
0x103: {  	v3 =	vor.u32 v3, v4  }
0x104: {  	v4 =	vperm.xlane v3, v0;
	_ =	sdelay $0x1  }
0x105: {  	v4 =	vadd.s32 v1, v4;
	_ =	sdelay $0x3  }
0x106: {  	s18 =	simm.s32 $0x3680;
	v3 =	vperm.xlane v3, v2  }
0x107: {  	[tilespmem:s18], [sflag:$0x1] =	stream.indirect_vreg.gather [hbm4b:s2+s3], $0x80, v4, vm0, $0xb8;
	[tilespmem:$0x18680] =	vst v63  }
0x108: {  	s26 =	simm.s32 $0x3E80;
	v3 =	vadd.s32 v1, v3  }
0x109: {  	[tilespmem:s26], [sflag:$0x1] =	stream.indirect_vreg.gather [hbm4b:s4+s3], $0x80, v4, vm0, $0xb8;
	[tilespmem:$0x18680] =	vst v63  }
0x10a: {  	s28 =	simm.s32 $0x4680  }
0x10b: {  	[tilespmem:s28], [sflag:$0x1] =	stream.indirect_vreg.gather [hbm4b:s5+s3], $0x80, v4, vm0, $0xb8;
	[tilespmem:$0x18680] =	vst v63  }
0x10c: {  	s29 =	simm.s32 $0x4E80  }
0x10d: {  	[tilespmem:s29], [sflag:$0x1] =	stream.indirect_vreg.gather [hbm4b:s2+s3], $0x80, v3, vm0, $0xb8;
	[tilespmem:$0x18680] =	vst v63  }
0x10e: {  	s30 =	simm.s32 $0x5680  }
0x10f: {  	[tilespmem:s30], [sflag:$0x1] =	stream.indirect_vreg.gather [hbm4b:s4+s3], $0x80, v3, vm0, $0xb8;
	[tilespmem:$0x18680] =	vst v63  }
0x110: {  	s31 =	simm.s32 $0x5E80  }
0x111: {  	[tilespmem:s31], [sflag:$0x1] =	stream.indirect_vreg.gather [hbm4b:s5+s3], $0x80, v3, vm0, $0xb8;
	[tilespmem:$0x18680] =	vst v63  }
0x112: {  	v3 =	vld [tilespmem:$0xA0];
	_ =	sdelay $0x4  }
0x113: {  	v30 =	vshrl.u32 v3, $0x3  }
0x114: {  	v4 =	vmul.u32 $0x30, v30  }
0x115: {  	v3 =	vand.u32 $0x7, v3  }
0x116: {  	v3 =	vor.u32 v3, v4  }
0x117: {  	v4 =	vperm.xlane v3, v0;
	_ =	sdelay $0x1  }
0x118: {  	v4 =	vadd.s32 v1, v4;
	_ =	sdelay $0x3  }
0x119: {  	s12 =	simm.s32 $0x6680;
	v3 =	vperm.xlane v3, v2  }
0x11a: {  	[tilespmem:s12], [sflag:$0x1] =	stream.indirect_vreg.gather [hbm4b:s2+s3], $0x80, v4, vm0, $0xb8;
	[tilespmem:$0x18680] =	vst v63  }
0x11b: {  	s20 =	simm.s32 $0x6E80;
	v3 =	vadd.s32 v1, v3  }
0x11c: {  	[tilespmem:s20], [sflag:$0x1] =	stream.indirect_vreg.gather [hbm4b:s4+s3], $0x80, v4, vm0, $0xb8;
	[tilespmem:$0x18680] =	vst v63  }
0x11d: {  	s0 =	simm.s32 $0x7680  }
0x11e: {  	[tilespmem:s0], [sflag:$0x1] =	stream.indirect_vreg.gather [hbm4b:s5+s3], $0x80, v4, vm0, $0xb8;
	[tilespmem:$0x18680] =	vst v63  }
0x11f: {  	s21 =	simm.s32 $0x7E80  }
0x120: {  	[tilespmem:s21], [sflag:$0x1] =	stream.indirect_vreg.gather [hbm4b:s2+s3], $0x80, v3, vm0, $0xb8;
	[tilespmem:$0x18680] =	vst v63  }
0x121: {  	s23 =	simm.s32 $0x8680  }
0x122: {  	[tilespmem:s23], [sflag:$0x1] =	stream.indirect_vreg.gather [hbm4b:s4+s3], $0x80, v3, vm0, $0xb8;
	[tilespmem:$0x18680] =	vst v63  }
0x123: {  	s14 =	simm.s32 $0x8E80  }
0x124: {  	[tilespmem:s14], [sflag:$0x1] =	stream.indirect_vreg.gather [hbm4b:s5+s3], $0x80, v3, vm0, $0xb8;
	[tilespmem:$0x18680] =	vst v63  }
0x125: {  	v3 =	vld [tilespmem:$0xB0];
	_ =	sdelay $0x4  }
0x126: {  	v31 =	vshrl.u32 v3, $0x3  }
0x127: {  	v4 =	vmul.u32 $0x30, v31  }
0x128: {  	v3 =	vand.u32 $0x7, v3  }
0x129: {  	v3 =	vor.u32 v3, v4  }
0x12a: {  	v4 =	vperm.xlane v3, v0;
	_ =	sdelay $0x1  }
0x12b: {  	v4 =	vadd.s32 v1, v4;
	_ =	sdelay $0x3  }
0x12c: {  	s15 =	simm.s32 $0x9680;
	v3 =	vperm.xlane v3, v2  }
0x12d: {  	[tilespmem:s15], [sflag:$0x1] =	stream.indirect_vreg.gather [hbm4b:s2+s3], $0x80, v4, vm0, $0xb8;
	[tilespmem:$0x18680] =	vst v63  }
0x12e: {  	s16 =	simm.s32 $0x9E80;
	v3 =	vadd.s32 v1, v3  }
0x12f: {  	[tilespmem:s16], [sflag:$0x1] =	stream.indirect_vreg.gather [hbm4b:s4+s3], $0x80, v4, vm0, $0xb8;
	[tilespmem:$0x18680] =	vst v63  }
0x130: {  	s6 =	simm.s32 $0xA680  }
0x131: {  	[tilespmem:s6], [sflag:$0x1] =	stream.indirect_vreg.gather [hbm4b:s5+s3], $0x80, v4, vm0, $0xb8;
	[tilespmem:$0x18680] =	vst v63  }
0x132: {  	s6 =	simm.s32 $0xAE80  }
0x133: {  	[tilespmem:s6], [sflag:$0x1] =	stream.indirect_vreg.gather [hbm4b:s2+s3], $0x80, v3, vm0, $0xb8;
	[tilespmem:$0x18680] =	vst v63  }
0x134: {  	s23 =	simm.s32 $0xB680  }
0x135: {  	[tilespmem:s23], [sflag:$0x1] =	stream.indirect_vreg.gather [hbm4b:s4+s3], $0x80, v3, vm0, $0xb8;
	[tilespmem:$0x18680] =	vst v63  }
0x136: {  	s13 =	simm.s32 $0xBE80  }
0x137: {  	[tilespmem:s13], [sflag:$0x1] =	stream.indirect_vreg.gather [hbm4b:s5+s3], $0x80, v3, vm0, $0xb8;
	[tilespmem:$0x18680] =	vst v63  }
0x138: {  	_ =	swait.ge [sflag:s7], $0xC000  }
0x139: {  	[sflag:s7] =	ssyncset.done $0x0  }
0x13a: {  	s15 =	rddreg [dreg:$0x9];
	[sflag:s7] =	ssyncadd.s32 $0xFFFF4000  }
0x13b: {  	[hbm4b:s15+s3] =	stream.linear.scatter [tilespmem:s19], [sflag:$0x2], $0x6000, $0x38;
	[tilespmem:$0x18680] =	vst v63  }
0x13c: {  	s16 =	rddreg [dreg:$0xa]  }
0x13d: {  	[hbm4b:s16+s3] =	stream.linear.scatter [tilespmem:s12], [sflag:$0x2], $0x6000, $0x38;
	[tilespmem:$0x18680] =	vst v63  }
0x13e: {  	_ =	swait.ge [sflag:s10], $0x6000  }
0x13f: {  	[sflag:s10] =	ssyncset.done $0x0  }
0x140: {  	[sflag:s10] =	ssyncadd.s32 $0xFFFFA000  }
0x141: {  	_ =	swait.ge [sflag:s10], $0x6000  }
0x142: {  	[sflag:s10] =	ssyncset.done $0x0  }
0x143: {  	[sflag:s10] =	ssyncadd.s32 $0xFFFFA000  }
0x144: {  	v3 =	vld [tilespmem:$0xC0];
	_ =	sdelay $0x4  }
0x145: {  	v32 =	vshrl.u32 v3, $0x3  }
0x146: {  	v4 =	vmul.u32 $0x30, v32  }
0x147: {  	v3 =	vand.u32 $0x7, v3  }
0x148: {  	v3 =	vor.u32 v3, v4  }
0x149: {  	v4 =	vperm.xlane v3, v0;
	_ =	sdelay $0x1  }
0x14a: {  	v4 =	vadd.s32 v1, v4;
	_ =	sdelay $0x3  }
0x14b: {  	s1 =	simm.s32 $0xC680;
	v3 =	vperm.xlane v3, v2  }
0x14c: {  	[tilespmem:s1], [sflag:$0x1] =	stream.indirect_vreg.gather [hbm4b:s2+s3], $0x80, v4, vm0, $0xb8;
	[tilespmem:$0x18680] =	vst v63  }
0x14d: {  	s13 =	simm.s32 $0xCE80;
	v3 =	vadd.s32 v1, v3  }
0x14e: {  	[tilespmem:s13], [sflag:$0x1] =	stream.indirect_vreg.gather [hbm4b:s4+s3], $0x80, v4, vm0, $0xb8;
	[tilespmem:$0x18680] =	vst v63  }
0x14f: {  	s17 =	simm.s32 $0xD680  }
0x150: {  	[tilespmem:s17], [sflag:$0x1] =	stream.indirect_vreg.gather [hbm4b:s5+s3], $0x80, v4, vm0, $0xb8;
	[tilespmem:$0x18680] =	vst v63  }
0x151: {  	s21 =	simm.s32 $0xDE80  }
0x152: {  	[tilespmem:s21], [sflag:$0x1] =	stream.indirect_vreg.gather [hbm4b:s2+s3], $0x80, v3, vm0, $0xb8;
	[tilespmem:$0x18680] =	vst v63  }
0x153: {  	s22 =	simm.s32 $0xE680  }
0x154: {  	[tilespmem:s22], [sflag:$0x1] =	stream.indirect_vreg.gather [hbm4b:s4+s3], $0x80, v3, vm0, $0xb8;
	[tilespmem:$0x18680] =	vst v63  }
0x155: {  	s19 =	simm.s32 $0xEE80  }
0x156: {  	[tilespmem:s19], [sflag:$0x1] =	stream.indirect_vreg.gather [hbm4b:s5+s3], $0x80, v3, vm0, $0xb8;
	[tilespmem:$0x18680] =	vst v63  }
0x157: {  	v3 =	vld [tilespmem:$0xD0];
	_ =	sdelay $0x4  }
0x158: {  	v33 =	vshrl.u32 v3, $0x3  }
0x159: {  	v4 =	vmul.u32 $0x30, v33  }
0x15a: {  	v3 =	vand.u32 $0x7, v3  }
0x15b: {  	v3 =	vor.u32 v3, v4  }
0x15c: {  	v4 =	vperm.xlane v3, v0;
	_ =	sdelay $0x1  }
0x15d: {  	v4 =	vadd.s32 v1, v4;
	_ =	sdelay $0x3  }
0x15e: {  	s8 =	simm.s32 $0xF680;
	v3 =	vperm.xlane v3, v2  }
0x15f: {  	[tilespmem:s8], [sflag:$0x1] =	stream.indirect_vreg.gather [hbm4b:s2+s3], $0x80, v4, vm0, $0xb8;
	[tilespmem:$0x18680] =	vst v63  }
0x160: {  	s24 =	simm.s32 $0xFE80;
	v3 =	vadd.s32 v1, v3  }
0x161: {  	[tilespmem:s24], [sflag:$0x1] =	stream.indirect_vreg.gather [hbm4b:s4+s3], $0x80, v4, vm0, $0xb8;
	[tilespmem:$0x18680] =	vst v63  }
0x162: {  	s25 =	simm.s32 $0x10680  }
0x163: {  	[tilespmem:s25], [sflag:$0x1] =	stream.indirect_vreg.gather [hbm4b:s5+s3], $0x80, v4, vm0, $0xb8;
	[tilespmem:$0x18680] =	vst v63  }
0x164: {  	s26 =	simm.s32 $0x10E80  }
0x165: {  	[tilespmem:s26], [sflag:$0x1] =	stream.indirect_vreg.gather [hbm4b:s2+s3], $0x80, v3, vm0, $0xb8;
	[tilespmem:$0x18680] =	vst v63  }
0x166: {  	s28 =	simm.s32 $0x11680  }
0x167: {  	[tilespmem:s28], [sflag:$0x1] =	stream.indirect_vreg.gather [hbm4b:s4+s3], $0x80, v3, vm0, $0xb8;
	[tilespmem:$0x18680] =	vst v63  }
0x168: {  	s9 =	simm.s32 $0x11E80  }
0x169: {  	[tilespmem:s9], [sflag:$0x1] =	stream.indirect_vreg.gather [hbm4b:s5+s3], $0x80, v3, vm0, $0xb8;
	[tilespmem:$0x18680] =	vst v63  }
0x16a: {  	v3 =	vld [tilespmem:$0xE0];
	_ =	sdelay $0x4  }
0x16b: {  	v34 =	vshrl.u32 v3, $0x3  }
0x16c: {  	v4 =	vmul.u32 $0x30, v34  }
0x16d: {  	v3 =	vand.u32 $0x7, v3  }
0x16e: {  	v3 =	vor.u32 v3, v4  }
0x16f: {  	v4 =	vperm.xlane v3, v0;
	_ =	sdelay $0x1  }
0x170: {  	v4 =	vadd.s32 v1, v4;
	_ =	sdelay $0x3  }
0x171: {  	s0 =	simm.s32 $0x12680;
	v3 =	vperm.xlane v3, v2  }
0x172: {  	[tilespmem:s0], [sflag:$0x1] =	stream.indirect_vreg.gather [hbm4b:s2+s3], $0x80, v4, vm0, $0xb8;
	[tilespmem:$0x18680] =	vst v63  }
0x173: {  	s29 =	simm.s32 $0x12E80;
	v3 =	vadd.s32 v1, v3  }
0x174: {  	[tilespmem:s29], [sflag:$0x1] =	stream.indirect_vreg.gather [hbm4b:s4+s3], $0x80, v4, vm0, $0xb8;
	[tilespmem:$0x18680] =	vst v63  }
0x175: {  	s30 =	simm.s32 $0x13680  }
0x176: {  	[tilespmem:s30], [sflag:$0x1] =	stream.indirect_vreg.gather [hbm4b:s5+s3], $0x80, v4, vm0, $0xb8;
	[tilespmem:$0x18680] =	vst v63  }
0x177: {  	s31 =	simm.s32 $0x13E80  }
0x178: {  	[tilespmem:s31], [sflag:$0x1] =	stream.indirect_vreg.gather [hbm4b:s2+s3], $0x80, v3, vm0, $0xb8;
	[tilespmem:$0x18680] =	vst v63  }
0x179: {  	s14 =	simm.s32 $0x14680  }
0x17a: {  	[tilespmem:s14], [sflag:$0x1] =	stream.indirect_vreg.gather [hbm4b:s4+s3], $0x80, v3, vm0, $0xb8;
	[tilespmem:$0x18680] =	vst v63  }
0x17b: {  	s20 =	simm.s32 $0x14E80  }
0x17c: {  	[tilespmem:s20], [sflag:$0x1] =	stream.indirect_vreg.gather [hbm4b:s5+s3], $0x80, v3, vm0, $0xb8;
	[tilespmem:$0x18680] =	vst v63  }
0x17d: {  	v3 =	vld [tilespmem:$0xF0];
	_ =	sdelay $0x4  }
0x17e: {  	v35 =	vshrl.u32 v3, $0x3  }
0x17f: {  	v4 =	vmul.u32 $0x30, v35  }
0x180: {  	v3 =	vand.u32 $0x7, v3  }
0x181: {  	v3 =	vor.u32 v3, v4  }
0x182: {  	v4 =	vperm.xlane v3, v0;
	_ =	sdelay $0x1  }
0x183: {  	v4 =	vadd.s32 v1, v4;
	_ =	sdelay $0x3  }
0x184: {  	s18 =	simm.s32 $0x15680;
	v3 =	vperm.xlane v3, v2  }
0x185: {  	[tilespmem:s18], [sflag:$0x1] =	stream.indirect_vreg.gather [hbm4b:s2+s3], $0x80, v4, vm0, $0xb8;
	[tilespmem:$0x18680] =	vst v63  }
0x186: {  	s15 =	simm.s32 $0x15E80;
	v3 =	vadd.s32 v1, v3  }
0x187: {  	[tilespmem:s15], [sflag:$0x1] =	stream.indirect_vreg.gather [hbm4b:s4+s3], $0x80, v4, vm0, $0xb8;
	[tilespmem:$0x18680] =	vst v63  }
0x188: {  	s16 =	simm.s32 $0x16680  }
0x189: {  	[tilespmem:s16], [sflag:$0x1] =	stream.indirect_vreg.gather [hbm4b:s5+s3], $0x80, v4, vm0, $0xb8;
	[tilespmem:$0x18680] =	vst v63  }
0x18a: {  	s17 =	simm.s32 $0x16E80  }
0x18b: {  	[tilespmem:s17], [sflag:$0x1] =	stream.indirect_vreg.gather [hbm4b:s2+s3], $0x80, v3, vm0, $0xb8;
	[tilespmem:$0x18680] =	vst v63  }
0x18c: {  	s18 =	simm.s32 $0x17680  }
0x18d: {  	[tilespmem:s18], [sflag:$0x1] =	stream.indirect_vreg.gather [hbm4b:s4+s3], $0x80, v3, vm0, $0xb8;
	[tilespmem:$0x18680] =	vst v63  }
0x18e: {  	s12 =	simm.s32 $0x17E80  }
0x18f: {  	[tilespmem:s12], [sflag:$0x1] =	stream.indirect_vreg.gather [hbm4b:s5+s3], $0x80, v3, vm0, $0xb8;
	[tilespmem:$0x18680] =	vst v63  }
0x190: {  	_ =	swait.ge [sflag:s7], $0xC000  }
0x191: {  	[sflag:s7] =	ssyncset.done $0x0  }
0x192: {  	s11 =	rddreg [dreg:$0xb];
	[sflag:s7] =	ssyncadd.s32 $0xFFFF4000  }
0x193: {  	[hbm4b:s11+s3] =	stream.linear.scatter [tilespmem:s1], [sflag:$0x2], $0x6000, $0x38;
	[tilespmem:$0x18680] =	vst v63  }
0x194: {  	s12 =	rddreg [dreg:$0xc]  }
0x195: {  	[hbm4b:s12+s3] =	stream.linear.scatter [tilespmem:s0], [sflag:$0x2], $0x6000, $0x38;
	[tilespmem:$0x18680] =	vst v63  }
0x196: {  	_ =	swait.ge [sflag:s10], $0x6000  }
0x197: {  	[sflag:s10] =	ssyncset.done $0x0  }
0x198: {  	[sflag:s10] =	ssyncadd.s32 $0xFFFFA000  }
0x199: {  	_ =	swait.ge [sflag:s10], $0x6000  }
0x19a: {  	[sflag:s10] =	ssyncset.done $0x0  }
0x19b: {  	[sflag:s10] =	ssyncadd.s32 $0xFFFFA000  }
0x19c: {  	v3 =	vld [tilespmem:$0x100];
	_ =	sdelay $0x4  }
0x19d: {  	v36 =	vshrl.u32 v3, $0x3  }
0x19e: {  	v4 =	vmul.u32 $0x30, v36  }
0x19f: {  	v3 =	vand.u32 $0x7, v3  }
0x1a0: {  	v3 =	vor.u32 v3, v4  }
0x1a1: {  	v4 =	vperm.xlane v3, v0;
	_ =	sdelay $0x1  }
0x1a2: {  	v4 =	vadd.s32 v1, v4;
	_ =	sdelay $0x3  }
0x1a3: {  	s1 =	simm.s32 $0x680;
	v3 =	vperm.xlane v3, v2  }
0x1a4: {  	[tilespmem:s1], [sflag:$0x1] =	stream.indirect_vreg.gather [hbm4b:s2+s3], $0x80, v4, vm0, $0xb8;
	[tilespmem:$0x18680] =	vst v63  }
0x1a5: {  	s11 =	simm.s32 $0xE80;
	v3 =	vadd.s32 v1, v3  }
0x1a6: {  	[tilespmem:s11], [sflag:$0x1] =	stream.indirect_vreg.gather [hbm4b:s4+s3], $0x80, v4, vm0, $0xb8;
	[tilespmem:$0x18680] =	vst v63  }
0x1a7: {  	s12 =	simm.s32 $0x1680  }
0x1a8: {  	[tilespmem:s12], [sflag:$0x1] =	stream.indirect_vreg.gather [hbm4b:s5+s3], $0x80, v4, vm0, $0xb8;
	[tilespmem:$0x18680] =	vst v63  }
0x1a9: {  	s11 =	simm.s32 $0x1E80  }
0x1aa: {  	[tilespmem:s11], [sflag:$0x1] =	stream.indirect_vreg.gather [hbm4b:s2+s3], $0x80, v3, vm0, $0xb8;
	[tilespmem:$0x18680] =	vst v63  }
0x1ab: {  	s12 =	simm.s32 $0x2680  }
0x1ac: {  	[tilespmem:s12], [sflag:$0x1] =	stream.indirect_vreg.gather [hbm4b:s4+s3], $0x80, v3, vm0, $0xb8;
	[tilespmem:$0x18680] =	vst v63  }
0x1ad: {  	s11 =	simm.s32 $0x2E80  }
0x1ae: {  	[tilespmem:s11], [sflag:$0x1] =	stream.indirect_vreg.gather [hbm4b:s5+s3], $0x80, v3, vm0, $0xb8;
	[tilespmem:$0x18680] =	vst v63  }
0x1af: {  	v3 =	vld [tilespmem:$0x110];
	_ =	sdelay $0x4  }
0x1b0: {  	v37 =	vshrl.u32 v3, $0x3  }
0x1b1: {  	v4 =	vmul.u32 $0x30, v37  }
0x1b2: {  	v3 =	vand.u32 $0x7, v3  }
0x1b3: {  	v3 =	vor.u32 v3, v4  }
0x1b4: {  	v4 =	vperm.xlane v3, v0;
	_ =	sdelay $0x1  }
0x1b5: {  	v4 =	vadd.s32 v1, v4;
	_ =	sdelay $0x3  }
0x1b6: {  	s12 =	simm.s32 $0x3680;
	v3 =	vperm.xlane v3, v2  }
0x1b7: {  	[tilespmem:s12], [sflag:$0x1] =	stream.indirect_vreg.gather [hbm4b:s2+s3], $0x80, v4, vm0, $0xb8;
	[tilespmem:$0x18680] =	vst v63  }
0x1b8: {  	s11 =	simm.s32 $0x3E80;
	v3 =	vadd.s32 v1, v3  }
0x1b9: {  	[tilespmem:s11], [sflag:$0x1] =	stream.indirect_vreg.gather [hbm4b:s4+s3], $0x80, v4, vm0, $0xb8;
	[tilespmem:$0x18680] =	vst v63  }
0x1ba: {  	s12 =	simm.s32 $0x4680  }
0x1bb: {  	[tilespmem:s12], [sflag:$0x1] =	stream.indirect_vreg.gather [hbm4b:s5+s3], $0x80, v4, vm0, $0xb8;
	[tilespmem:$0x18680] =	vst v63  }
0x1bc: {  	s11 =	simm.s32 $0x4E80  }
0x1bd: {  	[tilespmem:s11], [sflag:$0x1] =	stream.indirect_vreg.gather [hbm4b:s2+s3], $0x80, v3, vm0, $0xb8;
	[tilespmem:$0x18680] =	vst v63  }
0x1be: {  	s12 =	simm.s32 $0x5680  }
0x1bf: {  	[tilespmem:s12], [sflag:$0x1] =	stream.indirect_vreg.gather [hbm4b:s4+s3], $0x80, v3, vm0, $0xb8;
	[tilespmem:$0x18680] =	vst v63  }
0x1c0: {  	s11 =	simm.s32 $0x5E80  }
0x1c1: {  	[tilespmem:s11], [sflag:$0x1] =	stream.indirect_vreg.gather [hbm4b:s5+s3], $0x80, v3, vm0, $0xb8;
	[tilespmem:$0x18680] =	vst v63  }
0x1c2: {  	v3 =	vld [tilespmem:$0x120];
	_ =	sdelay $0x4  }
0x1c3: {  	v38 =	vshrl.u32 v3, $0x3  }
0x1c4: {  	v4 =	vmul.u32 $0x30, v38  }
0x1c5: {  	v3 =	vand.u32 $0x7, v3  }
0x1c6: {  	v3 =	vor.u32 v3, v4  }
0x1c7: {  	v4 =	vperm.xlane v3, v0;
	_ =	sdelay $0x1  }
0x1c8: {  	v4 =	vadd.s32 v1, v4;
	_ =	sdelay $0x3  }
0x1c9: {  	s0 =	simm.s32 $0x6680;
	v3 =	vperm.xlane v3, v2  }
0x1ca: {  	[tilespmem:s0], [sflag:$0x1] =	stream.indirect_vreg.gather [hbm4b:s2+s3], $0x80, v4, vm0, $0xb8;
	[tilespmem:$0x18680] =	vst v63  }
0x1cb: {  	s12 =	simm.s32 $0x6E80;
	v3 =	vadd.s32 v1, v3  }
0x1cc: {  	[tilespmem:s12], [sflag:$0x1] =	stream.indirect_vreg.gather [hbm4b:s4+s3], $0x80, v4, vm0, $0xb8;
	[tilespmem:$0x18680] =	vst v63  }
0x1cd: {  	s12 =	simm.s32 $0x7680  }
0x1ce: {  	[tilespmem:s12], [sflag:$0x1] =	stream.indirect_vreg.gather [hbm4b:s5+s3], $0x80, v4, vm0, $0xb8;
	[tilespmem:$0x18680] =	vst v63  }
0x1cf: {  	s12 =	simm.s32 $0x7E80  }
0x1d0: {  	[tilespmem:s12], [sflag:$0x1] =	stream.indirect_vreg.gather [hbm4b:s2+s3], $0x80, v3, vm0, $0xb8;
	[tilespmem:$0x18680] =	vst v63  }
0x1d1: {  	s12 =	simm.s32 $0x8680  }
0x1d2: {  	[tilespmem:s12], [sflag:$0x1] =	stream.indirect_vreg.gather [hbm4b:s4+s3], $0x80, v3, vm0, $0xb8;
	[tilespmem:$0x18680] =	vst v63  }
0x1d3: {  	s12 =	simm.s32 $0x8E80  }
0x1d4: {  	[tilespmem:s12], [sflag:$0x1] =	stream.indirect_vreg.gather [hbm4b:s5+s3], $0x80, v3, vm0, $0xb8;
	[tilespmem:$0x18680] =	vst v63  }
0x1d5: {  	v3 =	vld [tilespmem:$0x130];
	_ =	sdelay $0x4  }
0x1d6: {  	v39 =	vshrl.u32 v3, $0x3  }
0x1d7: {  	v4 =	vmul.u32 $0x30, v39  }
0x1d8: {  	v3 =	vand.u32 $0x7, v3  }
0x1d9: {  	v3 =	vor.u32 v3, v4  }
0x1da: {  	v4 =	vperm.xlane v3, v0;
	_ =	sdelay $0x1  }
0x1db: {  	v4 =	vadd.s32 v1, v4;
	_ =	sdelay $0x3  }
0x1dc: {  	s12 =	simm.s32 $0x9680;
	v3 =	vperm.xlane v3, v2  }
0x1dd: {  	[tilespmem:s12], [sflag:$0x1] =	stream.indirect_vreg.gather [hbm4b:s2+s3], $0x80, v4, vm0, $0xb8;
	[tilespmem:$0x18680] =	vst v63  }
0x1de: {  	v3 =	vadd.s32 v1, v3;
	s12 =	simm.s32 $0x9E80  }
0x1df: {  	[tilespmem:s12], [sflag:$0x1] =	stream.indirect_vreg.gather [hbm4b:s4+s3], $0x80, v4, vm0, $0xb8;
	[tilespmem:$0x18680] =	vst v63  }
0x1e0: {  	s12 =	simm.s32 $0xA680  }
0x1e1: {  	[tilespmem:s12], [sflag:$0x1] =	stream.indirect_vreg.gather [hbm4b:s5+s3], $0x80, v4, vm0, $0xb8;
	[tilespmem:$0x18680] =	vst v63  }
0x1e2: {  	_ = 	snop  }
0x1e3: {  	[tilespmem:s6], [sflag:$0x1] =	stream.indirect_vreg.gather [hbm4b:s2+s3], $0x80, v3, vm0, $0xb8;
	[tilespmem:$0x18680] =	vst v63  }
0x1e4: {  	_ = 	snop  }
0x1e5: {  	[tilespmem:s23], [sflag:$0x1] =	stream.indirect_vreg.gather [hbm4b:s4+s3], $0x80, v3, vm0, $0xb8;
	[tilespmem:$0x18680] =	vst v63  }
0x1e6: {  	s12 =	simm.s32 $0xBE80  }
0x1e7: {  	[tilespmem:s12], [sflag:$0x1] =	stream.indirect_vreg.gather [hbm4b:s5+s3], $0x80, v3, vm0, $0xb8;
	[tilespmem:$0x18680] =	vst v63  }
0x1e8: {  	_ =	swait.ge [sflag:s7], $0xC000  }
0x1e9: {  	[sflag:s7] =	ssyncset.done $0x0  }
0x1ea: {  	s23 =	rddreg [dreg:$0xd];
	[sflag:s7] =	ssyncadd.s32 $0xFFFF4000  }
0x1eb: {  	[hbm4b:s23+s3] =	stream.linear.scatter [tilespmem:s1], [sflag:$0x2], $0x6000, $0x38;
	[tilespmem:$0x18680] =	vst v63  }
0x1ec: {  	s6 =	rddreg [dreg:$0xe]  }
0x1ed: {  	[hbm4b:s6+s3] =	stream.linear.scatter [tilespmem:s0], [sflag:$0x2], $0x6000, $0x38;
	[tilespmem:$0x18680] =	vst v63  }
0x1ee: {  	_ =	swait.ge [sflag:s10], $0x6000  }
0x1ef: {  	[sflag:s10] =	ssyncset.done $0x0  }
0x1f0: {  	[sflag:s10] =	ssyncadd.s32 $0xFFFFA000  }
0x1f1: {  	_ =	swait.ge [sflag:s10], $0x6000  }
0x1f2: {  	[sflag:s10] =	ssyncset.done $0x0  }
0x1f3: {  	[sflag:s10] =	ssyncadd.s32 $0xFFFFA000  }
0x1f4: {  	v3 =	vld [tilespmem:$0x140];
	_ =	sdelay $0x4  }
0x1f5: {  	v40 =	vshrl.u32 v3, $0x3  }
0x1f6: {  	v4 =	vmul.u32 $0x30, v40  }
0x1f7: {  	v3 =	vand.u32 $0x7, v3  }
0x1f8: {  	v3 =	vor.u32 v3, v4  }
0x1f9: {  	v4 =	vperm.xlane v3, v0;
	_ =	sdelay $0x1  }
0x1fa: {  	v4 =	vadd.s32 v1, v4;
	_ =	sdelay $0x3  }
0x1fb: {  	s12 =	simm.s32 $0xC680;
	v3 =	vperm.xlane v3, v2  }
0x1fc: {  	[tilespmem:s12], [sflag:$0x1] =	stream.indirect_vreg.gather [hbm4b:s2+s3], $0x80, v4, vm0, $0xb8;
	[tilespmem:$0x18680] =	vst v63  }
0x1fd: {  	v3 =	vadd.s32 v1, v3  }
0x1fe: {  	[tilespmem:s13], [sflag:$0x1] =	stream.indirect_vreg.gather [hbm4b:s4+s3], $0x80, v4, vm0, $0xb8;
	[tilespmem:$0x18680] =	vst v63  }
0x1ff: {  	s23 =	simm.s32 $0xD680  }
0x200: {  	[tilespmem:s23], [sflag:$0x1] =	stream.indirect_vreg.gather [hbm4b:s5+s3], $0x80, v4, vm0, $0xb8;
	[tilespmem:$0x18680] =	vst v63  }
0x201: {  	_ = 	snop  }
0x202: {  	[tilespmem:s21], [sflag:$0x1] =	stream.indirect_vreg.gather [hbm4b:s2+s3], $0x80, v3, vm0, $0xb8;
	[tilespmem:$0x18680] =	vst v63  }
0x203: {  	_ = 	snop  }
0x204: {  	[tilespmem:s22], [sflag:$0x1] =	stream.indirect_vreg.gather [hbm4b:s4+s3], $0x80, v3, vm0, $0xb8;
	[tilespmem:$0x18680] =	vst v63  }
0x205: {  	_ = 	snop  }
0x206: {  	[tilespmem:s19], [sflag:$0x1] =	stream.indirect_vreg.gather [hbm4b:s5+s3], $0x80, v3, vm0, $0xb8;
	[tilespmem:$0x18680] =	vst v63  }
0x207: {  	v3 =	vld [tilespmem:$0x150];
	_ =	sdelay $0x4  }
0x208: {  	v41 =	vshrl.u32 v3, $0x3  }
0x209: {  	v4 =	vmul.u32 $0x30, v41  }
0x20a: {  	v3 =	vand.u32 $0x7, v3  }
0x20b: {  	v3 =	vor.u32 v3, v4  }
0x20c: {  	v4 =	vperm.xlane v3, v0;
	_ =	sdelay $0x1  }
0x20d: {  	v4 =	vadd.s32 v1, v4;
	_ =	sdelay $0x3  }
0x20e: {  	v3 =	vperm.xlane v3, v2  }
0x20f: {  	[tilespmem:s8], [sflag:$0x1] =	stream.indirect_vreg.gather [hbm4b:s2+s3], $0x80, v4, vm0, $0xb8;
	[tilespmem:$0x18680] =	vst v63  }
0x210: {  	v3 =	vadd.s32 v1, v3  }
0x211: {  	[tilespmem:s24], [sflag:$0x1] =	stream.indirect_vreg.gather [hbm4b:s4+s3], $0x80, v4, vm0, $0xb8;
	[tilespmem:$0x18680] =	vst v63  }
0x212: {  	_ = 	snop  }
0x213: {  	[tilespmem:s25], [sflag:$0x1] =	stream.indirect_vreg.gather [hbm4b:s5+s3], $0x80, v4, vm0, $0xb8;
	[tilespmem:$0x18680] =	vst v63  }
0x214: {  	_ = 	snop  }
0x215: {  	[tilespmem:s26], [sflag:$0x1] =	stream.indirect_vreg.gather [hbm4b:s2+s3], $0x80, v3, vm0, $0xb8;
	[tilespmem:$0x18680] =	vst v63  }
0x216: {  	_ = 	snop  }
0x217: {  	[tilespmem:s28], [sflag:$0x1] =	stream.indirect_vreg.gather [hbm4b:s4+s3], $0x80, v3, vm0, $0xb8;
	[tilespmem:$0x18680] =	vst v63  }
0x218: {  	_ = 	snop  }
0x219: {  	[tilespmem:s9], [sflag:$0x1] =	stream.indirect_vreg.gather [hbm4b:s5+s3], $0x80, v3, vm0, $0xb8;
	[tilespmem:$0x18680] =	vst v63  }
0x21a: {  	v3 =	vld [tilespmem:$0x160];
	_ =	sdelay $0x4  }
0x21b: {  	v42 =	vshrl.u32 v3, $0x3  }
0x21c: {  	v4 =	vmul.u32 $0x30, v42  }
0x21d: {  	v3 =	vand.u32 $0x7, v3  }
0x21e: {  	v3 =	vor.u32 v3, v4  }
0x21f: {  	v4 =	vperm.xlane v3, v0;
	_ =	sdelay $0x1  }
0x220: {  	v4 =	vadd.s32 v1, v4;
	_ =	sdelay $0x3  }
0x221: {  	s28 =	simm.s32 $0x12680;
	v3 =	vperm.xlane v3, v2  }
0x222: {  	[tilespmem:s28], [sflag:$0x1] =	stream.indirect_vreg.gather [hbm4b:s2+s3], $0x80, v4, vm0, $0xb8;
	[tilespmem:$0x18680] =	vst v63  }
0x223: {  	v3 =	vadd.s32 v1, v3  }
0x224: {  	[tilespmem:s29], [sflag:$0x1] =	stream.indirect_vreg.gather [hbm4b:s4+s3], $0x80, v4, vm0, $0xb8;
	[tilespmem:$0x18680] =	vst v63  }
0x225: {  	_ = 	snop  }
0x226: {  	[tilespmem:s30], [sflag:$0x1] =	stream.indirect_vreg.gather [hbm4b:s5+s3], $0x80, v4, vm0, $0xb8;
	[tilespmem:$0x18680] =	vst v63  }
0x227: {  	_ = 	snop  }
0x228: {  	[tilespmem:s31], [sflag:$0x1] =	stream.indirect_vreg.gather [hbm4b:s2+s3], $0x80, v3, vm0, $0xb8;
	[tilespmem:$0x18680] =	vst v63  }
0x229: {  	_ = 	snop  }
0x22a: {  	[tilespmem:s14], [sflag:$0x1] =	stream.indirect_vreg.gather [hbm4b:s4+s3], $0x80, v3, vm0, $0xb8;
	[tilespmem:$0x18680] =	vst v63  }
0x22b: {  	_ = 	snop  }
0x22c: {  	[tilespmem:s20], [sflag:$0x1] =	stream.indirect_vreg.gather [hbm4b:s5+s3], $0x80, v3, vm0, $0xb8;
	[tilespmem:$0x18680] =	vst v63  }
0x22d: {  	v3 =	vld [tilespmem:$0x170];
	_ =	sdelay $0x4  }
0x22e: {  	v43 =	vshrl.u32 v3, $0x3  }
0x22f: {  	v4 =	vmul.u32 $0x30, v43  }
0x230: {  	v3 =	vand.u32 $0x7, v3  }
0x231: {  	v3 =	vor.u32 v3, v4  }
0x232: {  	v4 =	vperm.xlane v3, v0;
	_ =	sdelay $0x1  }
0x233: {  	v4 =	vadd.s32 v1, v4;
	_ =	sdelay $0x3  }
0x234: {  	s20 =	simm.s32 $0x15680;
	v3 =	vperm.xlane v3, v2  }
0x235: {  	[tilespmem:s20], [sflag:$0x1] =	stream.indirect_vreg.gather [hbm4b:s2+s3], $0x80, v4, vm0, $0xb8;
	[tilespmem:$0x18680] =	vst v63  }
0x236: {  	v3 =	vadd.s32 v1, v3  }
0x237: {  	[tilespmem:s15], [sflag:$0x1] =	stream.indirect_vreg.gather [hbm4b:s4+s3], $0x80, v4, vm0, $0xb8;
	[tilespmem:$0x18680] =	vst v63  }
0x238: {  	_ = 	snop  }
0x239: {  	[tilespmem:s16], [sflag:$0x1] =	stream.indirect_vreg.gather [hbm4b:s5+s3], $0x80, v4, vm0, $0xb8;
	[tilespmem:$0x18680] =	vst v63  }
0x23a: {  	_ = 	snop  }
0x23b: {  	[tilespmem:s17], [sflag:$0x1] =	stream.indirect_vreg.gather [hbm4b:s2+s3], $0x80, v3, vm0, $0xb8;
	[tilespmem:$0x18680] =	vst v63  }
0x23c: {  	_ = 	snop  }
0x23d: {  	[tilespmem:s18], [sflag:$0x1] =	stream.indirect_vreg.gather [hbm4b:s4+s3], $0x80, v3, vm0, $0xb8;
	[tilespmem:$0x18680] =	vst v63  }
0x23e: {  	s6 =	simm.s32 $0x17E80  }
0x23f: {  	[tilespmem:s6], [sflag:$0x1] =	stream.indirect_vreg.gather [hbm4b:s5+s3], $0x80, v3, vm0, $0xb8;
	[tilespmem:$0x18680] =	vst v63  }
0x240: {  	_ =	swait.ge [sflag:s7], $0xC000  }
0x241: {  	[sflag:s7] =	ssyncset.done $0x0  }
0x242: {  	s31 =	rddreg [dreg:$0xf];
	[sflag:s7] =	ssyncadd.s32 $0xFFFF4000  }
0x243: {  	[hbm4b:s31+s3] =	stream.linear.scatter [tilespmem:s12], [sflag:$0x2], $0x6000, $0x38;
	[tilespmem:$0x18680] =	vst v63  }
0x244: {  	s8 =	rddreg [dreg:$0x10]  }
0x245: {  	[hbm4b:s8+s3] =	stream.linear.scatter [tilespmem:s28], [sflag:$0x2], $0x6000, $0x38;
	[tilespmem:$0x18680] =	vst v63  }
0x246: {  	_ =	swait.ge [sflag:s10], $0x6000  }
0x247: {  	[sflag:s10] =	ssyncset.done $0x0  }
0x248: {  	[sflag:s10] =	ssyncadd.s32 $0xFFFFA000  }
0x249: {  	_ =	swait.ge [sflag:s10], $0x6000  }
0x24a: {  	[sflag:s10] =	ssyncset.done $0x0  }
0x24b: {  	[sflag:s10] =	ssyncadd.s32 $0xFFFFA000  }
0x24c: {  	v3 =	vld [tilespmem:$0x180];
	_ =	sdelay $0x4  }
0x24d: {  	v44 =	vshrl.u32 v3, $0x3  }
0x24e: {  	v4 =	vmul.u32 $0x30, v44  }
0x24f: {  	v3 =	vand.u32 $0x7, v3  }
0x250: {  	v3 =	vor.u32 v3, v4  }
0x251: {  	v4 =	vperm.xlane v3, v0;
	_ =	sdelay $0x1  }
0x252: {  	v4 =	vadd.s32 v1, v4;
	_ =	sdelay $0x3  }
0x253: {  	s1 =	simm.s32 $0x680;
	v3 =	vperm.xlane v3, v2  }
0x254: {  	[tilespmem:s1], [sflag:$0x1] =	stream.indirect_vreg.gather [hbm4b:s2+s3], $0x80, v4, vm0, $0xb8;
	[tilespmem:$0x18680] =	vst v63  }
0x255: {  	s9 =	simm.s32 $0xE80;
	v3 =	vadd.s32 v1, v3  }
0x256: {  	[tilespmem:s9], [sflag:$0x1] =	stream.indirect_vreg.gather [hbm4b:s4+s3], $0x80, v4, vm0, $0xb8;
	[tilespmem:$0x18680] =	vst v63  }
0x257: {  	s9 =	simm.s32 $0x1680  }
0x258: {  	[tilespmem:s9], [sflag:$0x1] =	stream.indirect_vreg.gather [hbm4b:s5+s3], $0x80, v4, vm0, $0xb8;
	[tilespmem:$0x18680] =	vst v63  }
0x259: {  	s13 =	simm.s32 $0x1E80  }
0x25a: {  	[tilespmem:s13], [sflag:$0x1] =	stream.indirect_vreg.gather [hbm4b:s2+s3], $0x80, v3, vm0, $0xb8;
	[tilespmem:$0x18680] =	vst v63  }
0x25b: {  	s14 =	simm.s32 $0x2680  }
0x25c: {  	[tilespmem:s14], [sflag:$0x1] =	stream.indirect_vreg.gather [hbm4b:s4+s3], $0x80, v3, vm0, $0xb8;
	[tilespmem:$0x18680] =	vst v63  }
0x25d: {  	s26 =	simm.s32 $0x2E80  }
0x25e: {  	[tilespmem:s26], [sflag:$0x1] =	stream.indirect_vreg.gather [hbm4b:s5+s3], $0x80, v3, vm0, $0xb8;
	[tilespmem:$0x18680] =	vst v63  }
0x25f: {  	v3 =	vld [tilespmem:$0x190];
	_ =	sdelay $0x4  }
0x260: {  	v45 =	vshrl.u32 v3, $0x3  }
0x261: {  	v4 =	vmul.u32 $0x30, v45  }
0x262: {  	v3 =	vand.u32 $0x7, v3  }
0x263: {  	v3 =	vor.u32 v3, v4  }
0x264: {  	v4 =	vperm.xlane v3, v0;
	_ =	sdelay $0x1  }
0x265: {  	v4 =	vadd.s32 v1, v4;
	_ =	sdelay $0x3  }
0x266: {  	s28 =	simm.s32 $0x3680;
	v3 =	vperm.xlane v3, v2  }
0x267: {  	[tilespmem:s28], [sflag:$0x1] =	stream.indirect_vreg.gather [hbm4b:s2+s3], $0x80, v4, vm0, $0xb8;
	[tilespmem:$0x18680] =	vst v63  }
0x268: {  	s15 =	simm.s32 $0x3E80;
	v3 =	vadd.s32 v1, v3  }
0x269: {  	[tilespmem:s15], [sflag:$0x1] =	stream.indirect_vreg.gather [hbm4b:s4+s3], $0x80, v4, vm0, $0xb8;
	[tilespmem:$0x18680] =	vst v63  }
0x26a: {  	s16 =	simm.s32 $0x4680  }
0x26b: {  	[tilespmem:s16], [sflag:$0x1] =	stream.indirect_vreg.gather [hbm4b:s5+s3], $0x80, v4, vm0, $0xb8;
	[tilespmem:$0x18680] =	vst v63  }
0x26c: {  	s17 =	simm.s32 $0x4E80  }
0x26d: {  	[tilespmem:s17], [sflag:$0x1] =	stream.indirect_vreg.gather [hbm4b:s2+s3], $0x80, v3, vm0, $0xb8;
	[tilespmem:$0x18680] =	vst v63  }
0x26e: {  	s19 =	simm.s32 $0x5680  }
0x26f: {  	[tilespmem:s19], [sflag:$0x1] =	stream.indirect_vreg.gather [hbm4b:s4+s3], $0x80, v3, vm0, $0xb8;
	[tilespmem:$0x18680] =	vst v63  }
0x270: {  	s29 =	simm.s32 $0x5E80  }
0x271: {  	[tilespmem:s29], [sflag:$0x1] =	stream.indirect_vreg.gather [hbm4b:s5+s3], $0x80, v3, vm0, $0xb8;
	[tilespmem:$0x18680] =	vst v63  }
0x272: {  	v3 =	vld [tilespmem:$0x1A0];
	_ =	sdelay $0x4  }
0x273: {  	v46 =	vshrl.u32 v3, $0x3  }
0x274: {  	v4 =	vmul.u32 $0x30, v46  }
0x275: {  	v3 =	vand.u32 $0x7, v3  }
0x276: {  	v3 =	vor.u32 v3, v4  }
0x277: {  	v4 =	vperm.xlane v3, v0;
	_ =	sdelay $0x1  }
0x278: {  	v4 =	vadd.s32 v1, v4;
	_ =	sdelay $0x3  }
0x279: {  	s0 =	simm.s32 $0x6680;
	v3 =	vperm.xlane v3, v2  }
0x27a: {  	[tilespmem:s0], [sflag:$0x1] =	stream.indirect_vreg.gather [hbm4b:s2+s3], $0x80, v4, vm0, $0xb8;
	[tilespmem:$0x18680] =	vst v63  }
0x27b: {  	s21 =	simm.s32 $0x6E80;
	v3 =	vadd.s32 v1, v3  }
0x27c: {  	[tilespmem:s21], [sflag:$0x1] =	stream.indirect_vreg.gather [hbm4b:s4+s3], $0x80, v4, vm0, $0xb8;
	[tilespmem:$0x18680] =	vst v63  }
0x27d: {  	s22 =	simm.s32 $0x7680  }
0x27e: {  	[tilespmem:s22], [sflag:$0x1] =	stream.indirect_vreg.gather [hbm4b:s5+s3], $0x80, v4, vm0, $0xb8;
	[tilespmem:$0x18680] =	vst v63  }
0x27f: {  	s24 =	simm.s32 $0x7E80  }
0x280: {  	[tilespmem:s24], [sflag:$0x1] =	stream.indirect_vreg.gather [hbm4b:s2+s3], $0x80, v3, vm0, $0xb8;
	[tilespmem:$0x18680] =	vst v63  }
0x281: {  	s25 =	simm.s32 $0x8680  }
0x282: {  	[tilespmem:s25], [sflag:$0x1] =	stream.indirect_vreg.gather [hbm4b:s4+s3], $0x80, v3, vm0, $0xb8;
	[tilespmem:$0x18680] =	vst v63  }
0x283: {  	s30 =	simm.s32 $0x8E80  }
0x284: {  	[tilespmem:s30], [sflag:$0x1] =	stream.indirect_vreg.gather [hbm4b:s5+s3], $0x80, v3, vm0, $0xb8;
	[tilespmem:$0x18680] =	vst v63  }
0x285: {  	v3 =	vld [tilespmem:$0x1B0];
	_ =	sdelay $0x4  }
0x286: {  	v47 =	vshrl.u32 v3, $0x3  }
0x287: {  	v4 =	vmul.u32 $0x30, v47  }
0x288: {  	v3 =	vand.u32 $0x7, v3  }
0x289: {  	v3 =	vor.u32 v3, v4  }
0x28a: {  	v4 =	vperm.xlane v3, v0;
	_ =	sdelay $0x1  }
0x28b: {  	v4 =	vadd.s32 v1, v4;
	_ =	sdelay $0x3  }
0x28c: {  	s31 =	simm.s32 $0x9680;
	v3 =	vperm.xlane v3, v2  }
0x28d: {  	[tilespmem:s31], [sflag:$0x1] =	stream.indirect_vreg.gather [hbm4b:s2+s3], $0x80, v4, vm0, $0xb8;
	[tilespmem:$0x18680] =	vst v63  }
0x28e: {  	s18 =	simm.s32 $0x9E80;
	v3 =	vadd.s32 v1, v3  }
0x28f: {  	[tilespmem:s18], [sflag:$0x1] =	stream.indirect_vreg.gather [hbm4b:s4+s3], $0x80, v4, vm0, $0xb8;
	[tilespmem:$0x18680] =	vst v63  }
0x290: {  	s23 =	simm.s32 $0xA680  }
0x291: {  	[tilespmem:s23], [sflag:$0x1] =	stream.indirect_vreg.gather [hbm4b:s5+s3], $0x80, v4, vm0, $0xb8;
	[tilespmem:$0x18680] =	vst v63  }
0x292: {  	s11 =	simm.s32 $0xAE80  }
0x293: {  	[tilespmem:s11], [sflag:$0x1] =	stream.indirect_vreg.gather [hbm4b:s2+s3], $0x80, v3, vm0, $0xb8;
	[tilespmem:$0x18680] =	vst v63  }
0x294: {  	s8 =	simm.s32 $0xB680  }
0x295: {  	[tilespmem:s8], [sflag:$0x1] =	stream.indirect_vreg.gather [hbm4b:s4+s3], $0x80, v3, vm0, $0xb8;
	[tilespmem:$0x18680] =	vst v63  }
0x296: {  	s12 =	simm.s32 $0xBE80  }
0x297: {  	[tilespmem:s12], [sflag:$0x1] =	stream.indirect_vreg.gather [hbm4b:s5+s3], $0x80, v3, vm0, $0xb8;
	[tilespmem:$0x18680] =	vst v63  }
0x298: {  	_ =	swait.ge [sflag:s7], $0xC000  }
0x299: {  	[sflag:s7] =	ssyncset.done $0x0  }
0x29a: {  	s11 =	rddreg [dreg:$0x11];
	[sflag:s7] =	ssyncadd.s32 $0xFFFF4000  }
0x29b: {  	[hbm4b:s11+s3] =	stream.linear.scatter [tilespmem:s1], [sflag:$0x2], $0x6000, $0x38;
	[tilespmem:$0x18680] =	vst v63  }
0x29c: {  	s12 =	rddreg [dreg:$0x12]  }
0x29d: {  	[hbm4b:s12+s3] =	stream.linear.scatter [tilespmem:s0], [sflag:$0x2], $0x6000, $0x38;
	[tilespmem:$0x18680] =	vst v63  }
0x29e: {  	_ =	swait.ge [sflag:s10], $0x6000  }
0x29f: {  	[sflag:s10] =	ssyncset.done $0x0  }
0x2a0: {  	[sflag:s10] =	ssyncadd.s32 $0xFFFFA000  }
0x2a1: {  	_ =	swait.ge [sflag:s10], $0x6000  }
0x2a2: {  	[sflag:s10] =	ssyncset.done $0x0  }
0x2a3: {  	[sflag:s10] =	ssyncadd.s32 $0xFFFFA000  }
0x2a4: {  	v3 =	vld [tilespmem:$0x1C0];
	_ =	sdelay $0x4  }
0x2a5: {  	v48 =	vshrl.u32 v3, $0x3  }
0x2a6: {  	v4 =	vmul.u32 $0x30, v48  }
0x2a7: {  	v3 =	vand.u32 $0x7, v3  }
0x2a8: {  	v3 =	vor.u32 v3, v4  }
0x2a9: {  	v4 =	vperm.xlane v3, v0;
	_ =	sdelay $0x1  }
0x2aa: {  	v4 =	vadd.s32 v1, v4;
	_ =	sdelay $0x3  }
0x2ab: {  	s1 =	simm.s32 $0xC680;
	v3 =	vperm.xlane v3, v2  }
0x2ac: {  	[tilespmem:s1], [sflag:$0x1] =	stream.indirect_vreg.gather [hbm4b:s2+s3], $0x80, v4, vm0, $0xb8;
	[tilespmem:$0x18680] =	vst v63  }
0x2ad: {  	s11 =	simm.s32 $0xCE80;
	v3 =	vadd.s32 v1, v3  }
0x2ae: {  	[tilespmem:s11], [sflag:$0x1] =	stream.indirect_vreg.gather [hbm4b:s4+s3], $0x80, v4, vm0, $0xb8;
	[tilespmem:$0x18680] =	vst v63  }
0x2af: {  	s12 =	simm.s32 $0xD680  }
0x2b0: {  	[tilespmem:s12], [sflag:$0x1] =	stream.indirect_vreg.gather [hbm4b:s5+s3], $0x80, v4, vm0, $0xb8;
	[tilespmem:$0x18680] =	vst v63  }
0x2b1: {  	s11 =	simm.s32 $0xDE80  }
0x2b2: {  	[tilespmem:s11], [sflag:$0x1] =	stream.indirect_vreg.gather [hbm4b:s2+s3], $0x80, v3, vm0, $0xb8;
	[tilespmem:$0x18680] =	vst v63  }
0x2b3: {  	s12 =	simm.s32 $0xE680  }
0x2b4: {  	[tilespmem:s12], [sflag:$0x1] =	stream.indirect_vreg.gather [hbm4b:s4+s3], $0x80, v3, vm0, $0xb8;
	[tilespmem:$0x18680] =	vst v63  }
0x2b5: {  	s11 =	simm.s32 $0xEE80  }
0x2b6: {  	[tilespmem:s11], [sflag:$0x1] =	stream.indirect_vreg.gather [hbm4b:s5+s3], $0x80, v3, vm0, $0xb8;
	[tilespmem:$0x18680] =	vst v63  }
0x2b7: {  	v3 =	vld [tilespmem:$0x1D0];
	_ =	sdelay $0x4  }
0x2b8: {  	v49 =	vshrl.u32 v3, $0x3  }
0x2b9: {  	v4 =	vmul.u32 $0x30, v49  }
0x2ba: {  	v3 =	vand.u32 $0x7, v3  }
0x2bb: {  	v3 =	vor.u32 v3, v4  }
0x2bc: {  	v4 =	vperm.xlane v3, v0;
	_ =	sdelay $0x1  }
0x2bd: {  	v4 =	vadd.s32 v1, v4;
	_ =	sdelay $0x3  }
0x2be: {  	s12 =	simm.s32 $0xF680;
	v3 =	vperm.xlane v3, v2  }
0x2bf: {  	[tilespmem:s12], [sflag:$0x1] =	stream.indirect_vreg.gather [hbm4b:s2+s3], $0x80, v4, vm0, $0xb8;
	[tilespmem:$0x18680] =	vst v63  }
0x2c0: {  	s11 =	simm.s32 $0xFE80;
	v3 =	vadd.s32 v1, v3  }
0x2c1: {  	[tilespmem:s11], [sflag:$0x1] =	stream.indirect_vreg.gather [hbm4b:s4+s3], $0x80, v4, vm0, $0xb8;
	[tilespmem:$0x18680] =	vst v63  }
0x2c2: {  	s12 =	simm.s32 $0x10680  }
0x2c3: {  	[tilespmem:s12], [sflag:$0x1] =	stream.indirect_vreg.gather [hbm4b:s5+s3], $0x80, v4, vm0, $0xb8;
	[tilespmem:$0x18680] =	vst v63  }
0x2c4: {  	s11 =	simm.s32 $0x10E80  }
0x2c5: {  	[tilespmem:s11], [sflag:$0x1] =	stream.indirect_vreg.gather [hbm4b:s2+s3], $0x80, v3, vm0, $0xb8;
	[tilespmem:$0x18680] =	vst v63  }
0x2c6: {  	s12 =	simm.s32 $0x11680  }
0x2c7: {  	[tilespmem:s12], [sflag:$0x1] =	stream.indirect_vreg.gather [hbm4b:s4+s3], $0x80, v3, vm0, $0xb8;
	[tilespmem:$0x18680] =	vst v63  }
0x2c8: {  	s11 =	simm.s32 $0x11E80  }
0x2c9: {  	[tilespmem:s11], [sflag:$0x1] =	stream.indirect_vreg.gather [hbm4b:s5+s3], $0x80, v3, vm0, $0xb8;
	[tilespmem:$0x18680] =	vst v63  }
0x2ca: {  	v3 =	vld [tilespmem:$0x1E0];
	_ =	sdelay $0x4  }
0x2cb: {  	v50 =	vshrl.u32 v3, $0x3  }
0x2cc: {  	v4 =	vmul.u32 $0x30, v50  }
0x2cd: {  	v3 =	vand.u32 $0x7, v3  }
0x2ce: {  	v3 =	vor.u32 v3, v4  }
0x2cf: {  	v4 =	vperm.xlane v3, v0;
	_ =	sdelay $0x1  }
0x2d0: {  	v4 =	vadd.s32 v1, v4;
	_ =	sdelay $0x3  }
0x2d1: {  	s0 =	simm.s32 $0x12680;
	v3 =	vperm.xlane v3, v2  }
0x2d2: {  	[tilespmem:s0], [sflag:$0x1] =	stream.indirect_vreg.gather [hbm4b:s2+s3], $0x80, v4, vm0, $0xb8;
	[tilespmem:$0x18680] =	vst v63  }
0x2d3: {  	s12 =	simm.s32 $0x12E80;
	v3 =	vadd.s32 v1, v3  }
0x2d4: {  	[tilespmem:s12], [sflag:$0x1] =	stream.indirect_vreg.gather [hbm4b:s4+s3], $0x80, v4, vm0, $0xb8;
	[tilespmem:$0x18680] =	vst v63  }
0x2d5: {  	s12 =	simm.s32 $0x13680  }
0x2d6: {  	[tilespmem:s12], [sflag:$0x1] =	stream.indirect_vreg.gather [hbm4b:s5+s3], $0x80, v4, vm0, $0xb8;
	[tilespmem:$0x18680] =	vst v63  }
0x2d7: {  	s12 =	simm.s32 $0x13E80  }
0x2d8: {  	[tilespmem:s12], [sflag:$0x1] =	stream.indirect_vreg.gather [hbm4b:s2+s3], $0x80, v3, vm0, $0xb8;
	[tilespmem:$0x18680] =	vst v63  }
0x2d9: {  	s12 =	simm.s32 $0x14680  }
0x2da: {  	[tilespmem:s12], [sflag:$0x1] =	stream.indirect_vreg.gather [hbm4b:s4+s3], $0x80, v3, vm0, $0xb8;
	[tilespmem:$0x18680] =	vst v63  }
0x2db: {  	s12 =	simm.s32 $0x14E80  }
0x2dc: {  	[tilespmem:s12], [sflag:$0x1] =	stream.indirect_vreg.gather [hbm4b:s5+s3], $0x80, v3, vm0, $0xb8;
	[tilespmem:$0x18680] =	vst v63  }
0x2dd: {  	v3 =	vld [tilespmem:$0x1F0];
	_ =	sdelay $0x4  }
0x2de: {  	v51 =	vshrl.u32 v3, $0x3  }
0x2df: {  	v4 =	vmul.u32 $0x30, v51  }
0x2e0: {  	v3 =	vand.u32 $0x7, v3  }
0x2e1: {  	v3 =	vor.u32 v3, v4  }
0x2e2: {  	v4 =	vperm.xlane v3, v0;
	_ =	sdelay $0x1  }
0x2e3: {  	v4 =	vadd.s32 v1, v4;
	_ =	sdelay $0x3  }
0x2e4: {  	v3 =	vperm.xlane v3, v2  }
0x2e5: {  	[tilespmem:s20], [sflag:$0x1] =	stream.indirect_vreg.gather [hbm4b:s2+s3], $0x80, v4, vm0, $0xb8;
	[tilespmem:$0x18680] =	vst v63  }
0x2e6: {  	v3 =	vadd.s32 v1, v3;
	s20 =	simm.s32 $0x15E80  }
0x2e7: {  	[tilespmem:s20], [sflag:$0x1] =	stream.indirect_vreg.gather [hbm4b:s4+s3], $0x80, v4, vm0, $0xb8;
	[tilespmem:$0x18680] =	vst v63  }
0x2e8: {  	s12 =	simm.s32 $0x16680  }
0x2e9: {  	[tilespmem:s12], [sflag:$0x1] =	stream.indirect_vreg.gather [hbm4b:s5+s3], $0x80, v4, vm0, $0xb8;
	[tilespmem:$0x18680] =	vst v63  }
0x2ea: {  	s12 =	simm.s32 $0x16E80  }
0x2eb: {  	[tilespmem:s12], [sflag:$0x1] =	stream.indirect_vreg.gather [hbm4b:s2+s3], $0x80, v3, vm0, $0xb8;
	[tilespmem:$0x18680] =	vst v63  }
0x2ec: {  	s12 =	simm.s32 $0x17680  }
0x2ed: {  	[tilespmem:s12], [sflag:$0x1] =	stream.indirect_vreg.gather [hbm4b:s4+s3], $0x80, v3, vm0, $0xb8;
	[tilespmem:$0x18680] =	vst v63  }
0x2ee: {  	_ = 	snop  }
0x2ef: {  	[tilespmem:s6], [sflag:$0x1] =	stream.indirect_vreg.gather [hbm4b:s5+s3], $0x80, v3, vm0, $0xb8;
	[tilespmem:$0x18680] =	vst v63  }
0x2f0: {  	_ =	swait.ge [sflag:s7], $0xC000  }
0x2f1: {  	[sflag:s7] =	ssyncset.done $0x0  }
0x2f2: {  	s12 =	rddreg [dreg:$0x13];
	[sflag:s7] =	ssyncadd.s32 $0xFFFF4000  }
0x2f3: {  	[hbm4b:s12+s3] =	stream.linear.scatter [tilespmem:s1], [sflag:$0x2], $0x6000, $0x38;
	[tilespmem:$0x18680] =	vst v63  }
0x2f4: {  	s6 =	rddreg [dreg:$0x14]  }
0x2f5: {  	[hbm4b:s6+s3] =	stream.linear.scatter [tilespmem:s0], [sflag:$0x2], $0x6000, $0x38;
	[tilespmem:$0x18680] =	vst v63  }
0x2f6: {  	_ =	swait.ge [sflag:s10], $0x6000  }
0x2f7: {  	[sflag:s10] =	ssyncset.done $0x0  }
0x2f8: {  	[sflag:s10] =	ssyncadd.s32 $0xFFFFA000  }
0x2f9: {  	_ =	swait.ge [sflag:s10], $0x6000  }
0x2fa: {  	[sflag:s10] =	ssyncset.done $0x0  }
0x2fb: {  	[sflag:s10] =	ssyncadd.s32 $0xFFFFA000  }
0x2fc: {  	v3 =	vld [tilespmem:$0x200];
	_ =	sdelay $0x4  }
0x2fd: {  	v52 =	vshrl.u32 v3, $0x3  }
0x2fe: {  	v4 =	vmul.u32 $0x30, v52  }
0x2ff: {  	v3 =	vand.u32 $0x7, v3  }
0x300: {  	v3 =	vor.u32 v3, v4  }
0x301: {  	v4 =	vperm.xlane v3, v0;
	_ =	sdelay $0x1  }
0x302: {  	v4 =	vadd.s32 v1, v4;
	_ =	sdelay $0x3  }
0x303: {  	s11 =	simm.s32 $0x680;
	v3 =	vperm.xlane v3, v2  }
0x304: {  	[tilespmem:s11], [sflag:$0x1] =	stream.indirect_vreg.gather [hbm4b:s2+s3], $0x80, v4, vm0, $0xb8;
	[tilespmem:$0x18680] =	vst v63  }
0x305: {  	s12 =	simm.s32 $0xE80;
	v3 =	vadd.s32 v1, v3  }
0x306: {  	[tilespmem:s12], [sflag:$0x1] =	stream.indirect_vreg.gather [hbm4b:s4+s3], $0x80, v4, vm0, $0xb8;
	[tilespmem:$0x18680] =	vst v63  }
0x307: {  	_ = 	snop  }
0x308: {  	[tilespmem:s9], [sflag:$0x1] =	stream.indirect_vreg.gather [hbm4b:s5+s3], $0x80, v4, vm0, $0xb8;
	[tilespmem:$0x18680] =	vst v63  }
0x309: {  	_ = 	snop  }
0x30a: {  	[tilespmem:s13], [sflag:$0x1] =	stream.indirect_vreg.gather [hbm4b:s2+s3], $0x80, v3, vm0, $0xb8;
	[tilespmem:$0x18680] =	vst v63  }
0x30b: {  	_ = 	snop  }
0x30c: {  	[tilespmem:s14], [sflag:$0x1] =	stream.indirect_vreg.gather [hbm4b:s4+s3], $0x80, v3, vm0, $0xb8;
	[tilespmem:$0x18680] =	vst v63  }
0x30d: {  	_ = 	snop  }
0x30e: {  	[tilespmem:s26], [sflag:$0x1] =	stream.indirect_vreg.gather [hbm4b:s5+s3], $0x80, v3, vm0, $0xb8;
	[tilespmem:$0x18680] =	vst v63  }
0x30f: {  	v3 =	vld [tilespmem:$0x210];
	_ =	sdelay $0x4  }
0x310: {  	v53 =	vshrl.u32 v3, $0x3  }
0x311: {  	v4 =	vmul.u32 $0x30, v53  }
0x312: {  	v3 =	vand.u32 $0x7, v3  }
0x313: {  	v3 =	vor.u32 v3, v4  }
0x314: {  	v4 =	vperm.xlane v3, v0;
	_ =	sdelay $0x1  }
0x315: {  	v4 =	vadd.s32 v1, v4;
	_ =	sdelay $0x3  }
0x316: {  	v3 =	vperm.xlane v3, v2  }
0x317: {  	[tilespmem:s28], [sflag:$0x1] =	stream.indirect_vreg.gather [hbm4b:s2+s3], $0x80, v4, vm0, $0xb8;
	[tilespmem:$0x18680] =	vst v63  }
0x318: {  	v3 =	vadd.s32 v1, v3  }
0x319: {  	[tilespmem:s15], [sflag:$0x1] =	stream.indirect_vreg.gather [hbm4b:s4+s3], $0x80, v4, vm0, $0xb8;
	[tilespmem:$0x18680] =	vst v63  }
0x31a: {  	_ = 	snop  }
0x31b: {  	[tilespmem:s16], [sflag:$0x1] =	stream.indirect_vreg.gather [hbm4b:s5+s3], $0x80, v4, vm0, $0xb8;
	[tilespmem:$0x18680] =	vst v63  }
0x31c: {  	_ = 	snop  }
0x31d: {  	[tilespmem:s17], [sflag:$0x1] =	stream.indirect_vreg.gather [hbm4b:s2+s3], $0x80, v3, vm0, $0xb8;
	[tilespmem:$0x18680] =	vst v63  }
0x31e: {  	_ = 	snop  }
0x31f: {  	[tilespmem:s19], [sflag:$0x1] =	stream.indirect_vreg.gather [hbm4b:s4+s3], $0x80, v3, vm0, $0xb8;
	[tilespmem:$0x18680] =	vst v63  }
0x320: {  	_ = 	snop  }
0x321: {  	[tilespmem:s29], [sflag:$0x1] =	stream.indirect_vreg.gather [hbm4b:s5+s3], $0x80, v3, vm0, $0xb8;
	[tilespmem:$0x18680] =	vst v63  }
0x322: {  	v3 =	vld [tilespmem:$0x220];
	_ =	sdelay $0x4  }
0x323: {  	v54 =	vshrl.u32 v3, $0x3  }
0x324: {  	v4 =	vmul.u32 $0x30, v54  }
0x325: {  	v3 =	vand.u32 $0x7, v3  }
0x326: {  	v3 =	vor.u32 v3, v4  }
0x327: {  	v4 =	vperm.xlane v3, v0;
	_ =	sdelay $0x1  }
0x328: {  	v4 =	vadd.s32 v1, v4;
	_ =	sdelay $0x3  }
0x329: {  	s29 =	simm.s32 $0x6680;
	v3 =	vperm.xlane v3, v2  }
0x32a: {  	[tilespmem:s29], [sflag:$0x1] =	stream.indirect_vreg.gather [hbm4b:s2+s3], $0x80, v4, vm0, $0xb8;
	[tilespmem:$0x18680] =	vst v63  }
0x32b: {  	v3 =	vadd.s32 v1, v3  }
0x32c: {  	[tilespmem:s21], [sflag:$0x1] =	stream.indirect_vreg.gather [hbm4b:s4+s3], $0x80, v4, vm0, $0xb8;
	[tilespmem:$0x18680] =	vst v63  }
0x32d: {  	_ = 	snop  }
0x32e: {  	[tilespmem:s22], [sflag:$0x1] =	stream.indirect_vreg.gather [hbm4b:s5+s3], $0x80, v4, vm0, $0xb8;
	[tilespmem:$0x18680] =	vst v63  }
0x32f: {  	_ = 	snop  }
0x330: {  	[tilespmem:s24], [sflag:$0x1] =	stream.indirect_vreg.gather [hbm4b:s2+s3], $0x80, v3, vm0, $0xb8;
	[tilespmem:$0x18680] =	vst v63  }
0x331: {  	_ = 	snop  }
0x332: {  	[tilespmem:s25], [sflag:$0x1] =	stream.indirect_vreg.gather [hbm4b:s4+s3], $0x80, v3, vm0, $0xb8;
	[tilespmem:$0x18680] =	vst v63  }
0x333: {  	_ = 	snop  }
0x334: {  	[tilespmem:s30], [sflag:$0x1] =	stream.indirect_vreg.gather [hbm4b:s5+s3], $0x80, v3, vm0, $0xb8;
	[tilespmem:$0x18680] =	vst v63  }
0x335: {  	v3 =	vld [tilespmem:$0x230];
	_ =	sdelay $0x4  }
0x336: {  	v55 =	vshrl.u32 v3, $0x3  }
0x337: {  	v4 =	vmul.u32 $0x30, v55  }
0x338: {  	v3 =	vand.u32 $0x7, v3  }
0x339: {  	v3 =	vor.u32 v3, v4  }
0x33a: {  	v4 =	vperm.xlane v3, v0;
	_ =	sdelay $0x1  }
0x33b: {  	v4 =	vadd.s32 v1, v4;
	_ =	sdelay $0x3  }
0x33c: {  	v3 =	vperm.xlane v3, v2  }
0x33d: {  	[tilespmem:s31], [sflag:$0x1] =	stream.indirect_vreg.gather [hbm4b:s2+s3], $0x80, v4, vm0, $0xb8;
	[tilespmem:$0x18680] =	vst v63  }
0x33e: {  	v3 =	vadd.s32 v1, v3  }
0x33f: {  	[tilespmem:s18], [sflag:$0x1] =	stream.indirect_vreg.gather [hbm4b:s4+s3], $0x80, v4, vm0, $0xb8;
	[tilespmem:$0x18680] =	vst v63  }
0x340: {  	_ = 	snop  }
0x341: {  	[tilespmem:s23], [sflag:$0x1] =	stream.indirect_vreg.gather [hbm4b:s5+s3], $0x80, v4, vm0, $0xb8;
	[tilespmem:$0x18680] =	vst v63  }
0x342: {  	s30 =	simm.s32 $0xAE80  }
0x343: {  	[tilespmem:s30], [sflag:$0x1] =	stream.indirect_vreg.gather [hbm4b:s2+s3], $0x80, v3, vm0, $0xb8;
	[tilespmem:$0x18680] =	vst v63  }
0x344: {  	_ = 	snop  }
0x345: {  	[tilespmem:s8], [sflag:$0x1] =	stream.indirect_vreg.gather [hbm4b:s4+s3], $0x80, v3, vm0, $0xb8;
	[tilespmem:$0x18680] =	vst v63  }
0x346: {  	s31 =	simm.s32 $0xBE80  }
0x347: {  	[tilespmem:s31], [sflag:$0x1] =	stream.indirect_vreg.gather [hbm4b:s5+s3], $0x80, v3, vm0, $0xb8;
	[tilespmem:$0x18680] =	vst v63  }
0x348: {  	_ =	swait.ge [sflag:s7], $0xC000  }
0x349: {  	[sflag:s7] =	ssyncset.done $0x0  }
0x34a: {  	s6 =	rddreg [dreg:$0x15];
	[sflag:s7] =	ssyncadd.s32 $0xFFFF4000  }
0x34b: {  	[hbm4b:s6+s3] =	stream.linear.scatter [tilespmem:s11], [sflag:$0x2], $0x6000, $0x38;
	[tilespmem:$0x18680] =	vst v63  }
0x34c: {  	s8 =	rddreg [dreg:$0x16]  }
0x34d: {  	[hbm4b:s8+s3] =	stream.linear.scatter [tilespmem:s29], [sflag:$0x2], $0x6000, $0x38;
	[tilespmem:$0x18680] =	vst v63  }
0x34e: {  	_ =	swait.ge [sflag:s10], $0x6000  }
0x34f: {  	[sflag:s10] =	ssyncset.done $0x0  }
0x350: {  	[sflag:s10] =	ssyncadd.s32 $0xFFFFA000  }
0x351: {  	_ =	swait.ge [sflag:s10], $0x6000  }
0x352: {  	[sflag:s10] =	ssyncset.done $0x0  }
0x353: {  	[sflag:s10] =	ssyncadd.s32 $0xFFFFA000  }
0x354: {  	v3 =	vld [tilespmem:$0x240];
	_ =	sdelay $0x4  }
0x355: {  	v56 =	vshrl.u32 v3, $0x3  }
0x356: {  	v4 =	vmul.u32 $0x30, v56  }
0x357: {  	v3 =	vand.u32 $0x7, v3  }
0x358: {  	v3 =	vor.u32 v3, v4  }
0x359: {  	v4 =	vperm.xlane v3, v0;
	_ =	sdelay $0x1  }
0x35a: {  	v4 =	vadd.s32 v1, v4;
	_ =	sdelay $0x3  }
0x35b: {  	s1 =	simm.s32 $0xC680;
	v3 =	vperm.xlane v3, v2  }
0x35c: {  	[tilespmem:s1], [sflag:$0x1] =	stream.indirect_vreg.gather [hbm4b:s2+s3], $0x80, v4, vm0, $0xb8;
	[tilespmem:$0x18680] =	vst v63  }
0x35d: {  	s9 =	simm.s32 $0xCE80;
	v3 =	vadd.s32 v1, v3  }
0x35e: {  	[tilespmem:s9], [sflag:$0x1] =	stream.indirect_vreg.gather [hbm4b:s4+s3], $0x80, v4, vm0, $0xb8;
	[tilespmem:$0x18680] =	vst v63  }
0x35f: {  	s11 =	simm.s32 $0xD680  }
0x360: {  	[tilespmem:s11], [sflag:$0x1] =	stream.indirect_vreg.gather [hbm4b:s5+s3], $0x80, v4, vm0, $0xb8;
	[tilespmem:$0x18680] =	vst v63  }
0x361: {  	s12 =	simm.s32 $0xDE80  }
0x362: {  	[tilespmem:s12], [sflag:$0x1] =	stream.indirect_vreg.gather [hbm4b:s2+s3], $0x80, v3, vm0, $0xb8;
	[tilespmem:$0x18680] =	vst v63  }
0x363: {  	s13 =	simm.s32 $0xE680  }
0x364: {  	[tilespmem:s13], [sflag:$0x1] =	stream.indirect_vreg.gather [hbm4b:s4+s3], $0x80, v3, vm0, $0xb8;
	[tilespmem:$0x18680] =	vst v63  }
0x365: {  	s16 =	simm.s32 $0xEE80  }
0x366: {  	[tilespmem:s16], [sflag:$0x1] =	stream.indirect_vreg.gather [hbm4b:s5+s3], $0x80, v3, vm0, $0xb8;
	[tilespmem:$0x18680] =	vst v63  }
0x367: {  	v3 =	vld [tilespmem:$0x250];
	_ =	sdelay $0x4  }
0x368: {  	v57 =	vshrl.u32 v3, $0x3  }
0x369: {  	v4 =	vmul.u32 $0x30, v57  }
0x36a: {  	v3 =	vand.u32 $0x7, v3  }
0x36b: {  	v3 =	vor.u32 v3, v4  }
0x36c: {  	v4 =	vperm.xlane v3, v0;
	_ =	sdelay $0x1  }
0x36d: {  	v4 =	vadd.s32 v1, v4;
	_ =	sdelay $0x3  }
0x36e: {  	s17 =	simm.s32 $0xF680;
	v3 =	vperm.xlane v3, v2  }
0x36f: {  	[tilespmem:s17], [sflag:$0x1] =	stream.indirect_vreg.gather [hbm4b:s2+s3], $0x80, v4, vm0, $0xb8;
	[tilespmem:$0x18680] =	vst v63  }
0x370: {  	s18 =	simm.s32 $0xFE80;
	v3 =	vadd.s32 v1, v3  }
0x371: {  	[tilespmem:s18], [sflag:$0x1] =	stream.indirect_vreg.gather [hbm4b:s4+s3], $0x80, v4, vm0, $0xb8;
	[tilespmem:$0x18680] =	vst v63  }
0x372: {  	s19 =	simm.s32 $0x10680  }
0x373: {  	[tilespmem:s19], [sflag:$0x1] =	stream.indirect_vreg.gather [hbm4b:s5+s3], $0x80, v4, vm0, $0xb8;
	[tilespmem:$0x18680] =	vst v63  }
0x374: {  	s21 =	simm.s32 $0x10E80  }
0x375: {  	[tilespmem:s21], [sflag:$0x1] =	stream.indirect_vreg.gather [hbm4b:s2+s3], $0x80, v3, vm0, $0xb8;
	[tilespmem:$0x18680] =	vst v63  }
0x376: {  	s22 =	simm.s32 $0x11680  }
0x377: {  	[tilespmem:s22], [sflag:$0x1] =	stream.indirect_vreg.gather [hbm4b:s4+s3], $0x80, v3, vm0, $0xb8;
	[tilespmem:$0x18680] =	vst v63  }
0x378: {  	s23 =	simm.s32 $0x11E80  }
0x379: {  	[tilespmem:s23], [sflag:$0x1] =	stream.indirect_vreg.gather [hbm4b:s5+s3], $0x80, v3, vm0, $0xb8;
	[tilespmem:$0x18680] =	vst v63  }
0x37a: {  	v3 =	vld [tilespmem:$0x260];
	_ =	sdelay $0x4  }
0x37b: {  	v58 =	vshrl.u32 v3, $0x3  }
0x37c: {  	v4 =	vmul.u32 $0x30, v58  }
0x37d: {  	v3 =	vand.u32 $0x7, v3  }
0x37e: {  	v3 =	vor.u32 v3, v4  }
0x37f: {  	v4 =	vperm.xlane v3, v0;
	_ =	sdelay $0x1  }
0x380: {  	v4 =	vadd.s32 v1, v4;
	_ =	sdelay $0x3  }
0x381: {  	s24 =	simm.s32 $0x12680;
	v3 =	vperm.xlane v3, v2  }
0x382: {  	[tilespmem:s24], [sflag:$0x1] =	stream.indirect_vreg.gather [hbm4b:s2+s3], $0x80, v4, vm0, $0xb8;
	[tilespmem:$0x18680] =	vst v63  }
0x383: {  	s25 =	simm.s32 $0x12E80;
	v3 =	vadd.s32 v1, v3  }
0x384: {  	[tilespmem:s25], [sflag:$0x1] =	stream.indirect_vreg.gather [hbm4b:s4+s3], $0x80, v4, vm0, $0xb8;
	[tilespmem:$0x18680] =	vst v63  }
0x385: {  	s26 =	simm.s32 $0x13680  }
0x386: {  	[tilespmem:s26], [sflag:$0x1] =	stream.indirect_vreg.gather [hbm4b:s5+s3], $0x80, v4, vm0, $0xb8;
	[tilespmem:$0x18680] =	vst v63  }
0x387: {  	s28 =	simm.s32 $0x13E80  }
0x388: {  	[tilespmem:s28], [sflag:$0x1] =	stream.indirect_vreg.gather [hbm4b:s2+s3], $0x80, v3, vm0, $0xb8;
	[tilespmem:$0x18680] =	vst v63  }
0x389: {  	s29 =	simm.s32 $0x14680  }
0x38a: {  	[tilespmem:s29], [sflag:$0x1] =	stream.indirect_vreg.gather [hbm4b:s4+s3], $0x80, v3, vm0, $0xb8;
	[tilespmem:$0x18680] =	vst v63  }
0x38b: {  	s30 =	simm.s32 $0x14E80  }
0x38c: {  	[tilespmem:s30], [sflag:$0x1] =	stream.indirect_vreg.gather [hbm4b:s5+s3], $0x80, v3, vm0, $0xb8;
	[tilespmem:$0x18680] =	vst v63  }
0x38d: {  	v3 =	vld [tilespmem:$0x270];
	_ =	sdelay $0x4  }
0x38e: {  	v59 =	vshrl.u32 v3, $0x3  }
0x38f: {  	v4 =	vmul.u32 $0x30, v59  }
0x390: {  	v3 =	vand.u32 $0x7, v3  }
0x391: {  	v3 =	vor.u32 v3, v4  }
0x392: {  	v4 =	vperm.xlane v3, v0;
	_ =	sdelay $0x1  }
0x393: {  	v4 =	vadd.s32 v1, v4;
	_ =	sdelay $0x3  }
0x394: {  	s8 =	simm.s32 $0x15680;
	v3 =	vperm.xlane v3, v2  }
0x395: {  	[tilespmem:s8], [sflag:$0x1] =	stream.indirect_vreg.gather [hbm4b:s2+s3], $0x80, v4, vm0, $0xb8;
	[tilespmem:$0x18680] =	vst v63  }
0x396: {  	v3 =	vadd.s32 v1, v3  }
0x397: {  	[tilespmem:s20], [sflag:$0x1] =	stream.indirect_vreg.gather [hbm4b:s4+s3], $0x80, v4, vm0, $0xb8;
	[tilespmem:$0x18680] =	vst v63  }
0x398: {  	s31 =	simm.s32 $0x16680  }
0x399: {  	[tilespmem:s31], [sflag:$0x1] =	stream.indirect_vreg.gather [hbm4b:s5+s3], $0x80, v4, vm0, $0xb8;
	[tilespmem:$0x18680] =	vst v63  }
0x39a: {  	s9 =	simm.s32 $0x16E80  }
0x39b: {  	[tilespmem:s9], [sflag:$0x1] =	stream.indirect_vreg.gather [hbm4b:s2+s3], $0x80, v3, vm0, $0xb8;
	[tilespmem:$0x18680] =	vst v63  }
0x39c: {  	s11 =	simm.s32 $0x17680  }
0x39d: {  	[tilespmem:s11], [sflag:$0x1] =	stream.indirect_vreg.gather [hbm4b:s4+s3], $0x80, v3, vm0, $0xb8;
	[tilespmem:$0x18680] =	vst v63  }
0x39e: {  	s9 =	simm.s32 $0x17E80  }
0x39f: {  	[tilespmem:s9], [sflag:$0x1] =	stream.indirect_vreg.gather [hbm4b:s5+s3], $0x80, v3, vm0, $0xb8;
	[tilespmem:$0x18680] =	vst v63  }
0x3a0: {  	_ =	swait.ge [sflag:s7], $0xC000  }
0x3a1: {  	[sflag:s7] =	ssyncset.done $0x0  }
0x3a2: {  	s12 =	rddreg [dreg:$0x17];
	[sflag:s7] =	ssyncadd.s32 $0xFFFF4000  }
0x3a3: {  	[hbm4b:s12+s3] =	stream.linear.scatter [tilespmem:s1], [sflag:$0x2], $0x6000, $0x38;
	[tilespmem:$0x18680] =	vst v63  }
0x3a4: {  	s13 =	rddreg [dreg:$0x18]  }
0x3a5: {  	[hbm4b:s13+s3] =	stream.linear.scatter [tilespmem:s24], [sflag:$0x2], $0x6000, $0x38;
	[tilespmem:$0x18680] =	vst v63  }
0x3a6: {  	_ =	swait.ge [sflag:s10], $0x6000  }
0x3a7: {  	[sflag:s10] =	ssyncset.done $0x0  }
0x3a8: {  	[sflag:s10] =	ssyncadd.s32 $0xFFFFA000  }
0x3a9: {  	_ =	swait.ge [sflag:s10], $0x6000  }
0x3aa: {  	[sflag:s10] =	ssyncset.done $0x0  }
0x3ab: {  	[sflag:s10] =	ssyncadd.s32 $0xFFFFA000  }
0x3ac: {  	v3 =	vld [tilespmem:$0x280];
	_ =	sdelay $0x4  }
0x3ad: {  	v60 =	vshrl.u32 v3, $0x3  }
0x3ae: {  	v4 =	vmul.u32 $0x30, v60  }
0x3af: {  	v3 =	vand.u32 $0x7, v3  }
0x3b0: {  	v3 =	vor.u32 v3, v4  }
0x3b1: {  	v4 =	vperm.xlane v3, v0;
	_ =	sdelay $0x1  }
0x3b2: {  	v4 =	vadd.s32 v1, v4;
	_ =	sdelay $0x3  }
0x3b3: {  	s1 =	simm.s32 $0x680;
	v3 =	vperm.xlane v3, v2  }
0x3b4: {  	[tilespmem:s1], [sflag:$0x1] =	stream.indirect_vreg.gather [hbm4b:s2+s3], $0x80, v4, vm0, $0xb8;
	[tilespmem:$0x18680] =	vst v63  }
0x3b5: {  	s13 =	simm.s32 $0xE80;
	v3 =	vadd.s32 v1, v3  }
0x3b6: {  	[tilespmem:s13], [sflag:$0x1] =	stream.indirect_vreg.gather [hbm4b:s4+s3], $0x80, v4, vm0, $0xb8;
	[tilespmem:$0x18680] =	vst v63  }
0x3b7: {  	s16 =	simm.s32 $0x1680  }
0x3b8: {  	[tilespmem:s16], [sflag:$0x1] =	stream.indirect_vreg.gather [hbm4b:s5+s3], $0x80, v4, vm0, $0xb8;
	[tilespmem:$0x18680] =	vst v63  }
0x3b9: {  	s17 =	simm.s32 $0x1E80  }
0x3ba: {  	[tilespmem:s17], [sflag:$0x1] =	stream.indirect_vreg.gather [hbm4b:s2+s3], $0x80, v3, vm0, $0xb8;
	[tilespmem:$0x18680] =	vst v63  }
0x3bb: {  	s14 =	simm.s32 $0x2680  }
0x3bc: {  	[tilespmem:s14], [sflag:$0x1] =	stream.indirect_vreg.gather [hbm4b:s4+s3], $0x80, v3, vm0, $0xb8;
	[tilespmem:$0x18680] =	vst v63  }
0x3bd: {  	s25 =	simm.s32 $0x2E80  }
0x3be: {  	[tilespmem:s25], [sflag:$0x1] =	stream.indirect_vreg.gather [hbm4b:s5+s3], $0x80, v3, vm0, $0xb8;
	[tilespmem:$0x18680] =	vst v63  }
0x3bf: {  	v3 =	vld [tilespmem:$0x290];
	_ =	sdelay $0x4  }
0x3c0: {  	v61 =	vshrl.u32 v3, $0x3  }
0x3c1: {  	v4 =	vmul.u32 $0x30, v61  }
0x3c2: {  	v3 =	vand.u32 $0x7, v3  }
0x3c3: {  	v3 =	vor.u32 v3, v4  }
0x3c4: {  	v4 =	vperm.xlane v3, v0;
	_ =	sdelay $0x1  }
0x3c5: {  	v4 =	vadd.s32 v1, v4;
	_ =	sdelay $0x3  }
0x3c6: {  	s26 =	simm.s32 $0x3680;
	v3 =	vperm.xlane v3, v2  }
0x3c7: {  	[tilespmem:s26], [sflag:$0x1] =	stream.indirect_vreg.gather [hbm4b:s2+s3], $0x80, v4, vm0, $0xb8;
	[tilespmem:$0x18680] =	vst v63  }
0x3c8: {  	s15 =	simm.s32 $0x3E80;
	v3 =	vadd.s32 v1, v3  }
0x3c9: {  	[tilespmem:s15], [sflag:$0x1] =	stream.indirect_vreg.gather [hbm4b:s4+s3], $0x80, v4, vm0, $0xb8;
	[tilespmem:$0x18680] =	vst v63  }
0x3ca: {  	s18 =	simm.s32 $0x4680  }
0x3cb: {  	[tilespmem:s18], [sflag:$0x1] =	stream.indirect_vreg.gather [hbm4b:s5+s3], $0x80, v4, vm0, $0xb8;
	[tilespmem:$0x18680] =	vst v63  }
0x3cc: {  	s19 =	simm.s32 $0x4E80  }
0x3cd: {  	[tilespmem:s19], [sflag:$0x1] =	stream.indirect_vreg.gather [hbm4b:s2+s3], $0x80, v3, vm0, $0xb8;
	[tilespmem:$0x18680] =	vst v63  }
0x3ce: {  	s20 =	simm.s32 $0x5680  }
0x3cf: {  	[tilespmem:s20], [sflag:$0x1] =	stream.indirect_vreg.gather [hbm4b:s4+s3], $0x80, v3, vm0, $0xb8;
	[tilespmem:$0x18680] =	vst v63  }
0x3d0: {  	s28 =	simm.s32 $0x5E80  }
0x3d1: {  	[tilespmem:s28], [sflag:$0x1] =	stream.indirect_vreg.gather [hbm4b:s5+s3], $0x80, v3, vm0, $0xb8;
	[tilespmem:$0x18680] =	vst v63  }
0x3d2: {  	v3 =	vld [tilespmem:$0x2A0];
	_ =	sdelay $0x4  }
0x3d3: {  	v62 =	vshrl.u32 v3, $0x3  }
0x3d4: {  	v4 =	vmul.u32 $0x30, v62  }
0x3d5: {  	v3 =	vand.u32 $0x7, v3  }
0x3d6: {  	v3 =	vor.u32 v3, v4  }
0x3d7: {  	v4 =	vperm.xlane v3, v0;
	_ =	sdelay $0x1  }
0x3d8: {  	v4 =	vadd.s32 v1, v4;
	_ =	sdelay $0x3  }
0x3d9: {  	s0 =	simm.s32 $0x6680;
	v3 =	vperm.xlane v3, v2  }
0x3da: {  	[tilespmem:s0], [sflag:$0x1] =	stream.indirect_vreg.gather [hbm4b:s2+s3], $0x80, v4, vm0, $0xb8;
	[tilespmem:$0x18680] =	vst v63  }
0x3db: {  	s21 =	simm.s32 $0x6E80;
	v3 =	vadd.s32 v1, v3  }
0x3dc: {  	[tilespmem:s21], [sflag:$0x1] =	stream.indirect_vreg.gather [hbm4b:s4+s3], $0x80, v4, vm0, $0xb8;
	[tilespmem:$0x18680] =	vst v63  }
0x3dd: {  	s22 =	simm.s32 $0x7680  }
0x3de: {  	[tilespmem:s22], [sflag:$0x1] =	stream.indirect_vreg.gather [hbm4b:s5+s3], $0x80, v4, vm0, $0xb8;
	[tilespmem:$0x18680] =	vst v63  }
0x3df: {  	s23 =	simm.s32 $0x7E80  }
0x3e0: {  	[tilespmem:s23], [sflag:$0x1] =	stream.indirect_vreg.gather [hbm4b:s2+s3], $0x80, v3, vm0, $0xb8;
	[tilespmem:$0x18680] =	vst v63  }
0x3e1: {  	s24 =	simm.s32 $0x8680  }
0x3e2: {  	[tilespmem:s24], [sflag:$0x1] =	stream.indirect_vreg.gather [hbm4b:s4+s3], $0x80, v3, vm0, $0xb8;
	[tilespmem:$0x18680] =	vst v63  }
0x3e3: {  	s29 =	simm.s32 $0x8E80  }
0x3e4: {  	[tilespmem:s29], [sflag:$0x1] =	stream.indirect_vreg.gather [hbm4b:s5+s3], $0x80, v3, vm0, $0xb8;
	[tilespmem:$0x18680] =	vst v63  }
0x3e5: {  	v3 =	vld [tilespmem:$0x2B0];
	_ =	sdelay $0x4  }
0x3e6: {  	v63 =	vshrl.u32 v3, $0x3  }
0x3e7: {  	v4 =	vmul.u32 $0x30, v63  }
0x3e8: {  	v3 =	vand.u32 $0x7, v3  }
0x3e9: {  	v3 =	vor.u32 v3, v4  }
0x3ea: {  	v4 =	vperm.xlane v3, v0;
	_ =	sdelay $0x1  }
0x3eb: {  	v4 =	vadd.s32 v1, v4;
	_ =	sdelay $0x3  }
0x3ec: {  	s30 =	simm.s32 $0x9680;
	v3 =	vperm.xlane v3, v2  }
0x3ed: {  	[tilespmem:s30], [sflag:$0x1] =	stream.indirect_vreg.gather [hbm4b:s2+s3], $0x80, v4, vm0, $0xb8;
	[tilespmem:$0x18680] =	vst v63  }
0x3ee: {  	s31 =	simm.s32 $0x9E80;
	v3 =	vadd.s32 v1, v3  }
0x3ef: {  	[tilespmem:s31], [sflag:$0x1] =	stream.indirect_vreg.gather [hbm4b:s4+s3], $0x80, v4, vm0, $0xb8;
	[tilespmem:$0x18680] =	vst v63  }
0x3f0: {  	s15 =	simm.s32 $0xA680  }
0x3f1: {  	[tilespmem:s15], [sflag:$0x1] =	stream.indirect_vreg.gather [hbm4b:s5+s3], $0x80, v4, vm0, $0xb8;
	[tilespmem:$0x18680] =	vst v63  }
0x3f2: {  	s14 =	simm.s32 $0xAE80  }
0x3f3: {  	[tilespmem:s14], [sflag:$0x1] =	stream.indirect_vreg.gather [hbm4b:s2+s3], $0x80, v3, vm0, $0xb8;
	[tilespmem:$0x18680] =	vst v63  }
0x3f4: {  	s15 =	simm.s32 $0xB680  }
0x3f5: {  	[tilespmem:s15], [sflag:$0x1] =	stream.indirect_vreg.gather [hbm4b:s4+s3], $0x80, v3, vm0, $0xb8;
	[tilespmem:$0x18680] =	vst v63  }
0x3f6: {  	s12 =	simm.s32 $0xBE80  }
0x3f7: {  	[tilespmem:s12], [sflag:$0x1] =	stream.indirect_vreg.gather [hbm4b:s5+s3], $0x80, v3, vm0, $0xb8;
	[tilespmem:$0x18680] =	vst v63  }
0x3f8: {  	_ =	swait.ge [sflag:s7], $0xC000  }
0x3f9: {  	[sflag:s7] =	ssyncset.done $0x0  }
0x3fa: {  	s11 =	rddreg [dreg:$0x19];
	[sflag:s7] =	ssyncadd.s32 $0xFFFF4000  }
0x3fb: {  	[hbm4b:s11+s3] =	stream.linear.scatter [tilespmem:s1], [sflag:$0x2], $0x6000, $0x38;
	[tilespmem:$0x18680] =	vst v63  }
0x3fc: {  	s12 =	rddreg [dreg:$0x1a]  }
0x3fd: {  	[hbm4b:s12+s3] =	stream.linear.scatter [tilespmem:s0], [sflag:$0x2], $0x6000, $0x38;
	[tilespmem:$0x18680] =	vst v63  }
0x3fe: {  	_ =	swait.ge [sflag:s10], $0x6000  }
0x3ff: {  	[sflag:s10] =	ssyncset.done $0x0  }
0x400: {  	[sflag:s10] =	ssyncadd.s32 $0xFFFFA000  }
0x401: {  	_ =	swait.ge [sflag:s10], $0x6000  }
0x402: {  	[sflag:s10] =	ssyncset.done $0x0  }
0x403: {  	[sflag:s10] =	ssyncadd.s32 $0xFFFFA000  }
0x404: {  	v3 =	vld [tilespmem:$0x2C0];
	_ =	sdelay $0x4  }
0x405: {  	v8 =	vshrl.u32 v3, $0x3  }
0x406: {  	v4 =	vmul.u32 $0x30, v8  }
0x407: {  	v3 =	vand.u32 $0x7, v3  }
0x408: {  	v3 =	vor.u32 v3, v4  }
0x409: {  	v4 =	vperm.xlane v3, v0;
	_ =	sdelay $0x1  }
0x40a: {  	v4 =	vadd.s32 v1, v4;
	_ =	sdelay $0x3  }
0x40b: {  	s6 =	simm.s32 $0xC680;
	v3 =	vperm.xlane v3, v2  }
0x40c: {  	[tilespmem:s6], [sflag:$0x1] =	stream.indirect_vreg.gather [hbm4b:s2+s3], $0x80, v4, vm0, $0xb8;
	[tilespmem:$0x18680] =	vst v63  }
0x40d: {  	s12 =	simm.s32 $0xCE80;
	v3 =	vadd.s32 v1, v3  }
0x40e: {  	[tilespmem:s12], [sflag:$0x1] =	stream.indirect_vreg.gather [hbm4b:s4+s3], $0x80, v4, vm0, $0xb8;
	[tilespmem:$0x18680] =	vst v63  }
0x40f: {  	s1 =	simm.s32 $0xD680  }
0x410: {  	[tilespmem:s1], [sflag:$0x1] =	stream.indirect_vreg.gather [hbm4b:s5+s3], $0x80, v4, vm0, $0xb8;
	[tilespmem:$0x18680] =	vst v63  }
0x411: {  	s11 =	simm.s32 $0xDE80  }
0x412: {  	[tilespmem:s11], [sflag:$0x1] =	stream.indirect_vreg.gather [hbm4b:s2+s3], $0x80, v3, vm0, $0xb8;
	[tilespmem:$0x18680] =	vst v63  }
0x413: {  	s12 =	simm.s32 $0xE680  }
0x414: {  	[tilespmem:s12], [sflag:$0x1] =	stream.indirect_vreg.gather [hbm4b:s4+s3], $0x80, v3, vm0, $0xb8;
	[tilespmem:$0x18680] =	vst v63  }
0x415: {  	s1 =	simm.s32 $0xEE80  }
0x416: {  	[tilespmem:s1], [sflag:$0x1] =	stream.indirect_vreg.gather [hbm4b:s5+s3], $0x80, v3, vm0, $0xb8;
	[tilespmem:$0x18680] =	vst v63  }
0x417: {  	v3 =	vld [tilespmem:$0x2D0];
	_ =	sdelay $0x4  }
0x418: {  	v9 =	vshrl.u32 v3, $0x3  }
0x419: {  	v4 =	vmul.u32 $0x30, v9  }
0x41a: {  	v3 =	vand.u32 $0x7, v3  }
0x41b: {  	v3 =	vor.u32 v3, v4  }
0x41c: {  	v4 =	vperm.xlane v3, v0;
	_ =	sdelay $0x1  }
0x41d: {  	v4 =	vadd.s32 v1, v4;
	_ =	sdelay $0x3  }
0x41e: {  	s11 =	simm.s32 $0xF680;
	v3 =	vperm.xlane v3, v2  }
0x41f: {  	[tilespmem:s11], [sflag:$0x1] =	stream.indirect_vreg.gather [hbm4b:s2+s3], $0x80, v4, vm0, $0xb8;
	[tilespmem:$0x18680] =	vst v63  }
0x420: {  	s12 =	simm.s32 $0xFE80;
	v3 =	vadd.s32 v1, v3  }
0x421: {  	[tilespmem:s12], [sflag:$0x1] =	stream.indirect_vreg.gather [hbm4b:s4+s3], $0x80, v4, vm0, $0xb8;
	[tilespmem:$0x18680] =	vst v63  }
0x422: {  	s1 =	simm.s32 $0x10680  }
0x423: {  	[tilespmem:s1], [sflag:$0x1] =	stream.indirect_vreg.gather [hbm4b:s5+s3], $0x80, v4, vm0, $0xb8;
	[tilespmem:$0x18680] =	vst v63  }
0x424: {  	s11 =	simm.s32 $0x10E80  }
0x425: {  	[tilespmem:s11], [sflag:$0x1] =	stream.indirect_vreg.gather [hbm4b:s2+s3], $0x80, v3, vm0, $0xb8;
	[tilespmem:$0x18680] =	vst v63  }
0x426: {  	s12 =	simm.s32 $0x11680  }
0x427: {  	[tilespmem:s12], [sflag:$0x1] =	stream.indirect_vreg.gather [hbm4b:s4+s3], $0x80, v3, vm0, $0xb8;
	[tilespmem:$0x18680] =	vst v63  }
0x428: {  	s1 =	simm.s32 $0x11E80  }
0x429: {  	[tilespmem:s1], [sflag:$0x1] =	stream.indirect_vreg.gather [hbm4b:s5+s3], $0x80, v3, vm0, $0xb8;
	[tilespmem:$0x18680] =	vst v63  }
0x42a: {  	v3 =	vld [tilespmem:$0x2E0];
	_ =	sdelay $0x4  }
0x42b: {  	v10 =	vshrl.u32 v3, $0x3  }
0x42c: {  	v4 =	vmul.u32 $0x30, v10  }
0x42d: {  	v3 =	vand.u32 $0x7, v3  }
0x42e: {  	v3 =	vor.u32 v3, v4  }
0x42f: {  	v4 =	vperm.xlane v3, v0;
	_ =	sdelay $0x1  }
0x430: {  	v4 =	vadd.s32 v1, v4;
	_ =	sdelay $0x3  }
0x431: {  	s0 =	simm.s32 $0x12680;
	v3 =	vperm.xlane v3, v2  }
0x432: {  	[tilespmem:s0], [sflag:$0x1] =	stream.indirect_vreg.gather [hbm4b:s2+s3], $0x80, v4, vm0, $0xb8;
	[tilespmem:$0x18680] =	vst v63  }
0x433: {  	s11 =	simm.s32 $0x12E80;
	v3 =	vadd.s32 v1, v3  }
0x434: {  	[tilespmem:s11], [sflag:$0x1] =	stream.indirect_vreg.gather [hbm4b:s4+s3], $0x80, v4, vm0, $0xb8;
	[tilespmem:$0x18680] =	vst v63  }
0x435: {  	s12 =	simm.s32 $0x13680  }
0x436: {  	[tilespmem:s12], [sflag:$0x1] =	stream.indirect_vreg.gather [hbm4b:s5+s3], $0x80, v4, vm0, $0xb8;
	[tilespmem:$0x18680] =	vst v63  }
0x437: {  	s11 =	simm.s32 $0x13E80  }
0x438: {  	[tilespmem:s11], [sflag:$0x1] =	stream.indirect_vreg.gather [hbm4b:s2+s3], $0x80, v3, vm0, $0xb8;
	[tilespmem:$0x18680] =	vst v63  }
0x439: {  	s12 =	simm.s32 $0x14680  }
0x43a: {  	[tilespmem:s12], [sflag:$0x1] =	stream.indirect_vreg.gather [hbm4b:s4+s3], $0x80, v3, vm0, $0xb8;
	[tilespmem:$0x18680] =	vst v63  }
0x43b: {  	s11 =	simm.s32 $0x14E80  }
0x43c: {  	[tilespmem:s11], [sflag:$0x1] =	stream.indirect_vreg.gather [hbm4b:s5+s3], $0x80, v3, vm0, $0xb8;
	[tilespmem:$0x18680] =	vst v63  }
0x43d: {  	v3 =	vld [tilespmem:$0x2F0];
	_ =	sdelay $0x4  }
0x43e: {  	v11 =	vshrl.u32 v3, $0x3  }
0x43f: {  	v4 =	vmul.u32 $0x30, v11  }
0x440: {  	v3 =	vand.u32 $0x7, v3  }
0x441: {  	v3 =	vor.u32 v3, v4  }
0x442: {  	v4 =	vperm.xlane v3, v0;
	_ =	sdelay $0x1  }
0x443: {  	v4 =	vadd.s32 v1, v4;
	_ =	sdelay $0x3  }
0x444: {  	v3 =	vperm.xlane v3, v2  }
0x445: {  	[tilespmem:s8], [sflag:$0x1] =	stream.indirect_vreg.gather [hbm4b:s2+s3], $0x80, v4, vm0, $0xb8;
	[tilespmem:$0x18680] =	vst v63  }
0x446: {  	s12 =	simm.s32 $0x15E80;
	v3 =	vadd.s32 v1, v3  }
0x447: {  	[tilespmem:s12], [sflag:$0x1] =	stream.indirect_vreg.gather [hbm4b:s4+s3], $0x80, v4, vm0, $0xb8;
	[tilespmem:$0x18680] =	vst v63  }
0x448: {  	s8 =	simm.s32 $0x16680  }
0x449: {  	[tilespmem:s8], [sflag:$0x1] =	stream.indirect_vreg.gather [hbm4b:s5+s3], $0x80, v4, vm0, $0xb8;
	[tilespmem:$0x18680] =	vst v63  }
0x44a: {  	s11 =	simm.s32 $0x16E80  }
0x44b: {  	[tilespmem:s11], [sflag:$0x1] =	stream.indirect_vreg.gather [hbm4b:s2+s3], $0x80, v3, vm0, $0xb8;
	[tilespmem:$0x18680] =	vst v63  }
0x44c: {  	s12 =	simm.s32 $0x17680  }
0x44d: {  	[tilespmem:s12], [sflag:$0x1] =	stream.indirect_vreg.gather [hbm4b:s4+s3], $0x80, v3, vm0, $0xb8;
	[tilespmem:$0x18680] =	vst v63  }
0x44e: {  	_ = 	snop  }
0x44f: {  	[tilespmem:s9], [sflag:$0x1] =	stream.indirect_vreg.gather [hbm4b:s5+s3], $0x80, v3, vm0, $0xb8;
	[tilespmem:$0x18680] =	vst v63  }
0x450: {  	_ =	swait.ge [sflag:s7], $0xC000  }
0x451: {  	[sflag:s7] =	ssyncset.done $0x0  }
0x452: {  	s8 =	rddreg [dreg:$0x1b];
	[sflag:s7] =	ssyncadd.s32 $0xFFFF4000  }
0x453: {  	[hbm4b:s8+s3] =	stream.linear.scatter [tilespmem:s6], [sflag:$0x2], $0x6000, $0x38;
	[tilespmem:$0x18680] =	vst v63  }
0x454: {  	s9 =	rddreg [dreg:$0x1c]  }
0x455: {  	[hbm4b:s9+s3] =	stream.linear.scatter [tilespmem:s0], [sflag:$0x2], $0x6000, $0x38;
	[tilespmem:$0x18680] =	vst v63  }
0x456: {  	_ =	swait.ge [sflag:s10], $0x6000  }
0x457: {  	[sflag:s10] =	ssyncset.done $0x0  }
0x458: {  	[sflag:s10] =	ssyncadd.s32 $0xFFFFA000  }
0x459: {  	_ =	swait.ge [sflag:s10], $0x6000  }
0x45a: {  	[sflag:s10] =	ssyncset.done $0x0  }
0x45b: {  	[sflag:s10] =	ssyncadd.s32 $0xFFFFA000  }
0x45c: {  	v3 =	vld [tilespmem:$0x300];
	_ =	sdelay $0x4  }
0x45d: {  	v12 =	vshrl.u32 v3, $0x3  }
0x45e: {  	v4 =	vmul.u32 $0x30, v12  }
0x45f: {  	v3 =	vand.u32 $0x7, v3  }
0x460: {  	v3 =	vor.u32 v3, v4  }
0x461: {  	v4 =	vperm.xlane v3, v0;
	_ =	sdelay $0x1  }
0x462: {  	v4 =	vadd.s32 v1, v4;
	_ =	sdelay $0x3  }
0x463: {  	s12 =	simm.s32 $0x680;
	v3 =	vperm.xlane v3, v2  }
0x464: {  	[tilespmem:s12], [sflag:$0x1] =	stream.indirect_vreg.gather [hbm4b:s2+s3], $0x80, v4, vm0, $0xb8;
	[tilespmem:$0x18680] =	vst v63  }
0x465: {  	v3 =	vadd.s32 v1, v3  }
0x466: {  	[tilespmem:s13], [sflag:$0x1] =	stream.indirect_vreg.gather [hbm4b:s4+s3], $0x80, v4, vm0, $0xb8;
	[tilespmem:$0x18680] =	vst v63  }
0x467: {  	_ = 	snop  }
0x468: {  	[tilespmem:s16], [sflag:$0x1] =	stream.indirect_vreg.gather [hbm4b:s5+s3], $0x80, v4, vm0, $0xb8;
	[tilespmem:$0x18680] =	vst v63  }
0x469: {  	_ = 	snop  }
0x46a: {  	[tilespmem:s17], [sflag:$0x1] =	stream.indirect_vreg.gather [hbm4b:s2+s3], $0x80, v3, vm0, $0xb8;
	[tilespmem:$0x18680] =	vst v63  }
0x46b: {  	s8 =	simm.s32 $0x2680  }
0x46c: {  	[tilespmem:s8], [sflag:$0x1] =	stream.indirect_vreg.gather [hbm4b:s4+s3], $0x80, v3, vm0, $0xb8;
	[tilespmem:$0x18680] =	vst v63  }
0x46d: {  	_ = 	snop  }
0x46e: {  	[tilespmem:s25], [sflag:$0x1] =	stream.indirect_vreg.gather [hbm4b:s5+s3], $0x80, v3, vm0, $0xb8;
	[tilespmem:$0x18680] =	vst v63  }
0x46f: {  	v3 =	vld [tilespmem:$0x310];
	_ =	sdelay $0x4  }
0x470: {  	v13 =	vshrl.u32 v3, $0x3  }
0x471: {  	v4 =	vmul.u32 $0x30, v13  }
0x472: {  	v3 =	vand.u32 $0x7, v3  }
0x473: {  	v3 =	vor.u32 v3, v4  }
0x474: {  	v4 =	vperm.xlane v3, v0;
	_ =	sdelay $0x1  }
0x475: {  	v4 =	vadd.s32 v1, v4;
	_ =	sdelay $0x3  }
0x476: {  	v3 =	vperm.xlane v3, v2  }
0x477: {  	[tilespmem:s26], [sflag:$0x1] =	stream.indirect_vreg.gather [hbm4b:s2+s3], $0x80, v4, vm0, $0xb8;
	[tilespmem:$0x18680] =	vst v63  }
0x478: {  	s9 =	simm.s32 $0x3E80;
	v3 =	vadd.s32 v1, v3  }
0x479: {  	[tilespmem:s9], [sflag:$0x1] =	stream.indirect_vreg.gather [hbm4b:s4+s3], $0x80, v4, vm0, $0xb8;
	[tilespmem:$0x18680] =	vst v63  }
0x47a: {  	_ = 	snop  }
0x47b: {  	[tilespmem:s18], [sflag:$0x1] =	stream.indirect_vreg.gather [hbm4b:s5+s3], $0x80, v4, vm0, $0xb8;
	[tilespmem:$0x18680] =	vst v63  }
0x47c: {  	_ = 	snop  }
0x47d: {  	[tilespmem:s19], [sflag:$0x1] =	stream.indirect_vreg.gather [hbm4b:s2+s3], $0x80, v3, vm0, $0xb8;
	[tilespmem:$0x18680] =	vst v63  }
0x47e: {  	_ = 	snop  }
0x47f: {  	[tilespmem:s20], [sflag:$0x1] =	stream.indirect_vreg.gather [hbm4b:s4+s3], $0x80, v3, vm0, $0xb8;
	[tilespmem:$0x18680] =	vst v63  }
0x480: {  	_ = 	snop  }
0x481: {  	[tilespmem:s28], [sflag:$0x1] =	stream.indirect_vreg.gather [hbm4b:s5+s3], $0x80, v3, vm0, $0xb8;
	[tilespmem:$0x18680] =	vst v63  }
0x482: {  	v3 =	vld [tilespmem:$0x320];
	_ =	sdelay $0x4  }
0x483: {  	v14 =	vshrl.u32 v3, $0x3  }
0x484: {  	v4 =	vmul.u32 $0x30, v14  }
0x485: {  	v3 =	vand.u32 $0x7, v3  }
0x486: {  	v3 =	vor.u32 v3, v4  }
0x487: {  	v4 =	vperm.xlane v3, v0;
	_ =	sdelay $0x1  }
0x488: {  	v4 =	vadd.s32 v1, v4;
	_ =	sdelay $0x3  }
0x489: {  	s20 =	simm.s32 $0x6680;
	v3 =	vperm.xlane v3, v2  }
0x48a: {  	[tilespmem:s20], [sflag:$0x1] =	stream.indirect_vreg.gather [hbm4b:s2+s3], $0x80, v4, vm0, $0xb8;
	[tilespmem:$0x18680] =	vst v63  }
0x48b: {  	v3 =	vadd.s32 v1, v3  }
0x48c: {  	[tilespmem:s21], [sflag:$0x1] =	stream.indirect_vreg.gather [hbm4b:s4+s3], $0x80, v4, vm0, $0xb8;
	[tilespmem:$0x18680] =	vst v63  }
0x48d: {  	_ = 	snop  }
0x48e: {  	[tilespmem:s22], [sflag:$0x1] =	stream.indirect_vreg.gather [hbm4b:s5+s3], $0x80, v4, vm0, $0xb8;
	[tilespmem:$0x18680] =	vst v63  }
0x48f: {  	_ = 	snop  }
0x490: {  	[tilespmem:s23], [sflag:$0x1] =	stream.indirect_vreg.gather [hbm4b:s2+s3], $0x80, v3, vm0, $0xb8;
	[tilespmem:$0x18680] =	vst v63  }
0x491: {  	_ = 	snop  }
0x492: {  	[tilespmem:s24], [sflag:$0x1] =	stream.indirect_vreg.gather [hbm4b:s4+s3], $0x80, v3, vm0, $0xb8;
	[tilespmem:$0x18680] =	vst v63  }
0x493: {  	_ = 	snop  }
0x494: {  	[tilespmem:s29], [sflag:$0x1] =	stream.indirect_vreg.gather [hbm4b:s5+s3], $0x80, v3, vm0, $0xb8;
	[tilespmem:$0x18680] =	vst v63  }
0x495: {  	v3 =	vld [tilespmem:$0x330];
	_ =	sdelay $0x4  }
0x496: {  	v15 =	vshrl.u32 v3, $0x3  }
0x497: {  	v4 =	vmul.u32 $0x30, v15  }
0x498: {  	v3 =	vand.u32 $0x7, v3  }
0x499: {  	v3 =	vor.u32 v3, v4  }
0x49a: {  	v4 =	vperm.xlane v3, v0;
	_ =	sdelay $0x1  }
0x49b: {  	v4 =	vadd.s32 v1, v4;
	_ =	sdelay $0x3  }
0x49c: {  	v3 =	vperm.xlane v3, v2  }
0x49d: {  	[tilespmem:s30], [sflag:$0x1] =	stream.indirect_vreg.gather [hbm4b:s2+s3], $0x80, v4, vm0, $0xb8;
	[tilespmem:$0x18680] =	vst v63  }
0x49e: {  	v3 =	vadd.s32 v1, v3  }
0x49f: {  	[tilespmem:s31], [sflag:$0x1] =	stream.indirect_vreg.gather [hbm4b:s4+s3], $0x80, v4, vm0, $0xb8;
	[tilespmem:$0x18680] =	vst v63  }
0x4a0: {  	s23 =	simm.s32 $0xA680  }
0x4a1: {  	[tilespmem:s23], [sflag:$0x1] =	stream.indirect_vreg.gather [hbm4b:s5+s3], $0x80, v4, vm0, $0xb8;
	[tilespmem:$0x18680] =	vst v63  }
0x4a2: {  	_ = 	snop  }
0x4a3: {  	[tilespmem:s14], [sflag:$0x1] =	stream.indirect_vreg.gather [hbm4b:s2+s3], $0x80, v3, vm0, $0xb8;
	[tilespmem:$0x18680] =	vst v63  }
0x4a4: {  	_ = 	snop  }
0x4a5: {  	[tilespmem:s15], [sflag:$0x1] =	stream.indirect_vreg.gather [hbm4b:s4+s3], $0x80, v3, vm0, $0xb8;
	[tilespmem:$0x18680] =	vst v63  }
0x4a6: {  	s24 =	simm.s32 $0xBE80  }
0x4a7: {  	[tilespmem:s24], [sflag:$0x1] =	stream.indirect_vreg.gather [hbm4b:s5+s3], $0x80, v3, vm0, $0xb8;
	[tilespmem:$0x18680] =	vst v63  }
0x4a8: {  	_ =	swait.ge [sflag:s7], $0xC000  }
0x4a9: {  	[sflag:s7] =	ssyncset.done $0x0  }
0x4aa: {  	s25 =	rddreg [dreg:$0x1d];
	[sflag:s7] =	ssyncadd.s32 $0xFFFF4000  }
0x4ab: {  	[hbm4b:s25+s3] =	stream.linear.scatter [tilespmem:s12], [sflag:$0x2], $0x6000, $0x38;
	[tilespmem:$0x18680] =	vst v63  }
0x4ac: {  	s26 =	rddreg [dreg:$0x1e]  }
0x4ad: {  	[hbm4b:s26+s3] =	stream.linear.scatter [tilespmem:s20], [sflag:$0x2], $0x6000, $0x38;
	[tilespmem:$0x18680] =	vst v63  }
0x4ae: {  	_ =	swait.ge [sflag:s10], $0x6000  }
0x4af: {  	[sflag:s10] =	ssyncset.done $0x0  }
0x4b0: {  	[sflag:s10] =	ssyncadd.s32 $0xFFFFA000  }
0x4b1: {  	_ =	swait.ge [sflag:s10], $0x6000  }
0x4b2: {  	[sflag:s10] =	ssyncset.done $0x0  }
0x4b3: {  	[sflag:s10] =	ssyncadd.s32 $0xFFFFA000  }
0x4b4: {  	v3 =	vld [tilespmem:$0x340];
	_ =	sdelay $0x4  }
0x4b5: {  	v16 =	vshrl.u32 v3, $0x3  }
0x4b6: {  	v4 =	vmul.u32 $0x30, v16  }
0x4b7: {  	v3 =	vand.u32 $0x7, v3  }
0x4b8: {  	v3 =	vor.u32 v3, v4  }
0x4b9: {  	v4 =	vperm.xlane v3, v0;
	_ =	sdelay $0x1  }
0x4ba: {  	v4 =	vadd.s32 v1, v4;
	_ =	sdelay $0x3  }
0x4bb: {  	s1 =	simm.s32 $0xC680;
	v3 =	vperm.xlane v3, v2  }
0x4bc: {  	[tilespmem:s1], [sflag:$0x1] =	stream.indirect_vreg.gather [hbm4b:s2+s3], $0x80, v4, vm0, $0xb8;
	[tilespmem:$0x18680] =	vst v63  }
0x4bd: {  	s28 =	simm.s32 $0xCE80;
	v3 =	vadd.s32 v1, v3  }
0x4be: {  	[tilespmem:s28], [sflag:$0x1] =	stream.indirect_vreg.gather [hbm4b:s4+s3], $0x80, v4, vm0, $0xb8;
	[tilespmem:$0x18680] =	vst v63  }
0x4bf: {  	s29 =	simm.s32 $0xD680  }
0x4c0: {  	[tilespmem:s29], [sflag:$0x1] =	stream.indirect_vreg.gather [hbm4b:s5+s3], $0x80, v4, vm0, $0xb8;
	[tilespmem:$0x18680] =	vst v63  }
0x4c1: {  	s30 =	simm.s32 $0xDE80  }
0x4c2: {  	[tilespmem:s30], [sflag:$0x1] =	stream.indirect_vreg.gather [hbm4b:s2+s3], $0x80, v3, vm0, $0xb8;
	[tilespmem:$0x18680] =	vst v63  }
0x4c3: {  	s31 =	simm.s32 $0xE680  }
0x4c4: {  	[tilespmem:s31], [sflag:$0x1] =	stream.indirect_vreg.gather [hbm4b:s4+s3], $0x80, v3, vm0, $0xb8;
	[tilespmem:$0x18680] =	vst v63  }
0x4c5: {  	s6 =	simm.s32 $0xEE80  }
0x4c6: {  	[tilespmem:s6], [sflag:$0x1] =	stream.indirect_vreg.gather [hbm4b:s5+s3], $0x80, v3, vm0, $0xb8;
	[tilespmem:$0x18680] =	vst v63  }
0x4c7: {  	v3 =	vld [tilespmem:$0x350];
	_ =	sdelay $0x4  }
0x4c8: {  	v17 =	vshrl.u32 v3, $0x3  }
0x4c9: {  	v4 =	vmul.u32 $0x30, v17  }
0x4ca: {  	v3 =	vand.u32 $0x7, v3  }
0x4cb: {  	v3 =	vor.u32 v3, v4  }
0x4cc: {  	v4 =	vperm.xlane v3, v0;
	_ =	sdelay $0x1  }
0x4cd: {  	v4 =	vadd.s32 v1, v4;
	_ =	sdelay $0x3  }
0x4ce: {  	s11 =	simm.s32 $0xF680;
	v3 =	vperm.xlane v3, v2  }
0x4cf: {  	[tilespmem:s11], [sflag:$0x1] =	stream.indirect_vreg.gather [hbm4b:s2+s3], $0x80, v4, vm0, $0xb8;
	[tilespmem:$0x18680] =	vst v63  }
0x4d0: {  	s12 =	simm.s32 $0xFE80;
	v3 =	vadd.s32 v1, v3  }
0x4d1: {  	[tilespmem:s12], [sflag:$0x1] =	stream.indirect_vreg.gather [hbm4b:s4+s3], $0x80, v4, vm0, $0xb8;
	[tilespmem:$0x18680] =	vst v63  }
0x4d2: {  	s13 =	simm.s32 $0x10680  }
0x4d3: {  	[tilespmem:s13], [sflag:$0x1] =	stream.indirect_vreg.gather [hbm4b:s5+s3], $0x80, v4, vm0, $0xb8;
	[tilespmem:$0x18680] =	vst v63  }
0x4d4: {  	s14 =	simm.s32 $0x10E80  }
0x4d5: {  	[tilespmem:s14], [sflag:$0x1] =	stream.indirect_vreg.gather [hbm4b:s2+s3], $0x80, v3, vm0, $0xb8;
	[tilespmem:$0x18680] =	vst v63  }
0x4d6: {  	s15 =	simm.s32 $0x11680  }
0x4d7: {  	[tilespmem:s15], [sflag:$0x1] =	stream.indirect_vreg.gather [hbm4b:s4+s3], $0x80, v3, vm0, $0xb8;
	[tilespmem:$0x18680] =	vst v63  }
0x4d8: {  	s16 =	simm.s32 $0x11E80  }
0x4d9: {  	[tilespmem:s16], [sflag:$0x1] =	stream.indirect_vreg.gather [hbm4b:s5+s3], $0x80, v3, vm0, $0xb8;
	[tilespmem:$0x18680] =	vst v63  }
0x4da: {  	v3 =	vld [tilespmem:$0x360];
	_ =	sdelay $0x4  }
0x4db: {  	v18 =	vshrl.u32 v3, $0x3  }
0x4dc: {  	v4 =	vmul.u32 $0x30, v18  }
0x4dd: {  	v3 =	vand.u32 $0x7, v3  }
0x4de: {  	v3 =	vor.u32 v3, v4  }
0x4df: {  	v4 =	vperm.xlane v3, v0;
	_ =	sdelay $0x1  }
0x4e0: {  	v4 =	vadd.s32 v1, v4;
	_ =	sdelay $0x3  }
0x4e1: {  	s17 =	simm.s32 $0x12680;
	v3 =	vperm.xlane v3, v2  }
0x4e2: {  	[tilespmem:s17], [sflag:$0x1] =	stream.indirect_vreg.gather [hbm4b:s2+s3], $0x80, v4, vm0, $0xb8;
	[tilespmem:$0x18680] =	vst v63  }
0x4e3: {  	s18 =	simm.s32 $0x12E80;
	v3 =	vadd.s32 v1, v3  }
0x4e4: {  	[tilespmem:s18], [sflag:$0x1] =	stream.indirect_vreg.gather [hbm4b:s4+s3], $0x80, v4, vm0, $0xb8;
	[tilespmem:$0x18680] =	vst v63  }
0x4e5: {  	s19 =	simm.s32 $0x13680  }
0x4e6: {  	[tilespmem:s19], [sflag:$0x1] =	stream.indirect_vreg.gather [hbm4b:s5+s3], $0x80, v4, vm0, $0xb8;
	[tilespmem:$0x18680] =	vst v63  }
0x4e7: {  	s20 =	simm.s32 $0x13E80  }
0x4e8: {  	[tilespmem:s20], [sflag:$0x1] =	stream.indirect_vreg.gather [hbm4b:s2+s3], $0x80, v3, vm0, $0xb8;
	[tilespmem:$0x18680] =	vst v63  }
0x4e9: {  	s21 =	simm.s32 $0x14680  }
0x4ea: {  	[tilespmem:s21], [sflag:$0x1] =	stream.indirect_vreg.gather [hbm4b:s4+s3], $0x80, v3, vm0, $0xb8;
	[tilespmem:$0x18680] =	vst v63  }
0x4eb: {  	s22 =	simm.s32 $0x14E80  }
0x4ec: {  	[tilespmem:s22], [sflag:$0x1] =	stream.indirect_vreg.gather [hbm4b:s5+s3], $0x80, v3, vm0, $0xb8;
	[tilespmem:$0x18680] =	vst v63  }
0x4ed: {  	v3 =	vld [tilespmem:$0x370];
	_ =	sdelay $0x4  }
0x4ee: {  	v19 =	vshrl.u32 v3, $0x3  }
0x4ef: {  	v4 =	vmul.u32 $0x30, v19  }
0x4f0: {  	v3 =	vand.u32 $0x7, v3  }
0x4f1: {  	v3 =	vor.u32 v3, v4  }
0x4f2: {  	v4 =	vperm.xlane v3, v0;
	_ =	sdelay $0x1  }
0x4f3: {  	v4 =	vadd.s32 v1, v4;
	_ =	sdelay $0x3  }
0x4f4: {  	s13 =	simm.s32 $0x15680;
	v3 =	vperm.xlane v3, v2  }
0x4f5: {  	[tilespmem:s13], [sflag:$0x1] =	stream.indirect_vreg.gather [hbm4b:s2+s3], $0x80, v4, vm0, $0xb8;
	[tilespmem:$0x18680] =	vst v63  }
0x4f6: {  	s23 =	simm.s32 $0x15E80;
	v3 =	vadd.s32 v1, v3  }
0x4f7: {  	[tilespmem:s23], [sflag:$0x1] =	stream.indirect_vreg.gather [hbm4b:s4+s3], $0x80, v4, vm0, $0xb8;
	[tilespmem:$0x18680] =	vst v63  }
0x4f8: {  	s24 =	simm.s32 $0x16680  }
0x4f9: {  	[tilespmem:s24], [sflag:$0x1] =	stream.indirect_vreg.gather [hbm4b:s5+s3], $0x80, v4, vm0, $0xb8;
	[tilespmem:$0x18680] =	vst v63  }
0x4fa: {  	s25 =	simm.s32 $0x16E80  }
0x4fb: {  	[tilespmem:s25], [sflag:$0x1] =	stream.indirect_vreg.gather [hbm4b:s2+s3], $0x80, v3, vm0, $0xb8;
	[tilespmem:$0x18680] =	vst v63  }
0x4fc: {  	s26 =	simm.s32 $0x17680  }
0x4fd: {  	[tilespmem:s26], [sflag:$0x1] =	stream.indirect_vreg.gather [hbm4b:s4+s3], $0x80, v3, vm0, $0xb8;
	[tilespmem:$0x18680] =	vst v63  }
0x4fe: {  	s6 =	simm.s32 $0x17E80  }
0x4ff: {  	[tilespmem:s6], [sflag:$0x1] =	stream.indirect_vreg.gather [hbm4b:s5+s3], $0x80, v3, vm0, $0xb8;
	[tilespmem:$0x18680] =	vst v63  }
0x500: {  	_ =	swait.ge [sflag:s7], $0xC000  }
0x501: {  	s28 =	rddreg [dreg:$0x1f];
	[sflag:s7] =	ssyncset.done $0x0  }
0x502: {  	s29 =	sld [smem:$0x7E7];
	[sflag:s7] =	ssyncadd.s32 $0xFFFF4000  }
0x503: {  	[hbm4b:s28+s3] =	stream.linear.scatter [tilespmem:s1], [sflag:$0x2], $0x6000, $0x38;
	[tilespmem:$0x18680] =	vst v63  }
0x504: {  	_ = 	snop  }
0x505: {  	[hbm4b:s29+s3] =	stream.linear.scatter [tilespmem:s17], [sflag:$0x2], $0x6000, $0x38;
	[tilespmem:$0x18680] =	vst v63  }
0x506: {  	_ =	swait.ge [sflag:s10], $0x6000  }
0x507: {  	[sflag:s10] =	ssyncset.done $0x0  }
0x508: {  	[sflag:s10] =	ssyncadd.s32 $0xFFFFA000  }
0x509: {  	_ =	swait.ge [sflag:s10], $0x6000  }
0x50a: {  	[sflag:s10] =	ssyncset.done $0x0  }
0x50b: {  	[sflag:s10] =	ssyncadd.s32 $0xFFFFA000  }
0x50c: {  	v3 =	vld [tilespmem:$0x380];
	_ =	sdelay $0x4  }
0x50d: {  	v20 =	vshrl.u32 v3, $0x3  }
0x50e: {  	v4 =	vmul.u32 $0x30, v20  }
0x50f: {  	v3 =	vand.u32 $0x7, v3  }
0x510: {  	v3 =	vor.u32 v3, v4  }
0x511: {  	v4 =	vperm.xlane v3, v0;
	_ =	sdelay $0x1  }
0x512: {  	v4 =	vadd.s32 v1, v4;
	_ =	sdelay $0x3  }
0x513: {  	s16 =	simm.s32 $0x680;
	v3 =	vperm.xlane v3, v2  }
0x514: {  	[tilespmem:s16], [sflag:$0x1] =	stream.indirect_vreg.gather [hbm4b:s2+s3], $0x80, v4, vm0, $0xb8;
	[tilespmem:$0x18680] =	vst v63  }
0x515: {  	s30 =	simm.s32 $0xE80;
	v3 =	vadd.s32 v1, v3  }
0x516: {  	[tilespmem:s30], [sflag:$0x1] =	stream.indirect_vreg.gather [hbm4b:s4+s3], $0x80, v4, vm0, $0xb8;
	[tilespmem:$0x18680] =	vst v63  }
0x517: {  	s31 =	simm.s32 $0x1680  }
0x518: {  	[tilespmem:s31], [sflag:$0x1] =	stream.indirect_vreg.gather [hbm4b:s5+s3], $0x80, v4, vm0, $0xb8;
	[tilespmem:$0x18680] =	vst v63  }
0x519: {  	s17 =	simm.s32 $0x1E80  }
0x51a: {  	[tilespmem:s17], [sflag:$0x1] =	stream.indirect_vreg.gather [hbm4b:s2+s3], $0x80, v3, vm0, $0xb8;
	[tilespmem:$0x18680] =	vst v63  }
0x51b: {  	_ = 	snop  }
0x51c: {  	[tilespmem:s8], [sflag:$0x1] =	stream.indirect_vreg.gather [hbm4b:s4+s3], $0x80, v3, vm0, $0xb8;
	[tilespmem:$0x18680] =	vst v63  }
0x51d: {  	s25 =	simm.s32 $0x2E80  }
0x51e: {  	[tilespmem:s25], [sflag:$0x1] =	stream.indirect_vreg.gather [hbm4b:s5+s3], $0x80, v3, vm0, $0xb8;
	[tilespmem:$0x18680] =	vst v63  }
0x51f: {  	v3 =	vld [tilespmem:$0x390];
	_ =	sdelay $0x4  }
0x520: {  	v21 =	vshrl.u32 v3, $0x3  }
0x521: {  	v4 =	vmul.u32 $0x30, v21  }
0x522: {  	v3 =	vand.u32 $0x7, v3  }
0x523: {  	v3 =	vor.u32 v3, v4  }
0x524: {  	v4 =	vperm.xlane v3, v0;
	_ =	sdelay $0x1  }
0x525: {  	v4 =	vadd.s32 v1, v4;
	_ =	sdelay $0x3  }
0x526: {  	s26 =	simm.s32 $0x3680;
	v3 =	vperm.xlane v3, v2  }
0x527: {  	[tilespmem:s26], [sflag:$0x1] =	stream.indirect_vreg.gather [hbm4b:s2+s3], $0x80, v4, vm0, $0xb8;
	[tilespmem:$0x18680] =	vst v63  }
0x528: {  	v3 =	vadd.s32 v1, v3  }
0x529: {  	[tilespmem:s9], [sflag:$0x1] =	stream.indirect_vreg.gather [hbm4b:s4+s3], $0x80, v4, vm0, $0xb8;
	[tilespmem:$0x18680] =	vst v63  }
0x52a: {  	s18 =	simm.s32 $0x4680  }
0x52b: {  	[tilespmem:s18], [sflag:$0x1] =	stream.indirect_vreg.gather [hbm4b:s5+s3], $0x80, v4, vm0, $0xb8;
	[tilespmem:$0x18680] =	vst v63  }
0x52c: {  	s19 =	simm.s32 $0x4E80  }
0x52d: {  	[tilespmem:s19], [sflag:$0x1] =	stream.indirect_vreg.gather [hbm4b:s2+s3], $0x80, v3, vm0, $0xb8;
	[tilespmem:$0x18680] =	vst v63  }
0x52e: {  	s20 =	simm.s32 $0x5680  }
0x52f: {  	[tilespmem:s20], [sflag:$0x1] =	stream.indirect_vreg.gather [hbm4b:s4+s3], $0x80, v3, vm0, $0xb8;
	[tilespmem:$0x18680] =	vst v63  }
0x530: {  	s28 =	simm.s32 $0x5E80  }
0x531: {  	[tilespmem:s28], [sflag:$0x1] =	stream.indirect_vreg.gather [hbm4b:s5+s3], $0x80, v3, vm0, $0xb8;
	[tilespmem:$0x18680] =	vst v63  }
0x532: {  	v3 =	vld [tilespmem:$0x3A0];
	_ =	sdelay $0x4  }
0x533: {  	v22 =	vshrl.u32 v3, $0x3  }
0x534: {  	v4 =	vmul.u32 $0x30, v22  }
0x535: {  	v3 =	vand.u32 $0x7, v3  }
0x536: {  	v3 =	vor.u32 v3, v4  }
0x537: {  	v4 =	vperm.xlane v3, v0;
	_ =	sdelay $0x1  }
0x538: {  	v4 =	vadd.s32 v1, v4;
	_ =	sdelay $0x3  }
0x539: {  	s0 =	simm.s32 $0x6680;
	v3 =	vperm.xlane v3, v2  }
0x53a: {  	[tilespmem:s0], [sflag:$0x1] =	stream.indirect_vreg.gather [hbm4b:s2+s3], $0x80, v4, vm0, $0xb8;
	[tilespmem:$0x18680] =	vst v63  }
0x53b: {  	s21 =	simm.s32 $0x6E80;
	v3 =	vadd.s32 v1, v3  }
0x53c: {  	[tilespmem:s21], [sflag:$0x1] =	stream.indirect_vreg.gather [hbm4b:s4+s3], $0x80, v4, vm0, $0xb8;
	[tilespmem:$0x18680] =	vst v63  }
0x53d: {  	s22 =	simm.s32 $0x7680  }
0x53e: {  	[tilespmem:s22], [sflag:$0x1] =	stream.indirect_vreg.gather [hbm4b:s5+s3], $0x80, v4, vm0, $0xb8;
	[tilespmem:$0x18680] =	vst v63  }
0x53f: {  	s23 =	simm.s32 $0x7E80  }
0x540: {  	[tilespmem:s23], [sflag:$0x1] =	stream.indirect_vreg.gather [hbm4b:s2+s3], $0x80, v3, vm0, $0xb8;
	[tilespmem:$0x18680] =	vst v63  }
0x541: {  	s24 =	simm.s32 $0x8680  }
0x542: {  	[tilespmem:s24], [sflag:$0x1] =	stream.indirect_vreg.gather [hbm4b:s4+s3], $0x80, v3, vm0, $0xb8;
	[tilespmem:$0x18680] =	vst v63  }
0x543: {  	s29 =	simm.s32 $0x8E80  }
0x544: {  	[tilespmem:s29], [sflag:$0x1] =	stream.indirect_vreg.gather [hbm4b:s5+s3], $0x80, v3, vm0, $0xb8;
	[tilespmem:$0x18680] =	vst v63  }
0x545: {  	v3 =	vld [tilespmem:$0x3B0];
	_ =	sdelay $0x4  }
0x546: {  	v23 =	vshrl.u32 v3, $0x3  }
0x547: {  	v4 =	vmul.u32 $0x30, v23  }
0x548: {  	v3 =	vand.u32 $0x7, v3  }
0x549: {  	v3 =	vor.u32 v3, v4  }
0x54a: {  	v4 =	vperm.xlane v3, v0;
	_ =	sdelay $0x1  }
0x54b: {  	v4 =	vadd.s32 v1, v4;
	_ =	sdelay $0x3  }
0x54c: {  	s30 =	simm.s32 $0x9680;
	v3 =	vperm.xlane v3, v2  }
0x54d: {  	[tilespmem:s30], [sflag:$0x1] =	stream.indirect_vreg.gather [hbm4b:s2+s3], $0x80, v4, vm0, $0xb8;
	[tilespmem:$0x18680] =	vst v63  }
0x54e: {  	s31 =	simm.s32 $0x9E80;
	v3 =	vadd.s32 v1, v3  }
0x54f: {  	[tilespmem:s31], [sflag:$0x1] =	stream.indirect_vreg.gather [hbm4b:s4+s3], $0x80, v4, vm0, $0xb8;
	[tilespmem:$0x18680] =	vst v63  }
0x550: {  	s14 =	simm.s32 $0xA680  }
0x551: {  	[tilespmem:s14], [sflag:$0x1] =	stream.indirect_vreg.gather [hbm4b:s5+s3], $0x80, v4, vm0, $0xb8;
	[tilespmem:$0x18680] =	vst v63  }
0x552: {  	s11 =	simm.s32 $0xAE80  }
0x553: {  	[tilespmem:s11], [sflag:$0x1] =	stream.indirect_vreg.gather [hbm4b:s2+s3], $0x80, v3, vm0, $0xb8;
	[tilespmem:$0x18680] =	vst v63  }
0x554: {  	s9 =	simm.s32 $0xB680  }
0x555: {  	[tilespmem:s9], [sflag:$0x1] =	stream.indirect_vreg.gather [hbm4b:s4+s3], $0x80, v3, vm0, $0xb8;
	[tilespmem:$0x18680] =	vst v63  }
0x556: {  	s15 =	simm.s32 $0xBE80  }
0x557: {  	[tilespmem:s15], [sflag:$0x1] =	stream.indirect_vreg.gather [hbm4b:s5+s3], $0x80, v3, vm0, $0xb8;
	[tilespmem:$0x18680] =	vst v63  }
0x558: {  	_ =	swait.ge [sflag:s7], $0xC000  }
0x559: {  	s12 =	sld [smem:$0x7E8]  }
0x55a: {  	[sflag:s7] =	ssyncset.done $0x0  }
0x55b: {  	s8 =	sld [smem:$0x7E9];
	[sflag:s7] =	ssyncadd.s32 $0xFFFF4000  }
0x55c: {  	[hbm4b:s12+s3] =	stream.linear.scatter [tilespmem:s16], [sflag:$0x2], $0x6000, $0x38;
	[tilespmem:$0x18680] =	vst v63  }
0x55d: {  	_ = 	snop  }
0x55e: {  	[hbm4b:s8+s3] =	stream.linear.scatter [tilespmem:s0], [sflag:$0x2], $0x6000, $0x38;
	[tilespmem:$0x18680] =	vst v63  }
0x55f: {  	_ =	swait.ge [sflag:s10], $0x6000  }
0x560: {  	[sflag:s10] =	ssyncset.done $0x0  }
0x561: {  	[sflag:s10] =	ssyncadd.s32 $0xFFFFA000  }
0x562: {  	_ =	swait.ge [sflag:s10], $0x6000  }
0x563: {  	[sflag:s10] =	ssyncset.done $0x0  }
0x564: {  	[sflag:s10] =	ssyncadd.s32 $0xFFFFA000  }
0x565: {  	v3 =	vld [tilespmem:$0x3C0];
	_ =	sdelay $0x4  }
0x566: {  	v24 =	vshrl.u32 v3, $0x3  }
0x567: {  	v4 =	vmul.u32 $0x30, v24  }
0x568: {  	v3 =	vand.u32 $0x7, v3  }
0x569: {  	v3 =	vor.u32 v3, v4  }
0x56a: {  	v4 =	vperm.xlane v3, v0;
	_ =	sdelay $0x1  }
0x56b: {  	v4 =	vadd.s32 v1, v4;
	_ =	sdelay $0x3  }
0x56c: {  	v3 =	vperm.xlane v3, v2  }
0x56d: {  	[tilespmem:s1], [sflag:$0x1] =	stream.indirect_vreg.gather [hbm4b:s2+s3], $0x80, v4, vm0, $0xb8;
	[tilespmem:$0x18680] =	vst v63  }
0x56e: {  	s16 =	simm.s32 $0xCE80;
	v3 =	vadd.s32 v1, v3  }
0x56f: {  	[tilespmem:s16], [sflag:$0x1] =	stream.indirect_vreg.gather [hbm4b:s4+s3], $0x80, v4, vm0, $0xb8;
	[tilespmem:$0x18680] =	vst v63  }
0x570: {  	s8 =	simm.s32 $0xD680  }
0x571: {  	[tilespmem:s8], [sflag:$0x1] =	stream.indirect_vreg.gather [hbm4b:s5+s3], $0x80, v4, vm0, $0xb8;
	[tilespmem:$0x18680] =	vst v63  }
0x572: {  	s8 =	simm.s32 $0xDE80  }
0x573: {  	[tilespmem:s8], [sflag:$0x1] =	stream.indirect_vreg.gather [hbm4b:s2+s3], $0x80, v3, vm0, $0xb8;
	[tilespmem:$0x18680] =	vst v63  }
0x574: {  	s16 =	simm.s32 $0xE680  }
0x575: {  	[tilespmem:s16], [sflag:$0x1] =	stream.indirect_vreg.gather [hbm4b:s4+s3], $0x80, v3, vm0, $0xb8;
	[tilespmem:$0x18680] =	vst v63  }
0x576: {  	s11 =	simm.s32 $0xEE80  }
0x577: {  	[tilespmem:s11], [sflag:$0x1] =	stream.indirect_vreg.gather [hbm4b:s5+s3], $0x80, v3, vm0, $0xb8;
	[tilespmem:$0x18680] =	vst v63  }
0x578: {  	v3 =	vld [tilespmem:$0x3D0];
	_ =	sdelay $0x4  }
0x579: {  	v25 =	vshrl.u32 v3, $0x3  }
0x57a: {  	v4 =	vmul.u32 $0x30, v25  }
0x57b: {  	v3 =	vand.u32 $0x7, v3  }
0x57c: {  	v3 =	vor.u32 v3, v4  }
0x57d: {  	v4 =	vperm.xlane v3, v0;
	_ =	sdelay $0x1  }
0x57e: {  	v4 =	vadd.s32 v1, v4;
	_ =	sdelay $0x3  }
0x57f: {  	s12 =	simm.s32 $0xF680;
	v3 =	vperm.xlane v3, v2  }
0x580: {  	[tilespmem:s12], [sflag:$0x1] =	stream.indirect_vreg.gather [hbm4b:s2+s3], $0x80, v4, vm0, $0xb8;
	[tilespmem:$0x18680] =	vst v63  }
0x581: {  	s11 =	simm.s32 $0xFE80;
	v3 =	vadd.s32 v1, v3  }
0x582: {  	[tilespmem:s11], [sflag:$0x1] =	stream.indirect_vreg.gather [hbm4b:s4+s3], $0x80, v4, vm0, $0xb8;
	[tilespmem:$0x18680] =	vst v63  }
0x583: {  	s12 =	simm.s32 $0x10680  }
0x584: {  	[tilespmem:s12], [sflag:$0x1] =	stream.indirect_vreg.gather [hbm4b:s5+s3], $0x80, v4, vm0, $0xb8;
	[tilespmem:$0x18680] =	vst v63  }
0x585: {  	s11 =	simm.s32 $0x10E80  }
0x586: {  	[tilespmem:s11], [sflag:$0x1] =	stream.indirect_vreg.gather [hbm4b:s2+s3], $0x80, v3, vm0, $0xb8;
	[tilespmem:$0x18680] =	vst v63  }
0x587: {  	s12 =	simm.s32 $0x11680  }
0x588: {  	[tilespmem:s12], [sflag:$0x1] =	stream.indirect_vreg.gather [hbm4b:s4+s3], $0x80, v3, vm0, $0xb8;
	[tilespmem:$0x18680] =	vst v63  }
0x589: {  	s11 =	simm.s32 $0x11E80  }
0x58a: {  	[tilespmem:s11], [sflag:$0x1] =	stream.indirect_vreg.gather [hbm4b:s5+s3], $0x80, v3, vm0, $0xb8;
	[tilespmem:$0x18680] =	vst v63  }
0x58b: {  	v3 =	vld [tilespmem:$0x3E0];
	_ =	sdelay $0x4  }
0x58c: {  	v26 =	vshrl.u32 v3, $0x3  }
0x58d: {  	v4 =	vmul.u32 $0x30, v26  }
0x58e: {  	v3 =	vand.u32 $0x7, v3  }
0x58f: {  	v3 =	vor.u32 v3, v4  }
0x590: {  	v4 =	vperm.xlane v3, v0;
	_ =	sdelay $0x1  }
0x591: {  	v4 =	vadd.s32 v1, v4;
	_ =	sdelay $0x3  }
0x592: {  	s0 =	simm.s32 $0x12680;
	v3 =	vperm.xlane v3, v2  }
0x593: {  	[tilespmem:s0], [sflag:$0x1] =	stream.indirect_vreg.gather [hbm4b:s2+s3], $0x80, v4, vm0, $0xb8;
	[tilespmem:$0x18680] =	vst v63  }
0x594: {  	s12 =	simm.s32 $0x12E80;
	v3 =	vadd.s32 v1, v3  }
0x595: {  	[tilespmem:s12], [sflag:$0x1] =	stream.indirect_vreg.gather [hbm4b:s4+s3], $0x80, v4, vm0, $0xb8;
	[tilespmem:$0x18680] =	vst v63  }
0x596: {  	s12 =	simm.s32 $0x13680  }
0x597: {  	[tilespmem:s12], [sflag:$0x1] =	stream.indirect_vreg.gather [hbm4b:s5+s3], $0x80, v4, vm0, $0xb8;
	[tilespmem:$0x18680] =	vst v63  }
0x598: {  	s12 =	simm.s32 $0x13E80  }
0x599: {  	[tilespmem:s12], [sflag:$0x1] =	stream.indirect_vreg.gather [hbm4b:s2+s3], $0x80, v3, vm0, $0xb8;
	[tilespmem:$0x18680] =	vst v63  }
0x59a: {  	s12 =	simm.s32 $0x14680  }
0x59b: {  	[tilespmem:s12], [sflag:$0x1] =	stream.indirect_vreg.gather [hbm4b:s4+s3], $0x80, v3, vm0, $0xb8;
	[tilespmem:$0x18680] =	vst v63  }
0x59c: {  	s12 =	simm.s32 $0x14E80  }
0x59d: {  	[tilespmem:s12], [sflag:$0x1] =	stream.indirect_vreg.gather [hbm4b:s5+s3], $0x80, v3, vm0, $0xb8;
	[tilespmem:$0x18680] =	vst v63  }
0x59e: {  	v3 =	vld [tilespmem:$0x3F0];
	_ =	sdelay $0x4  }
0x59f: {  	v27 =	vshrl.u32 v3, $0x3  }
0x5a0: {  	v4 =	vmul.u32 $0x30, v27  }
0x5a1: {  	v3 =	vand.u32 $0x7, v3  }
0x5a2: {  	v3 =	vor.u32 v3, v4  }
0x5a3: {  	v4 =	vperm.xlane v3, v0;
	_ =	sdelay $0x1  }
0x5a4: {  	v4 =	vadd.s32 v1, v4;
	_ =	sdelay $0x3  }
0x5a5: {  	v3 =	vperm.xlane v3, v2  }
0x5a6: {  	[tilespmem:s13], [sflag:$0x1] =	stream.indirect_vreg.gather [hbm4b:s2+s3], $0x80, v4, vm0, $0xb8;
	[tilespmem:$0x18680] =	vst v63  }
0x5a7: {  	v3 =	vadd.s32 v1, v3;
	s13 =	simm.s32 $0x15E80  }
0x5a8: {  	[tilespmem:s13], [sflag:$0x1] =	stream.indirect_vreg.gather [hbm4b:s4+s3], $0x80, v4, vm0, $0xb8;
	[tilespmem:$0x18680] =	vst v63  }
0x5a9: {  	s12 =	simm.s32 $0x16680  }
0x5aa: {  	[tilespmem:s12], [sflag:$0x1] =	stream.indirect_vreg.gather [hbm4b:s5+s3], $0x80, v4, vm0, $0xb8;
	[tilespmem:$0x18680] =	vst v63  }
0x5ab: {  	s12 =	simm.s32 $0x16E80  }
0x5ac: {  	[tilespmem:s12], [sflag:$0x1] =	stream.indirect_vreg.gather [hbm4b:s2+s3], $0x80, v3, vm0, $0xb8;
	[tilespmem:$0x18680] =	vst v63  }
0x5ad: {  	s12 =	simm.s32 $0x17680  }
0x5ae: {  	[tilespmem:s12], [sflag:$0x1] =	stream.indirect_vreg.gather [hbm4b:s4+s3], $0x80, v3, vm0, $0xb8;
	[tilespmem:$0x18680] =	vst v63  }
0x5af: {  	_ = 	snop  }
0x5b0: {  	[tilespmem:s6], [sflag:$0x1] =	stream.indirect_vreg.gather [hbm4b:s5+s3], $0x80, v3, vm0, $0xb8;
	[tilespmem:$0x18680] =	vst v63  }
0x5b1: {  	_ =	swait.ge [sflag:s7], $0xC000  }
0x5b2: {  	s12 =	sld [smem:$0x7EA]  }
0x5b3: {  	[sflag:s7] =	ssyncset.done $0x0  }
0x5b4: {  	s1 =	simm.s32 $0xC680;
	s6 =	sld [smem:$0x7EB];
	[sflag:s7] =	ssyncadd.s32 $0xFFFF4000  }
0x5b5: {  	[hbm4b:s12+s3] =	stream.linear.scatter [tilespmem:s1], [sflag:$0x2], $0x6000, $0x38;
	[tilespmem:$0x18680] =	vst v63  }
0x5b6: {  	_ = 	snop  }
0x5b7: {  	[hbm4b:s6+s3] =	stream.linear.scatter [tilespmem:s0], [sflag:$0x2], $0x6000, $0x38;
	[tilespmem:$0x18680] =	vst v63  }
0x5b8: {  	_ =	swait.ge [sflag:s10], $0x6000  }
0x5b9: {  	[sflag:s10] =	ssyncset.done $0x0  }
0x5ba: {  	[sflag:s10] =	ssyncadd.s32 $0xFFFFA000  }
0x5bb: {  	_ =	swait.ge [sflag:s10], $0x6000  }
0x5bc: {  	[sflag:s10] =	ssyncset.done $0x0  }
0x5bd: {  	[sflag:s10] =	ssyncadd.s32 $0xFFFFA000  }
0x5be: {  	v3 =	vld [tilespmem:$0x400];
	_ =	sdelay $0x4  }
0x5bf: {  	v28 =	vshrl.u32 v3, $0x3  }
0x5c0: {  	v4 =	vmul.u32 $0x30, v28  }
0x5c1: {  	v3 =	vand.u32 $0x7, v3  }
0x5c2: {  	v3 =	vor.u32 v3, v4  }
0x5c3: {  	v4 =	vperm.xlane v3, v0;
	_ =	sdelay $0x1  }
0x5c4: {  	v4 =	vadd.s32 v1, v4;
	_ =	sdelay $0x3  }
0x5c5: {  	s0 =	simm.s32 $0x680;
	v3 =	vperm.xlane v3, v2  }
0x5c6: {  	[tilespmem:s0], [sflag:$0x1] =	stream.indirect_vreg.gather [hbm4b:s2+s3], $0x80, v4, vm0, $0xb8;
	[tilespmem:$0x18680] =	vst v63  }
0x5c7: {  	s12 =	simm.s32 $0xE80;
	v3 =	vadd.s32 v1, v3  }
0x5c8: {  	[tilespmem:s12], [sflag:$0x1] =	stream.indirect_vreg.gather [hbm4b:s4+s3], $0x80, v4, vm0, $0xb8;
	[tilespmem:$0x18680] =	vst v63  }
0x5c9: {  	s1 =	simm.s32 $0x1680  }
0x5ca: {  	[tilespmem:s1], [sflag:$0x1] =	stream.indirect_vreg.gather [hbm4b:s5+s3], $0x80, v4, vm0, $0xb8;
	[tilespmem:$0x18680] =	vst v63  }
0x5cb: {  	_ = 	snop  }
0x5cc: {  	[tilespmem:s17], [sflag:$0x1] =	stream.indirect_vreg.gather [hbm4b:s2+s3], $0x80, v3, vm0, $0xb8;
	[tilespmem:$0x18680] =	vst v63  }
0x5cd: {  	s6 =	simm.s32 $0x2680  }
0x5ce: {  	[tilespmem:s6], [sflag:$0x1] =	stream.indirect_vreg.gather [hbm4b:s4+s3], $0x80, v3, vm0, $0xb8;
	[tilespmem:$0x18680] =	vst v63  }
0x5cf: {  	_ = 	snop  }
0x5d0: {  	[tilespmem:s25], [sflag:$0x1] =	stream.indirect_vreg.gather [hbm4b:s5+s3], $0x80, v3, vm0, $0xb8;
	[tilespmem:$0x18680] =	vst v63  }
0x5d1: {  	v3 =	vld [tilespmem:$0x410];
	_ =	sdelay $0x4  }
0x5d2: {  	v29 =	vshrl.u32 v3, $0x3  }
0x5d3: {  	v4 =	vmul.u32 $0x30, v29  }
0x5d4: {  	v3 =	vand.u32 $0x7, v3  }
0x5d5: {  	v3 =	vor.u32 v3, v4  }
0x5d6: {  	v4 =	vperm.xlane v3, v0;
	_ =	sdelay $0x1  }
0x5d7: {  	v4 =	vadd.s32 v1, v4;
	_ =	sdelay $0x3  }
0x5d8: {  	v3 =	vperm.xlane v3, v2  }
0x5d9: {  	[tilespmem:s26], [sflag:$0x1] =	stream.indirect_vreg.gather [hbm4b:s2+s3], $0x80, v4, vm0, $0xb8;
	[tilespmem:$0x18680] =	vst v63  }
0x5da: {  	s17 =	simm.s32 $0x3E80;
	v3 =	vadd.s32 v1, v3  }
0x5db: {  	[tilespmem:s17], [sflag:$0x1] =	stream.indirect_vreg.gather [hbm4b:s4+s3], $0x80, v4, vm0, $0xb8;
	[tilespmem:$0x18680] =	vst v63  }
0x5dc: {  	_ = 	snop  }
0x5dd: {  	[tilespmem:s18], [sflag:$0x1] =	stream.indirect_vreg.gather [hbm4b:s5+s3], $0x80, v4, vm0, $0xb8;
	[tilespmem:$0x18680] =	vst v63  }
0x5de: {  	_ = 	snop  }
0x5df: {  	[tilespmem:s19], [sflag:$0x1] =	stream.indirect_vreg.gather [hbm4b:s2+s3], $0x80, v3, vm0, $0xb8;
	[tilespmem:$0x18680] =	vst v63  }
0x5e0: {  	_ = 	snop  }
0x5e1: {  	[tilespmem:s20], [sflag:$0x1] =	stream.indirect_vreg.gather [hbm4b:s4+s3], $0x80, v3, vm0, $0xb8;
	[tilespmem:$0x18680] =	vst v63  }
0x5e2: {  	_ = 	snop  }
0x5e3: {  	[tilespmem:s28], [sflag:$0x1] =	stream.indirect_vreg.gather [hbm4b:s5+s3], $0x80, v3, vm0, $0xb8;
	[tilespmem:$0x18680] =	vst v63  }
0x5e4: {  	v3 =	vld [tilespmem:$0x420];
	_ =	sdelay $0x4  }
0x5e5: {  	v30 =	vshrl.u32 v3, $0x3  }
0x5e6: {  	v4 =	vmul.u32 $0x30, v30  }
0x5e7: {  	v3 =	vand.u32 $0x7, v3  }
0x5e8: {  	v3 =	vor.u32 v3, v4  }
0x5e9: {  	v4 =	vperm.xlane v3, v0;
	_ =	sdelay $0x1  }
0x5ea: {  	v4 =	vadd.s32 v1, v4;
	_ =	sdelay $0x3  }
0x5eb: {  	s25 =	simm.s32 $0x6680;
	v3 =	vperm.xlane v3, v2  }
0x5ec: {  	[tilespmem:s25], [sflag:$0x1] =	stream.indirect_vreg.gather [hbm4b:s2+s3], $0x80, v4, vm0, $0xb8;
	[tilespmem:$0x18680] =	vst v63  }
0x5ed: {  	v3 =	vadd.s32 v1, v3  }
0x5ee: {  	[tilespmem:s21], [sflag:$0x1] =	stream.indirect_vreg.gather [hbm4b:s4+s3], $0x80, v4, vm0, $0xb8;
	[tilespmem:$0x18680] =	vst v63  }
0x5ef: {  	_ = 	snop  }
0x5f0: {  	[tilespmem:s22], [sflag:$0x1] =	stream.indirect_vreg.gather [hbm4b:s5+s3], $0x80, v4, vm0, $0xb8;
	[tilespmem:$0x18680] =	vst v63  }
0x5f1: {  	_ = 	snop  }
0x5f2: {  	[tilespmem:s23], [sflag:$0x1] =	stream.indirect_vreg.gather [hbm4b:s2+s3], $0x80, v3, vm0, $0xb8;
	[tilespmem:$0x18680] =	vst v63  }
0x5f3: {  	_ = 	snop  }
0x5f4: {  	[tilespmem:s24], [sflag:$0x1] =	stream.indirect_vreg.gather [hbm4b:s4+s3], $0x80, v3, vm0, $0xb8;
	[tilespmem:$0x18680] =	vst v63  }
0x5f5: {  	_ = 	snop  }
0x5f6: {  	[tilespmem:s29], [sflag:$0x1] =	stream.indirect_vreg.gather [hbm4b:s5+s3], $0x80, v3, vm0, $0xb8;
	[tilespmem:$0x18680] =	vst v63  }
0x5f7: {  	v3 =	vld [tilespmem:$0x430];
	_ =	sdelay $0x4  }
0x5f8: {  	v31 =	vshrl.u32 v3, $0x3  }
0x5f9: {  	v4 =	vmul.u32 $0x30, v31  }
0x5fa: {  	v3 =	vand.u32 $0x7, v3  }
0x5fb: {  	v3 =	vor.u32 v3, v4  }
0x5fc: {  	v4 =	vperm.xlane v3, v0;
	_ =	sdelay $0x1  }
0x5fd: {  	v4 =	vadd.s32 v1, v4;
	_ =	sdelay $0x3  }
0x5fe: {  	v3 =	vperm.xlane v3, v2  }
0x5ff: {  	[tilespmem:s30], [sflag:$0x1] =	stream.indirect_vreg.gather [hbm4b:s2+s3], $0x80, v4, vm0, $0xb8;
	[tilespmem:$0x18680] =	vst v63  }
0x600: {  	v3 =	vadd.s32 v1, v3  }
0x601: {  	[tilespmem:s31], [sflag:$0x1] =	stream.indirect_vreg.gather [hbm4b:s4+s3], $0x80, v4, vm0, $0xb8;
	[tilespmem:$0x18680] =	vst v63  }
0x602: {  	_ = 	snop  }
0x603: {  	[tilespmem:s14], [sflag:$0x1] =	stream.indirect_vreg.gather [hbm4b:s5+s3], $0x80, v4, vm0, $0xb8;
	[tilespmem:$0x18680] =	vst v63  }
0x604: {  	s26 =	simm.s32 $0xAE80  }
0x605: {  	[tilespmem:s26], [sflag:$0x1] =	stream.indirect_vreg.gather [hbm4b:s2+s3], $0x80, v3, vm0, $0xb8;
	[tilespmem:$0x18680] =	vst v63  }
0x606: {  	_ = 	snop  }
0x607: {  	[tilespmem:s9], [sflag:$0x1] =	stream.indirect_vreg.gather [hbm4b:s4+s3], $0x80, v3, vm0, $0xb8;
	[tilespmem:$0x18680] =	vst v63  }
0x608: {  	_ = 	snop  }
0x609: {  	[tilespmem:s15], [sflag:$0x1] =	stream.indirect_vreg.gather [hbm4b:s5+s3], $0x80, v3, vm0, $0xb8;
	[tilespmem:$0x18680] =	vst v63  }
0x60a: {  	_ =	swait.ge [sflag:s7], $0xC000  }
0x60b: {  	s28 =	sld [smem:$0x7EC]  }
0x60c: {  	[sflag:s7] =	ssyncset.done $0x0  }
0x60d: {  	s29 =	sld [smem:$0x7ED];
	[sflag:s7] =	ssyncadd.s32 $0xFFFF4000  }
0x60e: {  	[hbm4b:s28+s3] =	stream.linear.scatter [tilespmem:s0], [sflag:$0x2], $0x6000, $0x38;
	[tilespmem:$0x18680] =	vst v63  }
0x60f: {  	_ = 	snop  }
0x610: {  	[hbm4b:s29+s3] =	stream.linear.scatter [tilespmem:s25], [sflag:$0x2], $0x6000, $0x38;
	[tilespmem:$0x18680] =	vst v63  }
0x611: {  	_ =	swait.ge [sflag:s10], $0x6000  }
0x612: {  	[sflag:s10] =	ssyncset.done $0x0  }
0x613: {  	[sflag:s10] =	ssyncadd.s32 $0xFFFFA000  }
0x614: {  	_ =	swait.ge [sflag:s10], $0x6000  }
0x615: {  	[sflag:s10] =	ssyncset.done $0x0  }
0x616: {  	[sflag:s10] =	ssyncadd.s32 $0xFFFFA000  }
0x617: {  	v3 =	vld [tilespmem:$0x440];
	_ =	sdelay $0x4  }
0x618: {  	v32 =	vshrl.u32 v3, $0x3  }
0x619: {  	v4 =	vmul.u32 $0x30, v32  }
0x61a: {  	v3 =	vand.u32 $0x7, v3  }
0x61b: {  	v3 =	vor.u32 v3, v4  }
0x61c: {  	v4 =	vperm.xlane v3, v0;
	_ =	sdelay $0x1  }
0x61d: {  	v4 =	vadd.s32 v1, v4;
	_ =	sdelay $0x3  }
0x61e: {  	s14 =	simm.s32 $0xC680;
	v3 =	vperm.xlane v3, v2  }
0x61f: {  	[tilespmem:s14], [sflag:$0x1] =	stream.indirect_vreg.gather [hbm4b:s2+s3], $0x80, v4, vm0, $0xb8;
	[tilespmem:$0x18680] =	vst v63  }
0x620: {  	s30 =	simm.s32 $0xCE80;
	v3 =	vadd.s32 v1, v3  }
0x621: {  	[tilespmem:s30], [sflag:$0x1] =	stream.indirect_vreg.gather [hbm4b:s4+s3], $0x80, v4, vm0, $0xb8;
	[tilespmem:$0x18680] =	vst v63  }
0x622: {  	s31 =	simm.s32 $0xD680  }
0x623: {  	[tilespmem:s31], [sflag:$0x1] =	stream.indirect_vreg.gather [hbm4b:s5+s3], $0x80, v4, vm0, $0xb8;
	[tilespmem:$0x18680] =	vst v63  }
0x624: {  	_ = 	snop  }
0x625: {  	[tilespmem:s8], [sflag:$0x1] =	stream.indirect_vreg.gather [hbm4b:s2+s3], $0x80, v3, vm0, $0xb8;
	[tilespmem:$0x18680] =	vst v63  }
0x626: {  	_ = 	snop  }
0x627: {  	[tilespmem:s16], [sflag:$0x1] =	stream.indirect_vreg.gather [hbm4b:s4+s3], $0x80, v3, vm0, $0xb8;
	[tilespmem:$0x18680] =	vst v63  }
0x628: {  	s9 =	simm.s32 $0xEE80  }
0x629: {  	[tilespmem:s9], [sflag:$0x1] =	stream.indirect_vreg.gather [hbm4b:s5+s3], $0x80, v3, vm0, $0xb8;
	[tilespmem:$0x18680] =	vst v63  }
0x62a: {  	v3 =	vld [tilespmem:$0x450];
	_ =	sdelay $0x4  }
0x62b: {  	v33 =	vshrl.u32 v3, $0x3  }
0x62c: {  	v4 =	vmul.u32 $0x30, v33  }
0x62d: {  	v3 =	vand.u32 $0x7, v3  }
0x62e: {  	v3 =	vor.u32 v3, v4  }
0x62f: {  	v4 =	vperm.xlane v3, v0;
	_ =	sdelay $0x1  }
0x630: {  	v4 =	vadd.s32 v1, v4;
	_ =	sdelay $0x3  }
0x631: {  	s11 =	simm.s32 $0xF680;
	v3 =	vperm.xlane v3, v2  }
0x632: {  	[tilespmem:s11], [sflag:$0x1] =	stream.indirect_vreg.gather [hbm4b:s2+s3], $0x80, v4, vm0, $0xb8;
	[tilespmem:$0x18680] =	vst v63  }
0x633: {  	s12 =	simm.s32 $0xFE80;
	v3 =	vadd.s32 v1, v3  }
0x634: {  	[tilespmem:s12], [sflag:$0x1] =	stream.indirect_vreg.gather [hbm4b:s4+s3], $0x80, v4, vm0, $0xb8;
	[tilespmem:$0x18680] =	vst v63  }
0x635: {  	s15 =	simm.s32 $0x10680  }
0x636: {  	[tilespmem:s15], [sflag:$0x1] =	stream.indirect_vreg.gather [hbm4b:s5+s3], $0x80, v4, vm0, $0xb8;
	[tilespmem:$0x18680] =	vst v63  }
0x637: {  	s16 =	simm.s32 $0x10E80  }
0x638: {  	[tilespmem:s16], [sflag:$0x1] =	stream.indirect_vreg.gather [hbm4b:s2+s3], $0x80, v3, vm0, $0xb8;
	[tilespmem:$0x18680] =	vst v63  }
0x639: {  	s18 =	simm.s32 $0x11680  }
0x63a: {  	[tilespmem:s18], [sflag:$0x1] =	stream.indirect_vreg.gather [hbm4b:s4+s3], $0x80, v3, vm0, $0xb8;
	[tilespmem:$0x18680] =	vst v63  }
0x63b: {  	s19 =	simm.s32 $0x11E80  }
0x63c: {  	[tilespmem:s19], [sflag:$0x1] =	stream.indirect_vreg.gather [hbm4b:s5+s3], $0x80, v3, vm0, $0xb8;
	[tilespmem:$0x18680] =	vst v63  }
0x63d: {  	v3 =	vld [tilespmem:$0x460];
	_ =	sdelay $0x4  }
0x63e: {  	v34 =	vshrl.u32 v3, $0x3  }
0x63f: {  	v4 =	vmul.u32 $0x30, v34  }
0x640: {  	v3 =	vand.u32 $0x7, v3  }
0x641: {  	v3 =	vor.u32 v3, v4  }
0x642: {  	v4 =	vperm.xlane v3, v0;
	_ =	sdelay $0x1  }
0x643: {  	v4 =	vadd.s32 v1, v4;
	_ =	sdelay $0x3  }
0x644: {  	s21 =	simm.s32 $0x12680;
	v3 =	vperm.xlane v3, v2  }
0x645: {  	[tilespmem:s21], [sflag:$0x1] =	stream.indirect_vreg.gather [hbm4b:s2+s3], $0x80, v4, vm0, $0xb8;
	[tilespmem:$0x18680] =	vst v63  }
0x646: {  	s22 =	simm.s32 $0x12E80;
	v3 =	vadd.s32 v1, v3  }
0x647: {  	[tilespmem:s22], [sflag:$0x1] =	stream.indirect_vreg.gather [hbm4b:s4+s3], $0x80, v4, vm0, $0xb8;
	[tilespmem:$0x18680] =	vst v63  }
0x648: {  	s23 =	simm.s32 $0x13680  }
0x649: {  	[tilespmem:s23], [sflag:$0x1] =	stream.indirect_vreg.gather [hbm4b:s5+s3], $0x80, v4, vm0, $0xb8;
	[tilespmem:$0x18680] =	vst v63  }
0x64a: {  	s24 =	simm.s32 $0x13E80  }
0x64b: {  	[tilespmem:s24], [sflag:$0x1] =	stream.indirect_vreg.gather [hbm4b:s2+s3], $0x80, v3, vm0, $0xb8;
	[tilespmem:$0x18680] =	vst v63  }
0x64c: {  	s25 =	simm.s32 $0x14680  }
0x64d: {  	[tilespmem:s25], [sflag:$0x1] =	stream.indirect_vreg.gather [hbm4b:s4+s3], $0x80, v3, vm0, $0xb8;
	[tilespmem:$0x18680] =	vst v63  }
0x64e: {  	s26 =	simm.s32 $0x14E80  }
0x64f: {  	[tilespmem:s26], [sflag:$0x1] =	stream.indirect_vreg.gather [hbm4b:s5+s3], $0x80, v3, vm0, $0xb8;
	[tilespmem:$0x18680] =	vst v63  }
0x650: {  	v3 =	vld [tilespmem:$0x470];
	_ =	sdelay $0x4  }
0x651: {  	v35 =	vshrl.u32 v3, $0x3  }
0x652: {  	v4 =	vmul.u32 $0x30, v35  }
0x653: {  	v3 =	vand.u32 $0x7, v3  }
0x654: {  	v3 =	vor.u32 v3, v4  }
0x655: {  	v4 =	vperm.xlane v3, v0;
	_ =	sdelay $0x1  }
0x656: {  	v4 =	vadd.s32 v1, v4;
	_ =	sdelay $0x3  }
0x657: {  	s15 =	simm.s32 $0x15680;
	v3 =	vperm.xlane v3, v2  }
0x658: {  	[tilespmem:s15], [sflag:$0x1] =	stream.indirect_vreg.gather [hbm4b:s2+s3], $0x80, v4, vm0, $0xb8;
	[tilespmem:$0x18680] =	vst v63  }
0x659: {  	v3 =	vadd.s32 v1, v3  }
0x65a: {  	[tilespmem:s13], [sflag:$0x1] =	stream.indirect_vreg.gather [hbm4b:s4+s3], $0x80, v4, vm0, $0xb8;
	[tilespmem:$0x18680] =	vst v63  }
0x65b: {  	s28 =	simm.s32 $0x16680  }
0x65c: {  	[tilespmem:s28], [sflag:$0x1] =	stream.indirect_vreg.gather [hbm4b:s5+s3], $0x80, v4, vm0, $0xb8;
	[tilespmem:$0x18680] =	vst v63  }
0x65d: {  	s29 =	simm.s32 $0x16E80  }
0x65e: {  	[tilespmem:s29], [sflag:$0x1] =	stream.indirect_vreg.gather [hbm4b:s2+s3], $0x80, v3, vm0, $0xb8;
	[tilespmem:$0x18680] =	vst v63  }
0x65f: {  	s30 =	simm.s32 $0x17680  }
0x660: {  	[tilespmem:s30], [sflag:$0x1] =	stream.indirect_vreg.gather [hbm4b:s4+s3], $0x80, v3, vm0, $0xb8;
	[tilespmem:$0x18680] =	vst v63  }
0x661: {  	s8 =	simm.s32 $0x17E80  }
0x662: {  	[tilespmem:s8], [sflag:$0x1] =	stream.indirect_vreg.gather [hbm4b:s5+s3], $0x80, v3, vm0, $0xb8;
	[tilespmem:$0x18680] =	vst v63  }
0x663: {  	_ =	swait.ge [sflag:s7], $0xC000  }
0x664: {  	s31 =	sld [smem:$0x7EE]  }
0x665: {  	[sflag:s7] =	ssyncset.done $0x0  }
0x666: {  	s0 =	sld [smem:$0x7EF];
	[sflag:s7] =	ssyncadd.s32 $0xFFFF4000  }
0x667: {  	[hbm4b:s31+s3] =	stream.linear.scatter [tilespmem:s14], [sflag:$0x2], $0x6000, $0x38;
	[tilespmem:$0x18680] =	vst v63  }
0x668: {  	_ = 	snop  }
0x669: {  	[hbm4b:s0+s3] =	stream.linear.scatter [tilespmem:s21], [sflag:$0x2], $0x6000, $0x38;
	[tilespmem:$0x18680] =	vst v63  }
0x66a: {  	_ =	swait.ge [sflag:s10], $0x6000  }
0x66b: {  	[sflag:s10] =	ssyncset.done $0x0  }
0x66c: {  	[sflag:s10] =	ssyncadd.s32 $0xFFFFA000  }
0x66d: {  	_ =	swait.ge [sflag:s10], $0x6000  }
0x66e: {  	[sflag:s10] =	ssyncset.done $0x0  }
0x66f: {  	[sflag:s10] =	ssyncadd.s32 $0xFFFFA000  }
0x670: {  	v3 =	vld [tilespmem:$0x480];
	_ =	sdelay $0x4  }
0x671: {  	v36 =	vshrl.u32 v3, $0x3  }
0x672: {  	v4 =	vmul.u32 $0x30, v36  }
0x673: {  	v3 =	vand.u32 $0x7, v3  }
0x674: {  	v3 =	vor.u32 v3, v4  }
0x675: {  	v4 =	vperm.xlane v3, v0;
	_ =	sdelay $0x1  }
0x676: {  	v4 =	vadd.s32 v1, v4;
	_ =	sdelay $0x3  }
0x677: {  	s11 =	simm.s32 $0x680;
	v3 =	vperm.xlane v3, v2  }
0x678: {  	[tilespmem:s11], [sflag:$0x1] =	stream.indirect_vreg.gather [hbm4b:s2+s3], $0x80, v4, vm0, $0xb8;
	[tilespmem:$0x18680] =	vst v63  }
0x679: {  	s9 =	simm.s32 $0xE80;
	v3 =	vadd.s32 v1, v3  }
0x67a: {  	[tilespmem:s9], [sflag:$0x1] =	stream.indirect_vreg.gather [hbm4b:s4+s3], $0x80, v4, vm0, $0xb8;
	[tilespmem:$0x18680] =	vst v63  }
0x67b: {  	_ = 	snop  }
0x67c: {  	[tilespmem:s1], [sflag:$0x1] =	stream.indirect_vreg.gather [hbm4b:s5+s3], $0x80, v4, vm0, $0xb8;
	[tilespmem:$0x18680] =	vst v63  }
0x67d: {  	s13 =	simm.s32 $0x1E80  }
0x67e: {  	[tilespmem:s13], [sflag:$0x1] =	stream.indirect_vreg.gather [hbm4b:s2+s3], $0x80, v3, vm0, $0xb8;
	[tilespmem:$0x18680] =	vst v63  }
0x67f: {  	_ = 	snop  }
0x680: {  	[tilespmem:s6], [sflag:$0x1] =	stream.indirect_vreg.gather [hbm4b:s4+s3], $0x80, v3, vm0, $0xb8;
	[tilespmem:$0x18680] =	vst v63  }
0x681: {  	s24 =	simm.s32 $0x2E80  }
0x682: {  	[tilespmem:s24], [sflag:$0x1] =	stream.indirect_vreg.gather [hbm4b:s5+s3], $0x80, v3, vm0, $0xb8;
	[tilespmem:$0x18680] =	vst v63  }
0x683: {  	v3 =	vld [tilespmem:$0x490];
	_ =	sdelay $0x4  }
0x684: {  	v37 =	vshrl.u32 v3, $0x3  }
0x685: {  	v4 =	vmul.u32 $0x30, v37  }
0x686: {  	v3 =	vand.u32 $0x7, v3  }
0x687: {  	v3 =	vor.u32 v3, v4  }
0x688: {  	v4 =	vperm.xlane v3, v0;
	_ =	sdelay $0x1  }
0x689: {  	v4 =	vadd.s32 v1, v4;
	_ =	sdelay $0x3  }
0x68a: {  	s25 =	simm.s32 $0x3680;
	v3 =	vperm.xlane v3, v2  }
0x68b: {  	[tilespmem:s25], [sflag:$0x1] =	stream.indirect_vreg.gather [hbm4b:s2+s3], $0x80, v4, vm0, $0xb8;
	[tilespmem:$0x18680] =	vst v63  }
0x68c: {  	v3 =	vadd.s32 v1, v3  }
0x68d: {  	[tilespmem:s17], [sflag:$0x1] =	stream.indirect_vreg.gather [hbm4b:s4+s3], $0x80, v4, vm0, $0xb8;
	[tilespmem:$0x18680] =	vst v63  }
0x68e: {  	s16 =	simm.s32 $0x4680  }
0x68f: {  	[tilespmem:s16], [sflag:$0x1] =	stream.indirect_vreg.gather [hbm4b:s5+s3], $0x80, v4, vm0, $0xb8;
	[tilespmem:$0x18680] =	vst v63  }
0x690: {  	s18 =	simm.s32 $0x4E80  }
0x691: {  	[tilespmem:s18], [sflag:$0x1] =	stream.indirect_vreg.gather [hbm4b:s2+s3], $0x80, v3, vm0, $0xb8;
	[tilespmem:$0x18680] =	vst v63  }
0x692: {  	s19 =	simm.s32 $0x5680  }
0x693: {  	[tilespmem:s19], [sflag:$0x1] =	stream.indirect_vreg.gather [hbm4b:s4+s3], $0x80, v3, vm0, $0xb8;
	[tilespmem:$0x18680] =	vst v63  }
0x694: {  	s20 =	simm.s32 $0x5E80  }
0x695: {  	[tilespmem:s20], [sflag:$0x1] =	stream.indirect_vreg.gather [hbm4b:s5+s3], $0x80, v3, vm0, $0xb8;
	[tilespmem:$0x18680] =	vst v63  }
0x696: {  	v3 =	vld [tilespmem:$0x4A0];
	_ =	sdelay $0x4  }
0x697: {  	v38 =	vshrl.u32 v3, $0x3  }
0x698: {  	v4 =	vmul.u32 $0x30, v38  }
0x699: {  	v3 =	vand.u32 $0x7, v3  }
0x69a: {  	v3 =	vor.u32 v3, v4  }
0x69b: {  	v4 =	vperm.xlane v3, v0;
	_ =	sdelay $0x1  }
0x69c: {  	v4 =	vadd.s32 v1, v4;
	_ =	sdelay $0x3  }
0x69d: {  	s0 =	simm.s32 $0x6680;
	v3 =	vperm.xlane v3, v2  }
0x69e: {  	[tilespmem:s0], [sflag:$0x1] =	stream.indirect_vreg.gather [hbm4b:s2+s3], $0x80, v4, vm0, $0xb8;
	[tilespmem:$0x18680] =	vst v63  }
0x69f: {  	s20 =	simm.s32 $0x6E80;
	v3 =	vadd.s32 v1, v3  }
0x6a0: {  	[tilespmem:s20], [sflag:$0x1] =	stream.indirect_vreg.gather [hbm4b:s4+s3], $0x80, v4, vm0, $0xb8;
	[tilespmem:$0x18680] =	vst v63  }
0x6a1: {  	s21 =	simm.s32 $0x7680  }
0x6a2: {  	[tilespmem:s21], [sflag:$0x1] =	stream.indirect_vreg.gather [hbm4b:s5+s3], $0x80, v4, vm0, $0xb8;
	[tilespmem:$0x18680] =	vst v63  }
0x6a3: {  	s22 =	simm.s32 $0x7E80  }
0x6a4: {  	[tilespmem:s22], [sflag:$0x1] =	stream.indirect_vreg.gather [hbm4b:s2+s3], $0x80, v3, vm0, $0xb8;
	[tilespmem:$0x18680] =	vst v63  }
0x6a5: {  	s23 =	simm.s32 $0x8680  }
0x6a6: {  	[tilespmem:s23], [sflag:$0x1] =	stream.indirect_vreg.gather [hbm4b:s4+s3], $0x80, v3, vm0, $0xb8;
	[tilespmem:$0x18680] =	vst v63  }
0x6a7: {  	s26 =	simm.s32 $0x8E80  }
0x6a8: {  	[tilespmem:s26], [sflag:$0x1] =	stream.indirect_vreg.gather [hbm4b:s5+s3], $0x80, v3, vm0, $0xb8;
	[tilespmem:$0x18680] =	vst v63  }
0x6a9: {  	v3 =	vld [tilespmem:$0x4B0];
	_ =	sdelay $0x4  }
0x6aa: {  	v39 =	vshrl.u32 v3, $0x3  }
0x6ab: {  	v4 =	vmul.u32 $0x30, v39  }
0x6ac: {  	v3 =	vand.u32 $0x7, v3  }
0x6ad: {  	v3 =	vor.u32 v3, v4  }
0x6ae: {  	v4 =	vperm.xlane v3, v0;
	_ =	sdelay $0x1  }
0x6af: {  	v4 =	vadd.s32 v1, v4;
	_ =	sdelay $0x3  }
0x6b0: {  	s28 =	simm.s32 $0x9680;
	v3 =	vperm.xlane v3, v2  }
0x6b1: {  	[tilespmem:s28], [sflag:$0x1] =	stream.indirect_vreg.gather [hbm4b:s2+s3], $0x80, v4, vm0, $0xb8;
	[tilespmem:$0x18680] =	vst v63  }
0x6b2: {  	s29 =	simm.s32 $0x9E80;
	v3 =	vadd.s32 v1, v3  }
0x6b3: {  	[tilespmem:s29], [sflag:$0x1] =	stream.indirect_vreg.gather [hbm4b:s4+s3], $0x80, v4, vm0, $0xb8;
	[tilespmem:$0x18680] =	vst v63  }
0x6b4: {  	s30 =	simm.s32 $0xA680  }
0x6b5: {  	[tilespmem:s30], [sflag:$0x1] =	stream.indirect_vreg.gather [hbm4b:s5+s3], $0x80, v4, vm0, $0xb8;
	[tilespmem:$0x18680] =	vst v63  }
0x6b6: {  	s17 =	simm.s32 $0xAE80  }
0x6b7: {  	[tilespmem:s17], [sflag:$0x1] =	stream.indirect_vreg.gather [hbm4b:s2+s3], $0x80, v3, vm0, $0xb8;
	[tilespmem:$0x18680] =	vst v63  }
0x6b8: {  	s12 =	simm.s32 $0xB680  }
0x6b9: {  	[tilespmem:s12], [sflag:$0x1] =	stream.indirect_vreg.gather [hbm4b:s4+s3], $0x80, v3, vm0, $0xb8;
	[tilespmem:$0x18680] =	vst v63  }
0x6ba: {  	s14 =	simm.s32 $0xBE80  }
0x6bb: {  	[tilespmem:s14], [sflag:$0x1] =	stream.indirect_vreg.gather [hbm4b:s5+s3], $0x80, v3, vm0, $0xb8;
	[tilespmem:$0x18680] =	vst v63  }
0x6bc: {  	_ =	swait.ge [sflag:s7], $0xC000  }
0x6bd: {  	s1 =	sld [smem:$0x7F0]  }
0x6be: {  	[sflag:s7] =	ssyncset.done $0x0  }
0x6bf: {  	s6 =	sld [smem:$0x7F1];
	[sflag:s7] =	ssyncadd.s32 $0xFFFF4000  }
0x6c0: {  	[hbm4b:s1+s3] =	stream.linear.scatter [tilespmem:s11], [sflag:$0x2], $0x6000, $0x38;
	[tilespmem:$0x18680] =	vst v63  }
0x6c1: {  	_ = 	snop  }
0x6c2: {  	[hbm4b:s6+s3] =	stream.linear.scatter [tilespmem:s0], [sflag:$0x2], $0x6000, $0x38;
	[tilespmem:$0x18680] =	vst v63  }
0x6c3: {  	_ =	swait.ge [sflag:s10], $0x6000  }
0x6c4: {  	[sflag:s10] =	ssyncset.done $0x0  }
0x6c5: {  	[sflag:s10] =	ssyncadd.s32 $0xFFFFA000  }
0x6c6: {  	_ =	swait.ge [sflag:s10], $0x6000  }
0x6c7: {  	[sflag:s10] =	ssyncset.done $0x0  }
0x6c8: {  	[sflag:s10] =	ssyncadd.s32 $0xFFFFA000  }
0x6c9: {  	v3 =	vld [tilespmem:$0x4C0];
	_ =	sdelay $0x4  }
0x6ca: {  	v40 =	vshrl.u32 v3, $0x3  }
0x6cb: {  	v4 =	vmul.u32 $0x30, v40  }
0x6cc: {  	v3 =	vand.u32 $0x7, v3  }
0x6cd: {  	v3 =	vor.u32 v3, v4  }
0x6ce: {  	v4 =	vperm.xlane v3, v0;
	_ =	sdelay $0x1  }
0x6cf: {  	v4 =	vadd.s32 v1, v4;
	_ =	sdelay $0x3  }
0x6d0: {  	s6 =	simm.s32 $0xC680;
	v3 =	vperm.xlane v3, v2  }
0x6d1: {  	[tilespmem:s6], [sflag:$0x1] =	stream.indirect_vreg.gather [hbm4b:s2+s3], $0x80, v4, vm0, $0xb8;
	[tilespmem:$0x18680] =	vst v63  }
0x6d2: {  	s14 =	simm.s32 $0xCE80;
	v3 =	vadd.s32 v1, v3  }
0x6d3: {  	[tilespmem:s14], [sflag:$0x1] =	stream.indirect_vreg.gather [hbm4b:s4+s3], $0x80, v4, vm0, $0xb8;
	[tilespmem:$0x18680] =	vst v63  }
0x6d4: {  	s31 =	simm.s32 $0xD680  }
0x6d5: {  	[tilespmem:s31], [sflag:$0x1] =	stream.indirect_vreg.gather [hbm4b:s5+s3], $0x80, v4, vm0, $0xb8;
	[tilespmem:$0x18680] =	vst v63  }
0x6d6: {  	s31 =	simm.s32 $0xDE80  }
0x6d7: {  	[tilespmem:s31], [sflag:$0x1] =	stream.indirect_vreg.gather [hbm4b:s2+s3], $0x80, v3, vm0, $0xb8;
	[tilespmem:$0x18680] =	vst v63  }
0x6d8: {  	s0 =	simm.s32 $0xE680  }
0x6d9: {  	[tilespmem:s0], [sflag:$0x1] =	stream.indirect_vreg.gather [hbm4b:s4+s3], $0x80, v3, vm0, $0xb8;
	[tilespmem:$0x18680] =	vst v63  }
0x6da: {  	s12 =	simm.s32 $0xEE80  }
0x6db: {  	[tilespmem:s12], [sflag:$0x1] =	stream.indirect_vreg.gather [hbm4b:s5+s3], $0x80, v3, vm0, $0xb8;
	[tilespmem:$0x18680] =	vst v63  }
0x6dc: {  	v3 =	vld [tilespmem:$0x4D0];
	_ =	sdelay $0x4  }
0x6dd: {  	v41 =	vshrl.u32 v3, $0x3  }
0x6de: {  	v4 =	vmul.u32 $0x30, v41  }
0x6df: {  	v3 =	vand.u32 $0x7, v3  }
0x6e0: {  	v3 =	vor.u32 v3, v4  }
0x6e1: {  	v4 =	vperm.xlane v3, v0;
	_ =	sdelay $0x1  }
0x6e2: {  	v4 =	vadd.s32 v1, v4;
	_ =	sdelay $0x3  }
0x6e3: {  	s14 =	simm.s32 $0xF680;
	v3 =	vperm.xlane v3, v2  }
0x6e4: {  	[tilespmem:s14], [sflag:$0x1] =	stream.indirect_vreg.gather [hbm4b:s2+s3], $0x80, v4, vm0, $0xb8;
	[tilespmem:$0x18680] =	vst v63  }
0x6e5: {  	s0 =	simm.s32 $0xFE80;
	v3 =	vadd.s32 v1, v3  }
0x6e6: {  	[tilespmem:s0], [sflag:$0x1] =	stream.indirect_vreg.gather [hbm4b:s4+s3], $0x80, v4, vm0, $0xb8;
	[tilespmem:$0x18680] =	vst v63  }
0x6e7: {  	s12 =	simm.s32 $0x10680  }
0x6e8: {  	[tilespmem:s12], [sflag:$0x1] =	stream.indirect_vreg.gather [hbm4b:s5+s3], $0x80, v4, vm0, $0xb8;
	[tilespmem:$0x18680] =	vst v63  }
0x6e9: {  	s14 =	simm.s32 $0x10E80  }
0x6ea: {  	[tilespmem:s14], [sflag:$0x1] =	stream.indirect_vreg.gather [hbm4b:s2+s3], $0x80, v3, vm0, $0xb8;
	[tilespmem:$0x18680] =	vst v63  }
0x6eb: {  	s0 =	simm.s32 $0x11680  }
0x6ec: {  	[tilespmem:s0], [sflag:$0x1] =	stream.indirect_vreg.gather [hbm4b:s4+s3], $0x80, v3, vm0, $0xb8;
	[tilespmem:$0x18680] =	vst v63  }
0x6ed: {  	s12 =	simm.s32 $0x11E80  }
0x6ee: {  	[tilespmem:s12], [sflag:$0x1] =	stream.indirect_vreg.gather [hbm4b:s5+s3], $0x80, v3, vm0, $0xb8;
	[tilespmem:$0x18680] =	vst v63  }
0x6ef: {  	v3 =	vld [tilespmem:$0x4E0];
	_ =	sdelay $0x4  }
0x6f0: {  	v42 =	vshrl.u32 v3, $0x3  }
0x6f1: {  	v4 =	vmul.u32 $0x30, v42  }
0x6f2: {  	v3 =	vand.u32 $0x7, v3  }
0x6f3: {  	v3 =	vor.u32 v3, v4  }
0x6f4: {  	v4 =	vperm.xlane v3, v0;
	_ =	sdelay $0x1  }
0x6f5: {  	v4 =	vadd.s32 v1, v4;
	_ =	sdelay $0x3  }
0x6f6: {  	s0 =	simm.s32 $0x12680;
	v3 =	vperm.xlane v3, v2  }
0x6f7: {  	[tilespmem:s0], [sflag:$0x1] =	stream.indirect_vreg.gather [hbm4b:s2+s3], $0x80, v4, vm0, $0xb8;
	[tilespmem:$0x18680] =	vst v63  }
0x6f8: {  	s14 =	simm.s32 $0x12E80;
	v3 =	vadd.s32 v1, v3  }
0x6f9: {  	[tilespmem:s14], [sflag:$0x1] =	stream.indirect_vreg.gather [hbm4b:s4+s3], $0x80, v4, vm0, $0xb8;
	[tilespmem:$0x18680] =	vst v63  }
0x6fa: {  	s12 =	simm.s32 $0x13680  }
0x6fb: {  	[tilespmem:s12], [sflag:$0x1] =	stream.indirect_vreg.gather [hbm4b:s5+s3], $0x80, v4, vm0, $0xb8;
	[tilespmem:$0x18680] =	vst v63  }
0x6fc: {  	s14 =	simm.s32 $0x13E80  }
0x6fd: {  	[tilespmem:s14], [sflag:$0x1] =	stream.indirect_vreg.gather [hbm4b:s2+s3], $0x80, v3, vm0, $0xb8;
	[tilespmem:$0x18680] =	vst v63  }
0x6fe: {  	s12 =	simm.s32 $0x14680  }
0x6ff: {  	[tilespmem:s12], [sflag:$0x1] =	stream.indirect_vreg.gather [hbm4b:s4+s3], $0x80, v3, vm0, $0xb8;
	[tilespmem:$0x18680] =	vst v63  }
0x700: {  	s14 =	simm.s32 $0x14E80  }
0x701: {  	[tilespmem:s14], [sflag:$0x1] =	stream.indirect_vreg.gather [hbm4b:s5+s3], $0x80, v3, vm0, $0xb8;
	[tilespmem:$0x18680] =	vst v63  }
0x702: {  	v3 =	vld [tilespmem:$0x4F0];
	_ =	sdelay $0x4  }
0x703: {  	v43 =	vshrl.u32 v3, $0x3  }
0x704: {  	v4 =	vmul.u32 $0x30, v43  }
0x705: {  	v3 =	vand.u32 $0x7, v3  }
0x706: {  	v3 =	vor.u32 v3, v4  }
0x707: {  	v4 =	vperm.xlane v3, v0;
	_ =	sdelay $0x1  }
0x708: {  	v4 =	vadd.s32 v1, v4;
	_ =	sdelay $0x3  }
0x709: {  	v3 =	vperm.xlane v3, v2  }
0x70a: {  	[tilespmem:s15], [sflag:$0x1] =	stream.indirect_vreg.gather [hbm4b:s2+s3], $0x80, v4, vm0, $0xb8;
	[tilespmem:$0x18680] =	vst v63  }
0x70b: {  	s12 =	simm.s32 $0x15E80;
	v3 =	vadd.s32 v1, v3  }
0x70c: {  	[tilespmem:s12], [sflag:$0x1] =	stream.indirect_vreg.gather [hbm4b:s4+s3], $0x80, v4, vm0, $0xb8;
	[tilespmem:$0x18680] =	vst v63  }
0x70d: {  	s14 =	simm.s32 $0x16680  }
0x70e: {  	[tilespmem:s14], [sflag:$0x1] =	stream.indirect_vreg.gather [hbm4b:s5+s3], $0x80, v4, vm0, $0xb8;
	[tilespmem:$0x18680] =	vst v63  }
0x70f: {  	s15 =	simm.s32 $0x16E80  }
0x710: {  	[tilespmem:s15], [sflag:$0x1] =	stream.indirect_vreg.gather [hbm4b:s2+s3], $0x80, v3, vm0, $0xb8;
	[tilespmem:$0x18680] =	vst v63  }
0x711: {  	s12 =	simm.s32 $0x17680  }
0x712: {  	[tilespmem:s12], [sflag:$0x1] =	stream.indirect_vreg.gather [hbm4b:s4+s3], $0x80, v3, vm0, $0xb8;
	[tilespmem:$0x18680] =	vst v63  }
0x713: {  	_ = 	snop  }
0x714: {  	[tilespmem:s8], [sflag:$0x1] =	stream.indirect_vreg.gather [hbm4b:s5+s3], $0x80, v3, vm0, $0xb8;
	[tilespmem:$0x18680] =	vst v63  }
0x715: {  	_ =	swait.ge [sflag:s7], $0xC000  }
0x716: {  	s14 =	sld [smem:$0x7F2]  }
0x717: {  	[sflag:s7] =	ssyncset.done $0x0  }
0x718: {  	s15 =	sld [smem:$0x7F3];
	[sflag:s7] =	ssyncadd.s32 $0xFFFF4000  }
0x719: {  	[hbm4b:s14+s3] =	stream.linear.scatter [tilespmem:s6], [sflag:$0x2], $0x6000, $0x38;
	[tilespmem:$0x18680] =	vst v63  }
0x71a: {  	_ = 	snop  }
0x71b: {  	[hbm4b:s15+s3] =	stream.linear.scatter [tilespmem:s0], [sflag:$0x2], $0x6000, $0x38;
	[tilespmem:$0x18680] =	vst v63  }
0x71c: {  	_ =	swait.ge [sflag:s10], $0x6000  }
0x71d: {  	[sflag:s10] =	ssyncset.done $0x0  }
0x71e: {  	[sflag:s10] =	ssyncadd.s32 $0xFFFFA000  }
0x71f: {  	_ =	swait.ge [sflag:s10], $0x6000  }
0x720: {  	[sflag:s10] =	ssyncset.done $0x0  }
0x721: {  	[sflag:s10] =	ssyncadd.s32 $0xFFFFA000  }
0x722: {  	v3 =	vld [tilespmem:$0x500];
	_ =	sdelay $0x4  }
0x723: {  	v44 =	vshrl.u32 v3, $0x3  }
0x724: {  	v4 =	vmul.u32 $0x30, v44  }
0x725: {  	v3 =	vand.u32 $0x7, v3  }
0x726: {  	v3 =	vor.u32 v3, v4  }
0x727: {  	v4 =	vperm.xlane v3, v0;
	_ =	sdelay $0x1  }
0x728: {  	v4 =	vadd.s32 v1, v4;
	_ =	sdelay $0x3  }
0x729: {  	s1 =	simm.s32 $0x680;
	v3 =	vperm.xlane v3, v2  }
0x72a: {  	[tilespmem:s1], [sflag:$0x1] =	stream.indirect_vreg.gather [hbm4b:s2+s3], $0x80, v4, vm0, $0xb8;
	[tilespmem:$0x18680] =	vst v63  }
0x72b: {  	v3 =	vadd.s32 v1, v3  }
0x72c: {  	[tilespmem:s9], [sflag:$0x1] =	stream.indirect_vreg.gather [hbm4b:s4+s3], $0x80, v4, vm0, $0xb8;
	[tilespmem:$0x18680] =	vst v63  }
0x72d: {  	s15 =	simm.s32 $0x1680  }
0x72e: {  	[tilespmem:s15], [sflag:$0x1] =	stream.indirect_vreg.gather [hbm4b:s5+s3], $0x80, v4, vm0, $0xb8;
	[tilespmem:$0x18680] =	vst v63  }
0x72f: {  	_ = 	snop  }
0x730: {  	[tilespmem:s13], [sflag:$0x1] =	stream.indirect_vreg.gather [hbm4b:s2+s3], $0x80, v3, vm0, $0xb8;
	[tilespmem:$0x18680] =	vst v63  }
0x731: {  	s14 =	simm.s32 $0x2680  }
0x732: {  	[tilespmem:s14], [sflag:$0x1] =	stream.indirect_vreg.gather [hbm4b:s4+s3], $0x80, v3, vm0, $0xb8;
	[tilespmem:$0x18680] =	vst v63  }
0x733: {  	_ = 	snop  }
0x734: {  	[tilespmem:s24], [sflag:$0x1] =	stream.indirect_vreg.gather [hbm4b:s5+s3], $0x80, v3, vm0, $0xb8;
	[tilespmem:$0x18680] =	vst v63  }
0x735: {  	v3 =	vld [tilespmem:$0x510];
	_ =	sdelay $0x4  }
0x736: {  	v45 =	vshrl.u32 v3, $0x3  }
0x737: {  	v4 =	vmul.u32 $0x30, v45  }
0x738: {  	v3 =	vand.u32 $0x7, v3  }
0x739: {  	v3 =	vor.u32 v3, v4  }
0x73a: {  	v4 =	vperm.xlane v3, v0;
	_ =	sdelay $0x1  }
0x73b: {  	v4 =	vadd.s32 v1, v4;
	_ =	sdelay $0x3  }
0x73c: {  	v3 =	vperm.xlane v3, v2  }
0x73d: {  	[tilespmem:s25], [sflag:$0x1] =	stream.indirect_vreg.gather [hbm4b:s2+s3], $0x80, v4, vm0, $0xb8;
	[tilespmem:$0x18680] =	vst v63  }
0x73e: {  	s24 =	simm.s32 $0x3E80;
	v3 =	vadd.s32 v1, v3  }
0x73f: {  	[tilespmem:s24], [sflag:$0x1] =	stream.indirect_vreg.gather [hbm4b:s4+s3], $0x80, v4, vm0, $0xb8;
	[tilespmem:$0x18680] =	vst v63  }
0x740: {  	_ = 	snop  }
0x741: {  	[tilespmem:s16], [sflag:$0x1] =	stream.indirect_vreg.gather [hbm4b:s5+s3], $0x80, v4, vm0, $0xb8;
	[tilespmem:$0x18680] =	vst v63  }
0x742: {  	_ = 	snop  }
0x743: {  	[tilespmem:s18], [sflag:$0x1] =	stream.indirect_vreg.gather [hbm4b:s2+s3], $0x80, v3, vm0, $0xb8;
	[tilespmem:$0x18680] =	vst v63  }
0x744: {  	_ = 	snop  }
0x745: {  	[tilespmem:s19], [sflag:$0x1] =	stream.indirect_vreg.gather [hbm4b:s4+s3], $0x80, v3, vm0, $0xb8;
	[tilespmem:$0x18680] =	vst v63  }
0x746: {  	s13 =	simm.s32 $0x5E80  }
0x747: {  	[tilespmem:s13], [sflag:$0x1] =	stream.indirect_vreg.gather [hbm4b:s5+s3], $0x80, v3, vm0, $0xb8;
	[tilespmem:$0x18680] =	vst v63  }
0x748: {  	v3 =	vld [tilespmem:$0x520];
	_ =	sdelay $0x4  }
0x749: {  	v46 =	vshrl.u32 v3, $0x3  }
0x74a: {  	v4 =	vmul.u32 $0x30, v46  }
0x74b: {  	v3 =	vand.u32 $0x7, v3  }
0x74c: {  	v3 =	vor.u32 v3, v4  }
0x74d: {  	v4 =	vperm.xlane v3, v0;
	_ =	sdelay $0x1  }
0x74e: {  	v4 =	vadd.s32 v1, v4;
	_ =	sdelay $0x3  }
0x74f: {  	s25 =	simm.s32 $0x6680;
	v3 =	vperm.xlane v3, v2  }
0x750: {  	[tilespmem:s25], [sflag:$0x1] =	stream.indirect_vreg.gather [hbm4b:s2+s3], $0x80, v4, vm0, $0xb8;
	[tilespmem:$0x18680] =	vst v63  }
0x751: {  	v3 =	vadd.s32 v1, v3  }
0x752: {  	[tilespmem:s20], [sflag:$0x1] =	stream.indirect_vreg.gather [hbm4b:s4+s3], $0x80, v4, vm0, $0xb8;
	[tilespmem:$0x18680] =	vst v63  }
0x753: {  	_ = 	snop  }
0x754: {  	[tilespmem:s21], [sflag:$0x1] =	stream.indirect_vreg.gather [hbm4b:s5+s3], $0x80, v4, vm0, $0xb8;
	[tilespmem:$0x18680] =	vst v63  }
0x755: {  	_ = 	snop  }
0x756: {  	[tilespmem:s22], [sflag:$0x1] =	stream.indirect_vreg.gather [hbm4b:s2+s3], $0x80, v3, vm0, $0xb8;
	[tilespmem:$0x18680] =	vst v63  }
0x757: {  	_ = 	snop  }
0x758: {  	[tilespmem:s23], [sflag:$0x1] =	stream.indirect_vreg.gather [hbm4b:s4+s3], $0x80, v3, vm0, $0xb8;
	[tilespmem:$0x18680] =	vst v63  }
0x759: {  	_ = 	snop  }
0x75a: {  	[tilespmem:s26], [sflag:$0x1] =	stream.indirect_vreg.gather [hbm4b:s5+s3], $0x80, v3, vm0, $0xb8;
	[tilespmem:$0x18680] =	vst v63  }
0x75b: {  	v3 =	vld [tilespmem:$0x530];
	_ =	sdelay $0x4  }
0x75c: {  	v47 =	vshrl.u32 v3, $0x3  }
0x75d: {  	v4 =	vmul.u32 $0x30, v47  }
0x75e: {  	v3 =	vand.u32 $0x7, v3  }
0x75f: {  	v3 =	vor.u32 v3, v4  }
0x760: {  	v4 =	vperm.xlane v3, v0;
	_ =	sdelay $0x1  }
0x761: {  	v4 =	vadd.s32 v1, v4;
	_ =	sdelay $0x3  }
0x762: {  	v3 =	vperm.xlane v3, v2  }
0x763: {  	[tilespmem:s28], [sflag:$0x1] =	stream.indirect_vreg.gather [hbm4b:s2+s3], $0x80, v4, vm0, $0xb8;
	[tilespmem:$0x18680] =	vst v63  }
0x764: {  	v3 =	vadd.s32 v1, v3  }
0x765: {  	[tilespmem:s29], [sflag:$0x1] =	stream.indirect_vreg.gather [hbm4b:s4+s3], $0x80, v4, vm0, $0xb8;
	[tilespmem:$0x18680] =	vst v63  }
0x766: {  	_ = 	snop  }
0x767: {  	[tilespmem:s30], [sflag:$0x1] =	stream.indirect_vreg.gather [hbm4b:s5+s3], $0x80, v4, vm0, $0xb8;
	[tilespmem:$0x18680] =	vst v63  }
0x768: {  	_ = 	snop  }
0x769: {  	[tilespmem:s17], [sflag:$0x1] =	stream.indirect_vreg.gather [hbm4b:s2+s3], $0x80, v3, vm0, $0xb8;
	[tilespmem:$0x18680] =	vst v63  }
0x76a: {  	s26 =	simm.s32 $0xB680  }
0x76b: {  	[tilespmem:s26], [sflag:$0x1] =	stream.indirect_vreg.gather [hbm4b:s4+s3], $0x80, v3, vm0, $0xb8;
	[tilespmem:$0x18680] =	vst v63  }
0x76c: {  	s28 =	simm.s32 $0xBE80  }
0x76d: {  	[tilespmem:s28], [sflag:$0x1] =	stream.indirect_vreg.gather [hbm4b:s5+s3], $0x80, v3, vm0, $0xb8;
	[tilespmem:$0x18680] =	vst v63  }
0x76e: {  	_ =	swait.ge [sflag:s7], $0xC000  }
0x76f: {  	s29 =	sld [smem:$0x7F4]  }
0x770: {  	[sflag:s7] =	ssyncset.done $0x0  }
0x771: {  	s30 =	sld [smem:$0x7F5];
	[sflag:s7] =	ssyncadd.s32 $0xFFFF4000  }
0x772: {  	[hbm4b:s29+s3] =	stream.linear.scatter [tilespmem:s1], [sflag:$0x2], $0x6000, $0x38;
	[tilespmem:$0x18680] =	vst v63  }
0x773: {  	_ = 	snop  }
0x774: {  	[hbm4b:s30+s3] =	stream.linear.scatter [tilespmem:s25], [sflag:$0x2], $0x6000, $0x38;
	[tilespmem:$0x18680] =	vst v63  }
0x775: {  	_ =	swait.ge [sflag:s10], $0x6000  }
0x776: {  	[sflag:s10] =	ssyncset.done $0x0  }
0x777: {  	[sflag:s10] =	ssyncadd.s32 $0xFFFFA000  }
0x778: {  	_ =	swait.ge [sflag:s10], $0x6000  }
0x779: {  	[sflag:s10] =	ssyncset.done $0x0  }
0x77a: {  	[sflag:s10] =	ssyncadd.s32 $0xFFFFA000  }
0x77b: {  	v3 =	vld [tilespmem:$0x540];
	_ =	sdelay $0x4  }
0x77c: {  	v48 =	vshrl.u32 v3, $0x3  }
0x77d: {  	v4 =	vmul.u32 $0x30, v48  }
0x77e: {  	v3 =	vand.u32 $0x7, v3  }
0x77f: {  	v3 =	vor.u32 v3, v4  }
0x780: {  	v4 =	vperm.xlane v3, v0;
	_ =	sdelay $0x1  }
0x781: {  	v4 =	vadd.s32 v1, v4;
	_ =	sdelay $0x3  }
0x782: {  	s6 =	simm.s32 $0xC680;
	v3 =	vperm.xlane v3, v2  }
0x783: {  	[tilespmem:s6], [sflag:$0x1] =	stream.indirect_vreg.gather [hbm4b:s2+s3], $0x80, v4, vm0, $0xb8;
	[tilespmem:$0x18680] =	vst v63  }
0x784: {  	s0 =	simm.s32 $0xCE80;
	v3 =	vadd.s32 v1, v3  }
0x785: {  	[tilespmem:s0], [sflag:$0x1] =	stream.indirect_vreg.gather [hbm4b:s4+s3], $0x80, v4, vm0, $0xb8;
	[tilespmem:$0x18680] =	vst v63  }
0x786: {  	s8 =	simm.s32 $0xD680  }
0x787: {  	[tilespmem:s8], [sflag:$0x1] =	stream.indirect_vreg.gather [hbm4b:s5+s3], $0x80, v4, vm0, $0xb8;
	[tilespmem:$0x18680] =	vst v63  }
0x788: {  	_ = 	snop  }
0x789: {  	[tilespmem:s31], [sflag:$0x1] =	stream.indirect_vreg.gather [hbm4b:s2+s3], $0x80, v3, vm0, $0xb8;
	[tilespmem:$0x18680] =	vst v63  }
0x78a: {  	s9 =	simm.s32 $0xE680  }
0x78b: {  	[tilespmem:s9], [sflag:$0x1] =	stream.indirect_vreg.gather [hbm4b:s4+s3], $0x80, v3, vm0, $0xb8;
	[tilespmem:$0x18680] =	vst v63  }
0x78c: {  	s11 =	simm.s32 $0xEE80  }
0x78d: {  	[tilespmem:s11], [sflag:$0x1] =	stream.indirect_vreg.gather [hbm4b:s5+s3], $0x80, v3, vm0, $0xb8;
	[tilespmem:$0x18680] =	vst v63  }
0x78e: {  	v3 =	vld [tilespmem:$0x550];
	_ =	sdelay $0x4  }
0x78f: {  	v49 =	vshrl.u32 v3, $0x3  }
0x790: {  	v4 =	vmul.u32 $0x30, v49  }
0x791: {  	v3 =	vand.u32 $0x7, v3  }
0x792: {  	v3 =	vor.u32 v3, v4  }
0x793: {  	v4 =	vperm.xlane v3, v0;
	_ =	sdelay $0x1  }
0x794: {  	v4 =	vadd.s32 v1, v4;
	_ =	sdelay $0x3  }
0x795: {  	s12 =	simm.s32 $0xF680;
	v3 =	vperm.xlane v3, v2  }
0x796: {  	[tilespmem:s12], [sflag:$0x1] =	stream.indirect_vreg.gather [hbm4b:s2+s3], $0x80, v4, vm0, $0xb8;
	[tilespmem:$0x18680] =	vst v63  }
0x797: {  	s16 =	simm.s32 $0xFE80;
	v3 =	vadd.s32 v1, v3  }
0x798: {  	[tilespmem:s16], [sflag:$0x1] =	stream.indirect_vreg.gather [hbm4b:s4+s3], $0x80, v4, vm0, $0xb8;
	[tilespmem:$0x18680] =	vst v63  }
0x799: {  	s18 =	simm.s32 $0x10680  }
0x79a: {  	[tilespmem:s18], [sflag:$0x1] =	stream.indirect_vreg.gather [hbm4b:s5+s3], $0x80, v4, vm0, $0xb8;
	[tilespmem:$0x18680] =	vst v63  }
0x79b: {  	s19 =	simm.s32 $0x10E80  }
0x79c: {  	[tilespmem:s19], [sflag:$0x1] =	stream.indirect_vreg.gather [hbm4b:s2+s3], $0x80, v3, vm0, $0xb8;
	[tilespmem:$0x18680] =	vst v63  }
0x79d: {  	s20 =	simm.s32 $0x11680  }
0x79e: {  	[tilespmem:s20], [sflag:$0x1] =	stream.indirect_vreg.gather [hbm4b:s4+s3], $0x80, v3, vm0, $0xb8;
	[tilespmem:$0x18680] =	vst v63  }
0x79f: {  	s21 =	simm.s32 $0x11E80  }
0x7a0: {  	[tilespmem:s21], [sflag:$0x1] =	stream.indirect_vreg.gather [hbm4b:s5+s3], $0x80, v3, vm0, $0xb8;
	[tilespmem:$0x18680] =	vst v63  }
0x7a1: {  	v3 =	vld [tilespmem:$0x560];
	_ =	sdelay $0x4  }
0x7a2: {  	v50 =	vshrl.u32 v3, $0x3  }
0x7a3: {  	v4 =	vmul.u32 $0x30, v50  }
0x7a4: {  	v3 =	vand.u32 $0x7, v3  }
0x7a5: {  	v3 =	vor.u32 v3, v4  }
0x7a6: {  	v4 =	vperm.xlane v3, v0;
	_ =	sdelay $0x1  }
0x7a7: {  	v4 =	vadd.s32 v1, v4;
	_ =	sdelay $0x3  }
0x7a8: {  	s0 =	simm.s32 $0x12680;
	v3 =	vperm.xlane v3, v2  }
0x7a9: {  	[tilespmem:s0], [sflag:$0x1] =	stream.indirect_vreg.gather [hbm4b:s2+s3], $0x80, v4, vm0, $0xb8;
	[tilespmem:$0x18680] =	vst v63  }
0x7aa: {  	s22 =	simm.s32 $0x12E80;
	v3 =	vadd.s32 v1, v3  }
0x7ab: {  	[tilespmem:s22], [sflag:$0x1] =	stream.indirect_vreg.gather [hbm4b:s4+s3], $0x80, v4, vm0, $0xb8;
	[tilespmem:$0x18680] =	vst v63  }
0x7ac: {  	s26 =	simm.s32 $0x13680  }
0x7ad: {  	[tilespmem:s26], [sflag:$0x1] =	stream.indirect_vreg.gather [hbm4b:s5+s3], $0x80, v4, vm0, $0xb8;
	[tilespmem:$0x18680] =	vst v63  }
0x7ae: {  	s1 =	simm.s32 $0x13E80  }
0x7af: {  	[tilespmem:s1], [sflag:$0x1] =	stream.indirect_vreg.gather [hbm4b:s2+s3], $0x80, v3, vm0, $0xb8;
	[tilespmem:$0x18680] =	vst v63  }
0x7b0: {  	s8 =	simm.s32 $0x14680  }
0x7b1: {  	[tilespmem:s8], [sflag:$0x1] =	stream.indirect_vreg.gather [hbm4b:s4+s3], $0x80, v3, vm0, $0xb8;
	[tilespmem:$0x18680] =	vst v63  }
0x7b2: {  	s9 =	simm.s32 $0x14E80  }
0x7b3: {  	[tilespmem:s9], [sflag:$0x1] =	stream.indirect_vreg.gather [hbm4b:s5+s3], $0x80, v3, vm0, $0xb8;
	[tilespmem:$0x18680] =	vst v63  }
0x7b4: {  	v3 =	vld [tilespmem:$0x570];
	_ =	sdelay $0x4  }
0x7b5: {  	v51 =	vshrl.u32 v3, $0x3  }
0x7b6: {  	v4 =	vmul.u32 $0x30, v51  }
0x7b7: {  	v3 =	vand.u32 $0x7, v3  }
0x7b8: {  	v3 =	vor.u32 v3, v4  }
0x7b9: {  	v4 =	vperm.xlane v3, v0;
	_ =	sdelay $0x1  }
0x7ba: {  	v4 =	vadd.s32 v1, v4;
	_ =	sdelay $0x3  }
0x7bb: {  	s16 =	simm.s32 $0x15680;
	v3 =	vperm.xlane v3, v2  }
0x7bc: {  	[tilespmem:s16], [sflag:$0x1] =	stream.indirect_vreg.gather [hbm4b:s2+s3], $0x80, v4, vm0, $0xb8;
	[tilespmem:$0x18680] =	vst v63  }
0x7bd: {  	s12 =	simm.s32 $0x15E80;
	v3 =	vadd.s32 v1, v3  }
0x7be: {  	[tilespmem:s12], [sflag:$0x1] =	stream.indirect_vreg.gather [hbm4b:s4+s3], $0x80, v4, vm0, $0xb8;
	[tilespmem:$0x18680] =	vst v63  }
0x7bf: {  	s20 =	simm.s32 $0x16680  }
0x7c0: {  	[tilespmem:s20], [sflag:$0x1] =	stream.indirect_vreg.gather [hbm4b:s5+s3], $0x80, v4, vm0, $0xb8;
	[tilespmem:$0x18680] =	vst v63  }
0x7c1: {  	s21 =	simm.s32 $0x16E80  }
0x7c2: {  	[tilespmem:s21], [sflag:$0x1] =	stream.indirect_vreg.gather [hbm4b:s2+s3], $0x80, v3, vm0, $0xb8;
	[tilespmem:$0x18680] =	vst v63  }
0x7c3: {  	s22 =	simm.s32 $0x17680  }
0x7c4: {  	[tilespmem:s22], [sflag:$0x1] =	stream.indirect_vreg.gather [hbm4b:s4+s3], $0x80, v3, vm0, $0xb8;
	[tilespmem:$0x18680] =	vst v63  }
0x7c5: {  	s8 =	simm.s32 $0x17E80  }
0x7c6: {  	[tilespmem:s8], [sflag:$0x1] =	stream.indirect_vreg.gather [hbm4b:s5+s3], $0x80, v3, vm0, $0xb8;
	[tilespmem:$0x18680] =	vst v63  }
0x7c7: {  	_ =	swait.ge [sflag:s7], $0xC000  }
0x7c8: {  	s1 =	sld [smem:$0x7F6]  }
0x7c9: {  	[sflag:s7] =	ssyncset.done $0x0  }
0x7ca: {  	s9 =	sld [smem:$0x7F7];
	[sflag:s7] =	ssyncadd.s32 $0xFFFF4000  }
0x7cb: {  	[hbm4b:s1+s3] =	stream.linear.scatter [tilespmem:s6], [sflag:$0x2], $0x6000, $0x38;
	[tilespmem:$0x18680] =	vst v63  }
0x7cc: {  	_ = 	snop  }
0x7cd: {  	[hbm4b:s9+s3] =	stream.linear.scatter [tilespmem:s0], [sflag:$0x2], $0x6000, $0x38;
	[tilespmem:$0x18680] =	vst v63  }
0x7ce: {  	_ =	swait.ge [sflag:s10], $0x6000  }
0x7cf: {  	[sflag:s10] =	ssyncset.done $0x0  }
0x7d0: {  	[sflag:s10] =	ssyncadd.s32 $0xFFFFA000  }
0x7d1: {  	_ =	swait.ge [sflag:s10], $0x6000  }
0x7d2: {  	[sflag:s10] =	ssyncset.done $0x0  }
0x7d3: {  	[sflag:s10] =	ssyncadd.s32 $0xFFFFA000  }
0x7d4: {  	v3 =	vld [tilespmem:$0x580];
	_ =	sdelay $0x4  }
0x7d5: {  	v52 =	vshrl.u32 v3, $0x3  }
0x7d6: {  	v4 =	vmul.u32 $0x30, v52  }
0x7d7: {  	v3 =	vand.u32 $0x7, v3  }
0x7d8: {  	v3 =	vor.u32 v3, v4  }
0x7d9: {  	v4 =	vperm.xlane v3, v0;
	_ =	sdelay $0x1  }
0x7da: {  	v4 =	vadd.s32 v1, v4;
	_ =	sdelay $0x3  }
0x7db: {  	s0 =	simm.s32 $0x680;
	v3 =	vperm.xlane v3, v2  }
0x7dc: {  	[tilespmem:s0], [sflag:$0x1] =	stream.indirect_vreg.gather [hbm4b:s2+s3], $0x80, v4, vm0, $0xb8;
	[tilespmem:$0x18680] =	vst v63  }
0x7dd: {  	s9 =	simm.s32 $0xE80;
	v3 =	vadd.s32 v1, v3  }
0x7de: {  	[tilespmem:s9], [sflag:$0x1] =	stream.indirect_vreg.gather [hbm4b:s4+s3], $0x80, v4, vm0, $0xb8;
	[tilespmem:$0x18680] =	vst v63  }
0x7df: {  	_ = 	snop  }
0x7e0: {  	[tilespmem:s15], [sflag:$0x1] =	stream.indirect_vreg.gather [hbm4b:s5+s3], $0x80, v4, vm0, $0xb8;
	[tilespmem:$0x18680] =	vst v63  }
0x7e1: {  	s12 =	simm.s32 $0x1E80  }
0x7e2: {  	[tilespmem:s12], [sflag:$0x1] =	stream.indirect_vreg.gather [hbm4b:s2+s3], $0x80, v3, vm0, $0xb8;
	[tilespmem:$0x18680] =	vst v63  }
0x7e3: {  	_ = 	snop  }
0x7e4: {  	[tilespmem:s14], [sflag:$0x1] =	stream.indirect_vreg.gather [hbm4b:s4+s3], $0x80, v3, vm0, $0xb8;
	[tilespmem:$0x18680] =	vst v63  }
0x7e5: {  	s14 =	simm.s32 $0x2E80  }
0x7e6: {  	[tilespmem:s14], [sflag:$0x1] =	stream.indirect_vreg.gather [hbm4b:s5+s3], $0x80, v3, vm0, $0xb8;
	[tilespmem:$0x18680] =	vst v63  }
0x7e7: {  	v3 =	vld [tilespmem:$0x590];
	_ =	sdelay $0x4  }
0x7e8: {  	v53 =	vshrl.u32 v3, $0x3  }
0x7e9: {  	v4 =	vmul.u32 $0x30, v53  }
0x7ea: {  	v3 =	vand.u32 $0x7, v3  }
0x7eb: {  	v3 =	vor.u32 v3, v4  }
0x7ec: {  	v4 =	vperm.xlane v3, v0;
	_ =	sdelay $0x1  }
0x7ed: {  	v4 =	vadd.s32 v1, v4;
	_ =	sdelay $0x3  }
0x7ee: {  	s15 =	simm.s32 $0x3680;
	v3 =	vperm.xlane v3, v2  }
0x7ef: {  	[tilespmem:s15], [sflag:$0x1] =	stream.indirect_vreg.gather [hbm4b:s2+s3], $0x80, v4, vm0, $0xb8;
	[tilespmem:$0x18680] =	vst v63  }
0x7f0: {  	v3 =	vadd.s32 v1, v3  }
0x7f1: {  	[tilespmem:s24], [sflag:$0x1] =	stream.indirect_vreg.gather [hbm4b:s4+s3], $0x80, v4, vm0, $0xb8;
	[tilespmem:$0x18680] =	vst v63  }
0x7f2: {  	s12 =	simm.s32 $0x4680  }
0x7f3: {  	[tilespmem:s12], [sflag:$0x1] =	stream.indirect_vreg.gather [hbm4b:s5+s3], $0x80, v4, vm0, $0xb8;
	[tilespmem:$0x18680] =	vst v63  }
0x7f4: {  	s14 =	simm.s32 $0x4E80  }
0x7f5: {  	[tilespmem:s14], [sflag:$0x1] =	stream.indirect_vreg.gather [hbm4b:s2+s3], $0x80, v3, vm0, $0xb8;
	[tilespmem:$0x18680] =	vst v63  }
0x7f6: {  	s15 =	simm.s32 $0x5680  }
0x7f7: {  	[tilespmem:s15], [sflag:$0x1] =	stream.indirect_vreg.gather [hbm4b:s4+s3], $0x80, v3, vm0, $0xb8;
	[tilespmem:$0x18680] =	vst v63  }
0x7f8: {  	_ = 	snop  }
0x7f9: {  	[tilespmem:s13], [sflag:$0x1] =	stream.indirect_vreg.gather [hbm4b:s5+s3], $0x80, v3, vm0, $0xb8;
	[tilespmem:$0x18680] =	vst v63  }
0x7fa: {  	v3 =	vld [tilespmem:$0x5A0];
	_ =	sdelay $0x4  }
0x7fb: {  	v54 =	vshrl.u32 v3, $0x3  }
0x7fc: {  	v4 =	vmul.u32 $0x30, v54  }
0x7fd: {  	v3 =	vand.u32 $0x7, v3  }
0x7fe: {  	v3 =	vor.u32 v3, v4  }
0x7ff: {  	v4 =	vperm.xlane v3, v0;
	_ =	sdelay $0x1  }
0x800: {  	v4 =	vadd.s32 v1, v4;
	_ =	sdelay $0x3  }
0x801: {  	s17 =	simm.s32 $0x6680;
	v3 =	vperm.xlane v3, v2  }
0x802: {  	[tilespmem:s17], [sflag:$0x1] =	stream.indirect_vreg.gather [hbm4b:s2+s3], $0x80, v4, vm0, $0xb8;
	[tilespmem:$0x18680] =	vst v63  }
0x803: {  	s12 =	simm.s32 $0x6E80;
	v3 =	vadd.s32 v1, v3  }
0x804: {  	[tilespmem:s12], [sflag:$0x1] =	stream.indirect_vreg.gather [hbm4b:s4+s3], $0x80, v4, vm0, $0xb8;
	[tilespmem:$0x18680] =	vst v63  }
0x805: {  	s14 =	simm.s32 $0x7680  }
0x806: {  	[tilespmem:s14], [sflag:$0x1] =	stream.indirect_vreg.gather [hbm4b:s5+s3], $0x80, v4, vm0, $0xb8;
	[tilespmem:$0x18680] =	vst v63  }
0x807: {  	s15 =	simm.s32 $0x7E80  }
0x808: {  	[tilespmem:s15], [sflag:$0x1] =	stream.indirect_vreg.gather [hbm4b:s2+s3], $0x80, v3, vm0, $0xb8;
	[tilespmem:$0x18680] =	vst v63  }
0x809: {  	s12 =	simm.s32 $0x8680  }
0x80a: {  	[tilespmem:s12], [sflag:$0x1] =	stream.indirect_vreg.gather [hbm4b:s4+s3], $0x80, v3, vm0, $0xb8;
	[tilespmem:$0x18680] =	vst v63  }
0x80b: {  	s14 =	simm.s32 $0x8E80  }
0x80c: {  	[tilespmem:s14], [sflag:$0x1] =	stream.indirect_vreg.gather [hbm4b:s5+s3], $0x80, v3, vm0, $0xb8;
	[tilespmem:$0x18680] =	vst v63  }
0x80d: {  	v3 =	vld [tilespmem:$0x5B0];
	_ =	sdelay $0x4  }
0x80e: {  	v55 =	vshrl.u32 v3, $0x3  }
0x80f: {  	v4 =	vmul.u32 $0x30, v55  }
0x810: {  	v3 =	vand.u32 $0x7, v3  }
0x811: {  	v3 =	vor.u32 v3, v4  }
0x812: {  	v4 =	vperm.xlane v3, v0;
	_ =	sdelay $0x1  }
0x813: {  	v4 =	vadd.s32 v1, v4;
	_ =	sdelay $0x3  }
0x814: {  	s15 =	simm.s32 $0x9680;
	v3 =	vperm.xlane v3, v2  }
0x815: {  	[tilespmem:s15], [sflag:$0x1] =	stream.indirect_vreg.gather [hbm4b:s2+s3], $0x80, v4, vm0, $0xb8;
	[tilespmem:$0x18680] =	vst v63  }
0x816: {  	s12 =	simm.s32 $0x9E80;
	v3 =	vadd.s32 v1, v3  }
0x817: {  	[tilespmem:s12], [sflag:$0x1] =	stream.indirect_vreg.gather [hbm4b:s4+s3], $0x80, v4, vm0, $0xb8;
	[tilespmem:$0x18680] =	vst v63  }
0x818: {  	s14 =	simm.s32 $0xA680  }
0x819: {  	[tilespmem:s14], [sflag:$0x1] =	stream.indirect_vreg.gather [hbm4b:s5+s3], $0x80, v4, vm0, $0xb8;
	[tilespmem:$0x18680] =	vst v63  }
0x81a: {  	s15 =	simm.s32 $0xAE80  }
0x81b: {  	[tilespmem:s15], [sflag:$0x1] =	stream.indirect_vreg.gather [hbm4b:s2+s3], $0x80, v3, vm0, $0xb8;
	[tilespmem:$0x18680] =	vst v63  }
0x81c: {  	s12 =	simm.s32 $0xB680  }
0x81d: {  	[tilespmem:s12], [sflag:$0x1] =	stream.indirect_vreg.gather [hbm4b:s4+s3], $0x80, v3, vm0, $0xb8;
	[tilespmem:$0x18680] =	vst v63  }
0x81e: {  	s15 =	simm.s32 $0xBE80  }
0x81f: {  	[tilespmem:s15], [sflag:$0x1] =	stream.indirect_vreg.gather [hbm4b:s5+s3], $0x80, v3, vm0, $0xb8;
	[tilespmem:$0x18680] =	vst v63  }
0x820: {  	_ =	swait.ge [sflag:s7], $0xC000  }
0x821: {  	s12 =	sld [smem:$0x7F8]  }
0x822: {  	[sflag:s7] =	ssyncset.done $0x0  }
0x823: {  	s15 =	sld [smem:$0x7F9];
	[sflag:s7] =	ssyncadd.s32 $0xFFFF4000  }
0x824: {  	[hbm4b:s12+s3] =	stream.linear.scatter [tilespmem:s0], [sflag:$0x2], $0x6000, $0x38;
	[tilespmem:$0x18680] =	vst v63  }
0x825: {  	_ = 	snop  }
0x826: {  	[hbm4b:s15+s3] =	stream.linear.scatter [tilespmem:s17], [sflag:$0x2], $0x6000, $0x38;
	[tilespmem:$0x18680] =	vst v63  }
0x827: {  	_ =	swait.ge [sflag:s10], $0x6000  }
0x828: {  	[sflag:s10] =	ssyncset.done $0x0  }
0x829: {  	[sflag:s10] =	ssyncadd.s32 $0xFFFFA000  }
0x82a: {  	_ =	swait.ge [sflag:s10], $0x6000  }
0x82b: {  	[sflag:s10] =	ssyncset.done $0x0  }
0x82c: {  	[sflag:s10] =	ssyncadd.s32 $0xFFFFA000  }
0x82d: {  	v3 =	vld [tilespmem:$0x5C0];
	_ =	sdelay $0x4  }
0x82e: {  	v56 =	vshrl.u32 v3, $0x3  }
0x82f: {  	v4 =	vmul.u32 $0x30, v56  }
0x830: {  	v3 =	vand.u32 $0x7, v3  }
0x831: {  	v3 =	vor.u32 v3, v4  }
0x832: {  	v4 =	vperm.xlane v3, v0;
	_ =	sdelay $0x1  }
0x833: {  	v4 =	vadd.s32 v1, v4;
	_ =	sdelay $0x3  }
0x834: {  	s15 =	simm.s32 $0xC680;
	v3 =	vperm.xlane v3, v2  }
0x835: {  	[tilespmem:s15], [sflag:$0x1] =	stream.indirect_vreg.gather [hbm4b:s2+s3], $0x80, v4, vm0, $0xb8;
	[tilespmem:$0x18680] =	vst v63  }
0x836: {  	s28 =	simm.s32 $0xCE80;
	v3 =	vadd.s32 v1, v3  }
0x837: {  	[tilespmem:s28], [sflag:$0x1] =	stream.indirect_vreg.gather [hbm4b:s4+s3], $0x80, v4, vm0, $0xb8;
	[tilespmem:$0x18680] =	vst v63  }
0x838: {  	s30 =	simm.s32 $0xD680  }
0x839: {  	[tilespmem:s30], [sflag:$0x1] =	stream.indirect_vreg.gather [hbm4b:s5+s3], $0x80, v4, vm0, $0xb8;
	[tilespmem:$0x18680] =	vst v63  }
0x83a: {  	s28 =	simm.s32 $0xDE80  }
0x83b: {  	[tilespmem:s28], [sflag:$0x1] =	stream.indirect_vreg.gather [hbm4b:s2+s3], $0x80, v3, vm0, $0xb8;
	[tilespmem:$0x18680] =	vst v63  }
0x83c: {  	s31 =	simm.s32 $0xE680  }
0x83d: {  	[tilespmem:s31], [sflag:$0x1] =	stream.indirect_vreg.gather [hbm4b:s4+s3], $0x80, v3, vm0, $0xb8;
	[tilespmem:$0x18680] =	vst v63  }
0x83e: {  	s23 =	simm.s32 $0xEE80  }
0x83f: {  	[tilespmem:s23], [sflag:$0x1] =	stream.indirect_vreg.gather [hbm4b:s5+s3], $0x80, v3, vm0, $0xb8;
	[tilespmem:$0x18680] =	vst v63  }
0x840: {  	v3 =	vld [tilespmem:$0x5D0];
	_ =	sdelay $0x4  }
0x841: {  	v57 =	vshrl.u32 v3, $0x3  }
0x842: {  	v4 =	vmul.u32 $0x30, v57  }
0x843: {  	v3 =	vand.u32 $0x7, v3  }
0x844: {  	v3 =	vor.u32 v3, v4  }
0x845: {  	v4 =	vperm.xlane v3, v0;
	_ =	sdelay $0x1  }
0x846: {  	v4 =	vadd.s32 v1, v4;
	_ =	sdelay $0x3  }
0x847: {  	s30 =	simm.s32 $0xF680;
	v3 =	vperm.xlane v3, v2  }
0x848: {  	[tilespmem:s30], [sflag:$0x1] =	stream.indirect_vreg.gather [hbm4b:s2+s3], $0x80, v4, vm0, $0xb8;
	[tilespmem:$0x18680] =	vst v63  }
0x849: {  	s31 =	simm.s32 $0xFE80;
	v3 =	vadd.s32 v1, v3  }
0x84a: {  	[tilespmem:s31], [sflag:$0x1] =	stream.indirect_vreg.gather [hbm4b:s4+s3], $0x80, v4, vm0, $0xb8;
	[tilespmem:$0x18680] =	vst v63  }
0x84b: {  	s12 =	simm.s32 $0x10680  }
0x84c: {  	[tilespmem:s12], [sflag:$0x1] =	stream.indirect_vreg.gather [hbm4b:s5+s3], $0x80, v4, vm0, $0xb8;
	[tilespmem:$0x18680] =	vst v63  }
0x84d: {  	s23 =	simm.s32 $0x10E80  }
0x84e: {  	[tilespmem:s23], [sflag:$0x1] =	stream.indirect_vreg.gather [hbm4b:s2+s3], $0x80, v3, vm0, $0xb8;
	[tilespmem:$0x18680] =	vst v63  }
0x84f: {  	s29 =	simm.s32 $0x11680  }
0x850: {  	[tilespmem:s29], [sflag:$0x1] =	stream.indirect_vreg.gather [hbm4b:s4+s3], $0x80, v3, vm0, $0xb8;
	[tilespmem:$0x18680] =	vst v63  }
0x851: {  	s25 =	simm.s32 $0x11E80  }
0x852: {  	[tilespmem:s25], [sflag:$0x1] =	stream.indirect_vreg.gather [hbm4b:s5+s3], $0x80, v3, vm0, $0xb8;
	[tilespmem:$0x18680] =	vst v63  }
0x853: {  	v3 =	vld [tilespmem:$0x5E0];
	_ =	sdelay $0x4  }
0x854: {  	v58 =	vshrl.u32 v3, $0x3  }
0x855: {  	v4 =	vmul.u32 $0x30, v58  }
0x856: {  	v3 =	vand.u32 $0x7, v3  }
0x857: {  	v3 =	vor.u32 v3, v4  }
0x858: {  	v4 =	vperm.xlane v3, v0;
	_ =	sdelay $0x1  }
0x859: {  	v4 =	vadd.s32 v1, v4;
	_ =	sdelay $0x3  }
0x85a: {  	s1 =	simm.s32 $0x12680;
	v3 =	vperm.xlane v3, v2  }
0x85b: {  	[tilespmem:s1], [sflag:$0x1] =	stream.indirect_vreg.gather [hbm4b:s2+s3], $0x80, v4, vm0, $0xb8;
	[tilespmem:$0x18680] =	vst v63  }
0x85c: {  	s19 =	simm.s32 $0x12E80;
	v3 =	vadd.s32 v1, v3  }
0x85d: {  	[tilespmem:s19], [sflag:$0x1] =	stream.indirect_vreg.gather [hbm4b:s4+s3], $0x80, v4, vm0, $0xb8;
	[tilespmem:$0x18680] =	vst v63  }
0x85e: {  	s25 =	simm.s32 $0x13680  }
0x85f: {  	[tilespmem:s25], [sflag:$0x1] =	stream.indirect_vreg.gather [hbm4b:s5+s3], $0x80, v4, vm0, $0xb8;
	[tilespmem:$0x18680] =	vst v63  }
0x860: {  	s28 =	simm.s32 $0x13E80  }
0x861: {  	[tilespmem:s28], [sflag:$0x1] =	stream.indirect_vreg.gather [hbm4b:s2+s3], $0x80, v3, vm0, $0xb8;
	[tilespmem:$0x18680] =	vst v63  }
0x862: {  	s18 =	simm.s32 $0x14680  }
0x863: {  	[tilespmem:s18], [sflag:$0x1] =	stream.indirect_vreg.gather [hbm4b:s4+s3], $0x80, v3, vm0, $0xb8;
	[tilespmem:$0x18680] =	vst v63  }
0x864: {  	s26 =	simm.s32 $0x14E80  }
0x865: {  	[tilespmem:s26], [sflag:$0x1] =	stream.indirect_vreg.gather [hbm4b:s5+s3], $0x80, v3, vm0, $0xb8;
	[tilespmem:$0x18680] =	vst v63  }
0x866: {  	v3 =	vld [tilespmem:$0x5F0];
	_ =	sdelay $0x4  }
0x867: {  	v59 =	vshrl.u32 v3, $0x3  }
0x868: {  	v4 =	vmul.u32 $0x30, v59  }
0x869: {  	v3 =	vand.u32 $0x7, v3  }
0x86a: {  	v3 =	vor.u32 v3, v4  }
0x86b: {  	v4 =	vperm.xlane v3, v0;
	_ =	sdelay $0x1  }
0x86c: {  	v4 =	vadd.s32 v1, v4;
	_ =	sdelay $0x3  }
0x86d: {  	v3 =	vperm.xlane v3, v2  }
0x86e: {  	[tilespmem:s16], [sflag:$0x1] =	stream.indirect_vreg.gather [hbm4b:s2+s3], $0x80, v4, vm0, $0xb8;
	[tilespmem:$0x18680] =	vst v63  }
0x86f: {  	s29 =	simm.s32 $0x15E80;
	v3 =	vadd.s32 v1, v3  }
0x870: {  	[tilespmem:s29], [sflag:$0x1] =	stream.indirect_vreg.gather [hbm4b:s4+s3], $0x80, v4, vm0, $0xb8;
	[tilespmem:$0x18680] =	vst v63  }
0x871: {  	s20 =	simm.s32 $0x16680  }
0x872: {  	[tilespmem:s20], [sflag:$0x1] =	stream.indirect_vreg.gather [hbm4b:s5+s3], $0x80, v4, vm0, $0xb8;
	[tilespmem:$0x18680] =	vst v63  }
0x873: {  	s21 =	simm.s32 $0x16E80  }
0x874: {  	[tilespmem:s21], [sflag:$0x1] =	stream.indirect_vreg.gather [hbm4b:s2+s3], $0x80, v3, vm0, $0xb8;
	[tilespmem:$0x18680] =	vst v63  }
0x875: {  	s22 =	simm.s32 $0x17680  }
0x876: {  	[tilespmem:s22], [sflag:$0x1] =	stream.indirect_vreg.gather [hbm4b:s4+s3], $0x80, v3, vm0, $0xb8;
	[tilespmem:$0x18680] =	vst v63  }
0x877: {  	_ = 	snop  }
0x878: {  	[tilespmem:s8], [sflag:$0x1] =	stream.indirect_vreg.gather [hbm4b:s5+s3], $0x80, v3, vm0, $0xb8;
	[tilespmem:$0x18680] =	vst v63  }
0x879: {  	_ =	swait.ge [sflag:s7], $0xC000  }
0x87a: {  	s30 =	sld [smem:$0x7FA]  }
0x87b: {  	[sflag:s7] =	ssyncset.done $0x0  }
0x87c: {  	s31 =	sld [smem:$0x7FB];
	[sflag:s7] =	ssyncadd.s32 $0xFFFF4000  }
0x87d: {  	[hbm4b:s30+s3] =	stream.linear.scatter [tilespmem:s15], [sflag:$0x2], $0x6000, $0x38;
	[tilespmem:$0x18680] =	vst v63  }
0x87e: {  	_ = 	snop  }
0x87f: {  	[hbm4b:s31+s3] =	stream.linear.scatter [tilespmem:s1], [sflag:$0x2], $0x6000, $0x38;
	[tilespmem:$0x18680] =	vst v63  }
0x880: {  	_ =	swait.ge [sflag:s10], $0x6000  }
0x881: {  	[sflag:s10] =	ssyncset.done $0x0  }
0x882: {  	[sflag:s10] =	ssyncadd.s32 $0xFFFFA000  }
0x883: {  	_ =	swait.ge [sflag:s10], $0x6000  }
0x884: {  	[sflag:s10] =	ssyncset.done $0x0  }
0x885: {  	[sflag:s10] =	ssyncadd.s32 $0xFFFFA000  }
0x886: {  	v3 =	vld [tilespmem:$0x600];
	_ =	sdelay $0x4  }
0x887: {  	v60 =	vshrl.u32 v3, $0x3  }
0x888: {  	v4 =	vmul.u32 $0x30, v60  }
0x889: {  	v3 =	vand.u32 $0x7, v3  }
0x88a: {  	v3 =	vor.u32 v3, v4  }
0x88b: {  	v4 =	vperm.xlane v3, v0;
	_ =	sdelay $0x1  }
0x88c: {  	v4 =	vadd.s32 v1, v4;
	_ =	sdelay $0x3  }
0x88d: {  	s0 =	simm.s32 $0x680;
	v3 =	vperm.xlane v3, v2  }
0x88e: {  	[tilespmem:s0], [sflag:$0x1] =	stream.indirect_vreg.gather [hbm4b:s2+s3], $0x80, v4, vm0, $0xb8;
	[tilespmem:$0x18680] =	vst v63  }
0x88f: {  	v3 =	vadd.s32 v1, v3  }
0x890: {  	[tilespmem:s9], [sflag:$0x1] =	stream.indirect_vreg.gather [hbm4b:s4+s3], $0x80, v4, vm0, $0xb8;
	[tilespmem:$0x18680] =	vst v63  }
0x891: {  	s6 =	simm.s32 $0x1680  }
0x892: {  	[tilespmem:s6], [sflag:$0x1] =	stream.indirect_vreg.gather [hbm4b:s5+s3], $0x80, v4, vm0, $0xb8;
	[tilespmem:$0x18680] =	vst v63  }
0x893: {  	s6 =	simm.s32 $0x1E80  }
0x894: {  	[tilespmem:s6], [sflag:$0x1] =	stream.indirect_vreg.gather [hbm4b:s2+s3], $0x80, v3, vm0, $0xb8;
	[tilespmem:$0x18680] =	vst v63  }
0x895: {  	s8 =	simm.s32 $0x2680  }
0x896: {  	[tilespmem:s8], [sflag:$0x1] =	stream.indirect_vreg.gather [hbm4b:s4+s3], $0x80, v3, vm0, $0xb8;
	[tilespmem:$0x18680] =	vst v63  }
0x897: {  	s9 =	simm.s32 $0x2E80  }
0x898: {  	[tilespmem:s9], [sflag:$0x1] =	stream.indirect_vreg.gather [hbm4b:s5+s3], $0x80, v3, vm0, $0xb8;
	[tilespmem:$0x18680] =	vst v63  }
0x899: {  	v3 =	vld [tilespmem:$0x610];
	_ =	sdelay $0x4  }
0x89a: {  	v61 =	vshrl.u32 v3, $0x3  }
0x89b: {  	v4 =	vmul.u32 $0x30, v61  }
0x89c: {  	v3 =	vand.u32 $0x7, v3  }
0x89d: {  	v3 =	vor.u32 v3, v4  }
0x89e: {  	v4 =	vperm.xlane v3, v0;
	_ =	sdelay $0x1  }
0x89f: {  	v4 =	vadd.s32 v1, v4;
	_ =	sdelay $0x3  }
0x8a0: {  	s11 =	simm.s32 $0x3680;
	v3 =	vperm.xlane v3, v2  }
0x8a1: {  	[tilespmem:s11], [sflag:$0x1] =	stream.indirect_vreg.gather [hbm4b:s2+s3], $0x80, v4, vm0, $0xb8;
	[tilespmem:$0x18680] =	vst v63  }
0x8a2: {  	s24 =	simm.s32 $0x3E80;
	v3 =	vadd.s32 v1, v3  }
0x8a3: {  	[tilespmem:s24], [sflag:$0x1] =	stream.indirect_vreg.gather [hbm4b:s4+s3], $0x80, v4, vm0, $0xb8;
	[tilespmem:$0x18680] =	vst v63  }
0x8a4: {  	s12 =	simm.s32 $0x4680  }
0x8a5: {  	[tilespmem:s12], [sflag:$0x1] =	stream.indirect_vreg.gather [hbm4b:s5+s3], $0x80, v4, vm0, $0xb8;
	[tilespmem:$0x18680] =	vst v63  }
0x8a6: {  	s15 =	simm.s32 $0x4E80  }
0x8a7: {  	[tilespmem:s15], [sflag:$0x1] =	stream.indirect_vreg.gather [hbm4b:s2+s3], $0x80, v3, vm0, $0xb8;
	[tilespmem:$0x18680] =	vst v63  }
0x8a8: {  	s16 =	simm.s32 $0x5680  }
0x8a9: {  	[tilespmem:s16], [sflag:$0x1] =	stream.indirect_vreg.gather [hbm4b:s4+s3], $0x80, v3, vm0, $0xb8;
	[tilespmem:$0x18680] =	vst v63  }
0x8aa: {  	s13 =	simm.s32 $0x5E80  }
0x8ab: {  	[tilespmem:s13], [sflag:$0x1] =	stream.indirect_vreg.gather [hbm4b:s5+s3], $0x80, v3, vm0, $0xb8;
	[tilespmem:$0x18680] =	vst v63  }
0x8ac: {  	v3 =	vld [tilespmem:$0x620];
	_ =	sdelay $0x4  }
0x8ad: {  	v62 =	vshrl.u32 v3, $0x3  }
0x8ae: {  	v4 =	vmul.u32 $0x30, v62  }
0x8af: {  	v3 =	vand.u32 $0x7, v3  }
0x8b0: {  	v3 =	vor.u32 v3, v4  }
0x8b1: {  	v4 =	vperm.xlane v3, v0;
	_ =	sdelay $0x1  }
0x8b2: {  	v4 =	vadd.s32 v1, v4;
	_ =	sdelay $0x3  }
0x8b3: {  	v3 =	vperm.xlane v3, v2  }
0x8b4: {  	[tilespmem:s17], [sflag:$0x1] =	stream.indirect_vreg.gather [hbm4b:s2+s3], $0x80, v4, vm0, $0xb8;
	[tilespmem:$0x18680] =	vst v63  }
0x8b5: {  	s18 =	simm.s32 $0x6E80;
	v3 =	vadd.s32 v1, v3  }
0x8b6: {  	[tilespmem:s18], [sflag:$0x1] =	stream.indirect_vreg.gather [hbm4b:s4+s3], $0x80, v4, vm0, $0xb8;
	[tilespmem:$0x18680] =	vst v63  }
0x8b7: {  	s19 =	simm.s32 $0x7680  }
0x8b8: {  	[tilespmem:s19], [sflag:$0x1] =	stream.indirect_vreg.gather [hbm4b:s5+s3], $0x80, v4, vm0, $0xb8;
	[tilespmem:$0x18680] =	vst v63  }
0x8b9: {  	s20 =	simm.s32 $0x7E80  }
0x8ba: {  	[tilespmem:s20], [sflag:$0x1] =	stream.indirect_vreg.gather [hbm4b:s2+s3], $0x80, v3, vm0, $0xb8;
	[tilespmem:$0x18680] =	vst v63  }
0x8bb: {  	s21 =	simm.s32 $0x8680  }
0x8bc: {  	[tilespmem:s21], [sflag:$0x1] =	stream.indirect_vreg.gather [hbm4b:s4+s3], $0x80, v3, vm0, $0xb8;
	[tilespmem:$0x18680] =	vst v63  }
0x8bd: {  	s22 =	simm.s32 $0x8E80  }
0x8be: {  	[tilespmem:s22], [sflag:$0x1] =	stream.indirect_vreg.gather [hbm4b:s5+s3], $0x80, v3, vm0, $0xb8;
	[tilespmem:$0x18680] =	vst v63  }
0x8bf: {  	v3 =	vld [tilespmem:$0x630];
	_ =	sdelay $0x4  }
0x8c0: {  	v63 =	vshrl.u32 v3, $0x3  }
0x8c1: {  	v4 =	vmul.u32 $0x30, v63  }
0x8c2: {  	v3 =	vand.u32 $0x7, v3  }
0x8c3: {  	v3 =	vor.u32 v3, v4  }
0x8c4: {  	v4 =	vperm.xlane v3, v0;
	_ =	sdelay $0x1  }
0x8c5: {  	v4 =	vadd.s32 v1, v4;
	_ =	sdelay $0x3  }
0x8c6: {  	s23 =	simm.s32 $0x9680;
	v3 =	vperm.xlane v3, v2  }
0x8c7: {  	[tilespmem:s23], [sflag:$0x1] =	stream.indirect_vreg.gather [hbm4b:s2+s3], $0x80, v4, vm0, $0xb8;
	[tilespmem:$0x18680] =	vst v63  }
0x8c8: {  	s24 =	simm.s32 $0x9E80;
	v3 =	vadd.s32 v1, v3  }
0x8c9: {  	[tilespmem:s24], [sflag:$0x1] =	stream.indirect_vreg.gather [hbm4b:s4+s3], $0x80, v4, vm0, $0xb8;
	[tilespmem:$0x18680] =	vst v63  }
0x8ca: {  	s25 =	simm.s32 $0xA680  }
0x8cb: {  	[tilespmem:s25], [sflag:$0x1] =	stream.indirect_vreg.gather [hbm4b:s5+s3], $0x80, v4, vm0, $0xb8;
	[tilespmem:$0x18680] =	vst v63  }
0x8cc: {  	s14 =	simm.s32 $0xAE80  }
0x8cd: {  	[tilespmem:s14], [sflag:$0x1] =	stream.indirect_vreg.gather [hbm4b:s2+s3], $0x80, v3, vm0, $0xb8;
	[tilespmem:$0x18680] =	vst v63  }
0x8ce: {  	s28 =	simm.s32 $0xB680  }
0x8cf: {  	[tilespmem:s28], [sflag:$0x1] =	stream.indirect_vreg.gather [hbm4b:s4+s3], $0x80, v3, vm0, $0xb8;
	[tilespmem:$0x18680] =	vst v63  }
0x8d0: {  	s29 =	simm.s32 $0xBE80  }
0x8d1: {  	[tilespmem:s29], [sflag:$0x1] =	stream.indirect_vreg.gather [hbm4b:s5+s3], $0x80, v3, vm0, $0xb8;
	[tilespmem:$0x18680] =	vst v63  }
0x8d2: {  	s26 =	sld [smem:$0x7E6];
	_ =	swait.ge [sflag:s7], $0xC000  }
0x8d3: {  	s30 =	sld [smem:$0x7FC]  }
0x8d4: {  	[sflag:s7] =	ssyncset.done $0x0  }
0x8d5: {  	s31 =	sld [smem:$0x7FD];
	[sflag:s7] =	ssyncadd.s32 $0xFFFF4000  }
0x8d6: {  	[hbm4b:s30+s3] =	stream.linear.scatter [tilespmem:s0], [sflag:$0x2], $0x6000, $0x38;
	[tilespmem:$0x18680] =	vst v63  }
0x8d7: {  	_ = 	snop  }
0x8d8: {  	[hbm4b:s31+s3] =	stream.linear.scatter [tilespmem:s17], [sflag:$0x2], $0x6000, $0x38;
	[tilespmem:$0x18680] =	vst v63  }
0x8d9: {  	_ =	swait.ge [sflag:s10], $0x6000  }
0x8da: {  	[sflag:s10] =	ssyncset.done $0x0  }
0x8db: {  	[sflag:s10] =	ssyncadd.s32 $0xFFFFA000  }
0x8dc: {  	_ =	swait.ge [sflag:s10], $0x6000  }
0x8dd: {  	[sflag:s10] =	ssyncset.done $0x0  }
0x8de: {  	[sflag:s10] =	ssyncadd.s32 $0xFFFFA000  }
0x8df: {  	p0 =	sne.s32 s26, $0x1;
	_ =	swait.ge [sflag:s10], $0x6000  }
.Ltmp0:
0x8e0: {  	[sflag:s10] =	ssyncset.done $0x0;
	(pc) =	sbr.rel @p0 .LBB2_1-.Ltmp0, $4  }
0x8e1: {  	[sflag:s10] =	ssyncadd.s32 $0xFFFFA000  }
0x8e2: {  	_ =	swait.ge [sflag:s10], $0x6000  }
0x8e3: {  	[sflag:s10] =	ssyncset.done $0x0  }
0x8e4: {  	s6 =	sadd.s32 $0xFFFFFFFF, s26;
	[sflag:s10] =	ssyncadd.s32 $0xFFFFA000  }
0x8e5: {  	_ =	sfence.sel $0x180000  }
0x8e6: {  	[bflag:$0x0] =	sbarrier.arrive $0xFFFF  }
0x8e7: {  	_ =	strace $0x90000047  }
0x8e8: {  	s0 =	stileid.u32;
	[bflag:$0x2] =	sbarrier.arrive $0xFFFF  }
0x8e9: {  	p0 =	sne.s32 s0, $0x0;
	s0 =	rddreg [dreg:$0x3]  }
0x8ea: {  	s0 =	sadd.s32 @!p0 $0x100000, s0  }
0x8eb: {  	[sflag:s0] =	ssyncadd.tile.s32 @!p0 $0x1;
	_ =	shalt  }
.Lfunc_end2:
_tile_overlayer_lowered:
.L_overlay_start_2:
0x8ec: {  	(tag) =	ssettag $0x2  }
0x8ed: {  	s0 =	rddreg [dreg:$0x0];
	s2 =	stileid.u32  }
0x8ee: {  	s1 =	rddreg [dreg:$0x1];
	p0 =	sne.s32 s2, $0x0  }
0x8ef: {  	s3 =	rddreg [dreg:$0x2];
	[bflag:$0x3] =	sbarrier.arrive $0xFFFF;
	s2 =	simm.s32 @!p0 $0x1C03  }
0x8f0: {  	[timem:s3], [sflag:s2] =	dma.local @!p0 [hbm:s0], s1  }
0x8f1: {  	s0 =	simm.s32 @!p0 $0x3  }
0x8f2: {  	_ =	swait.ge @!p0 [sflag:s0], s1  }
0x8f3: {  	s1 =	ssub.s32 @!p0 $0x0, s1;
	[sflag:s0] =	ssyncset.done @!p0 $0x0  }
0x8f4: {  	[sflag:s0] =	ssyncadd.s32 @!p0 s1  }
0x8f5: {  	[bflag:$0x3] =	sbarrier.arrive $0xFFFF  }
0x8f6: {  	_ =	shalt  }

</sc_bundles>
